<compile_context>
chip_gen: v7x
topology: tpu7x:2x2x1
jax: 0.10.2.dev20260603
libtpu: 0.0.44.dev20260713+nightly
codegen_flags: <defaults>
</compile_context>

<pallas_src>
import functools

import jax
import jax.numpy as jnp
from jax import lax
from jax.experimental import pallas as pl
from jax.experimental.pallas import tpu as pltpu
from jax.experimental.pallas import tpu_sc as plsc

_N = 10000
_E = 320000
_H = 128
_G = 32
_STEPS = 3
_EPS = 1e-5

_NP = 10240
_NW = 32
_EPW = _E // _NW
_CH = 80
_NCH = _EPW // _CH
_RPT = _NP // 16


def _mm(a, b, ca, cb):
    return jax.lax.dot_general(
        a, b, (((ca,), (cb,)), ((), ())),
        preferred_element_type=jnp.float32)


def _bn_rows(h, g, b):
    mu = jnp.mean(h, axis=0, keepdims=True)
    var = jnp.mean((h - mu) ** 2, axis=0, keepdims=True)
    return (h - mu) / jnp.sqrt(var + _EPS) * g + b



def _proj_body(x_ref, w_ref, b_ref, g_ref, bb_ref, o_ref):
    h = _mm(x_ref[...], w_ref[...], 1, 1) + b_ref[...]
    h = _bn_rows(h, g_ref[...], bb_ref[...])
    o_ref[...] = jnp.maximum(h, 0.0)


def _pre_body(h_ref, wi_ref, whh_ref, bhh_ref, m_ref, gh_ref):
    h = h_ref[...]
    m_ref[...] = _mm(h, wi_ref[...], 1, 0)
    gh_ref[...] = _mm(h, whh_ref[...], 1, 1) + bhh_ref[...]


def _gru_body(aggp_ref, gh_ref, h_ref, wih_ref, bih_ref, o_ref):
    a = aggp_ref[0] + aggp_ref[1]
    gi = _mm(a, wih_ref[...], 1, 1) + bih_ref[...]
    gh = gh_ref[...]
    h = h_ref[...]
    r = jax.nn.sigmoid(gi[:, :_H] + gh[:, :_H])
    z = jax.nn.sigmoid(gi[:, _H:2 * _H] + gh[:, _H:2 * _H])
    n = jnp.tanh(gi[:, 2 * _H:] + r * gh[:, 2 * _H:])
    o_ref[...] = (1.0 - z) * n + z * h


def _bn2_body(h_ref, g2_ref, b2_ref, o_ref):
    h = _bn_rows(h_ref[...], g2_ref[...], b2_ref[...])
    o_ref[...] = jnp.maximum(h, 0.0)


def _pool_body(h_ref, b_ref, sum_ref, mx_ref, cnt_ref):
    gidx = pl.program_id(0)
    mask = b_ref[...] == gidx
    h = h_ref[...]
    s = jnp.sum(jnp.where(mask, h, 0.0), axis=0, keepdims=True)
    sum_ref[...] = s.reshape(1, 1, _H)
    m = jnp.max(jnp.where(mask, h, -3.0e38), axis=0, keepdims=True)
    mx_ref[...] = m.reshape(1, 1, _H)
    cnt = jnp.sum(jnp.where(mask, 1.0, 0.0), axis=0, keepdims=True)
    cnt_ref[...] = jnp.broadcast_to(jnp.sum(cnt, axis=1, keepdims=True),
                                    (1, _H)).reshape(1, 1, _H)


def _mm_def(a, b, ca, cb):
    return jax.lax.dot_general(
        a, b, (((ca,), (cb,)), ((), ())),
        preferred_element_type=jnp.float32)


def _head_body(sum_ref, mx_ref, cnt_ref, w1_ref, b1_ref,
               g3_ref, b3_ref, w2_ref, bf_ref, o_ref):
    counts = cnt_ref[...]
    mean = sum_ref[...] / jnp.maximum(counts, 1.0)
    mx = jnp.where(counts > 0.0, mx_ref[...], 0.0)
    gcat = jnp.concatenate([mean, mx], axis=1)
    y = _mm_def(gcat, w1_ref[...], 1, 1) + b1_ref[...]
    mu = jnp.mean(y, axis=0, keepdims=True)
    var = jnp.mean((y - mu) ** 2, axis=0, keepdims=True)
    y = (y - mu) / jnp.sqrt(var + _EPS) * g3_ref[...] + b3_ref[...]
    y = jnp.maximum(y, 0.0)
    o_ref[...] = _mm_def(y, w2_ref[...], 1, 1) + bf_ref[...]


def _tc_call(body, out_shapes, *args):
    return pl.pallas_call(
        body,
        out_shape=out_shapes,
    )(*args)


_BLK = 2000


def _row_block(shape):
    blk = shape[:-2] + (_BLK, shape[-1])
    nd = len(shape)

    def imap(i):
        return (0,) * (nd - 2) + (i, 0)

    return pl.BlockSpec(blk, imap)


def _full_block(shape):
    nd = len(shape)
    return pl.BlockSpec(shape, lambda i: (0,) * nd)


def _tc_rowcall(body, out_shapes, row_args, full_args):
    in_specs = ([_row_block(a.shape) for a in row_args]
                + [_full_block(a.shape) for a in full_args])
    outs = (out_shapes if isinstance(out_shapes, (tuple, list))
            else [out_shapes])
    out_specs = [_row_block(o.shape) for o in outs]
    res = pl.pallas_call(
        body,
        grid=(_N // _BLK,),
        in_specs=in_specs,
        out_specs=out_specs if isinstance(out_shapes, (tuple, list))
        else out_specs[0],
        out_shape=out_shapes,
    )(*row_args, *full_args)
    return res



@functools.cache
def _make_sc_scatter():
    mesh = plsc.VectorSubcoreMesh(core_axis_name="c", subcore_axis_name="s")
    return pl.kernel(
        _sc_scatter_body,
        mesh=mesh,
        out_type=jax.ShapeDtypeStruct((2, _NP, _H), jnp.float32),
        scratch_types=[
            pltpu.VMEM((_EPW,), jnp.int32),
            pltpu.VMEM((_CH,), jnp.int32),
            pltpu.VMEM((_CH,), jnp.int32),
            pltpu.VMEM((2, _CH, _H), jnp.float32),
            pltpu.VMEM_SHARED((_NP, _H), jnp.float32),
            pltpu.SemaphoreType.DMA,
            pltpu.SemaphoreType.DMA,
        ],
    )


def _sc_scatter_body(m_hbm, src_hbm, dst_hbm, out_hbm, src_v, dst_v0, dst_v1,
                     rows_v, acc, sem_a, sem_b):
    cid = lax.axis_index("c")
    sid = lax.axis_index("s")
    wid = sid * 2 + cid

    zeros16 = jnp.zeros((16,), jnp.float32)

    def zbody(i, carry):
        for j in range(_H // 16):
            rows_v[0, i, pl.ds(j * 16, 16)] = zeros16
        return carry

    lax.fori_loop(0, _CH, zbody, 0)
    for j in range(_RPT // _CH):
        pltpu.sync_copy(rows_v.at[0], acc.at[pl.ds(sid * _RPT + j * _CH, _CH)])
    plsc.subcore_barrier()

    pltpu.sync_copy(src_hbm.at[pl.ds(wid * _EPW, _EPW)], src_v)

    def gather(c, buf, sem):
        return pltpu.async_copy(
            m_hbm.at[src_v.at[pl.ds(c * _CH, _CH)]], rows_v.at[buf], sem)

    def gwait(c, buf, sem):
        pltpu.make_async_copy(
            m_hbm.at[src_v.at[pl.ds(c * _CH, _CH)]], rows_v.at[buf],
            sem).wait()

    def scat(c, buf, dv):
        pltpu.sync_copy(dst_hbm.at[pl.ds(wid * _EPW + c * _CH, _CH)], dv)
        pltpu.sync_copy(rows_v.at[buf], acc.at[dv], add=True)

    gather(0, 0, sem_a)
    gather(1, 1, sem_b)

    def body(j, carry):
        c0 = 2 * j
        gwait(c0, 0, sem_a)
        scat(c0, 0, dst_v0)
        gather(c0 + 2, 0, sem_a)
        gwait(c0 + 1, 1, sem_b)
        scat(c0 + 1, 1, dst_v1)
        gather(jnp.minimum(c0 + 3, _NCH - 1), 1, sem_b)
        return carry

    lax.fori_loop(0, (_NCH - 1) // 2, body, 0)
    gwait(_NCH - 1, 0, sem_a)
    scat(_NCH - 1, 0, dst_v0)
    gwait(_NCH - 1, 1, sem_b)
    plsc.subcore_barrier()
    pltpu.sync_copy(acc.at[pl.ds(sid * _RPT, _RPT)],
                    out_hbm.at[cid].at[pl.ds(sid * _RPT, _RPT)])



def kernel(x, edge_index, batch, proj_W, proj_b, bn1_g, bn1_b, ggc_W,
           gru_Wih, gru_Whh, gru_bih, gru_bhh, bn2_g, bn2_b,
           fc1_W, fc1_b, bn3_g, bn3_b, fc2_W, fc2_b):
    src = edge_index[0].astype(jnp.int32)
    dst = edge_index[1].astype(jnp.int32)
    order = jnp.argsort(dst, stable=True)
    src = src[order]
    dst = dst[order]
    batch2 = batch.astype(jnp.int32).reshape(_N, 1)
    f32 = jnp.float32

    h = _tc_call(
        _proj_body, jax.ShapeDtypeStruct((_N, _H), f32),
        x, proj_W, proj_b.reshape(1, _H), bn1_g.reshape(1, _H),
        bn1_b.reshape(1, _H))

    for i in range(_STEPS):
        m, gh = _tc_rowcall(
            _pre_body,
            (jax.ShapeDtypeStruct((_N, _H), f32),
             jax.ShapeDtypeStruct((_N, 3 * _H), f32)),
            [h], [ggc_W[i], gru_Whh, gru_bhh.reshape(1, 3 * _H)])
        aggp = _make_sc_scatter()(m, src, dst)
        h = _tc_rowcall(
            _gru_body, jax.ShapeDtypeStruct((_N, _H), f32),
            [aggp, gh, h], [gru_Wih, gru_bih.reshape(1, 3 * _H)])

    h = _tc_call(
        _bn2_body, jax.ShapeDtypeStruct((_N, _H), f32),
        h, bn2_g.reshape(1, _H), bn2_b.reshape(1, _H))

    pool_out = (jax.ShapeDtypeStruct((_G, 1, _H), f32),
                jax.ShapeDtypeStruct((_G, 1, _H), f32),
                jax.ShapeDtypeStruct((_G, 1, _H), f32))
    sums, mx, cnt = pl.pallas_call(
        _pool_body,
        grid=(_G,),
        in_specs=[pl.BlockSpec((_N, _H), lambda g: (0, 0)),
                  pl.BlockSpec((_N, 1), lambda g: (0, 0))],
        out_specs=[pl.BlockSpec((1, 1, _H), lambda g: (g, 0, 0))] * 3,
        out_shape=pool_out,
    )(h, batch2)
    sums = sums.reshape(_G, _H)
    mx = mx.reshape(_G, _H)
    cnt = cnt.reshape(_G, _H)

    out = _tc_call(
        _head_body, jax.ShapeDtypeStruct((_G, 2), f32),
        sums, mx, cnt, fc1_W, fc1_b.reshape(1, _H), bn3_g.reshape(1, _H),
        bn3_b.reshape(1, _H), fc2_W, fc2_b.reshape(1, 2))
    return out

# --- scband reference (transcript-rebuilt; emitter-appended) ---
"""Pipeline reference for scband-regularized-devign-model-45483703665341 (READ-ONLY COPY).

The authoritative reference and input builder live on the scoring server;
editing this copy changes nothing except your own understanding.
"""

import jax, jax.numpy as jnp
import numpy as np

N = 10000
E = 320000
D = 128
H = 128
G = 32
OUT = 2
STEPS = 3
EPS = 1e-5


def _bn(x, g, b):
    mu = jnp.mean(x, axis=0)
    var = jnp.var(x, axis=0)
    return (x - mu) / jnp.sqrt(var + EPS) * g + b


def setup_inputs(seed: int = 0) -> dict:
    key = jax.random.key(seed)
    ks = jax.random.split(key, 16)
    x = jax.random.normal(ks[0], (N, D), dtype=jnp.float32)
    edge_index = jax.random.randint(ks[1], (2, E), 0, N, dtype=jnp.int64)
    batch = jnp.sort(jax.random.randint(ks[2], (N,), 0, G, dtype=jnp.int64))
    s = 1.0 / np.sqrt(H)
    proj_W = jax.random.uniform(ks[3], (H, D), jnp.float32, -s, s)
    proj_b = jax.random.uniform(ks[4], (H,), jnp.float32, -s, s)
    bn1_g = jnp.ones((H,), jnp.float32)
    bn1_b = jnp.zeros((H,), jnp.float32)
    ggc_W = jax.random.uniform(ks[5], (STEPS, H, H), jnp.float32, -s, s)
    gru_Wih = jax.random.uniform(ks[6], (3 * H, H), jnp.float32, -s, s)
    gru_Whh = jax.random.uniform(ks[7], (3 * H, H), jnp.float32, -s, s)
    gru_bih = jax.random.uniform(ks[8], (3 * H,), jnp.float32, -s, s)
    gru_bhh = jax.random.uniform(ks[9], (3 * H,), jnp.float32, -s, s)
    bn2_g = jnp.ones((H,), jnp.float32)
    bn2_b = jnp.zeros((H,), jnp.float32)
    s2 = 1.0 / np.sqrt(2 * H)
    fc1_W = jax.random.uniform(ks[10], (H, 2 * H), jnp.float32, -s2, s2)
    fc1_b = jax.random.uniform(ks[11], (H,), jnp.float32, -s2, s2)
    bn3_g = jnp.ones((H,), jnp.float32)
    bn3_b = jnp.zeros((H,), jnp.float32)
    fc2_W = jax.random.uniform(ks[12], (OUT, H), jnp.float32, -s, s)
    fc2_b = jax.random.uniform(ks[13], (OUT,), jnp.float32, -s, s)
    return {"x": x, "edge_index": edge_index, "batch": batch,
            "proj_W": proj_W, "proj_b": proj_b, "bn1_g": bn1_g, "bn1_b": bn1_b,
            "ggc_W": ggc_W, "gru_Wih": gru_Wih, "gru_Whh": gru_Whh,
            "gru_bih": gru_bih, "gru_bhh": gru_bhh, "bn2_g": bn2_g, "bn2_b": bn2_b,
            "fc1_W": fc1_W, "fc1_b": fc1_b, "bn3_g": bn3_g, "bn3_b": bn3_b,
            "fc2_W": fc2_W, "fc2_b": fc2_b}


def reference(x, edge_index, batch, proj_W, proj_b, bn1_g, bn1_b, ggc_W,
              gru_Wih, gru_Whh, gru_bih, gru_bhh, bn2_g, bn2_b,
              fc1_W, fc1_b, bn3_g, bn3_b, fc2_W, fc2_b):
    # input projection + BN (training-mode batch stats) + relu (dropout = identity at eval)
    h = x @ proj_W.T + proj_b
    h = _bn(h, bn1_g, bn1_b)
    h = jax.nn.relu(h)
    src = edge_index[0]
    dst = edge_index[1]
    # GatedGraphConv: per-layer linear, scatter-add aggregation, shared GRUCell
    for i in range(STEPS):
        m = h @ ggc_W[i]
        agg = jnp.zeros_like(h).at[dst].add(m[src])
        gi = agg @ gru_Wih.T + gru_bih
        gh = h @ gru_Whh.T + gru_bhh
        ir, iz, inn = jnp.split(gi, 3, axis=1)
        hr, hz, hn = jnp.split(gh, 3, axis=1)
        r = jax.nn.sigmoid(ir + hr)
        z = jax.nn.sigmoid(iz + hz)
        n = jnp.tanh(inn + r * hn)
        h = (1.0 - z) * n + z * h
    h = _bn(h, bn2_g, bn2_b)
    h = jax.nn.relu(h)
    # dual pooling: global mean + global max per graph
    sums = jax.ops.segment_sum(h, batch, num_segments=G)
    counts = jax.ops.segment_sum(jnp.ones((h.shape[0], 1), h.dtype), batch, num_segments=G)
    mean = sums / jnp.maximum(counts, 1.0)
    mx = jax.ops.segment_max(h, batch, num_segments=G)
    mx = jnp.where(counts > 0, mx, 0.0)
    g = jnp.concatenate([mean, mx], axis=1)
    g = g @ fc1_W.T + fc1_b
    g = _bn(g, bn3_g, bn3_b)
    g = jax.nn.relu(g)
    out = g @ fc2_W.T + fc2_b
    return out

if __name__ == "__main__":
    import jax
    _d = setup_inputs()
    print(jax.jit(kernel)(*tuple(_d.values())))

</pallas_src>

<mosaic_0001>
#map = affine_map<(d0, d1) -> (0, 0)>
#map1 = affine_map<(d0, d1) -> (0)>
#map2 = affine_map<(d0, d1) -> (0, 0, 0)>
module attributes {stable_mosaic.version = 14 : i64} {
  func.func @_sc_scatter_body(%arg0: i32, %arg1: i32, %arg2: memref<10000x128xf32, #tpu.memory_space<hbm>>, %arg3: memref<320000xi32, #tpu.memory_space<hbm>>, %arg4: memref<320000xi32, #tpu.memory_space<hbm>>, %arg5: memref<2x10240x128xf32, #tpu.memory_space<hbm>>, %arg6: memref<10000xi32, #tpu.memory_space<vmem>>, %arg7: memref<80xi32, #tpu.memory_space<vmem>>, %arg8: memref<80xi32, #tpu.memory_space<vmem>>, %arg9: memref<2x80x128xf32, #tpu.memory_space<vmem>>, %arg10: memref<10240x128xf32, #tpu.memory_space<vmem_shared>>, %arg11: memref<!tpu.dma_semaphore, #tpu.memory_space<semaphore_mem>>, %arg12: memref<!tpu.dma_semaphore, #tpu.memory_space<semaphore_mem>>) attributes {dimension_semantics = [#tpu.dimension_semantics<core_parallel>, #tpu.dimension_semantics<subcore_parallel>], iteration_bounds = array<i64: 2, 16>, scalar_prefetch = 0 : i64, scratch_operands = 7 : i64, tpu.core_type = #tpu.core_type<sc_vector_subcore>, window_params = [{transform_indices = #map}, {transform_indices = #map1}, {transform_indices = #map1}, {transform_indices = #map2}]} {
    %mul3A = arith.constant 2 : i32
    %mul3A_0 = arith.muli %arg1, %mul3A : i32
    %add3A = arith.addi %mul3A_0, %arg0 : i32
    %broadcast_in_dim3A = arith.constant 0.000000e+00 : f32
    %broadcast_in_dim3A_1 = vector.broadcast %broadcast_in_dim3A : f32 to vector<16xf32>
    %scan3A = arith.constant 0 : i32
    %scan3A_2 = arith.constant 0 : i32
    %scan3A_3 = arith.constant 80 : i32
    %scan3A_4 = arith.addi %scan3A_2, %scan3A_3 : i32
    %scan3A_5 = arith.constant 1 : i32
    scf.for %scan3A_102 = %scan3A_2 to %scan3A_4 step %scan3A_5  : i32 {
      %swap3A = arith.constant 0 : i32
      %swap3A_103 = arith.index_cast %swap3A : i32 to index
      %swap3A_104 = arith.index_cast %scan3A_102 : i32 to index
      %swap3A_105 = arith.constant 0 : index
      %swap3A_106 = tpu.vector_load %arg9[%swap3A_103, %swap3A_104, %swap3A_105] {strides = array<i32>} : memref<2x80x128xf32, #tpu.memory_space<vmem>>, vector<1x1x16xf32>,
      %swap3A_107 = vector.shape_cast %swap3A_106 : vector<1x1x16xf32> to vector<16xf32>
      %swap3A_108 = vector.shape_cast %broadcast_in_dim3A_1 : vector<16xf32> to vector<1x1x16xf32>
      tpu.vector_store %arg9[%swap3A_103, %swap3A_104, %swap3A_105], %swap3A_108 {strides = array<i32>} : memref<2x80x128xf32, #tpu.memory_space<vmem>>, vector<1x1x16xf32>,
      %swap3A_109 = arith.constant 0 : i32
      %swap3A_110 = arith.index_cast %swap3A_109 : i32 to index
      %swap3A_111 = arith.index_cast %scan3A_102 : i32 to index
      %swap3A_112 = arith.constant 16 : index
      %swap3A_113 = tpu.vector_load %arg9[%swap3A_110, %swap3A_111, %swap3A_112] {strides = array<i32>} : memref<2x80x128xf32, #tpu.memory_space<vmem>>, vector<1x1x16xf32>,
      %swap3A_114 = vector.shape_cast %swap3A_113 : vector<1x1x16xf32> to vector<16xf32>
      %swap3A_115 = vector.shape_cast %broadcast_in_dim3A_1 : vector<16xf32> to vector<1x1x16xf32>
      tpu.vector_store %arg9[%swap3A_110, %swap3A_111, %swap3A_112], %swap3A_115 {strides = array<i32>} : memref<2x80x128xf32, #tpu.memory_space<vmem>>, vector<1x1x16xf32>,
      %swap3A_116 = arith.constant 0 : i32
      %swap3A_117 = arith.index_cast %swap3A_116 : i32 to index
      %swap3A_118 = arith.index_cast %scan3A_102 : i32 to index
      %swap3A_119 = arith.constant 32 : index
      %swap3A_120 = tpu.vector_load %arg9[%swap3A_117, %swap3A_118, %swap3A_119] {strides = array<i32>} : memref<2x80x128xf32, #tpu.memory_space<vmem>>, vector<1x1x16xf32>,
      %swap3A_121 = vector.shape_cast %swap3A_120 : vector<1x1x16xf32> to vector<16xf32>
      %swap3A_122 = vector.shape_cast %broadcast_in_dim3A_1 : vector<16xf32> to vector<1x1x16xf32>
      tpu.vector_store %arg9[%swap3A_117, %swap3A_118, %swap3A_119], %swap3A_122 {strides = array<i32>} : memref<2x80x128xf32, #tpu.memory_space<vmem>>, vector<1x1x16xf32>,
      %swap3A_123 = arith.constant 0 : i32
      %swap3A_124 = arith.index_cast %swap3A_123 : i32 to index
      %swap3A_125 = arith.index_cast %scan3A_102 : i32 to index
      %swap3A_126 = arith.constant 48 : index
      %swap3A_127 = tpu.vector_load %arg9[%swap3A_124, %swap3A_125, %swap3A_126] {strides = array<i32>} : memref<2x80x128xf32, #tpu.memory_space<vmem>>, vector<1x1x16xf32>,
      %swap3A_128 = vector.shape_cast %swap3A_127 : vector<1x1x16xf32> to vector<16xf32>
      %swap3A_129 = vector.shape_cast %broadcast_in_dim3A_1 : vector<16xf32> to vector<1x1x16xf32>
      tpu.vector_store %arg9[%swap3A_124, %swap3A_125, %swap3A_126], %swap3A_129 {strides = array<i32>} : memref<2x80x128xf32, #tpu.memory_space<vmem>>, vector<1x1x16xf32>,
      %swap3A_130 = arith.constant 0 : i32
      %swap3A_131 = arith.index_cast %swap3A_130 : i32 to index
      %swap3A_132 = arith.index_cast %scan3A_102 : i32 to index
      %swap3A_133 = arith.constant 64 : index
      %swap3A_134 = tpu.vector_load %arg9[%swap3A_131, %swap3A_132, %swap3A_133] {strides = array<i32>} : memref<2x80x128xf32, #tpu.memory_space<vmem>>, vector<1x1x16xf32>,
      %swap3A_135 = vector.shape_cast %swap3A_134 : vector<1x1x16xf32> to vector<16xf32>
      %swap3A_136 = vector.shape_cast %broadcast_in_dim3A_1 : vector<16xf32> to vector<1x1x16xf32>
      tpu.vector_store %arg9[%swap3A_131, %swap3A_132, %swap3A_133], %swap3A_136 {strides = array<i32>} : memref<2x80x128xf32, #tpu.memory_space<vmem>>, vector<1x1x16xf32>,
      %swap3A_137 = arith.constant 0 : i32
      %swap3A_138 = arith.index_cast %swap3A_137 : i32 to index
      %swap3A_139 = arith.index_cast %scan3A_102 : i32 to index
      %swap3A_140 = arith.constant 80 : index
      %swap3A_141 = tpu.vector_load %arg9[%swap3A_138, %swap3A_139, %swap3A_140] {strides = array<i32>} : memref<2x80x128xf32, #tpu.memory_space<vmem>>, vector<1x1x16xf32>,
      %swap3A_142 = vector.shape_cast %swap3A_141 : vector<1x1x16xf32> to vector<16xf32>
      %swap3A_143 = vector.shape_cast %broadcast_in_dim3A_1 : vector<16xf32> to vector<1x1x16xf32>
      tpu.vector_store %arg9[%swap3A_138, %swap3A_139, %swap3A_140], %swap3A_143 {strides = array<i32>} : memref<2x80x128xf32, #tpu.memory_space<vmem>>, vector<1x1x16xf32>,
      %swap3A_144 = arith.constant 0 : i32
      %swap3A_145 = arith.index_cast %swap3A_144 : i32 to index
      %swap3A_146 = arith.index_cast %scan3A_102 : i32 to index
      %swap3A_147 = arith.constant 96 : index
      %swap3A_148 = tpu.vector_load %arg9[%swap3A_145, %swap3A_146, %swap3A_147] {strides = array<i32>} : memref<2x80x128xf32, #tpu.memory_space<vmem>>, vector<1x1x16xf32>,
      %swap3A_149 = vector.shape_cast %swap3A_148 : vector<1x1x16xf32> to vector<16xf32>
      %swap3A_150 = vector.shape_cast %broadcast_in_dim3A_1 : vector<16xf32> to vector<1x1x16xf32>
      tpu.vector_store %arg9[%swap3A_145, %swap3A_146, %swap3A_147], %swap3A_150 {strides = array<i32>} : memref<2x80x128xf32, #tpu.memory_space<vmem>>, vector<1x1x16xf32>,
      %swap3A_151 = arith.constant 0 : i32
      %swap3A_152 = arith.index_cast %swap3A_151 : i32 to index
      %swap3A_153 = arith.index_cast %scan3A_102 : i32 to index
      %swap3A_154 = arith.constant 112 : index
      %swap3A_155 = tpu.vector_load %arg9[%swap3A_152, %swap3A_153, %swap3A_154] {strides = array<i32>} : memref<2x80x128xf32, #tpu.memory_space<vmem>>, vector<1x1x16xf32>,
      %swap3A_156 = vector.shape_cast %swap3A_155 : vector<1x1x16xf32> to vector<16xf32>
      %swap3A_157 = vector.shape_cast %broadcast_in_dim3A_1 : vector<16xf32> to vector<1x1x16xf32>
      tpu.vector_store %arg9[%swap3A_152, %swap3A_153, %swap3A_154], %swap3A_157 {strides = array<i32>} : memref<2x80x128xf32, #tpu.memory_space<vmem>>, vector<1x1x16xf32>,
    }
    %scan3A_6 = arith.constant 80 : i32
    %mul3A_7 = arith.constant 640 : i32
    %mul3A_8 = arith.muli %arg1, %mul3A_7 : i32
    %add3A_9 = arith.constant 0 : i32
    %add3A_10 = arith.addi %mul3A_8, %add3A_9 : i32
    %run_scoped3A = arith.constant 0 : i32
    "tpu.region"() ({
      %run_scoped3A_102 = tpu.sem_alloc : memref<!tpu.dma_semaphore, #tpu.memory_space<semaphore_mem>>
      %dma_start3A_103 = arith.constant 0 : i32
      %dma_start3A_104 = arith.constant 0 : i32
      %dma_start3A_105 = tpu.memref_slice %arg9[%run_scoped3A, %dma_start3A_103, %dma_start3A_104] : memref<2x80x128xf32, #tpu.memory_space<vmem>> -> memref<1x80x128xf32, #tpu.memory_space<vmem>>
      %dma_start3A_106 = tpu.memref_squeeze %dma_start3A_105 : memref<1x80x128xf32, #tpu.memory_space<vmem>> -> memref<80x128xf32, #tpu.memory_space<vmem>>
      %dma_start3A_107 = arith.constant 0 : i32
      %dma_start3A_108 = tpu.memref_slice %arg10[%add3A_10, %dma_start3A_107] : memref<10240x128xf32, #tpu.memory_space<vmem_shared>> -> memref<80x128xf32, #tpu.memory_space<vmem_shared>>
      %dma_start3A_109 = arith.constant 0 : i32
      %dma_start3A_110 = tpu.memref_slice %arg10[%add3A_10, %dma_start3A_109] : memref<10240x128xf32, #tpu.memory_space<vmem_shared>> -> memref<80x128xf32, #tpu.memory_space<vmem_shared>>
      %dma_start3A_111 = arith.constant 0 : i32
      %dma_start3A_112 = arith.constant 0 : i32
      %dma_start3A_113 = tpu.memref_slice %arg9[%run_scoped3A, %dma_start3A_111, %dma_start3A_112] : memref<2x80x128xf32, #tpu.memory_space<vmem>> -> memref<1x80x128xf32, #tpu.memory_space<vmem>>
      %dma_start3A_114 = tpu.memref_squeeze %dma_start3A_113 : memref<1x80x128xf32, #tpu.memory_space<vmem>> -> memref<80x128xf32, #tpu.memory_space<vmem>>
      tpu.enqueue_dma source(%dma_start3A_114 : memref<80x128xf32, #tpu.memory_space<vmem>>) target(%dma_start3A_110 : memref<80x128xf32, #tpu.memory_space<vmem_shared>>) target_semaphore(%run_scoped3A_102 : memref<!tpu.dma_semaphore, #tpu.memory_space<semaphore_mem>>)
      %dma_wait3A_115 = arith.constant 0 : i32
      %dma_wait3A_116 = arith.constant 0 : i32
      %dma_wait3A_117 = tpu.memref_slice %arg9[%run_scoped3A, %dma_wait3A_115, %dma_wait3A_116] : memref<2x80x128xf32, #tpu.memory_space<vmem>> -> memref<1x80x128xf32, #tpu.memory_space<vmem>>
      %dma_wait3A_118 = tpu.memref_squeeze %dma_wait3A_117 : memref<1x80x128xf32, #tpu.memory_space<vmem>> -> memref<80x128xf32, #tpu.memory_space<vmem>>
      %dma_wait3A_119 = arith.constant 0 : i32
      %dma_wait3A_120 = tpu.memref_slice %arg10[%add3A_10, %dma_wait3A_119] : memref<10240x128xf32, #tpu.memory_space<vmem_shared>> -> memref<80x128xf32, #tpu.memory_space<vmem_shared>>
      %dma_wait3A_121 = arith.constant 0 : i32
      %dma_wait3A_122 = tpu.memref_slice %arg10[%add3A_10, %dma_wait3A_121] : memref<10240x128xf32, #tpu.memory_space<vmem_shared>> -> memref<80x128xf32, #tpu.memory_space<vmem_shared>>
      %dma_wait3A_123 = arith.constant 0 : i32
      %dma_wait3A_124 = arith.constant 0 : i32
      %dma_wait3A_125 = tpu.memref_slice %arg9[%run_scoped3A, %dma_wait3A_123, %dma_wait3A_124] : memref<2x80x128xf32, #tpu.memory_space<vmem>> -> memref<1x80x128xf32, #tpu.memory_space<vmem>>
      %dma_wait3A_126 = tpu.memref_squeeze %dma_wait3A_125 : memref<1x80x128xf32, #tpu.memory_space<vmem>> -> memref<80x128xf32, #tpu.memory_space<vmem>>
      tpu.wait_dma2 semaphore(%run_scoped3A_102 : memref<!tpu.dma_semaphore, #tpu.memory_space<semaphore_mem>>) src(%dma_wait3A_126 : memref<80x128xf32, #tpu.memory_space<vmem>>) dst(%dma_wait3A_122 : memref<80x128xf32, #tpu.memory_space<vmem_shared>>)
      tpu.yield
    }) : () -> ()
    %mul3A_11 = arith.constant 640 : i32
    %mul3A_12 = arith.muli %arg1, %mul3A_11 : i32
    %add3A_13 = arith.constant 80 : i32
    %add3A_14 = arith.addi %mul3A_12, %add3A_13 : i32
    %run_scoped3A_15 = arith.constant 0 : i32
    "tpu.region"() ({
      %run_scoped3A_102 = tpu.sem_alloc : memref<!tpu.dma_semaphore, #tpu.memory_space<semaphore_mem>>
      %dma_start3A_103 = arith.constant 0 : i32
      %dma_start3A_104 = arith.constant 0 : i32
      %dma_start3A_105 = tpu.memref_slice %arg9[%run_scoped3A_15, %dma_start3A_103, %dma_start3A_104] : memref<2x80x128xf32, #tpu.memory_space<vmem>> -> memref<1x80x128xf32, #tpu.memory_space<vmem>>
      %dma_start3A_106 = tpu.memref_squeeze %dma_start3A_105 : memref<1x80x128xf32, #tpu.memory_space<vmem>> -> memref<80x128xf32, #tpu.memory_space<vmem>>
      %dma_start3A_107 = arith.constant 0 : i32
      %dma_start3A_108 = tpu.memref_slice %arg10[%add3A_14, %dma_start3A_107] : memref<10240x128xf32, #tpu.memory_space<vmem_shared>> -> memref<80x128xf32, #tpu.memory_space<vmem_shared>>
      %dma_start3A_109 = arith.constant 0 : i32
      %dma_start3A_110 = tpu.memref_slice %arg10[%add3A_14, %dma_start3A_109] : memref<10240x128xf32, #tpu.memory_space<vmem_shared>> -> memref<80x128xf32, #tpu.memory_space<vmem_shared>>
      %dma_start3A_111 = arith.constant 0 : i32
      %dma_start3A_112 = arith.constant 0 : i32
      %dma_start3A_113 = tpu.memref_slice %arg9[%run_scoped3A_15, %dma_start3A_111, %dma_start3A_112] : memref<2x80x128xf32, #tpu.memory_space<vmem>> -> memref<1x80x128xf32, #tpu.memory_space<vmem>>
      %dma_start3A_114 = tpu.memref_squeeze %dma_start3A_113 : memref<1x80x128xf32, #tpu.memory_space<vmem>> -> memref<80x128xf32, #tpu.memory_space<vmem>>
      tpu.enqueue_dma source(%dma_start3A_114 : memref<80x128xf32, #tpu.memory_space<vmem>>) target(%dma_start3A_110 : memref<80x128xf32, #tpu.memory_space<vmem_shared>>) target_semaphore(%run_scoped3A_102 : memref<!tpu.dma_semaphore, #tpu.memory_space<semaphore_mem>>)
      %dma_wait3A_115 = arith.constant 0 : i32
      %dma_wait3A_116 = arith.constant 0 : i32
      %dma_wait3A_117 = tpu.memref_slice %arg9[%run_scoped3A_15, %dma_wait3A_115, %dma_wait3A_116] : memref<2x80x128xf32, #tpu.memory_space<vmem>> -> memref<1x80x128xf32, #tpu.memory_space<vmem>>
      %dma_wait3A_118 = tpu.memref_squeeze %dma_wait3A_117 : memref<1x80x128xf32, #tpu.memory_space<vmem>> -> memref<80x128xf32, #tpu.memory_space<vmem>>
      %dma_wait3A_119 = arith.constant 0 : i32
      %dma_wait3A_120 = tpu.memref_slice %arg10[%add3A_14, %dma_wait3A_119] : memref<10240x128xf32, #tpu.memory_space<vmem_shared>> -> memref<80x128xf32, #tpu.memory_space<vmem_shared>>
      %dma_wait3A_121 = arith.constant 0 : i32
      %dma_wait3A_122 = tpu.memref_slice %arg10[%add3A_14, %dma_wait3A_121] : memref<10240x128xf32, #tpu.memory_space<vmem_shared>> -> memref<80x128xf32, #tpu.memory_space<vmem_shared>>
      %dma_wait3A_123 = arith.constant 0 : i32
      %dma_wait3A_124 = arith.constant 0 : i32
      %dma_wait3A_125 = tpu.memref_slice %arg9[%run_scoped3A_15, %dma_wait3A_123, %dma_wait3A_124] : memref<2x80x128xf32, #tpu.memory_space<vmem>> -> memref<1x80x128xf32, #tpu.memory_space<vmem>>
      %dma_wait3A_126 = tpu.memref_squeeze %dma_wait3A_125 : memref<1x80x128xf32, #tpu.memory_space<vmem>> -> memref<80x128xf32, #tpu.memory_space<vmem>>
      tpu.wait_dma2 semaphore(%run_scoped3A_102 : memref<!tpu.dma_semaphore, #tpu.memory_space<semaphore_mem>>) src(%dma_wait3A_126 : memref<80x128xf32, #tpu.memory_space<vmem>>) dst(%dma_wait3A_122 : memref<80x128xf32, #tpu.memory_space<vmem_shared>>)
      tpu.yield
    }) : () -> ()
    %mul3A_16 = arith.constant 640 : i32
    %mul3A_17 = arith.muli %arg1, %mul3A_16 : i32
    %add3A_18 = arith.constant 160 : i32
    %add3A_19 = arith.addi %mul3A_17, %add3A_18 : i32
    %run_scoped3A_20 = arith.constant 0 : i32
    "tpu.region"() ({
      %run_scoped3A_102 = tpu.sem_alloc : memref<!tpu.dma_semaphore, #tpu.memory_space<semaphore_mem>>
      %dma_start3A_103 = arith.constant 0 : i32
      %dma_start3A_104 = arith.constant 0 : i32
      %dma_start3A_105 = tpu.memref_slice %arg9[%run_scoped3A_20, %dma_start3A_103, %dma_start3A_104] : memref<2x80x128xf32, #tpu.memory_space<vmem>> -> memref<1x80x128xf32, #tpu.memory_space<vmem>>
      %dma_start3A_106 = tpu.memref_squeeze %dma_start3A_105 : memref<1x80x128xf32, #tpu.memory_space<vmem>> -> memref<80x128xf32, #tpu.memory_space<vmem>>
      %dma_start3A_107 = arith.constant 0 : i32
      %dma_start3A_108 = tpu.memref_slice %arg10[%add3A_19, %dma_start3A_107] : memref<10240x128xf32, #tpu.memory_space<vmem_shared>> -> memref<80x128xf32, #tpu.memory_space<vmem_shared>>
      %dma_start3A_109 = arith.constant 0 : i32
      %dma_start3A_110 = tpu.memref_slice %arg10[%add3A_19, %dma_start3A_109] : memref<10240x128xf32, #tpu.memory_space<vmem_shared>> -> memref<80x128xf32, #tpu.memory_space<vmem_shared>>
      %dma_start3A_111 = arith.constant 0 : i32
      %dma_start3A_112 = arith.constant 0 : i32
      %dma_start3A_113 = tpu.memref_slice %arg9[%run_scoped3A_20, %dma_start3A_111, %dma_start3A_112] : memref<2x80x128xf32, #tpu.memory_space<vmem>> -> memref<1x80x128xf32, #tpu.memory_space<vmem>>
      %dma_start3A_114 = tpu.memref_squeeze %dma_start3A_113 : memref<1x80x128xf32, #tpu.memory_space<vmem>> -> memref<80x128xf32, #tpu.memory_space<vmem>>
      tpu.enqueue_dma source(%dma_start3A_114 : memref<80x128xf32, #tpu.memory_space<vmem>>) target(%dma_start3A_110 : memref<80x128xf32, #tpu.memory_space<vmem_shared>>) target_semaphore(%run_scoped3A_102 : memref<!tpu.dma_semaphore, #tpu.memory_space<semaphore_mem>>)
      %dma_wait3A_115 = arith.constant 0 : i32
      %dma_wait3A_116 = arith.constant 0 : i32
      %dma_wait3A_117 = tpu.memref_slice %arg9[%run_scoped3A_20, %dma_wait3A_115, %dma_wait3A_116] : memref<2x80x128xf32, #tpu.memory_space<vmem>> -> memref<1x80x128xf32, #tpu.memory_space<vmem>>
      %dma_wait3A_118 = tpu.memref_squeeze %dma_wait3A_117 : memref<1x80x128xf32, #tpu.memory_space<vmem>> -> memref<80x128xf32, #tpu.memory_space<vmem>>
      %dma_wait3A_119 = arith.constant 0 : i32
      %dma_wait3A_120 = tpu.memref_slice %arg10[%add3A_19, %dma_wait3A_119] : memref<10240x128xf32, #tpu.memory_space<vmem_shared>> -> memref<80x128xf32, #tpu.memory_space<vmem_shared>>
      %dma_wait3A_121 = arith.constant 0 : i32
      %dma_wait3A_122 = tpu.memref_slice %arg10[%add3A_19, %dma_wait3A_121] : memref<10240x128xf32, #tpu.memory_space<vmem_shared>> -> memref<80x128xf32, #tpu.memory_space<vmem_shared>>
      %dma_wait3A_123 = arith.constant 0 : i32
      %dma_wait3A_124 = arith.constant 0 : i32
      %dma_wait3A_125 = tpu.memref_slice %arg9[%run_scoped3A_20, %dma_wait3A_123, %dma_wait3A_124] : memref<2x80x128xf32, #tpu.memory_space<vmem>> -> memref<1x80x128xf32, #tpu.memory_space<vmem>>
      %dma_wait3A_126 = tpu.memref_squeeze %dma_wait3A_125 : memref<1x80x128xf32, #tpu.memory_space<vmem>> -> memref<80x128xf32, #tpu.memory_space<vmem>>
      tpu.wait_dma2 semaphore(%run_scoped3A_102 : memref<!tpu.dma_semaphore, #tpu.memory_space<semaphore_mem>>) src(%dma_wait3A_126 : memref<80x128xf32, #tpu.memory_space<vmem>>) dst(%dma_wait3A_122 : memref<80x128xf32, #tpu.memory_space<vmem_shared>>)
      tpu.yield
    }) : () -> ()
    %mul3A_21 = arith.constant 640 : i32
    %mul3A_22 = arith.muli %arg1, %mul3A_21 : i32
    %add3A_23 = arith.constant 240 : i32
    %add3A_24 = arith.addi %mul3A_22, %add3A_23 : i32
    %run_scoped3A_25 = arith.constant 0 : i32
    "tpu.region"() ({
      %run_scoped3A_102 = tpu.sem_alloc : memref<!tpu.dma_semaphore, #tpu.memory_space<semaphore_mem>>
      %dma_start3A_103 = arith.constant 0 : i32
      %dma_start3A_104 = arith.constant 0 : i32
      %dma_start3A_105 = tpu.memref_slice %arg9[%run_scoped3A_25, %dma_start3A_103, %dma_start3A_104] : memref<2x80x128xf32, #tpu.memory_space<vmem>> -> memref<1x80x128xf32, #tpu.memory_space<vmem>>
      %dma_start3A_106 = tpu.memref_squeeze %dma_start3A_105 : memref<1x80x128xf32, #tpu.memory_space<vmem>> -> memref<80x128xf32, #tpu.memory_space<vmem>>
      %dma_start3A_107 = arith.constant 0 : i32
      %dma_start3A_108 = tpu.memref_slice %arg10[%add3A_24, %dma_start3A_107] : memref<10240x128xf32, #tpu.memory_space<vmem_shared>> -> memref<80x128xf32, #tpu.memory_space<vmem_shared>>
      %dma_start3A_109 = arith.constant 0 : i32
      %dma_start3A_110 = tpu.memref_slice %arg10[%add3A_24, %dma_start3A_109] : memref<10240x128xf32, #tpu.memory_space<vmem_shared>> -> memref<80x128xf32, #tpu.memory_space<vmem_shared>>
      %dma_start3A_111 = arith.constant 0 : i32
      %dma_start3A_112 = arith.constant 0 : i32
      %dma_start3A_113 = tpu.memref_slice %arg9[%run_scoped3A_25, %dma_start3A_111, %dma_start3A_112] : memref<2x80x128xf32, #tpu.memory_space<vmem>> -> memref<1x80x128xf32, #tpu.memory_space<vmem>>
      %dma_start3A_114 = tpu.memref_squeeze %dma_start3A_113 : memref<1x80x128xf32, #tpu.memory_space<vmem>> -> memref<80x128xf32, #tpu.memory_space<vmem>>
      tpu.enqueue_dma source(%dma_start3A_114 : memref<80x128xf32, #tpu.memory_space<vmem>>) target(%dma_start3A_110 : memref<80x128xf32, #tpu.memory_space<vmem_shared>>) target_semaphore(%run_scoped3A_102 : memref<!tpu.dma_semaphore, #tpu.memory_space<semaphore_mem>>)
      %dma_wait3A_115 = arith.constant 0 : i32
      %dma_wait3A_116 = arith.constant 0 : i32
      %dma_wait3A_117 = tpu.memref_slice %arg9[%run_scoped3A_25, %dma_wait3A_115, %dma_wait3A_116] : memref<2x80x128xf32, #tpu.memory_space<vmem>> -> memref<1x80x128xf32, #tpu.memory_space<vmem>>
      %dma_wait3A_118 = tpu.memref_squeeze %dma_wait3A_117 : memref<1x80x128xf32, #tpu.memory_space<vmem>> -> memref<80x128xf32, #tpu.memory_space<vmem>>
      %dma_wait3A_119 = arith.constant 0 : i32
      %dma_wait3A_120 = tpu.memref_slice %arg10[%add3A_24, %dma_wait3A_119] : memref<10240x128xf32, #tpu.memory_space<vmem_shared>> -> memref<80x128xf32, #tpu.memory_space<vmem_shared>>
      %dma_wait3A_121 = arith.constant 0 : i32
      %dma_wait3A_122 = tpu.memref_slice %arg10[%add3A_24, %dma_wait3A_121] : memref<10240x128xf32, #tpu.memory_space<vmem_shared>> -> memref<80x128xf32, #tpu.memory_space<vmem_shared>>
      %dma_wait3A_123 = arith.constant 0 : i32
      %dma_wait3A_124 = arith.constant 0 : i32
      %dma_wait3A_125 = tpu.memref_slice %arg9[%run_scoped3A_25, %dma_wait3A_123, %dma_wait3A_124] : memref<2x80x128xf32, #tpu.memory_space<vmem>> -> memref<1x80x128xf32, #tpu.memory_space<vmem>>
      %dma_wait3A_126 = tpu.memref_squeeze %dma_wait3A_125 : memref<1x80x128xf32, #tpu.memory_space<vmem>> -> memref<80x128xf32, #tpu.memory_space<vmem>>
      tpu.wait_dma2 semaphore(%run_scoped3A_102 : memref<!tpu.dma_semaphore, #tpu.memory_space<semaphore_mem>>) src(%dma_wait3A_126 : memref<80x128xf32, #tpu.memory_space<vmem>>) dst(%dma_wait3A_122 : memref<80x128xf32, #tpu.memory_space<vmem_shared>>)
      tpu.yield
    }) : () -> ()
    %mul3A_26 = arith.constant 640 : i32
    %mul3A_27 = arith.muli %arg1, %mul3A_26 : i32
    %add3A_28 = arith.constant 320 : i32
    %add3A_29 = arith.addi %mul3A_27, %add3A_28 : i32
    %run_scoped3A_30 = arith.constant 0 : i32
    "tpu.region"() ({
      %run_scoped3A_102 = tpu.sem_alloc : memref<!tpu.dma_semaphore, #tpu.memory_space<semaphore_mem>>
      %dma_start3A_103 = arith.constant 0 : i32
      %dma_start3A_104 = arith.constant 0 : i32
      %dma_start3A_105 = tpu.memref_slice %arg9[%run_scoped3A_30, %dma_start3A_103, %dma_start3A_104] : memref<2x80x128xf32, #tpu.memory_space<vmem>> -> memref<1x80x128xf32, #tpu.memory_space<vmem>>
      %dma_start3A_106 = tpu.memref_squeeze %dma_start3A_105 : memref<1x80x128xf32, #tpu.memory_space<vmem>> -> memref<80x128xf32, #tpu.memory_space<vmem>>
      %dma_start3A_107 = arith.constant 0 : i32
      %dma_start3A_108 = tpu.memref_slice %arg10[%add3A_29, %dma_start3A_107] : memref<10240x128xf32, #tpu.memory_space<vmem_shared>> -> memref<80x128xf32, #tpu.memory_space<vmem_shared>>
      %dma_start3A_109 = arith.constant 0 : i32
      %dma_start3A_110 = tpu.memref_slice %arg10[%add3A_29, %dma_start3A_109] : memref<10240x128xf32, #tpu.memory_space<vmem_shared>> -> memref<80x128xf32, #tpu.memory_space<vmem_shared>>
      %dma_start3A_111 = arith.constant 0 : i32
      %dma_start3A_112 = arith.constant 0 : i32
      %dma_start3A_113 = tpu.memref_slice %arg9[%run_scoped3A_30, %dma_start3A_111, %dma_start3A_112] : memref<2x80x128xf32, #tpu.memory_space<vmem>> -> memref<1x80x128xf32, #tpu.memory_space<vmem>>
      %dma_start3A_114 = tpu.memref_squeeze %dma_start3A_113 : memref<1x80x128xf32, #tpu.memory_space<vmem>> -> memref<80x128xf32, #tpu.memory_space<vmem>>
      tpu.enqueue_dma source(%dma_start3A_114 : memref<80x128xf32, #tpu.memory_space<vmem>>) target(%dma_start3A_110 : memref<80x128xf32, #tpu.memory_space<vmem_shared>>) target_semaphore(%run_scoped3A_102 : memref<!tpu.dma_semaphore, #tpu.memory_space<semaphore_mem>>)
      %dma_wait3A_115 = arith.constant 0 : i32
      %dma_wait3A_116 = arith.constant 0 : i32
      %dma_wait3A_117 = tpu.memref_slice %arg9[%run_scoped3A_30, %dma_wait3A_115, %dma_wait3A_116] : memref<2x80x128xf32, #tpu.memory_space<vmem>> -> memref<1x80x128xf32, #tpu.memory_space<vmem>>
      %dma_wait3A_118 = tpu.memref_squeeze %dma_wait3A_117 : memref<1x80x128xf32, #tpu.memory_space<vmem>> -> memref<80x128xf32, #tpu.memory_space<vmem>>
      %dma_wait3A_119 = arith.constant 0 : i32
      %dma_wait3A_120 = tpu.memref_slice %arg10[%add3A_29, %dma_wait3A_119] : memref<10240x128xf32, #tpu.memory_space<vmem_shared>> -> memref<80x128xf32, #tpu.memory_space<vmem_shared>>
      %dma_wait3A_121 = arith.constant 0 : i32
      %dma_wait3A_122 = tpu.memref_slice %arg10[%add3A_29, %dma_wait3A_121] : memref<10240x128xf32, #tpu.memory_space<vmem_shared>> -> memref<80x128xf32, #tpu.memory_space<vmem_shared>>
      %dma_wait3A_123 = arith.constant 0 : i32
      %dma_wait3A_124 = arith.constant 0 : i32
      %dma_wait3A_125 = tpu.memref_slice %arg9[%run_scoped3A_30, %dma_wait3A_123, %dma_wait3A_124] : memref<2x80x128xf32, #tpu.memory_space<vmem>> -> memref<1x80x128xf32, #tpu.memory_space<vmem>>
      %dma_wait3A_126 = tpu.memref_squeeze %dma_wait3A_125 : memref<1x80x128xf32, #tpu.memory_space<vmem>> -> memref<80x128xf32, #tpu.memory_space<vmem>>
      tpu.wait_dma2 semaphore(%run_scoped3A_102 : memref<!tpu.dma_semaphore, #tpu.memory_space<semaphore_mem>>) src(%dma_wait3A_126 : memref<80x128xf32, #tpu.memory_space<vmem>>) dst(%dma_wait3A_122 : memref<80x128xf32, #tpu.memory_space<vmem_shared>>)
      tpu.yield
    }) : () -> ()
    %mul3A_31 = arith.constant 640 : i32
    %mul3A_32 = arith.muli %arg1, %mul3A_31 : i32
    %add3A_33 = arith.constant 400 : i32
    %add3A_34 = arith.addi %mul3A_32, %add3A_33 : i32
    %run_scoped3A_35 = arith.constant 0 : i32
    "tpu.region"() ({
      %run_scoped3A_102 = tpu.sem_alloc : memref<!tpu.dma_semaphore, #tpu.memory_space<semaphore_mem>>
      %dma_start3A_103 = arith.constant 0 : i32
      %dma_start3A_104 = arith.constant 0 : i32
      %dma_start3A_105 = tpu.memref_slice %arg9[%run_scoped3A_35, %dma_start3A_103, %dma_start3A_104] : memref<2x80x128xf32, #tpu.memory_space<vmem>> -> memref<1x80x128xf32, #tpu.memory_space<vmem>>
      %dma_start3A_106 = tpu.memref_squeeze %dma_start3A_105 : memref<1x80x128xf32, #tpu.memory_space<vmem>> -> memref<80x128xf32, #tpu.memory_space<vmem>>
      %dma_start3A_107 = arith.constant 0 : i32
      %dma_start3A_108 = tpu.memref_slice %arg10[%add3A_34, %dma_start3A_107] : memref<10240x128xf32, #tpu.memory_space<vmem_shared>> -> memref<80x128xf32, #tpu.memory_space<vmem_shared>>
      %dma_start3A_109 = arith.constant 0 : i32
      %dma_start3A_110 = tpu.memref_slice %arg10[%add3A_34, %dma_start3A_109] : memref<10240x128xf32, #tpu.memory_space<vmem_shared>> -> memref<80x128xf32, #tpu.memory_space<vmem_shared>>
      %dma_start3A_111 = arith.constant 0 : i32
      %dma_start3A_112 = arith.constant 0 : i32
      %dma_start3A_113 = tpu.memref_slice %arg9[%run_scoped3A_35, %dma_start3A_111, %dma_start3A_112] : memref<2x80x128xf32, #tpu.memory_space<vmem>> -> memref<1x80x128xf32, #tpu.memory_space<vmem>>
      %dma_start3A_114 = tpu.memref_squeeze %dma_start3A_113 : memref<1x80x128xf32, #tpu.memory_space<vmem>> -> memref<80x128xf32, #tpu.memory_space<vmem>>
      tpu.enqueue_dma source(%dma_start3A_114 : memref<80x128xf32, #tpu.memory_space<vmem>>) target(%dma_start3A_110 : memref<80x128xf32, #tpu.memory_space<vmem_shared>>) target_semaphore(%run_scoped3A_102 : memref<!tpu.dma_semaphore, #tpu.memory_space<semaphore_mem>>)
      %dma_wait3A_115 = arith.constant 0 : i32
      %dma_wait3A_116 = arith.constant 0 : i32
      %dma_wait3A_117 = tpu.memref_slice %arg9[%run_scoped3A_35, %dma_wait3A_115, %dma_wait3A_116] : memref<2x80x128xf32, #tpu.memory_space<vmem>> -> memref<1x80x128xf32, #tpu.memory_space<vmem>>
      %dma_wait3A_118 = tpu.memref_squeeze %dma_wait3A_117 : memref<1x80x128xf32, #tpu.memory_space<vmem>> -> memref<80x128xf32, #tpu.memory_space<vmem>>
      %dma_wait3A_119 = arith.constant 0 : i32
      %dma_wait3A_120 = tpu.memref_slice %arg10[%add3A_34, %dma_wait3A_119] : memref<10240x128xf32, #tpu.memory_space<vmem_shared>> -> memref<80x128xf32, #tpu.memory_space<vmem_shared>>
      %dma_wait3A_121 = arith.constant 0 : i32
      %dma_wait3A_122 = tpu.memref_slice %arg10[%add3A_34, %dma_wait3A_121] : memref<10240x128xf32, #tpu.memory_space<vmem_shared>> -> memref<80x128xf32, #tpu.memory_space<vmem_shared>>
      %dma_wait3A_123 = arith.constant 0 : i32
      %dma_wait3A_124 = arith.constant 0 : i32
      %dma_wait3A_125 = tpu.memref_slice %arg9[%run_scoped3A_35, %dma_wait3A_123, %dma_wait3A_124] : memref<2x80x128xf32, #tpu.memory_space<vmem>> -> memref<1x80x128xf32, #tpu.memory_space<vmem>>
      %dma_wait3A_126 = tpu.memref_squeeze %dma_wait3A_125 : memref<1x80x128xf32, #tpu.memory_space<vmem>> -> memref<80x128xf32, #tpu.memory_space<vmem>>
      tpu.wait_dma2 semaphore(%run_scoped3A_102 : memref<!tpu.dma_semaphore, #tpu.memory_space<semaphore_mem>>) src(%dma_wait3A_126 : memref<80x128xf32, #tpu.memory_space<vmem>>) dst(%dma_wait3A_122 : memref<80x128xf32, #tpu.memory_space<vmem_shared>>)
      tpu.yield
    }) : () -> ()
    %mul3A_36 = arith.constant 640 : i32
    %mul3A_37 = arith.muli %arg1, %mul3A_36 : i32
    %add3A_38 = arith.constant 480 : i32
    %add3A_39 = arith.addi %mul3A_37, %add3A_38 : i32
    %run_scoped3A_40 = arith.constant 0 : i32
    "tpu.region"() ({
      %run_scoped3A_102 = tpu.sem_alloc : memref<!tpu.dma_semaphore, #tpu.memory_space<semaphore_mem>>
      %dma_start3A_103 = arith.constant 0 : i32
      %dma_start3A_104 = arith.constant 0 : i32
      %dma_start3A_105 = tpu.memref_slice %arg9[%run_scoped3A_40, %dma_start3A_103, %dma_start3A_104] : memref<2x80x128xf32, #tpu.memory_space<vmem>> -> memref<1x80x128xf32, #tpu.memory_space<vmem>>
      %dma_start3A_106 = tpu.memref_squeeze %dma_start3A_105 : memref<1x80x128xf32, #tpu.memory_space<vmem>> -> memref<80x128xf32, #tpu.memory_space<vmem>>
      %dma_start3A_107 = arith.constant 0 : i32
      %dma_start3A_108 = tpu.memref_slice %arg10[%add3A_39, %dma_start3A_107] : memref<10240x128xf32, #tpu.memory_space<vmem_shared>> -> memref<80x128xf32, #tpu.memory_space<vmem_shared>>
      %dma_start3A_109 = arith.constant 0 : i32
      %dma_start3A_110 = tpu.memref_slice %arg10[%add3A_39, %dma_start3A_109] : memref<10240x128xf32, #tpu.memory_space<vmem_shared>> -> memref<80x128xf32, #tpu.memory_space<vmem_shared>>
      %dma_start3A_111 = arith.constant 0 : i32
      %dma_start3A_112 = arith.constant 0 : i32
      %dma_start3A_113 = tpu.memref_slice %arg9[%run_scoped3A_40, %dma_start3A_111, %dma_start3A_112] : memref<2x80x128xf32, #tpu.memory_space<vmem>> -> memref<1x80x128xf32, #tpu.memory_space<vmem>>
      %dma_start3A_114 = tpu.memref_squeeze %dma_start3A_113 : memref<1x80x128xf32, #tpu.memory_space<vmem>> -> memref<80x128xf32, #tpu.memory_space<vmem>>
      tpu.enqueue_dma source(%dma_start3A_114 : memref<80x128xf32, #tpu.memory_space<vmem>>) target(%dma_start3A_110 : memref<80x128xf32, #tpu.memory_space<vmem_shared>>) target_semaphore(%run_scoped3A_102 : memref<!tpu.dma_semaphore, #tpu.memory_space<semaphore_mem>>)
      %dma_wait3A_115 = arith.constant 0 : i32
      %dma_wait3A_116 = arith.constant 0 : i32
      %dma_wait3A_117 = tpu.memref_slice %arg9[%run_scoped3A_40, %dma_wait3A_115, %dma_wait3A_116] : memref<2x80x128xf32, #tpu.memory_space<vmem>> -> memref<1x80x128xf32, #tpu.memory_space<vmem>>
      %dma_wait3A_118 = tpu.memref_squeeze %dma_wait3A_117 : memref<1x80x128xf32, #tpu.memory_space<vmem>> -> memref<80x128xf32, #tpu.memory_space<vmem>>
      %dma_wait3A_119 = arith.constant 0 : i32
      %dma_wait3A_120 = tpu.memref_slice %arg10[%add3A_39, %dma_wait3A_119] : memref<10240x128xf32, #tpu.memory_space<vmem_shared>> -> memref<80x128xf32, #tpu.memory_space<vmem_shared>>
      %dma_wait3A_121 = arith.constant 0 : i32
      %dma_wait3A_122 = tpu.memref_slice %arg10[%add3A_39, %dma_wait3A_121] : memref<10240x128xf32, #tpu.memory_space<vmem_shared>> -> memref<80x128xf32, #tpu.memory_space<vmem_shared>>
      %dma_wait3A_123 = arith.constant 0 : i32
      %dma_wait3A_124 = arith.constant 0 : i32
      %dma_wait3A_125 = tpu.memref_slice %arg9[%run_scoped3A_40, %dma_wait3A_123, %dma_wait3A_124] : memref<2x80x128xf32, #tpu.memory_space<vmem>> -> memref<1x80x128xf32, #tpu.memory_space<vmem>>
      %dma_wait3A_126 = tpu.memref_squeeze %dma_wait3A_125 : memref<1x80x128xf32, #tpu.memory_space<vmem>> -> memref<80x128xf32, #tpu.memory_space<vmem>>
      tpu.wait_dma2 semaphore(%run_scoped3A_102 : memref<!tpu.dma_semaphore, #tpu.memory_space<semaphore_mem>>) src(%dma_wait3A_126 : memref<80x128xf32, #tpu.memory_space<vmem>>) dst(%dma_wait3A_122 : memref<80x128xf32, #tpu.memory_space<vmem_shared>>)
      tpu.yield
    }) : () -> ()
    %mul3A_41 = arith.constant 640 : i32
    %mul3A_42 = arith.muli %arg1, %mul3A_41 : i32
    %add3A_43 = arith.constant 560 : i32
    %add3A_44 = arith.addi %mul3A_42, %add3A_43 : i32
    %run_scoped3A_45 = arith.constant 0 : i32
    "tpu.region"() ({
      %run_scoped3A_102 = tpu.sem_alloc : memref<!tpu.dma_semaphore, #tpu.memory_space<semaphore_mem>>
      %dma_start3A_103 = arith.constant 0 : i32
      %dma_start3A_104 = arith.constant 0 : i32
      %dma_start3A_105 = tpu.memref_slice %arg9[%run_scoped3A_45, %dma_start3A_103, %dma_start3A_104] : memref<2x80x128xf32, #tpu.memory_space<vmem>> -> memref<1x80x128xf32, #tpu.memory_space<vmem>>
      %dma_start3A_106 = tpu.memref_squeeze %dma_start3A_105 : memref<1x80x128xf32, #tpu.memory_space<vmem>> -> memref<80x128xf32, #tpu.memory_space<vmem>>
      %dma_start3A_107 = arith.constant 0 : i32
      %dma_start3A_108 = tpu.memref_slice %arg10[%add3A_44, %dma_start3A_107] : memref<10240x128xf32, #tpu.memory_space<vmem_shared>> -> memref<80x128xf32, #tpu.memory_space<vmem_shared>>
      %dma_start3A_109 = arith.constant 0 : i32
      %dma_start3A_110 = tpu.memref_slice %arg10[%add3A_44, %dma_start3A_109] : memref<10240x128xf32, #tpu.memory_space<vmem_shared>> -> memref<80x128xf32, #tpu.memory_space<vmem_shared>>
      %dma_start3A_111 = arith.constant 0 : i32
      %dma_start3A_112 = arith.constant 0 : i32
      %dma_start3A_113 = tpu.memref_slice %arg9[%run_scoped3A_45, %dma_start3A_111, %dma_start3A_112] : memref<2x80x128xf32, #tpu.memory_space<vmem>> -> memref<1x80x128xf32, #tpu.memory_space<vmem>>
      %dma_start3A_114 = tpu.memref_squeeze %dma_start3A_113 : memref<1x80x128xf32, #tpu.memory_space<vmem>> -> memref<80x128xf32, #tpu.memory_space<vmem>>
      tpu.enqueue_dma source(%dma_start3A_114 : memref<80x128xf32, #tpu.memory_space<vmem>>) target(%dma_start3A_110 : memref<80x128xf32, #tpu.memory_space<vmem_shared>>) target_semaphore(%run_scoped3A_102 : memref<!tpu.dma_semaphore, #tpu.memory_space<semaphore_mem>>)
      %dma_wait3A_115 = arith.constant 0 : i32
      %dma_wait3A_116 = arith.constant 0 : i32
      %dma_wait3A_117 = tpu.memref_slice %arg9[%run_scoped3A_45, %dma_wait3A_115, %dma_wait3A_116] : memref<2x80x128xf32, #tpu.memory_space<vmem>> -> memref<1x80x128xf32, #tpu.memory_space<vmem>>
      %dma_wait3A_118 = tpu.memref_squeeze %dma_wait3A_117 : memref<1x80x128xf32, #tpu.memory_space<vmem>> -> memref<80x128xf32, #tpu.memory_space<vmem>>
      %dma_wait3A_119 = arith.constant 0 : i32
      %dma_wait3A_120 = tpu.memref_slice %arg10[%add3A_44, %dma_wait3A_119] : memref<10240x128xf32, #tpu.memory_space<vmem_shared>> -> memref<80x128xf32, #tpu.memory_space<vmem_shared>>
      %dma_wait3A_121 = arith.constant 0 : i32
      %dma_wait3A_122 = tpu.memref_slice %arg10[%add3A_44, %dma_wait3A_121] : memref<10240x128xf32, #tpu.memory_space<vmem_shared>> -> memref<80x128xf32, #tpu.memory_space<vmem_shared>>
      %dma_wait3A_123 = arith.constant 0 : i32
      %dma_wait3A_124 = arith.constant 0 : i32
      %dma_wait3A_125 = tpu.memref_slice %arg9[%run_scoped3A_45, %dma_wait3A_123, %dma_wait3A_124] : memref<2x80x128xf32, #tpu.memory_space<vmem>> -> memref<1x80x128xf32, #tpu.memory_space<vmem>>
      %dma_wait3A_126 = tpu.memref_squeeze %dma_wait3A_125 : memref<1x80x128xf32, #tpu.memory_space<vmem>> -> memref<80x128xf32, #tpu.memory_space<vmem>>
      tpu.wait_dma2 semaphore(%run_scoped3A_102 : memref<!tpu.dma_semaphore, #tpu.memory_space<semaphore_mem>>) src(%dma_wait3A_126 : memref<80x128xf32, #tpu.memory_space<vmem>>) dst(%dma_wait3A_122 : memref<80x128xf32, #tpu.memory_space<vmem_shared>>)
      tpu.yield
    }) : () -> ()
    %barrier3A = arith.constant 0 : index
    tpu.barrier barrier_id(%barrier3A)
    %mul3A_46 = arith.constant 10000 : i32
    %mul3A_47 = arith.muli %add3A, %mul3A_46 : i32
    "tpu.region"() ({
      %run_scoped3A_102 = tpu.sem_alloc : memref<!tpu.dma_semaphore, #tpu.memory_space<semaphore_mem>>
      %dma_start3A_103 = tpu.memref_slice %arg3[%mul3A_47] : memref<320000xi32, #tpu.memory_space<hbm>> -> memref<10000xi32, #tpu.memory_space<hbm>>
      %dma_start3A_104 = tpu.memref_slice %arg3[%mul3A_47] : memref<320000xi32, #tpu.memory_space<hbm>> -> memref<10000xi32, #tpu.memory_space<hbm>>
      tpu.enqueue_dma source(%dma_start3A_104 : memref<10000xi32, #tpu.memory_space<hbm>>) target(%arg6 : memref<10000xi32, #tpu.memory_space<vmem>>) target_semaphore(%run_scoped3A_102 : memref<!tpu.dma_semaphore, #tpu.memory_space<semaphore_mem>>)
      %dma_wait3A_105 = tpu.memref_slice %arg3[%mul3A_47] : memref<320000xi32, #tpu.memory_space<hbm>> -> memref<10000xi32, #tpu.memory_space<hbm>>
      %dma_wait3A_106 = tpu.memref_slice %arg3[%mul3A_47] : memref<320000xi32, #tpu.memory_space<hbm>> -> memref<10000xi32, #tpu.memory_space<hbm>>
      tpu.wait_dma2 semaphore(%run_scoped3A_102 : memref<!tpu.dma_semaphore, #tpu.memory_space<semaphore_mem>>) src(%dma_wait3A_106 : memref<10000xi32, #tpu.memory_space<hbm>>) dst(%arg6 : memref<10000xi32, #tpu.memory_space<vmem>>)
      tpu.yield
    }) : () -> ()
    %dma_start3A = arith.constant 0 : i32
    %dma_start3A_48 = arith.constant 0 : i32
    %dma_start3A_49 = arith.constant 0 : i32
    %dma_start3A_50 = tpu.memref_slice %arg9[%dma_start3A, %dma_start3A_48, %dma_start3A_49] : memref<2x80x128xf32, #tpu.memory_space<vmem>> -> memref<1x80x128xf32, #tpu.memory_space<vmem>>
    %dma_start3A_51 = tpu.memref_squeeze %dma_start3A_50 : memref<1x80x128xf32, #tpu.memory_space<vmem>> -> memref<80x128xf32, #tpu.memory_space<vmem>>
    %dma_start3A_52 = arith.constant 0 : i32
    %dma_start3A_53 = tpu.memref_slice %arg6[%dma_start3A_52] : memref<10000xi32, #tpu.memory_space<vmem>> -> memref<80xi32, #tpu.memory_space<vmem>>
    %dma_start3A_54 = arith.constant 0 : i32
    %dma_start3A_55 = arith.constant 0 : i32
    %dma_start3A_56 = tpu.memref_slice %arg2[%dma_start3A_54, %dma_start3A_55] : memref<10000x128xf32, #tpu.memory_space<hbm>> -> memref<10000x128xf32, #tpu.memory_space<hbm>>
    tpu.enqueue_indirect_dma source(%dma_start3A_56 : memref<10000x128xf32, #tpu.memory_space<hbm>>) target(%dma_start3A_51 : memref<80x128xf32, #tpu.memory_space<vmem>>) offsets(%dma_start3A_53 : memref<80xi32, #tpu.memory_space<vmem>>) semaphore(%arg11 : memref<!tpu.dma_semaphore, #tpu.memory_space<semaphore_mem>>)
    %dma_start3A_57 = arith.constant 1 : i32
    %dma_start3A_58 = arith.constant 0 : i32
    %dma_start3A_59 = arith.constant 0 : i32
    %dma_start3A_60 = tpu.memref_slice %arg9[%dma_start3A_57, %dma_start3A_58, %dma_start3A_59] : memref<2x80x128xf32, #tpu.memory_space<vmem>> -> memref<1x80x128xf32, #tpu.memory_space<vmem>>
    %dma_start3A_61 = tpu.memref_squeeze %dma_start3A_60 : memref<1x80x128xf32, #tpu.memory_space<vmem>> -> memref<80x128xf32, #tpu.memory_space<vmem>>
    %dma_start3A_62 = arith.constant 80 : i32
    %dma_start3A_63 = tpu.memref_slice %arg6[%dma_start3A_62] : memref<10000xi32, #tpu.memory_space<vmem>> -> memref<80xi32, #tpu.memory_space<vmem>>
    %dma_start3A_64 = arith.constant 0 : i32
    %dma_start3A_65 = arith.constant 0 : i32
    %dma_start3A_66 = tpu.memref_slice %arg2[%dma_start3A_64, %dma_start3A_65] : memref<10000x128xf32, #tpu.memory_space<hbm>> -> memref<10000x128xf32, #tpu.memory_space<hbm>>
    tpu.enqueue_indirect_dma source(%dma_start3A_66 : memref<10000x128xf32, #tpu.memory_space<hbm>>) target(%dma_start3A_61 : memref<80x128xf32, #tpu.memory_space<vmem>>) offsets(%dma_start3A_63 : memref<80xi32, #tpu.memory_space<vmem>>) semaphore(%arg12 : memref<!tpu.dma_semaphore, #tpu.memory_space<semaphore_mem>>)
    %scan3A_67 = arith.constant 0 : i32
    %scan3A_68 = arith.constant 0 : i32
    %scan3A_69 = arith.constant 62 : i32
    %scan3A_70 = arith.addi %scan3A_68, %scan3A_69 : i32
    %scan3A_71 = arith.constant 1 : i32
    scf.for %scan3A_102 = %scan3A_68 to %scan3A_70 step %scan3A_71  : i32 {
      %mul3A_103 = arith.constant 2 : i32
      %mul3A_104 = arith.muli %mul3A_103, %scan3A_102 : i32
      %mul3A_105 = arith.constant 80 : i32
      %mul3A_106 = arith.muli %mul3A_104, %mul3A_105 : i32
      %dma_wait3A_107 = arith.constant 0 : i32
      %dma_wait3A_108 = arith.constant 0 : i32
      %dma_wait3A_109 = arith.constant 0 : i32
      %dma_wait3A_110 = tpu.memref_slice %arg9[%dma_wait3A_107, %dma_wait3A_108, %dma_wait3A_109] : memref<2x80x128xf32, #tpu.memory_space<vmem>> -> memref<1x80x128xf32, #tpu.memory_space<vmem>>
      %dma_wait3A_111 = tpu.memref_squeeze %dma_wait3A_110 : memref<1x80x128xf32, #tpu.memory_space<vmem>> -> memref<80x128xf32, #tpu.memory_space<vmem>>
      %dma_wait3A_112 = tpu.memref_slice %arg6[%mul3A_106] : memref<10000xi32, #tpu.memory_space<vmem>> -> memref<80xi32, #tpu.memory_space<vmem>>
      %dma_wait3A_113 = arith.constant 0 : i32
      %dma_wait3A_114 = arith.constant 0 : i32
      %dma_wait3A_115 = tpu.memref_slice %arg2[%dma_wait3A_113, %dma_wait3A_114] : memref<10000x128xf32, #tpu.memory_space<hbm>> -> memref<10000x128xf32, #tpu.memory_space<hbm>>
      tpu.wait_indirect_dma semaphore(%arg11 : memref<!tpu.dma_semaphore, #tpu.memory_space<semaphore_mem>>) src(%dma_wait3A_115 : memref<10000x128xf32, #tpu.memory_space<hbm>>) dst(%dma_wait3A_111 : memref<80x128xf32, #tpu.memory_space<vmem>>)
      %mul3A_116 = arith.constant 10000 : i32
      %mul3A_117 = arith.muli %add3A, %mul3A_116 : i32
      %mul3A_118 = arith.constant 80 : i32
      %mul3A_119 = arith.muli %mul3A_104, %mul3A_118 : i32
      %add3A_120 = arith.addi %mul3A_117, %mul3A_119 : i32
      "tpu.region"() ({
        %run_scoped3A_170 = tpu.sem_alloc : memref<!tpu.dma_semaphore, #tpu.memory_space<semaphore_mem>>
        %dma_start3A_171 = tpu.memref_slice %arg4[%add3A_120] : memref<320000xi32, #tpu.memory_space<hbm>> -> memref<80xi32, #tpu.memory_space<hbm>>
        %dma_start3A_172 = tpu.memref_slice %arg4[%add3A_120] : memref<320000xi32, #tpu.memory_space<hbm>> -> memref<80xi32, #tpu.memory_space<hbm>>
        tpu.enqueue_dma source(%dma_start3A_172 : memref<80xi32, #tpu.memory_space<hbm>>) target(%arg7 : memref<80xi32, #tpu.memory_space<vmem>>) target_semaphore(%run_scoped3A_170 : memref<!tpu.dma_semaphore, #tpu.memory_space<semaphore_mem>>)
        %dma_wait3A_173 = tpu.memref_slice %arg4[%add3A_120] : memref<320000xi32, #tpu.memory_space<hbm>> -> memref<80xi32, #tpu.memory_space<hbm>>
        %dma_wait3A_174 = tpu.memref_slice %arg4[%add3A_120] : memref<320000xi32, #tpu.memory_space<hbm>> -> memref<80xi32, #tpu.memory_space<hbm>>
        tpu.wait_dma2 semaphore(%run_scoped3A_170 : memref<!tpu.dma_semaphore, #tpu.memory_space<semaphore_mem>>) src(%dma_wait3A_174 : memref<80xi32, #tpu.memory_space<hbm>>) dst(%arg7 : memref<80xi32, #tpu.memory_space<vmem>>)
        tpu.yield
      }) : () -> ()
      %run_scoped3A_121 = arith.constant 0 : i32
      "tpu.region"() ({
        %run_scoped3A_170 = tpu.sem_alloc : memref<!tpu.dma_semaphore, #tpu.memory_space<semaphore_mem>>
        %dma_start3A_171 = arith.constant 0 : i32
        %dma_start3A_172 = arith.constant 0 : i32
        %dma_start3A_173 = tpu.memref_slice %arg9[%run_scoped3A_121, %dma_start3A_171, %dma_start3A_172] : memref<2x80x128xf32, #tpu.memory_space<vmem>> -> memref<1x80x128xf32, #tpu.memory_space<vmem>>
        %dma_start3A_174 = tpu.memref_squeeze %dma_start3A_173 : memref<1x80x128xf32, #tpu.memory_space<vmem>> -> memref<80x128xf32, #tpu.memory_space<vmem>>
        %dma_start3A_175 = arith.constant 0 : i32
        %dma_start3A_176 = arith.constant 0 : i32
        %dma_start3A_177 = tpu.memref_slice %arg10[%dma_start3A_175, %dma_start3A_176] : memref<10240x128xf32, #tpu.memory_space<vmem_shared>> -> memref<10240x128xf32, #tpu.memory_space<vmem_shared>>
        tpu.enqueue_indirect_dma source(%dma_start3A_174 : memref<80x128xf32, #tpu.memory_space<vmem>>) target(%dma_start3A_177 : memref<10240x128xf32, #tpu.memory_space<vmem_shared>>) offsets(%arg7 : memref<80xi32, #tpu.memory_space<vmem>>) semaphore(%run_scoped3A_170 : memref<!tpu.dma_semaphore, #tpu.memory_space<semaphore_mem>>) {add = true}
        %dma_wait3A_178 = arith.constant 0 : i32
        %dma_wait3A_179 = arith.constant 0 : i32
        %dma_wait3A_180 = tpu.memref_slice %arg9[%run_scoped3A_121, %dma_wait3A_178, %dma_wait3A_179] : memref<2x80x128xf32, #tpu.memory_space<vmem>> -> memref<1x80x128xf32, #tpu.memory_space<vmem>>
        %dma_wait3A_181 = tpu.memref_squeeze %dma_wait3A_180 : memref<1x80x128xf32, #tpu.memory_space<vmem>> -> memref<80x128xf32, #tpu.memory_space<vmem>>
        %dma_wait3A_182 = arith.constant 0 : i32
        %dma_wait3A_183 = arith.constant 0 : i32
        %dma_wait3A_184 = tpu.memref_slice %arg10[%dma_wait3A_182, %dma_wait3A_183] : memref<10240x128xf32, #tpu.memory_space<vmem_shared>> -> memref<10240x128xf32, #tpu.memory_space<vmem_shared>>
        tpu.wait_indirect_dma semaphore(%run_scoped3A_170 : memref<!tpu.dma_semaphore, #tpu.memory_space<semaphore_mem>>) src(%dma_wait3A_181 : memref<80x128xf32, #tpu.memory_space<vmem>>) dst(%dma_wait3A_184 : memref<10240x128xf32, #tpu.memory_space<vmem_shared>>)
        tpu.yield
      }) : () -> ()
      %add3A_122 = arith.constant 2 : i32
      %add3A_123 = arith.addi %mul3A_104, %add3A_122 : i32
      %mul3A_124 = arith.constant 80 : i32
      %mul3A_125 = arith.muli %add3A_123, %mul3A_124 : i32
      %dma_start3A_126 = arith.constant 0 : i32
      %dma_start3A_127 = arith.constant 0 : i32
      %dma_start3A_128 = arith.constant 0 : i32
      %dma_start3A_129 = tpu.memref_slice %arg9[%dma_start3A_126, %dma_start3A_127, %dma_start3A_128] : memref<2x80x128xf32, #tpu.memory_space<vmem>> -> memref<1x80x128xf32, #tpu.memory_space<vmem>>
      %dma_start3A_130 = tpu.memref_squeeze %dma_start3A_129 : memref<1x80x128xf32, #tpu.memory_space<vmem>> -> memref<80x128xf32, #tpu.memory_space<vmem>>
      %dma_start3A_131 = tpu.memref_slice %arg6[%mul3A_125] : memref<10000xi32, #tpu.memory_space<vmem>> -> memref<80xi32, #tpu.memory_space<vmem>>
      %dma_start3A_132 = arith.constant 0 : i32
      %dma_start3A_133 = arith.constant 0 : i32
      %dma_start3A_134 = tpu.memref_slice %arg2[%dma_start3A_132, %dma_start3A_133] : memref<10000x128xf32, #tpu.memory_space<hbm>> -> memref<10000x128xf32, #tpu.memory_space<hbm>>
      tpu.enqueue_indirect_dma source(%dma_start3A_134 : memref<10000x128xf32, #tpu.memory_space<hbm>>) target(%dma_start3A_130 : memref<80x128xf32, #tpu.memory_space<vmem>>) offsets(%dma_start3A_131 : memref<80xi32, #tpu.memory_space<vmem>>) semaphore(%arg11 : memref<!tpu.dma_semaphore, #tpu.memory_space<semaphore_mem>>)
      %add3A_135 = arith.constant 1 : i32
      %add3A_136 = arith.addi %mul3A_104, %add3A_135 : i32
      %mul3A_137 = arith.constant 80 : i32
      %mul3A_138 = arith.muli %add3A_136, %mul3A_137 : i32
      %dma_wait3A_139 = arith.constant 1 : i32
      %dma_wait3A_140 = arith.constant 0 : i32
      %dma_wait3A_141 = arith.constant 0 : i32
      %dma_wait3A_142 = tpu.memref_slice %arg9[%dma_wait3A_139, %dma_wait3A_140, %dma_wait3A_141] : memref<2x80x128xf32, #tpu.memory_space<vmem>> -> memref<1x80x128xf32, #tpu.memory_space<vmem>>
      %dma_wait3A_143 = tpu.memref_squeeze %dma_wait3A_142 : memref<1x80x128xf32, #tpu.memory_space<vmem>> -> memref<80x128xf32, #tpu.memory_space<vmem>>
      %dma_wait3A_144 = tpu.memref_slice %arg6[%mul3A_138] : memref<10000xi32, #tpu.memory_space<vmem>> -> memref<80xi32, #tpu.memory_space<vmem>>
      %dma_wait3A_145 = arith.constant 0 : i32
      %dma_wait3A_146 = arith.constant 0 : i32
      %dma_wait3A_147 = tpu.memref_slice %arg2[%dma_wait3A_145, %dma_wait3A_146] : memref<10000x128xf32, #tpu.memory_space<hbm>> -> memref<10000x128xf32, #tpu.memory_space<hbm>>
      tpu.wait_indirect_dma semaphore(%arg12 : memref<!tpu.dma_semaphore, #tpu.memory_space<semaphore_mem>>) src(%dma_wait3A_147 : memref<10000x128xf32, #tpu.memory_space<hbm>>) dst(%dma_wait3A_143 : memref<80x128xf32, #tpu.memory_space<vmem>>)
      %add3A_148 = arith.constant 1 : i32
      %add3A_149 = arith.addi %mul3A_104, %add3A_148 : i32
      %mul3A_150 = arith.constant 10000 : i32
      %mul3A_151 = arith.muli %add3A, %mul3A_150 : i32
      %mul3A_152 = arith.constant 80 : i32
      %mul3A_153 = arith.muli %add3A_149, %mul3A_152 : i32
      %add3A_154 = arith.addi %mul3A_151, %mul3A_153 : i32
      "tpu.region"() ({
        %run_scoped3A_170 = tpu.sem_alloc : memref<!tpu.dma_semaphore, #tpu.memory_space<semaphore_mem>>
        %dma_start3A_171 = tpu.memref_slice %arg4[%add3A_154] : memref<320000xi32, #tpu.memory_space<hbm>> -> memref<80xi32, #tpu.memory_space<hbm>>
        %dma_start3A_172 = tpu.memref_slice %arg4[%add3A_154] : memref<320000xi32, #tpu.memory_space<hbm>> -> memref<80xi32, #tpu.memory_space<hbm>>
        tpu.enqueue_dma source(%dma_start3A_172 : memref<80xi32, #tpu.memory_space<hbm>>) target(%arg8 : memref<80xi32, #tpu.memory_space<vmem>>) target_semaphore(%run_scoped3A_170 : memref<!tpu.dma_semaphore, #tpu.memory_space<semaphore_mem>>)
        %dma_wait3A_173 = tpu.memref_slice %arg4[%add3A_154] : memref<320000xi32, #tpu.memory_space<hbm>> -> memref<80xi32, #tpu.memory_space<hbm>>
        %dma_wait3A_174 = tpu.memref_slice %arg4[%add3A_154] : memref<320000xi32, #tpu.memory_space<hbm>> -> memref<80xi32, #tpu.memory_space<hbm>>
        tpu.wait_dma2 semaphore(%run_scoped3A_170 : memref<!tpu.dma_semaphore, #tpu.memory_space<semaphore_mem>>) src(%dma_wait3A_174 : memref<80xi32, #tpu.memory_space<hbm>>) dst(%arg8 : memref<80xi32, #tpu.memory_space<vmem>>)
        tpu.yield
      }) : () -> ()
      %run_scoped3A_155 = arith.constant 1 : i32
      "tpu.region"() ({
        %run_scoped3A_170 = tpu.sem_alloc : memref<!tpu.dma_semaphore, #tpu.memory_space<semaphore_mem>>
        %dma_start3A_171 = arith.constant 0 : i32
        %dma_start3A_172 = arith.constant 0 : i32
        %dma_start3A_173 = tpu.memref_slice %arg9[%run_scoped3A_155, %dma_start3A_171, %dma_start3A_172] : memref<2x80x128xf32, #tpu.memory_space<vmem>> -> memref<1x80x128xf32, #tpu.memory_space<vmem>>
        %dma_start3A_174 = tpu.memref_squeeze %dma_start3A_173 : memref<1x80x128xf32, #tpu.memory_space<vmem>> -> memref<80x128xf32, #tpu.memory_space<vmem>>
        %dma_start3A_175 = arith.constant 0 : i32
        %dma_start3A_176 = arith.constant 0 : i32
        %dma_start3A_177 = tpu.memref_slice %arg10[%dma_start3A_175, %dma_start3A_176] : memref<10240x128xf32, #tpu.memory_space<vmem_shared>> -> memref<10240x128xf32, #tpu.memory_space<vmem_shared>>
        tpu.enqueue_indirect_dma source(%dma_start3A_174 : memref<80x128xf32, #tpu.memory_space<vmem>>) target(%dma_start3A_177 : memref<10240x128xf32, #tpu.memory_space<vmem_shared>>) offsets(%arg8 : memref<80xi32, #tpu.memory_space<vmem>>) semaphore(%run_scoped3A_170 : memref<!tpu.dma_semaphore, #tpu.memory_space<semaphore_mem>>) {add = true}
        %dma_wait3A_178 = arith.constant 0 : i32
        %dma_wait3A_179 = arith.constant 0 : i32
        %dma_wait3A_180 = tpu.memref_slice %arg9[%run_scoped3A_155, %dma_wait3A_178, %dma_wait3A_179] : memref<2x80x128xf32, #tpu.memory_space<vmem>> -> memref<1x80x128xf32, #tpu.memory_space<vmem>>
        %dma_wait3A_181 = tpu.memref_squeeze %dma_wait3A_180 : memref<1x80x128xf32, #tpu.memory_space<vmem>> -> memref<80x128xf32, #tpu.memory_space<vmem>>
        %dma_wait3A_182 = arith.constant 0 : i32
        %dma_wait3A_183 = arith.constant 0 : i32
        %dma_wait3A_184 = tpu.memref_slice %arg10[%dma_wait3A_182, %dma_wait3A_183] : memref<10240x128xf32, #tpu.memory_space<vmem_shared>> -> memref<10240x128xf32, #tpu.memory_space<vmem_shared>>
        tpu.wait_indirect_dma semaphore(%run_scoped3A_170 : memref<!tpu.dma_semaphore, #tpu.memory_space<semaphore_mem>>) src(%dma_wait3A_181 : memref<80x128xf32, #tpu.memory_space<vmem>>) dst(%dma_wait3A_184 : memref<10240x128xf32, #tpu.memory_space<vmem_shared>>)
        tpu.yield
      }) : () -> ()
      %add3A_156 = arith.constant 3 : i32
      %add3A_157 = arith.addi %mul3A_104, %add3A_156 : i32
      %min3A = arith.constant 124 : i32
      %min3A_158 = arith.minsi %add3A_157, %min3A : i32
      %mul3A_159 = arith.constant 80 : i32
      %mul3A_160 = arith.muli %min3A_158, %mul3A_159 : i32
      %dma_start3A_161 = arith.constant 1 : i32
      %dma_start3A_162 = arith.constant 0 : i32
      %dma_start3A_163 = arith.constant 0 : i32
      %dma_start3A_164 = tpu.memref_slice %arg9[%dma_start3A_161, %dma_start3A_162, %dma_start3A_163] : memref<2x80x128xf32, #tpu.memory_space<vmem>> -> memref<1x80x128xf32, #tpu.memory_space<vmem>>
      %dma_start3A_165 = tpu.memref_squeeze %dma_start3A_164 : memref<1x80x128xf32, #tpu.memory_space<vmem>> -> memref<80x128xf32, #tpu.memory_space<vmem>>
      %dma_start3A_166 = tpu.memref_slice %arg6[%mul3A_160] : memref<10000xi32, #tpu.memory_space<vmem>> -> memref<80xi32, #tpu.memory_space<vmem>>
      %dma_start3A_167 = arith.constant 0 : i32
      %dma_start3A_168 = arith.constant 0 : i32
      %dma_start3A_169 = tpu.memref_slice %arg2[%dma_start3A_167, %dma_start3A_168] : memref<10000x128xf32, #tpu.memory_space<hbm>> -> memref<10000x128xf32, #tpu.memory_space<hbm>>
      tpu.enqueue_indirect_dma source(%dma_start3A_169 : memref<10000x128xf32, #tpu.memory_space<hbm>>) target(%dma_start3A_165 : memref<80x128xf32, #tpu.memory_space<vmem>>) offsets(%dma_start3A_166 : memref<80xi32, #tpu.memory_space<vmem>>) semaphore(%arg12 : memref<!tpu.dma_semaphore, #tpu.memory_space<semaphore_mem>>)
    }
    %scan3A_72 = arith.constant 62 : i32
    %dma_wait3A = arith.constant 0 : i32
    %dma_wait3A_73 = arith.constant 0 : i32
    %dma_wait3A_74 = arith.constant 0 : i32
    %dma_wait3A_75 = tpu.memref_slice %arg9[%dma_wait3A, %dma_wait3A_73, %dma_wait3A_74] : memref<2x80x128xf32, #tpu.memory_space<vmem>> -> memref<1x80x128xf32, #tpu.memory_space<vmem>>
    %dma_wait3A_76 = tpu.memref_squeeze %dma_wait3A_75 : memref<1x80x128xf32, #tpu.memory_space<vmem>> -> memref<80x128xf32, #tpu.memory_space<vmem>>
    %dma_wait3A_77 = arith.constant 9920 : i32
    %dma_wait3A_78 = tpu.memref_slice %arg6[%dma_wait3A_77] : memref<10000xi32, #tpu.memory_space<vmem>> -> memref<80xi32, #tpu.memory_space<vmem>>
    %dma_wait3A_79 = arith.constant 0 : i32
    %dma_wait3A_80 = arith.constant 0 : i32
    %dma_wait3A_81 = tpu.memref_slice %arg2[%dma_wait3A_79, %dma_wait3A_80] : memref<10000x128xf32, #tpu.memory_space<hbm>> -> memref<10000x128xf32, #tpu.memory_space<hbm>>
    tpu.wait_indirect_dma semaphore(%arg11 : memref<!tpu.dma_semaphore, #tpu.memory_space<semaphore_mem>>) src(%dma_wait3A_81 : memref<10000x128xf32, #tpu.memory_space<hbm>>) dst(%dma_wait3A_76 : memref<80x128xf32, #tpu.memory_space<vmem>>)
    %mul3A_82 = arith.constant 10000 : i32
    %mul3A_83 = arith.muli %add3A, %mul3A_82 : i32
    %add3A_84 = arith.constant 9920 : i32
    %add3A_85 = arith.addi %mul3A_83, %add3A_84 : i32
    "tpu.region"() ({
      %run_scoped3A_102 = tpu.sem_alloc : memref<!tpu.dma_semaphore, #tpu.memory_space<semaphore_mem>>
      %dma_start3A_103 = tpu.memref_slice %arg4[%add3A_85] : memref<320000xi32, #tpu.memory_space<hbm>> -> memref<80xi32, #tpu.memory_space<hbm>>
      %dma_start3A_104 = tpu.memref_slice %arg4[%add3A_85] : memref<320000xi32, #tpu.memory_space<hbm>> -> memref<80xi32, #tpu.memory_space<hbm>>
      tpu.enqueue_dma source(%dma_start3A_104 : memref<80xi32, #tpu.memory_space<hbm>>) target(%arg7 : memref<80xi32, #tpu.memory_space<vmem>>) target_semaphore(%run_scoped3A_102 : memref<!tpu.dma_semaphore, #tpu.memory_space<semaphore_mem>>)
      %dma_wait3A_105 = tpu.memref_slice %arg4[%add3A_85] : memref<320000xi32, #tpu.memory_space<hbm>> -> memref<80xi32, #tpu.memory_space<hbm>>
      %dma_wait3A_106 = tpu.memref_slice %arg4[%add3A_85] : memref<320000xi32, #tpu.memory_space<hbm>> -> memref<80xi32, #tpu.memory_space<hbm>>
      tpu.wait_dma2 semaphore(%run_scoped3A_102 : memref<!tpu.dma_semaphore, #tpu.memory_space<semaphore_mem>>) src(%dma_wait3A_106 : memref<80xi32, #tpu.memory_space<hbm>>) dst(%arg7 : memref<80xi32, #tpu.memory_space<vmem>>)
      tpu.yield
    }) : () -> ()
    %run_scoped3A_86 = arith.constant 0 : i32
    "tpu.region"() ({
      %run_scoped3A_102 = tpu.sem_alloc : memref<!tpu.dma_semaphore, #tpu.memory_space<semaphore_mem>>
      %dma_start3A_103 = arith.constant 0 : i32
      %dma_start3A_104 = arith.constant 0 : i32
      %dma_start3A_105 = tpu.memref_slice %arg9[%run_scoped3A_86, %dma_start3A_103, %dma_start3A_104] : memref<2x80x128xf32, #tpu.memory_space<vmem>> -> memref<1x80x128xf32, #tpu.memory_space<vmem>>
      %dma_start3A_106 = tpu.memref_squeeze %dma_start3A_105 : memref<1x80x128xf32, #tpu.memory_space<vmem>> -> memref<80x128xf32, #tpu.memory_space<vmem>>
      %dma_start3A_107 = arith.constant 0 : i32
      %dma_start3A_108 = arith.constant 0 : i32
      %dma_start3A_109 = tpu.memref_slice %arg10[%dma_start3A_107, %dma_start3A_108] : memref<10240x128xf32, #tpu.memory_space<vmem_shared>> -> memref<10240x128xf32, #tpu.memory_space<vmem_shared>>
      tpu.enqueue_indirect_dma source(%dma_start3A_106 : memref<80x128xf32, #tpu.memory_space<vmem>>) target(%dma_start3A_109 : memref<10240x128xf32, #tpu.memory_space<vmem_shared>>) offsets(%arg7 : memref<80xi32, #tpu.memory_space<vmem>>) semaphore(%run_scoped3A_102 : memref<!tpu.dma_semaphore, #tpu.memory_space<semaphore_mem>>) {add = true}
      %dma_wait3A_110 = arith.constant 0 : i32
      %dma_wait3A_111 = arith.constant 0 : i32
      %dma_wait3A_112 = tpu.memref_slice %arg9[%run_scoped3A_86, %dma_wait3A_110, %dma_wait3A_111] : memref<2x80x128xf32, #tpu.memory_space<vmem>> -> memref<1x80x128xf32, #tpu.memory_space<vmem>>
      %dma_wait3A_113 = tpu.memref_squeeze %dma_wait3A_112 : memref<1x80x128xf32, #tpu.memory_space<vmem>> -> memref<80x128xf32, #tpu.memory_space<vmem>>
      %dma_wait3A_114 = arith.constant 0 : i32
      %dma_wait3A_115 = arith.constant 0 : i32
      %dma_wait3A_116 = tpu.memref_slice %arg10[%dma_wait3A_114, %dma_wait3A_115] : memref<10240x128xf32, #tpu.memory_space<vmem_shared>> -> memref<10240x128xf32, #tpu.memory_space<vmem_shared>>
      tpu.wait_indirect_dma semaphore(%run_scoped3A_102 : memref<!tpu.dma_semaphore, #tpu.memory_space<semaphore_mem>>) src(%dma_wait3A_113 : memref<80x128xf32, #tpu.memory_space<vmem>>) dst(%dma_wait3A_116 : memref<10240x128xf32, #tpu.memory_space<vmem_shared>>)
      tpu.yield
    }) : () -> ()
    %dma_wait3A_87 = arith.constant 1 : i32
    %dma_wait3A_88 = arith.constant 0 : i32
    %dma_wait3A_89 = arith.constant 0 : i32
    %dma_wait3A_90 = tpu.memref_slice %arg9[%dma_wait3A_87, %dma_wait3A_88, %dma_wait3A_89] : memref<2x80x128xf32, #tpu.memory_space<vmem>> -> memref<1x80x128xf32, #tpu.memory_space<vmem>>
    %dma_wait3A_91 = tpu.memref_squeeze %dma_wait3A_90 : memref<1x80x128xf32, #tpu.memory_space<vmem>> -> memref<80x128xf32, #tpu.memory_space<vmem>>
    %dma_wait3A_92 = arith.constant 9920 : i32
    %dma_wait3A_93 = tpu.memref_slice %arg6[%dma_wait3A_92] : memref<10000xi32, #tpu.memory_space<vmem>> -> memref<80xi32, #tpu.memory_space<vmem>>
    %dma_wait3A_94 = arith.constant 0 : i32
    %dma_wait3A_95 = arith.constant 0 : i32
    %dma_wait3A_96 = tpu.memref_slice %arg2[%dma_wait3A_94, %dma_wait3A_95] : memref<10000x128xf32, #tpu.memory_space<hbm>> -> memref<10000x128xf32, #tpu.memory_space<hbm>>
    tpu.wait_indirect_dma semaphore(%arg12 : memref<!tpu.dma_semaphore, #tpu.memory_space<semaphore_mem>>) src(%dma_wait3A_96 : memref<10000x128xf32, #tpu.memory_space<hbm>>) dst(%dma_wait3A_91 : memref<80x128xf32, #tpu.memory_space<vmem>>)
    %barrier3A_97 = arith.constant 0 : index
    tpu.barrier barrier_id(%barrier3A_97)
    %mul3A_98 = arith.constant 640 : i32
    %mul3A_99 = arith.muli %arg1, %mul3A_98 : i32
    %mul3A_100 = arith.constant 640 : i32
    %mul3A_101 = arith.muli %arg1, %mul3A_100 : i32
    "tpu.region"() ({
      %run_scoped3A_102 = tpu.sem_alloc : memref<!tpu.dma_semaphore, #tpu.memory_space<semaphore_mem>>
      %dma_start3A_103 = arith.constant 0 : i32
      %dma_start3A_104 = arith.constant 0 : i32
      %dma_start3A_105 = tpu.memref_slice %arg5[%arg0, %dma_start3A_103, %dma_start3A_104] : memref<2x10240x128xf32, #tpu.memory_space<hbm>> -> memref<1x10240x128xf32, #tpu.memory_space<hbm>>
      %dma_start3A_106 = tpu.memref_squeeze %dma_start3A_105 : memref<1x10240x128xf32, #tpu.memory_space<hbm>> -> memref<10240x128xf32, #tpu.memory_space<hbm>>
      %dma_start3A_107 = arith.constant 0 : i32
      %dma_start3A_108 = tpu.memref_slice %dma_start3A_106[%mul3A_101, %dma_start3A_107] : memref<10240x128xf32, #tpu.memory_space<hbm>> -> memref<640x128xf32, #tpu.memory_space<hbm>>
      %dma_start3A_109 = arith.constant 0 : i32
      %dma_start3A_110 = tpu.memref_slice %arg10[%mul3A_99, %dma_start3A_109] : memref<10240x128xf32, #tpu.memory_space<vmem_shared>> -> memref<640x128xf32, #tpu.memory_space<vmem_shared>>
      tpu.enqueue_dma source(%dma_start3A_110 : memref<640x128xf32, #tpu.memory_space<vmem_shared>>) target(%dma_start3A_108 : memref<640x128xf32, #tpu.memory_space<hbm>>) target_semaphore(%run_scoped3A_102 : memref<!tpu.dma_semaphore, #tpu.memory_space<semaphore_mem>>)
      %dma_wait3A_111 = arith.constant 0 : i32
      %dma_wait3A_112 = arith.constant 0 : i32
      %dma_wait3A_113 = tpu.memref_slice %arg5[%arg0, %dma_wait3A_111, %dma_wait3A_112] : memref<2x10240x128xf32, #tpu.memory_space<hbm>> -> memref<1x10240x128xf32, #tpu.memory_space<hbm>>
      %dma_wait3A_114 = tpu.memref_squeeze %dma_wait3A_113 : memref<1x10240x128xf32, #tpu.memory_space<hbm>> -> memref<10240x128xf32, #tpu.memory_space<hbm>>
      %dma_wait3A_115 = arith.constant 0 : i32
      %dma_wait3A_116 = tpu.memref_slice %dma_wait3A_114[%mul3A_101, %dma_wait3A_115] : memref<10240x128xf32, #tpu.memory_space<hbm>> -> memref<640x128xf32, #tpu.memory_space<hbm>>
      %dma_wait3A_117 = arith.constant 0 : i32
      %dma_wait3A_118 = tpu.memref_slice %arg10[%mul3A_99, %dma_wait3A_117] : memref<10240x128xf32, #tpu.memory_space<vmem_shared>> -> memref<640x128xf32, #tpu.memory_space<vmem_shared>>
      tpu.wait_dma2 semaphore(%run_scoped3A_102 : memref<!tpu.dma_semaphore, #tpu.memory_space<semaphore_mem>>) src(%dma_wait3A_118 : memref<640x128xf32, #tpu.memory_space<vmem_shared>>) dst(%dma_wait3A_116 : memref<640x128xf32, #tpu.memory_space<hbm>>)
      tpu.yield
    }) : () -> ()
    return
  }
}

#map = affine_map<(d0, d1) -> (0, 0)>
#map1 = affine_map<(d0, d1) -> (0)>
#map2 = affine_map<(d0, d1) -> (0, 0, 0)>
module attributes {stable_mosaic.version = 14 : i64} {
  func.func @_sc_scatter_body(%arg0: i32, %arg1: i32, %arg2: memref<10000x128xf32, #tpu.memory_space<hbm>>, %arg3: memref<320000xi32, #tpu.memory_space<hbm>>, %arg4: memref<320000xi32, #tpu.memory_space<hbm>>, %arg5: memref<2x10240x128xf32, #tpu.memory_space<hbm>>, %arg6: memref<10000xi32, #tpu.memory_space<vmem>>, %arg7: memref<80xi32, #tpu.memory_space<vmem>>, %arg8: memref<80xi32, #tpu.memory_space<vmem>>, %arg9: memref<2x80x128xf32, #tpu.memory_space<vmem>>, %arg10: memref<10240x128xf32, #tpu.memory_space<vmem_shared>>, %arg11: memref<!tpu.dma_semaphore, #tpu.memory_space<semaphore_mem>>, %arg12: memref<!tpu.dma_semaphore, #tpu.memory_space<semaphore_mem>>) attributes {dimension_semantics = [#tpu.dimension_semantics<core_parallel>, #tpu.dimension_semantics<subcore_parallel>], iteration_bounds = array<i64: 2, 16>, scalar_prefetch = 0 : i64, scratch_operands = 7 : i64, tpu.core_type = #tpu.core_type<sc_vector_subcore>, window_params = [{transform_indices = #map}, {transform_indices = #map1}, {transform_indices = #map1}, {transform_indices = #map2}]} {
    %mul3A = arith.constant 2 : i32
    %mul3A_0 = arith.muli %arg1, %mul3A : i32
    %add3A = arith.addi %mul3A_0, %arg0 : i32
    %broadcast_in_dim3A = arith.constant 0.000000e+00 : f32
    %broadcast_in_dim3A_1 = vector.broadcast %broadcast_in_dim3A : f32 to vector<16xf32>
    %scan3A = arith.constant 0 : i32
    %scan3A_2 = arith.constant 0 : i32
    %scan3A_3 = arith.constant 80 : i32
    %scan3A_4 = arith.addi %scan3A_2, %scan3A_3 : i32
    %scan3A_5 = arith.constant 1 : i32
    scf.for %scan3A_102 = %scan3A_2 to %scan3A_4 step %scan3A_5  : i32 {
      %swap3A = arith.constant 0 : i32
      %swap3A_103 = arith.index_cast %swap3A : i32 to index
      %swap3A_104 = arith.index_cast %scan3A_102 : i32 to index
      %swap3A_105 = arith.constant 0 : index
      %swap3A_106 = tpu.vector_load %arg9[%swap3A_103, %swap3A_104, %swap3A_105] {strides = array<i32>} : memref<2x80x128xf32, #tpu.memory_space<vmem>>, vector<1x1x16xf32>,
      %swap3A_107 = vector.shape_cast %swap3A_106 : vector<1x1x16xf32> to vector<16xf32>
      %swap3A_108 = vector.shape_cast %broadcast_in_dim3A_1 : vector<16xf32> to vector<1x1x16xf32>
      tpu.vector_store %arg9[%swap3A_103, %swap3A_104, %swap3A_105], %swap3A_108 {strides = array<i32>} : memref<2x80x128xf32, #tpu.memory_space<vmem>>, vector<1x1x16xf32>,
      %swap3A_109 = arith.constant 0 : i32
      %swap3A_110 = arith.index_cast %swap3A_109 : i32 to index
      %swap3A_111 = arith.index_cast %scan3A_102 : i32 to index
      %swap3A_112 = arith.constant 16 : index
      %swap3A_113 = tpu.vector_load %arg9[%swap3A_110, %swap3A_111, %swap3A_112] {strides = array<i32>} : memref<2x80x128xf32, #tpu.memory_space<vmem>>, vector<1x1x16xf32>,
      %swap3A_114 = vector.shape_cast %swap3A_113 : vector<1x1x16xf32> to vector<16xf32>
      %swap3A_115 = vector.shape_cast %broadcast_in_dim3A_1 : vector<16xf32> to vector<1x1x16xf32>
      tpu.vector_store %arg9[%swap3A_110, %swap3A_111, %swap3A_112], %swap3A_115 {strides = array<i32>} : memref<2x80x128xf32, #tpu.memory_space<vmem>>, vector<1x1x16xf32>,
      %swap3A_116 = arith.constant 0 : i32
      %swap3A_117 = arith.index_cast %swap3A_116 : i32 to index
      %swap3A_118 = arith.index_cast %scan3A_102 : i32 to index
      %swap3A_119 = arith.constant 32 : index
      %swap3A_120 = tpu.vector_load %arg9[%swap3A_117, %swap3A_118, %swap3A_119] {strides = array<i32>} : memref<2x80x128xf32, #tpu.memory_space<vmem>>, vector<1x1x16xf32>,
      %swap3A_121 = vector.shape_cast %swap3A_120 : vector<1x1x16xf32> to vector<16xf32>
      %swap3A_122 = vector.shape_cast %broadcast_in_dim3A_1 : vector<16xf32> to vector<1x1x16xf32>
      tpu.vector_store %arg9[%swap3A_117, %swap3A_118, %swap3A_119], %swap3A_122 {strides = array<i32>} : memref<2x80x128xf32, #tpu.memory_space<vmem>>, vector<1x1x16xf32>,
      %swap3A_123 = arith.constant 0 : i32
      %swap3A_124 = arith.index_cast %swap3A_123 : i32 to index
      %swap3A_125 = arith.index_cast %scan3A_102 : i32 to index
      %swap3A_126 = arith.constant 48 : index
      %swap3A_127 = tpu.vector_load %arg9[%swap3A_124, %swap3A_125, %swap3A_126] {strides = array<i32>} : memref<2x80x128xf32, #tpu.memory_space<vmem>>, vector<1x1x16xf32>,
      %swap3A_128 = vector.shape_cast %swap3A_127 : vector<1x1x16xf32> to vector<16xf32>
      %swap3A_129 = vector.shape_cast %broadcast_in_dim3A_1 : vector<16xf32> to vector<1x1x16xf32>
      tpu.vector_store %arg9[%swap3A_124, %swap3A_125, %swap3A_126], %swap3A_129 {strides = array<i32>} : memref<2x80x128xf32, #tpu.memory_space<vmem>>, vector<1x1x16xf32>,
      %swap3A_130 = arith.constant 0 : i32
      %swap3A_131 = arith.index_cast %swap3A_130 : i32 to index
      %swap3A_132 = arith.index_cast %scan3A_102 : i32 to index
      %swap3A_133 = arith.constant 64 : index
      %swap3A_134 = tpu.vector_load %arg9[%swap3A_131, %swap3A_132, %swap3A_133] {strides = array<i32>} : memref<2x80x128xf32, #tpu.memory_space<vmem>>, vector<1x1x16xf32>,
      %swap3A_135 = vector.shape_cast %swap3A_134 : vector<1x1x16xf32> to vector<16xf32>
      %swap3A_136 = vector.shape_cast %broadcast_in_dim3A_1 : vector<16xf32> to vector<1x1x16xf32>
      tpu.vector_store %arg9[%swap3A_131, %swap3A_132, %swap3A_133], %swap3A_136 {strides = array<i32>} : memref<2x80x128xf32, #tpu.memory_space<vmem>>, vector<1x1x16xf32>,
      %swap3A_137 = arith.constant 0 : i32
      %swap3A_138 = arith.index_cast %swap3A_137 : i32 to index
      %swap3A_139 = arith.index_cast %scan3A_102 : i32 to index
      %swap3A_140 = arith.constant 80 : index
      %swap3A_141 = tpu.vector_load %arg9[%swap3A_138, %swap3A_139, %swap3A_140] {strides = array<i32>} : memref<2x80x128xf32, #tpu.memory_space<vmem>>, vector<1x1x16xf32>,
      %swap3A_142 = vector.shape_cast %swap3A_141 : vector<1x1x16xf32> to vector<16xf32>
      %swap3A_143 = vector.shape_cast %broadcast_in_dim3A_1 : vector<16xf32> to vector<1x1x16xf32>
      tpu.vector_store %arg9[%swap3A_138, %swap3A_139, %swap3A_140], %swap3A_143 {strides = array<i32>} : memref<2x80x128xf32, #tpu.memory_space<vmem>>, vector<1x1x16xf32>,
      %swap3A_144 = arith.constant 0 : i32
      %swap3A_145 = arith.index_cast %swap3A_144 : i32 to index
      %swap3A_146 = arith.index_cast %scan3A_102 : i32 to index
      %swap3A_147 = arith.constant 96 : index
      %swap3A_148 = tpu.vector_load %arg9[%swap3A_145, %swap3A_146, %swap3A_147] {strides = array<i32>} : memref<2x80x128xf32, #tpu.memory_space<vmem>>, vector<1x1x16xf32>,
      %swap3A_149 = vector.shape_cast %swap3A_148 : vector<1x1x16xf32> to vector<16xf32>
      %swap3A_150 = vector.shape_cast %broadcast_in_dim3A_1 : vector<16xf32> to vector<1x1x16xf32>
      tpu.vector_store %arg9[%swap3A_145, %swap3A_146, %swap3A_147], %swap3A_150 {strides = array<i32>} : memref<2x80x128xf32, #tpu.memory_space<vmem>>, vector<1x1x16xf32>,
      %swap3A_151 = arith.constant 0 : i32
      %swap3A_152 = arith.index_cast %swap3A_151 : i32 to index
      %swap3A_153 = arith.index_cast %scan3A_102 : i32 to index
      %swap3A_154 = arith.constant 112 : index
      %swap3A_155 = tpu.vector_load %arg9[%swap3A_152, %swap3A_153, %swap3A_154] {strides = array<i32>} : memref<2x80x128xf32, #tpu.memory_space<vmem>>, vector<1x1x16xf32>,
      %swap3A_156 = vector.shape_cast %swap3A_155 : vector<1x1x16xf32> to vector<16xf32>
      %swap3A_157 = vector.shape_cast %broadcast_in_dim3A_1 : vector<16xf32> to vector<1x1x16xf32>
      tpu.vector_store %arg9[%swap3A_152, %swap3A_153, %swap3A_154], %swap3A_157 {strides = array<i32>} : memref<2x80x128xf32, #tpu.memory_space<vmem>>, vector<1x1x16xf32>,
    }
    %scan3A_6 = arith.constant 80 : i32
    %mul3A_7 = arith.constant 640 : i32
    %mul3A_8 = arith.muli %arg1, %mul3A_7 : i32
    %add3A_9 = arith.constant 0 : i32
    %add3A_10 = arith.addi %mul3A_8, %add3A_9 : i32
    %run_scoped3A = arith.constant 0 : i32
    "tpu.region"() ({
      %run_scoped3A_102 = tpu.sem_alloc : memref<!tpu.dma_semaphore, #tpu.memory_space<semaphore_mem>>
      %dma_start3A_103 = arith.constant 0 : i32
      %dma_start3A_104 = arith.constant 0 : i32
      %dma_start3A_105 = tpu.memref_slice %arg9[%run_scoped3A, %dma_start3A_103, %dma_start3A_104] : memref<2x80x128xf32, #tpu.memory_space<vmem>> -> memref<1x80x128xf32, #tpu.memory_space<vmem>>
      %dma_start3A_106 = tpu.memref_squeeze %dma_start3A_105 : memref<1x80x128xf32, #tpu.memory_space<vmem>> -> memref<80x128xf32, #tpu.memory_space<vmem>>
      %dma_start3A_107 = arith.constant 0 : i32
      %dma_start3A_108 = tpu.memref_slice %arg10[%add3A_10, %dma_start3A_107] : memref<10240x128xf32, #tpu.memory_space<vmem_shared>> -> memref<80x128xf32, #tpu.memory_space<vmem_shared>>
      %dma_start3A_109 = arith.constant 0 : i32
      %dma_start3A_110 = tpu.memref_slice %arg10[%add3A_10, %dma_start3A_109] : memref<10240x128xf32, #tpu.memory_space<vmem_shared>> -> memref<80x128xf32, #tpu.memory_space<vmem_shared>>
      %dma_start3A_111 = arith.constant 0 : i32
      %dma_start3A_112 = arith.constant 0 : i32
      %dma_start3A_113 = tpu.memref_slice %arg9[%run_scoped3A, %dma_start3A_111, %dma_start3A_112] : memref<2x80x128xf32, #tpu.memory_space<vmem>> -> memref<1x80x128xf32, #tpu.memory_space<vmem>>
      %dma_start3A_114 = tpu.memref_squeeze %dma_start3A_113 : memref<1x80x128xf32, #tpu.memory_space<vmem>> -> memref<80x128xf32, #tpu.memory_space<vmem>>
      tpu.enqueue_dma source(%dma_start3A_114 : memref<80x128xf32, #tpu.memory_space<vmem>>) target(%dma_start3A_110 : memref<80x128xf32, #tpu.memory_space<vmem_shared>>) target_semaphore(%run_scoped3A_102 : memref<!tpu.dma_semaphore, #tpu.memory_space<semaphore_mem>>)
      %dma_wait3A_115 = arith.constant 0 : i32
      %dma_wait3A_116 = arith.constant 0 : i32
      %dma_wait3A_117 = tpu.memref_slice %arg9[%run_scoped3A, %dma_wait3A_115, %dma_wait3A_116] : memref<2x80x128xf32, #tpu.memory_space<vmem>> -> memref<1x80x128xf32, #tpu.memory_space<vmem>>
      %dma_wait3A_118 = tpu.memref_squeeze %dma_wait3A_117 : memref<1x80x128xf32, #tpu.memory_space<vmem>> -> memref<80x128xf32, #tpu.memory_space<vmem>>
      %dma_wait3A_119 = arith.constant 0 : i32
      %dma_wait3A_120 = tpu.memref_slice %arg10[%add3A_10, %dma_wait3A_119] : memref<10240x128xf32, #tpu.memory_space<vmem_shared>> -> memref<80x128xf32, #tpu.memory_space<vmem_shared>>
      %dma_wait3A_121 = arith.constant 0 : i32
      %dma_wait3A_122 = tpu.memref_slice %arg10[%add3A_10, %dma_wait3A_121] : memref<10240x128xf32, #tpu.memory_space<vmem_shared>> -> memref<80x128xf32, #tpu.memory_space<vmem_shared>>
      %dma_wait3A_123 = arith.constant 0 : i32
      %dma_wait3A_124 = arith.constant 0 : i32
      %dma_wait3A_125 = tpu.memref_slice %arg9[%run_scoped3A, %dma_wait3A_123, %dma_wait3A_124] : memref<2x80x128xf32, #tpu.memory_space<vmem>> -> memref<1x80x128xf32, #tpu.memory_space<vmem>>
      %dma_wait3A_126 = tpu.memref_squeeze %dma_wait3A_125 : memref<1x80x128xf32, #tpu.memory_space<vmem>> -> memref<80x128xf32, #tpu.memory_space<vmem>>
      tpu.wait_dma2 semaphore(%run_scoped3A_102 : memref<!tpu.dma_semaphore, #tpu.memory_space<semaphore_mem>>) src(%dma_wait3A_126 : memref<80x128xf32, #tpu.memory_space<vmem>>) dst(%dma_wait3A_122 : memref<80x128xf32, #tpu.memory_space<vmem_shared>>)
      tpu.yield
    }) : () -> ()
    %mul3A_11 = arith.constant 640 : i32
    %mul3A_12 = arith.muli %arg1, %mul3A_11 : i32
    %add3A_13 = arith.constant 80 : i32
    %add3A_14 = arith.addi %mul3A_12, %add3A_13 : i32
    %run_scoped3A_15 = arith.constant 0 : i32
    "tpu.region"() ({
      %run_scoped3A_102 = tpu.sem_alloc : memref<!tpu.dma_semaphore, #tpu.memory_space<semaphore_mem>>
      %dma_start3A_103 = arith.constant 0 : i32
      %dma_start3A_104 = arith.constant 0 : i32
      %dma_start3A_105 = tpu.memref_slice %arg9[%run_scoped3A_15, %dma_start3A_103, %dma_start3A_104] : memref<2x80x128xf32, #tpu.memory_space<vmem>> -> memref<1x80x128xf32, #tpu.memory_space<vmem>>
      %dma_start3A_106 = tpu.memref_squeeze %dma_start3A_105 : memref<1x80x128xf32, #tpu.memory_space<vmem>> -> memref<80x128xf32, #tpu.memory_space<vmem>>
      %dma_start3A_107 = arith.constant 0 : i32
      %dma_start3A_108 = tpu.memref_slice %arg10[%add3A_14, %dma_start3A_107] : memref<10240x128xf32, #tpu.memory_space<vmem_shared>> -> memref<80x128xf32, #tpu.memory_space<vmem_shared>>
      %dma_start3A_109 = arith.constant 0 : i32
      %dma_start3A_110 = tpu.memref_slice %arg10[%add3A_14, %dma_start3A_109] : memref<10240x128xf32, #tpu.memory_space<vmem_shared>> -> memref<80x128xf32, #tpu.memory_space<vmem_shared>>
      %dma_start3A_111 = arith.constant 0 : i32
      %dma_start3A_112 = arith.constant 0 : i32
      %dma_start3A_113 = tpu.memref_slice %arg9[%run_scoped3A_15, %dma_start3A_111, %dma_start3A_112] : memref<2x80x128xf32, #tpu.memory_space<vmem>> -> memref<1x80x128xf32, #tpu.memory_space<vmem>>
      %dma_start3A_114 = tpu.memref_squeeze %dma_start3A_113 : memref<1x80x128xf32, #tpu.memory_space<vmem>> -> memref<80x128xf32, #tpu.memory_space<vmem>>
      tpu.enqueue_dma source(%dma_start3A_114 : memref<80x128xf32, #tpu.memory_space<vmem>>) target(%dma_start3A_110 : memref<80x128xf32, #tpu.memory_space<vmem_shared>>) target_semaphore(%run_scoped3A_102 : memref<!tpu.dma_semaphore, #tpu.memory_space<semaphore_mem>>)
      %dma_wait3A_115 = arith.constant 0 : i32
      %dma_wait3A_116 = arith.constant 0 : i32
      %dma_wait3A_117 = tpu.memref_slice %arg9[%run_scoped3A_15, %dma_wait3A_115, %dma_wait3A_116] : memref<2x80x128xf32, #tpu.memory_space<vmem>> -> memref<1x80x128xf32, #tpu.memory_space<vmem>>
      %dma_wait3A_118 = tpu.memref_squeeze %dma_wait3A_117 : memref<1x80x128xf32, #tpu.memory_space<vmem>> -> memref<80x128xf32, #tpu.memory_space<vmem>>
      %dma_wait3A_119 = arith.constant 0 : i32
      %dma_wait3A_120 = tpu.memref_slice %arg10[%add3A_14, %dma_wait3A_119] : memref<10240x128xf32, #tpu.memory_space<vmem_shared>> -> memref<80x128xf32, #tpu.memory_space<vmem_shared>>
      %dma_wait3A_121 = arith.constant 0 : i32
      %dma_wait3A_122 = tpu.memref_slice %arg10[%add3A_14, %dma_wait3A_121] : memref<10240x128xf32, #tpu.memory_space<vmem_shared>> -> memref<80x128xf32, #tpu.memory_space<vmem_shared>>
      %dma_wait3A_123 = arith.constant 0 : i32
      %dma_wait3A_124 = arith.constant 0 : i32
      %dma_wait3A_125 = tpu.memref_slice %arg9[%run_scoped3A_15, %dma_wait3A_123, %dma_wait3A_124] : memref<2x80x128xf32, #tpu.memory_space<vmem>> -> memref<1x80x128xf32, #tpu.memory_space<vmem>>
      %dma_wait3A_126 = tpu.memref_squeeze %dma_wait3A_125 : memref<1x80x128xf32, #tpu.memory_space<vmem>> -> memref<80x128xf32, #tpu.memory_space<vmem>>
      tpu.wait_dma2 semaphore(%run_scoped3A_102 : memref<!tpu.dma_semaphore, #tpu.memory_space<semaphore_mem>>) src(%dma_wait3A_126 : memref<80x128xf32, #tpu.memory_space<vmem>>) dst(%dma_wait3A_122 : memref<80x128xf32, #tpu.memory_space<vmem_shared>>)
      tpu.yield
    }) : () -> ()
    %mul3A_16 = arith.constant 640 : i32
    %mul3A_17 = arith.muli %arg1, %mul3A_16 : i32
    %add3A_18 = arith.constant 160 : i32
    %add3A_19 = arith.addi %mul3A_17, %add3A_18 : i32
    %run_scoped3A_20 = arith.constant 0 : i32
    "tpu.region"() ({
      %run_scoped3A_102 = tpu.sem_alloc : memref<!tpu.dma_semaphore, #tpu.memory_space<semaphore_mem>>
      %dma_start3A_103 = arith.constant 0 : i32
      %dma_start3A_104 = arith.constant 0 : i32
      %dma_start3A_105 = tpu.memref_slice %arg9[%run_scoped3A_20, %dma_start3A_103, %dma_start3A_104] : memref<2x80x128xf32, #tpu.memory_space<vmem>> -> memref<1x80x128xf32, #tpu.memory_space<vmem>>
      %dma_start3A_106 = tpu.memref_squeeze %dma_start3A_105 : memref<1x80x128xf32, #tpu.memory_space<vmem>> -> memref<80x128xf32, #tpu.memory_space<vmem>>
      %dma_start3A_107 = arith.constant 0 : i32
      %dma_start3A_108 = tpu.memref_slice %arg10[%add3A_19, %dma_start3A_107] : memref<10240x128xf32, #tpu.memory_space<vmem_shared>> -> memref<80x128xf32, #tpu.memory_space<vmem_shared>>
      %dma_start3A_109 = arith.constant 0 : i32
      %dma_start3A_110 = tpu.memref_slice %arg10[%add3A_19, %dma_start3A_109] : memref<10240x128xf32, #tpu.memory_space<vmem_shared>> -> memref<80x128xf32, #tpu.memory_space<vmem_shared>>
      %dma_start3A_111 = arith.constant 0 : i32
      %dma_start3A_112 = arith.constant 0 : i32
      %dma_start3A_113 = tpu.memref_slice %arg9[%run_scoped3A_20, %dma_start3A_111, %dma_start3A_112] : memref<2x80x128xf32, #tpu.memory_space<vmem>> -> memref<1x80x128xf32, #tpu.memory_space<vmem>>
      %dma_start3A_114 = tpu.memref_squeeze %dma_start3A_113 : memref<1x80x128xf32, #tpu.memory_space<vmem>> -> memref<80x128xf32, #tpu.memory_space<vmem>>
      tpu.enqueue_dma source(%dma_start3A_114 : memref<80x128xf32, #tpu.memory_space<vmem>>) target(%dma_start3A_110 : memref<80x128xf32, #tpu.memory_space<vmem_shared>>) target_semaphore(%run_scoped3A_102 : memref<!tpu.dma_semaphore, #tpu.memory_space<semaphore_mem>>)
      %dma_wait3A_115 = arith.constant 0 : i32
      %dma_wait3A_116 = arith.constant 0 : i32
      %dma_wait3A_117 = tpu.memref_slice %arg9[%run_scoped3A_20, %dma_wait3A_115, %dma_wait3A_116] : memref<2x80x128xf32, #tpu.memory_space<vmem>> -> memref<1x80x128xf32, #tpu.memory_space<vmem>>
      %dma_wait3A_118 = tpu.memref_squeeze %dma_wait3A_117 : memref<1x80x128xf32, #tpu.memory_space<vmem>> -> memref<80x128xf32, #tpu.memory_space<vmem>>
      %dma_wait3A_119 = arith.constant 0 : i32
      %dma_wait3A_120 = tpu.memref_slice %arg10[%add3A_19, %dma_wait3A_119] : memref<10240x128xf32, #tpu.memory_space<vmem_shared>> -> memref<80x128xf32, #tpu.memory_space<vmem_shared>>
      %dma_wait3A_121 = arith.constant 0 : i32
      %dma_wait3A_122 = tpu.memref_slice %arg10[%add3A_19, %dma_wait3A_121] : memref<10240x128xf32, #tpu.memory_space<vmem_shared>> -> memref<80x128xf32, #tpu.memory_space<vmem_shared>>
      %dma_wait3A_123 = arith.constant 0 : i32
      %dma_wait3A_124 = arith.constant 0 : i32
      %dma_wait3A_125 = tpu.memref_slice %arg9[%run_scoped3A_20, %dma_wait3A_123, %dma_wait3A_124] : memref<2x80x128xf32, #tpu.memory_space<vmem>> -> memref<1x80x128xf32, #tpu.memory_space<vmem>>
      %dma_wait3A_126 = tpu.memref_squeeze %dma_wait3A_125 : memref<1x80x128xf32, #tpu.memory_space<vmem>> -> memref<80x128xf32, #tpu.memory_space<vmem>>
      tpu.wait_dma2 semaphore(%run_scoped3A_102 : memref<!tpu.dma_semaphore, #tpu.memory_space<semaphore_mem>>) src(%dma_wait3A_126 : memref<80x128xf32, #tpu.memory_space<vmem>>) dst(%dma_wait3A_122 : memref<80x128xf32, #tpu.memory_space<vmem_shared>>)
      tpu.yield
    }) : () -> ()
    %mul3A_21 = arith.constant 640 : i32
    %mul3A_22 = arith.muli %arg1, %mul3A_21 : i32
    %add3A_23 = arith.constant 240 : i32
    %add3A_24 = arith.addi %mul3A_22, %add3A_23 : i32
    %run_scoped3A_25 = arith.constant 0 : i32
    "tpu.region"() ({
      %run_scoped3A_102 = tpu.sem_alloc : memref<!tpu.dma_semaphore, #tpu.memory_space<semaphore_mem>>
      %dma_start3A_103 = arith.constant 0 : i32
      %dma_start3A_104 = arith.constant 0 : i32
      %dma_start3A_105 = tpu.memref_slice %arg9[%run_scoped3A_25, %dma_start3A_103, %dma_start3A_104] : memref<2x80x128xf32, #tpu.memory_space<vmem>> -> memref<1x80x128xf32, #tpu.memory_space<vmem>>
      %dma_start3A_106 = tpu.memref_squeeze %dma_start3A_105 : memref<1x80x128xf32, #tpu.memory_space<vmem>> -> memref<80x128xf32, #tpu.memory_space<vmem>>
      %dma_start3A_107 = arith.constant 0 : i32
      %dma_start3A_108 = tpu.memref_slice %arg10[%add3A_24, %dma_start3A_107] : memref<10240x128xf32, #tpu.memory_space<vmem_shared>> -> memref<80x128xf32, #tpu.memory_space<vmem_shared>>
      %dma_start3A_109 = arith.constant 0 : i32
      %dma_start3A_110 = tpu.memref_slice %arg10[%add3A_24, %dma_start3A_109] : memref<10240x128xf32, #tpu.memory_space<vmem_shared>> -> memref<80x128xf32, #tpu.memory_space<vmem_shared>>
      %dma_start3A_111 = arith.constant 0 : i32
      %dma_start3A_112 = arith.constant 0 : i32
      %dma_start3A_113 = tpu.memref_slice %arg9[%run_scoped3A_25, %dma_start3A_111, %dma_start3A_112] : memref<2x80x128xf32, #tpu.memory_space<vmem>> -> memref<1x80x128xf32, #tpu.memory_space<vmem>>
      %dma_start3A_114 = tpu.memref_squeeze %dma_start3A_113 : memref<1x80x128xf32, #tpu.memory_space<vmem>> -> memref<80x128xf32, #tpu.memory_space<vmem>>
      tpu.enqueue_dma source(%dma_start3A_114 : memref<80x128xf32, #tpu.memory_space<vmem>>) target(%dma_start3A_110 : memref<80x128xf32, #tpu.memory_space<vmem_shared>>) target_semaphore(%run_scoped3A_102 : memref<!tpu.dma_semaphore, #tpu.memory_space<semaphore_mem>>)
      %dma_wait3A_115 = arith.constant 0 : i32
      %dma_wait3A_116 = arith.constant 0 : i32
      %dma_wait3A_117 = tpu.memref_slice %arg9[%run_scoped3A_25, %dma_wait3A_115, %dma_wait3A_116] : memref<2x80x128xf32, #tpu.memory_space<vmem>> -> memref<1x80x128xf32, #tpu.memory_space<vmem>>
      %dma_wait3A_118 = tpu.memref_squeeze %dma_wait3A_117 : memref<1x80x128xf32, #tpu.memory_space<vmem>> -> memref<80x128xf32, #tpu.memory_space<vmem>>
      %dma_wait3A_119 = arith.constant 0 : i32
      %dma_wait3A_120 = tpu.memref_slice %arg10[%add3A_24, %dma_wait3A_119] : memref<10240x128xf32, #tpu.memory_space<vmem_shared>> -> memref<80x128xf32, #tpu.memory_space<vmem_shared>>
      %dma_wait3A_121 = arith.constant 0 : i32
      %dma_wait3A_122 = tpu.memref_slice %arg10[%add3A_24, %dma_wait3A_121] : memref<10240x128xf32, #tpu.memory_space<vmem_shared>> -> memref<80x128xf32, #tpu.memory_space<vmem_shared>>
      %dma_wait3A_123 = arith.constant 0 : i32
      %dma_wait3A_124 = arith.constant 0 : i32
      %dma_wait3A_125 = tpu.memref_slice %arg9[%run_scoped3A_25, %dma_wait3A_123, %dma_wait3A_124] : memref<2x80x128xf32, #tpu.memory_space<vmem>> -> memref<1x80x128xf32, #tpu.memory_space<vmem>>
      %dma_wait3A_126 = tpu.memref_squeeze %dma_wait3A_125 : memref<1x80x128xf32, #tpu.memory_space<vmem>> -> memref<80x128xf32, #tpu.memory_space<vmem>>
      tpu.wait_dma2 semaphore(%run_scoped3A_102 : memref<!tpu.dma_semaphore, #tpu.memory_space<semaphore_mem>>) src(%dma_wait3A_126 : memref<80x128xf32, #tpu.memory_space<vmem>>) dst(%dma_wait3A_122 : memref<80x128xf32, #tpu.memory_space<vmem_shared>>)
      tpu.yield
    }) : () -> ()
    %mul3A_26 = arith.constant 640 : i32
    %mul3A_27 = arith.muli %arg1, %mul3A_26 : i32
    %add3A_28 = arith.constant 320 : i32
    %add3A_29 = arith.addi %mul3A_27, %add3A_28 : i32
    %run_scoped3A_30 = arith.constant 0 : i32
    "tpu.region"() ({
      %run_scoped3A_102 = tpu.sem_alloc : memref<!tpu.dma_semaphore, #tpu.memory_space<semaphore_mem>>
      %dma_start3A_103 = arith.constant 0 : i32
      %dma_start3A_104 = arith.constant 0 : i32
      %dma_start3A_105 = tpu.memref_slice %arg9[%run_scoped3A_30, %dma_start3A_103, %dma_start3A_104] : memref<2x80x128xf32, #tpu.memory_space<vmem>> -> memref<1x80x128xf32, #tpu.memory_space<vmem>>
      %dma_start3A_106 = tpu.memref_squeeze %dma_start3A_105 : memref<1x80x128xf32, #tpu.memory_space<vmem>> -> memref<80x128xf32, #tpu.memory_space<vmem>>
      %dma_start3A_107 = arith.constant 0 : i32
      %dma_start3A_108 = tpu.memref_slice %arg10[%add3A_29, %dma_start3A_107] : memref<10240x128xf32, #tpu.memory_space<vmem_shared>> -> memref<80x128xf32, #tpu.memory_space<vmem_shared>>
      %dma_start3A_109 = arith.constant 0 : i32
      %dma_start3A_110 = tpu.memref_slice %arg10[%add3A_29, %dma_start3A_109] : memref<10240x128xf32, #tpu.memory_space<vmem_shared>> -> memref<80x128xf32, #tpu.memory_space<vmem_shared>>
      %dma_start3A_111 = arith.constant 0 : i32
      %dma_start3A_112 = arith.constant 0 : i32
      %dma_start3A_113 = tpu.memref_slice %arg9[%run_scoped3A_30, %dma_start3A_111, %dma_start3A_112] : memref<2x80x128xf32, #tpu.memory_space<vmem>> -> memref<1x80x128xf32, #tpu.memory_space<vmem>>
      %dma_start3A_114 = tpu.memref_squeeze %dma_start3A_113 : memref<1x80x128xf32, #tpu.memory_space<vmem>> -> memref<80x128xf32, #tpu.memory_space<vmem>>
      tpu.enqueue_dma source(%dma_start3A_114 : memref<80x128xf32, #tpu.memory_space<vmem>>) target(%dma_start3A_110 : memref<80x128xf32, #tpu.memory_space<vmem_shared>>) target_semaphore(%run_scoped3A_102 : memref<!tpu.dma_semaphore, #tpu.memory_space<semaphore_mem>>)
      %dma_wait3A_115 = arith.constant 0 : i32
      %dma_wait3A_116 = arith.constant 0 : i32
      %dma_wait3A_117 = tpu.memref_slice %arg9[%run_scoped3A_30, %dma_wait3A_115, %dma_wait3A_116] : memref<2x80x128xf32, #tpu.memory_space<vmem>> -> memref<1x80x128xf32, #tpu.memory_space<vmem>>
      %dma_wait3A_118 = tpu.memref_squeeze %dma_wait3A_117 : memref<1x80x128xf32, #tpu.memory_space<vmem>> -> memref<80x128xf32, #tpu.memory_space<vmem>>
      %dma_wait3A_119 = arith.constant 0 : i32
      %dma_wait3A_120 = tpu.memref_slice %arg10[%add3A_29, %dma_wait3A_119] : memref<10240x128xf32, #tpu.memory_space<vmem_shared>> -> memref<80x128xf32, #tpu.memory_space<vmem_shared>>
      %dma_wait3A_121 = arith.constant 0 : i32
      %dma_wait3A_122 = tpu.memref_slice %arg10[%add3A_29, %dma_wait3A_121] : memref<10240x128xf32, #tpu.memory_space<vmem_shared>> -> memref<80x128xf32, #tpu.memory_space<vmem_shared>>
      %dma_wait3A_123 = arith.constant 0 : i32
      %dma_wait3A_124 = arith.constant 0 : i32
      %dma_wait3A_125 = tpu.memref_slice %arg9[%run_scoped3A_30, %dma_wait3A_123, %dma_wait3A_124] : memref<2x80x128xf32, #tpu.memory_space<vmem>> -> memref<1x80x128xf32, #tpu.memory_space<vmem>>
      %dma_wait3A_126 = tpu.memref_squeeze %dma_wait3A_125 : memref<1x80x128xf32, #tpu.memory_space<vmem>> -> memref<80x128xf32, #tpu.memory_space<vmem>>
      tpu.wait_dma2 semaphore(%run_scoped3A_102 : memref<!tpu.dma_semaphore, #tpu.memory_space<semaphore_mem>>) src(%dma_wait3A_126 : memref<80x128xf32, #tpu.memory_space<vmem>>) dst(%dma_wait3A_122 : memref<80x128xf32, #tpu.memory_space<vmem_shared>>)
      tpu.yield
    }) : () -> ()
    %mul3A_31 = arith.constant 640 : i32
    %mul3A_32 = arith.muli %arg1, %mul3A_31 : i32
    %add3A_33 = arith.constant 400 : i32
    %add3A_34 = arith.addi %mul3A_32, %add3A_33 : i32
    %run_scoped3A_35 = arith.constant 0 : i32
    "tpu.region"() ({
      %run_scoped3A_102 = tpu.sem_alloc : memref<!tpu.dma_semaphore, #tpu.memory_space<semaphore_mem>>
      %dma_start3A_103 = arith.constant 0 : i32
      %dma_start3A_104 = arith.constant 0 : i32
      %dma_start3A_105 = tpu.memref_slice %arg9[%run_scoped3A_35, %dma_start3A_103, %dma_start3A_104] : memref<2x80x128xf32, #tpu.memory_space<vmem>> -> memref<1x80x128xf32, #tpu.memory_space<vmem>>
      %dma_start3A_106 = tpu.memref_squeeze %dma_start3A_105 : memref<1x80x128xf32, #tpu.memory_space<vmem>> -> memref<80x128xf32, #tpu.memory_space<vmem>>
      %dma_start3A_107 = arith.constant 0 : i32
      %dma_start3A_108 = tpu.memref_slice %arg10[%add3A_34, %dma_start3A_107] : memref<10240x128xf32, #tpu.memory_space<vmem_shared>> -> memref<80x128xf32, #tpu.memory_space<vmem_shared>>
      %dma_start3A_109 = arith.constant 0 : i32
      %dma_start3A_110 = tpu.memref_slice %arg10[%add3A_34, %dma_start3A_109] : memref<10240x128xf32, #tpu.memory_space<vmem_shared>> -> memref<80x128xf32, #tpu.memory_space<vmem_shared>>
      %dma_start3A_111 = arith.constant 0 : i32
      %dma_start3A_112 = arith.constant 0 : i32
      %dma_start3A_113 = tpu.memref_slice %arg9[%run_scoped3A_35, %dma_start3A_111, %dma_start3A_112] : memref<2x80x128xf32, #tpu.memory_space<vmem>> -> memref<1x80x128xf32, #tpu.memory_space<vmem>>
      %dma_start3A_114 = tpu.memref_squeeze %dma_start3A_113 : memref<1x80x128xf32, #tpu.memory_space<vmem>> -> memref<80x128xf32, #tpu.memory_space<vmem>>
      tpu.enqueue_dma source(%dma_start3A_114 : memref<80x128xf32, #tpu.memory_space<vmem>>) target(%dma_start3A_110 : memref<80x128xf32, #tpu.memory_space<vmem_shared>>) target_semaphore(%run_scoped3A_102 : memref<!tpu.dma_semaphore, #tpu.memory_space<semaphore_mem>>)
      %dma_wait3A_115 = arith.constant 0 : i32
      %dma_wait3A_116 = arith.constant 0 : i32
      %dma_wait3A_117 = tpu.memref_slice %arg9[%run_scoped3A_35, %dma_wait3A_115, %dma_wait3A_116] : memref<2x80x128xf32, #tpu.memory_space<vmem>> -> memref<1x80x128xf32, #tpu.memory_space<vmem>>
      %dma_wait3A_118 = tpu.memref_squeeze %dma_wait3A_117 : memref<1x80x128xf32, #tpu.memory_space<vmem>> -> memref<80x128xf32, #tpu.memory_space<vmem>>
      %dma_wait3A_119 = arith.constant 0 : i32
      %dma_wait3A_120 = tpu.memref_slice %arg10[%add3A_34, %dma_wait3A_119] : memref<10240x128xf32, #tpu.memory_space<vmem_shared>> -> memref<80x128xf32, #tpu.memory_space<vmem_shared>>
      %dma_wait3A_121 = arith.constant 0 : i32
      %dma_wait3A_122 = tpu.memref_slice %arg10[%add3A_34, %dma_wait3A_121] : memref<10240x128xf32, #tpu.memory_space<vmem_shared>> -> memref<80x128xf32, #tpu.memory_space<vmem_shared>>
      %dma_wait3A_123 = arith.constant 0 : i32
      %dma_wait3A_124 = arith.constant 0 : i32
      %dma_wait3A_125 = tpu.memref_slice %arg9[%run_scoped3A_35, %dma_wait3A_123, %dma_wait3A_124] : memref<2x80x128xf32, #tpu.memory_space<vmem>> -> memref<1x80x128xf32, #tpu.memory_space<vmem>>
      %dma_wait3A_126 = tpu.memref_squeeze %dma_wait3A_125 : memref<1x80x128xf32, #tpu.memory_space<vmem>> -> memref<80x128xf32, #tpu.memory_space<vmem>>
      tpu.wait_dma2 semaphore(%run_scoped3A_102 : memref<!tpu.dma_semaphore, #tpu.memory_space<semaphore_mem>>) src(%dma_wait3A_126 : memref<80x128xf32, #tpu.memory_space<vmem>>) dst(%dma_wait3A_122 : memref<80x128xf32, #tpu.memory_space<vmem_shared>>)
      tpu.yield
    }) : () -> ()
    %mul3A_36 = arith.constant 640 : i32
    %mul3A_37 = arith.muli %arg1, %mul3A_36 : i32
    %add3A_38 = arith.constant 480 : i32
    %add3A_39 = arith.addi %mul3A_37, %add3A_38 : i32
    %run_scoped3A_40 = arith.constant 0 : i32
    "tpu.region"() ({
      %run_scoped3A_102 = tpu.sem_alloc : memref<!tpu.dma_semaphore, #tpu.memory_space<semaphore_mem>>
      %dma_start3A_103 = arith.constant 0 : i32
      %dma_start3A_104 = arith.constant 0 : i32
      %dma_start3A_105 = tpu.memref_slice %arg9[%run_scoped3A_40, %dma_start3A_103, %dma_start3A_104] : memref<2x80x128xf32, #tpu.memory_space<vmem>> -> memref<1x80x128xf32, #tpu.memory_space<vmem>>
      %dma_start3A_106 = tpu.memref_squeeze %dma_start3A_105 : memref<1x80x128xf32, #tpu.memory_space<vmem>> -> memref<80x128xf32, #tpu.memory_space<vmem>>
      %dma_start3A_107 = arith.constant 0 : i32
      %dma_start3A_108 = tpu.memref_slice %arg10[%add3A_39, %dma_start3A_107] : memref<10240x128xf32, #tpu.memory_space<vmem_shared>> -> memref<80x128xf32, #tpu.memory_space<vmem_shared>>
      %dma_start3A_109 = arith.constant 0 : i32
      %dma_start3A_110 = tpu.memref_slice %arg10[%add3A_39, %dma_start3A_109] : memref<10240x128xf32, #tpu.memory_space<vmem_shared>> -> memref<80x128xf32, #tpu.memory_space<vmem_shared>>
      %dma_start3A_111 = arith.constant 0 : i32
      %dma_start3A_112 = arith.constant 0 : i32
      %dma_start3A_113 = tpu.memref_slice %arg9[%run_scoped3A_40, %dma_start3A_111, %dma_start3A_112] : memref<2x80x128xf32, #tpu.memory_space<vmem>> -> memref<1x80x128xf32, #tpu.memory_space<vmem>>
      %dma_start3A_114 = tpu.memref_squeeze %dma_start3A_113 : memref<1x80x128xf32, #tpu.memory_space<vmem>> -> memref<80x128xf32, #tpu.memory_space<vmem>>
      tpu.enqueue_dma source(%dma_start3A_114 : memref<80x128xf32, #tpu.memory_space<vmem>>) target(%dma_start3A_110 : memref<80x128xf32, #tpu.memory_space<vmem_shared>>) target_semaphore(%run_scoped3A_102 : memref<!tpu.dma_semaphore, #tpu.memory_space<semaphore_mem>>)
      %dma_wait3A_115 = arith.constant 0 : i32
      %dma_wait3A_116 = arith.constant 0 : i32
      %dma_wait3A_117 = tpu.memref_slice %arg9[%run_scoped3A_40, %dma_wait3A_115, %dma_wait3A_116] : memref<2x80x128xf32, #tpu.memory_space<vmem>> -> memref<1x80x128xf32, #tpu.memory_space<vmem>>
      %dma_wait3A_118 = tpu.memref_squeeze %dma_wait3A_117 : memref<1x80x128xf32, #tpu.memory_space<vmem>> -> memref<80x128xf32, #tpu.memory_space<vmem>>
      %dma_wait3A_119 = arith.constant 0 : i32
      %dma_wait3A_120 = tpu.memref_slice %arg10[%add3A_39, %dma_wait3A_119] : memref<10240x128xf32, #tpu.memory_space<vmem_shared>> -> memref<80x128xf32, #tpu.memory_space<vmem_shared>>
      %dma_wait3A_121 = arith.constant 0 : i32
      %dma_wait3A_122 = tpu.memref_slice %arg10[%add3A_39, %dma_wait3A_121] : memref<10240x128xf32, #tpu.memory_space<vmem_shared>> -> memref<80x128xf32, #tpu.memory_space<vmem_shared>>
      %dma_wait3A_123 = arith.constant 0 : i32
      %dma_wait3A_124 = arith.constant 0 : i32
      %dma_wait3A_125 = tpu.memref_slice %arg9[%run_scoped3A_40, %dma_wait3A_123, %dma_wait3A_124] : memref<2x80x128xf32, #tpu.memory_space<vmem>> -> memref<1x80x128xf32, #tpu.memory_space<vmem>>
      %dma_wait3A_126 = tpu.memref_squeeze %dma_wait3A_125 : memref<1x80x128xf32, #tpu.memory_space<vmem>> -> memref<80x128xf32, #tpu.memory_space<vmem>>
      tpu.wait_dma2 semaphore(%run_scoped3A_102 : memref<!tpu.dma_semaphore, #tpu.memory_space<semaphore_mem>>) src(%dma_wait3A_126 : memref<80x128xf32, #tpu.memory_space<vmem>>) dst(%dma_wait3A_122 : memref<80x128xf32, #tpu.memory_space<vmem_shared>>)
      tpu.yield
    }) : () -> ()
    %mul3A_41 = arith.constant 640 : i32
    %mul3A_42 = arith.muli %arg1, %mul3A_41 : i32
    %add3A_43 = arith.constant 560 : i32
    %add3A_44 = arith.addi %mul3A_42, %add3A_43 : i32
    %run_scoped3A_45 = arith.constant 0 : i32
    "tpu.region"() ({
      %run_scoped3A_102 = tpu.sem_alloc : memref<!tpu.dma_semaphore, #tpu.memory_space<semaphore_mem>>
      %dma_start3A_103 = arith.constant 0 : i32
      %dma_start3A_104 = arith.constant 0 : i32
      %dma_start3A_105 = tpu.memref_slice %arg9[%run_scoped3A_45, %dma_start3A_103, %dma_start3A_104] : memref<2x80x128xf32, #tpu.memory_space<vmem>> -> memref<1x80x128xf32, #tpu.memory_space<vmem>>
      %dma_start3A_106 = tpu.memref_squeeze %dma_start3A_105 : memref<1x80x128xf32, #tpu.memory_space<vmem>> -> memref<80x128xf32, #tpu.memory_space<vmem>>
      %dma_start3A_107 = arith.constant 0 : i32
      %dma_start3A_108 = tpu.memref_slice %arg10[%add3A_44, %dma_start3A_107] : memref<10240x128xf32, #tpu.memory_space<vmem_shared>> -> memref<80x128xf32, #tpu.memory_space<vmem_shared>>
      %dma_start3A_109 = arith.constant 0 : i32
      %dma_start3A_110 = tpu.memref_slice %arg10[%add3A_44, %dma_start3A_109] : memref<10240x128xf32, #tpu.memory_space<vmem_shared>> -> memref<80x128xf32, #tpu.memory_space<vmem_shared>>
      %dma_start3A_111 = arith.constant 0 : i32
      %dma_start3A_112 = arith.constant 0 : i32
      %dma_start3A_113 = tpu.memref_slice %arg9[%run_scoped3A_45, %dma_start3A_111, %dma_start3A_112] : memref<2x80x128xf32, #tpu.memory_space<vmem>> -> memref<1x80x128xf32, #tpu.memory_space<vmem>>
      %dma_start3A_114 = tpu.memref_squeeze %dma_start3A_113 : memref<1x80x128xf32, #tpu.memory_space<vmem>> -> memref<80x128xf32, #tpu.memory_space<vmem>>
      tpu.enqueue_dma source(%dma_start3A_114 : memref<80x128xf32, #tpu.memory_space<vmem>>) target(%dma_start3A_110 : memref<80x128xf32, #tpu.memory_space<vmem_shared>>) target_semaphore(%run_scoped3A_102 : memref<!tpu.dma_semaphore, #tpu.memory_space<semaphore_mem>>)
      %dma_wait3A_115 = arith.constant 0 : i32
      %dma_wait3A_116 = arith.constant 0 : i32
      %dma_wait3A_117 = tpu.memref_slice %arg9[%run_scoped3A_45, %dma_wait3A_115, %dma_wait3A_116] : memref<2x80x128xf32, #tpu.memory_space<vmem>> -> memref<1x80x128xf32, #tpu.memory_space<vmem>>
      %dma_wait3A_118 = tpu.memref_squeeze %dma_wait3A_117 : memref<1x80x128xf32, #tpu.memory_space<vmem>> -> memref<80x128xf32, #tpu.memory_space<vmem>>
      %dma_wait3A_119 = arith.constant 0 : i32
      %dma_wait3A_120 = tpu.memref_slice %arg10[%add3A_44, %dma_wait3A_119] : memref<10240x128xf32, #tpu.memory_space<vmem_shared>> -> memref<80x128xf32, #tpu.memory_space<vmem_shared>>
      %dma_wait3A_121 = arith.constant 0 : i32
      %dma_wait3A_122 = tpu.memref_slice %arg10[%add3A_44, %dma_wait3A_121] : memref<10240x128xf32, #tpu.memory_space<vmem_shared>> -> memref<80x128xf32, #tpu.memory_space<vmem_shared>>
      %dma_wait3A_123 = arith.constant 0 : i32
      %dma_wait3A_124 = arith.constant 0 : i32
      %dma_wait3A_125 = tpu.memref_slice %arg9[%run_scoped3A_45, %dma_wait3A_123, %dma_wait3A_124] : memref<2x80x128xf32, #tpu.memory_space<vmem>> -> memref<1x80x128xf32, #tpu.memory_space<vmem>>
      %dma_wait3A_126 = tpu.memref_squeeze %dma_wait3A_125 : memref<1x80x128xf32, #tpu.memory_space<vmem>> -> memref<80x128xf32, #tpu.memory_space<vmem>>
      tpu.wait_dma2 semaphore(%run_scoped3A_102 : memref<!tpu.dma_semaphore, #tpu.memory_space<semaphore_mem>>) src(%dma_wait3A_126 : memref<80x128xf32, #tpu.memory_space<vmem>>) dst(%dma_wait3A_122 : memref<80x128xf32, #tpu.memory_space<vmem_shared>>)
      tpu.yield
    }) : () -> ()
    %barrier3A = arith.constant 0 : index
    tpu.barrier barrier_id(%barrier3A)
    %mul3A_46 = arith.constant 10000 : i32
    %mul3A_47 = arith.muli %add3A, %mul3A_46 : i32
    "tpu.region"() ({
      %run_scoped3A_102 = tpu.sem_alloc : memref<!tpu.dma_semaphore, #tpu.memory_space<semaphore_mem>>
      %dma_start3A_103 = tpu.memref_slice %arg3[%mul3A_47] : memref<320000xi32, #tpu.memory_space<hbm>> -> memref<10000xi32, #tpu.memory_space<hbm>>
      %dma_start3A_104 = tpu.memref_slice %arg3[%mul3A_47] : memref<320000xi32, #tpu.memory_space<hbm>> -> memref<10000xi32, #tpu.memory_space<hbm>>
      tpu.enqueue_dma source(%dma_start3A_104 : memref<10000xi32, #tpu.memory_space<hbm>>) target(%arg6 : memref<10000xi32, #tpu.memory_space<vmem>>) target_semaphore(%run_scoped3A_102 : memref<!tpu.dma_semaphore, #tpu.memory_space<semaphore_mem>>)
      %dma_wait3A_105 = tpu.memref_slice %arg3[%mul3A_47] : memref<320000xi32, #tpu.memory_space<hbm>> -> memref<10000xi32, #tpu.memory_space<hbm>>
      %dma_wait3A_106 = tpu.memref_slice %arg3[%mul3A_47] : memref<320000xi32, #tpu.memory_space<hbm>> -> memref<10000xi32, #tpu.memory_space<hbm>>
      tpu.wait_dma2 semaphore(%run_scoped3A_102 : memref<!tpu.dma_semaphore, #tpu.memory_space<semaphore_mem>>) src(%dma_wait3A_106 : memref<10000xi32, #tpu.memory_space<hbm>>) dst(%arg6 : memref<10000xi32, #tpu.memory_space<vmem>>)
      tpu.yield
    }) : () -> ()
    %dma_start3A = arith.constant 0 : i32
    %dma_start3A_48 = arith.constant 0 : i32
    %dma_start3A_49 = arith.constant 0 : i32
    %dma_start3A_50 = tpu.memref_slice %arg9[%dma_start3A, %dma_start3A_48, %dma_start3A_49] : memref<2x80x128xf32, #tpu.memory_space<vmem>> -> memref<1x80x128xf32, #tpu.memory_space<vmem>>
    %dma_start3A_51 = tpu.memref_squeeze %dma_start3A_50 : memref<1x80x128xf32, #tpu.memory_space<vmem>> -> memref<80x128xf32, #tpu.memory_space<vmem>>
    %dma_start3A_52 = arith.constant 0 : i32
    %dma_start3A_53 = tpu.memref_slice %arg6[%dma_start3A_52] : memref<10000xi32, #tpu.memory_space<vmem>> -> memref<80xi32, #tpu.memory_space<vmem>>
    %dma_start3A_54 = arith.constant 0 : i32
    %dma_start3A_55 = arith.constant 0 : i32
    %dma_start3A_56 = tpu.memref_slice %arg2[%dma_start3A_54, %dma_start3A_55] : memref<10000x128xf32, #tpu.memory_space<hbm>> -> memref<10000x128xf32, #tpu.memory_space<hbm>>
    tpu.enqueue_indirect_dma source(%dma_start3A_56 : memref<10000x128xf32, #tpu.memory_space<hbm>>) target(%dma_start3A_51 : memref<80x128xf32, #tpu.memory_space<vmem>>) offsets(%dma_start3A_53 : memref<80xi32, #tpu.memory_space<vmem>>) semaphore(%arg11 : memref<!tpu.dma_semaphore, #tpu.memory_space<semaphore_mem>>)
    %dma_start3A_57 = arith.constant 1 : i32
    %dma_start3A_58 = arith.constant 0 : i32
    %dma_start3A_59 = arith.constant 0 : i32
    %dma_start3A_60 = tpu.memref_slice %arg9[%dma_start3A_57, %dma_start3A_58, %dma_start3A_59] : memref<2x80x128xf32, #tpu.memory_space<vmem>> -> memref<1x80x128xf32, #tpu.memory_space<vmem>>
    %dma_start3A_61 = tpu.memref_squeeze %dma_start3A_60 : memref<1x80x128xf32, #tpu.memory_space<vmem>> -> memref<80x128xf32, #tpu.memory_space<vmem>>
    %dma_start3A_62 = arith.constant 80 : i32
    %dma_start3A_63 = tpu.memref_slice %arg6[%dma_start3A_62] : memref<10000xi32, #tpu.memory_space<vmem>> -> memref<80xi32, #tpu.memory_space<vmem>>
    %dma_start3A_64 = arith.constant 0 : i32
    %dma_start3A_65 = arith.constant 0 : i32
    %dma_start3A_66 = tpu.memref_slice %arg2[%dma_start3A_64, %dma_start3A_65] : memref<10000x128xf32, #tpu.memory_space<hbm>> -> memref<10000x128xf32, #tpu.memory_space<hbm>>
    tpu.enqueue_indirect_dma source(%dma_start3A_66 : memref<10000x128xf32, #tpu.memory_space<hbm>>) target(%dma_start3A_61 : memref<80x128xf32, #tpu.memory_space<vmem>>) offsets(%dma_start3A_63 : memref<80xi32, #tpu.memory_space<vmem>>) semaphore(%arg12 : memref<!tpu.dma_semaphore, #tpu.memory_space<semaphore_mem>>)
    %scan3A_67 = arith.constant 0 : i32
    %scan3A_68 = arith.constant 0 : i32
    %scan3A_69 = arith.constant 62 : i32
    %scan3A_70 = arith.addi %scan3A_68, %scan3A_69 : i32
    %scan3A_71 = arith.constant 1 : i32
    scf.for %scan3A_102 = %scan3A_68 to %scan3A_70 step %scan3A_71  : i32 {
      %mul3A_103 = arith.constant 2 : i32
      %mul3A_104 = arith.muli %mul3A_103, %scan3A_102 : i32
      %mul3A_105 = arith.constant 80 : i32
      %mul3A_106 = arith.muli %mul3A_104, %mul3A_105 : i32
      %dma_wait3A_107 = arith.constant 0 : i32
      %dma_wait3A_108 = arith.constant 0 : i32
      %dma_wait3A_109 = arith.constant 0 : i32
      %dma_wait3A_110 = tpu.memref_slice %arg9[%dma_wait3A_107, %dma_wait3A_108, %dma_wait3A_109] : memref<2x80x128xf32, #tpu.memory_space<vmem>> -> memref<1x80x128xf32, #tpu.memory_space<vmem>>
      %dma_wait3A_111 = tpu.memref_squeeze %dma_wait3A_110 : memref<1x80x128xf32, #tpu.memory_space<vmem>> -> memref<80x128xf32, #tpu.memory_space<vmem>>
      %dma_wait3A_112 = tpu.memref_slice %arg6[%mul3A_106] : memref<10000xi32, #tpu.memory_space<vmem>> -> memref<80xi32, #tpu.memory_space<vmem>>
      %dma_wait3A_113 = arith.constant 0 : i32
      %dma_wait3A_114 = arith.constant 0 : i32
      %dma_wait3A_115 = tpu.memref_slice %arg2[%dma_wait3A_113, %dma_wait3A_114] : memref<10000x128xf32, #tpu.memory_space<hbm>> -> memref<10000x128xf32, #tpu.memory_space<hbm>>
      tpu.wait_indirect_dma semaphore(%arg11 : memref<!tpu.dma_semaphore, #tpu.memory_space<semaphore_mem>>) src(%dma_wait3A_115 : memref<10000x128xf32, #tpu.memory_space<hbm>>) dst(%dma_wait3A_111 : memref<80x128xf32, #tpu.memory_space<vmem>>)
      %mul3A_116 = arith.constant 10000 : i32
      %mul3A_117 = arith.muli %add3A, %mul3A_116 : i32
      %mul3A_118 = arith.constant 80 : i32
      %mul3A_119 = arith.muli %mul3A_104, %mul3A_118 : i32
      %add3A_120 = arith.addi %mul3A_117, %mul3A_119 : i32
      "tpu.region"() ({
        %run_scoped3A_170 = tpu.sem_alloc : memref<!tpu.dma_semaphore, #tpu.memory_space<semaphore_mem>>
        %dma_start3A_171 = tpu.memref_slice %arg4[%add3A_120] : memref<320000xi32, #tpu.memory_space<hbm>> -> memref<80xi32, #tpu.memory_space<hbm>>
        %dma_start3A_172 = tpu.memref_slice %arg4[%add3A_120] : memref<320000xi32, #tpu.memory_space<hbm>> -> memref<80xi32, #tpu.memory_space<hbm>>
        tpu.enqueue_dma source(%dma_start3A_172 : memref<80xi32, #tpu.memory_space<hbm>>) target(%arg7 : memref<80xi32, #tpu.memory_space<vmem>>) target_semaphore(%run_scoped3A_170 : memref<!tpu.dma_semaphore, #tpu.memory_space<semaphore_mem>>)
        %dma_wait3A_173 = tpu.memref_slice %arg4[%add3A_120] : memref<320000xi32, #tpu.memory_space<hbm>> -> memref<80xi32, #tpu.memory_space<hbm>>
        %dma_wait3A_174 = tpu.memref_slice %arg4[%add3A_120] : memref<320000xi32, #tpu.memory_space<hbm>> -> memref<80xi32, #tpu.memory_space<hbm>>
        tpu.wait_dma2 semaphore(%run_scoped3A_170 : memref<!tpu.dma_semaphore, #tpu.memory_space<semaphore_mem>>) src(%dma_wait3A_174 : memref<80xi32, #tpu.memory_space<hbm>>) dst(%arg7 : memref<80xi32, #tpu.memory_space<vmem>>)
        tpu.yield
      }) : () -> ()
      %run_scoped3A_121 = arith.constant 0 : i32
      "tpu.region"() ({
        %run_scoped3A_170 = tpu.sem_alloc : memref<!tpu.dma_semaphore, #tpu.memory_space<semaphore_mem>>
        %dma_start3A_171 = arith.constant 0 : i32
        %dma_start3A_172 = arith.constant 0 : i32
        %dma_start3A_173 = tpu.memref_slice %arg9[%run_scoped3A_121, %dma_start3A_171, %dma_start3A_172] : memref<2x80x128xf32, #tpu.memory_space<vmem>> -> memref<1x80x128xf32, #tpu.memory_space<vmem>>
        %dma_start3A_174 = tpu.memref_squeeze %dma_start3A_173 : memref<1x80x128xf32, #tpu.memory_space<vmem>> -> memref<80x128xf32, #tpu.memory_space<vmem>>
        %dma_start3A_175 = arith.constant 0 : i32
        %dma_start3A_176 = arith.constant 0 : i32
        %dma_start3A_177 = tpu.memref_slice %arg10[%dma_start3A_175, %dma_start3A_176] : memref<10240x128xf32, #tpu.memory_space<vmem_shared>> -> memref<10240x128xf32, #tpu.memory_space<vmem_shared>>
        tpu.enqueue_indirect_dma source(%dma_start3A_174 : memref<80x128xf32, #tpu.memory_space<vmem>>) target(%dma_start3A_177 : memref<10240x128xf32, #tpu.memory_space<vmem_shared>>) offsets(%arg7 : memref<80xi32, #tpu.memory_space<vmem>>) semaphore(%run_scoped3A_170 : memref<!tpu.dma_semaphore, #tpu.memory_space<semaphore_mem>>) {add = true}
        %dma_wait3A_178 = arith.constant 0 : i32
        %dma_wait3A_179 = arith.constant 0 : i32
        %dma_wait3A_180 = tpu.memref_slice %arg9[%run_scoped3A_121, %dma_wait3A_178, %dma_wait3A_179] : memref<2x80x128xf32, #tpu.memory_space<vmem>> -> memref<1x80x128xf32, #tpu.memory_space<vmem>>
        %dma_wait3A_181 = tpu.memref_squeeze %dma_wait3A_180 : memref<1x80x128xf32, #tpu.memory_space<vmem>> -> memref<80x128xf32, #tpu.memory_space<vmem>>
        %dma_wait3A_182 = arith.constant 0 : i32
        %dma_wait3A_183 = arith.constant 0 : i32
        %dma_wait3A_184 = tpu.memref_slice %arg10[%dma_wait3A_182, %dma_wait3A_183] : memref<10240x128xf32, #tpu.memory_space<vmem_shared>> -> memref<10240x128xf32, #tpu.memory_space<vmem_shared>>
        tpu.wait_indirect_dma semaphore(%run_scoped3A_170 : memref<!tpu.dma_semaphore, #tpu.memory_space<semaphore_mem>>) src(%dma_wait3A_181 : memref<80x128xf32, #tpu.memory_space<vmem>>) dst(%dma_wait3A_184 : memref<10240x128xf32, #tpu.memory_space<vmem_shared>>)
        tpu.yield
      }) : () -> ()
      %add3A_122 = arith.constant 2 : i32
      %add3A_123 = arith.addi %mul3A_104, %add3A_122 : i32
      %mul3A_124 = arith.constant 80 : i32
      %mul3A_125 = arith.muli %add3A_123, %mul3A_124 : i32
      %dma_start3A_126 = arith.constant 0 : i32
      %dma_start3A_127 = arith.constant 0 : i32
      %dma_start3A_128 = arith.constant 0 : i32
      %dma_start3A_129 = tpu.memref_slice %arg9[%dma_start3A_126, %dma_start3A_127, %dma_start3A_128] : memref<2x80x128xf32, #tpu.memory_space<vmem>> -> memref<1x80x128xf32, #tpu.memory_space<vmem>>
      %dma_start3A_130 = tpu.memref_squeeze %dma_start3A_129 : memref<1x80x128xf32, #tpu.memory_space<vmem>> -> memref<80x128xf32, #tpu.memory_space<vmem>>
      %dma_start3A_131 = tpu.memref_slice %arg6[%mul3A_125] : memref<10000xi32, #tpu.memory_space<vmem>> -> memref<80xi32, #tpu.memory_space<vmem>>
      %dma_start3A_132 = arith.constant 0 : i32
      %dma_start3A_133 = arith.constant 0 : i32
      %dma_start3A_134 = tpu.memref_slice %arg2[%dma_start3A_132, %dma_start3A_133] : memref<10000x128xf32, #tpu.memory_space<hbm>> -> memref<10000x128xf32, #tpu.memory_space<hbm>>
      tpu.enqueue_indirect_dma source(%dma_start3A_134 : memref<10000x128xf32, #tpu.memory_space<hbm>>) target(%dma_start3A_130 : memref<80x128xf32, #tpu.memory_space<vmem>>) offsets(%dma_start3A_131 : memref<80xi32, #tpu.memory_space<vmem>>) semaphore(%arg11 : memref<!tpu.dma_semaphore, #tpu.memory_space<semaphore_mem>>)
      %add3A_135 = arith.constant 1 : i32
      %add3A_136 = arith.addi %mul3A_104, %add3A_135 : i32
      %mul3A_137 = arith.constant 80 : i32
      %mul3A_138 = arith.muli %add3A_136, %mul3A_137 : i32
      %dma_wait3A_139 = arith.constant 1 : i32
      %dma_wait3A_140 = arith.constant 0 : i32
      %dma_wait3A_141 = arith.constant 0 : i32
      %dma_wait3A_142 = tpu.memref_slice %arg9[%dma_wait3A_139, %dma_wait3A_140, %dma_wait3A_141] : memref<2x80x128xf32, #tpu.memory_space<vmem>> -> memref<1x80x128xf32, #tpu.memory_space<vmem>>
      %dma_wait3A_143 = tpu.memref_squeeze %dma_wait3A_142 : memref<1x80x128xf32, #tpu.memory_space<vmem>> -> memref<80x128xf32, #tpu.memory_space<vmem>>
      %dma_wait3A_144 = tpu.memref_slice %arg6[%mul3A_138] : memref<10000xi32, #tpu.memory_space<vmem>> -> memref<80xi32, #tpu.memory_space<vmem>>
      %dma_wait3A_145 = arith.constant 0 : i32
      %dma_wait3A_146 = arith.constant 0 : i32
      %dma_wait3A_147 = tpu.memref_slice %arg2[%dma_wait3A_145, %dma_wait3A_146] : memref<10000x128xf32, #tpu.memory_space<hbm>> -> memref<10000x128xf32, #tpu.memory_space<hbm>>
      tpu.wait_indirect_dma semaphore(%arg12 : memref<!tpu.dma_semaphore, #tpu.memory_space<semaphore_mem>>) src(%dma_wait3A_147 : memref<10000x128xf32, #tpu.memory_space<hbm>>) dst(%dma_wait3A_143 : memref<80x128xf32, #tpu.memory_space<vmem>>)
      %add3A_148 = arith.constant 1 : i32
      %add3A_149 = arith.addi %mul3A_104, %add3A_148 : i32
      %mul3A_150 = arith.constant 10000 : i32
      %mul3A_151 = arith.muli %add3A, %mul3A_150 : i32
      %mul3A_152 = arith.constant 80 : i32
      %mul3A_153 = arith.muli %add3A_149, %mul3A_152 : i32
      %add3A_154 = arith.addi %mul3A_151, %mul3A_153 : i32
      "tpu.region"() ({
        %run_scoped3A_170 = tpu.sem_alloc : memref<!tpu.dma_semaphore, #tpu.memory_space<semaphore_mem>>
        %dma_start3A_171 = tpu.memref_slice %arg4[%add3A_154] : memref<320000xi32, #tpu.memory_space<hbm>> -> memref<80xi32, #tpu.memory_space<hbm>>
        %dma_start3A_172 = tpu.memref_slice %arg4[%add3A_154] : memref<320000xi32, #tpu.memory_space<hbm>> -> memref<80xi32, #tpu.memory_space<hbm>>
        tpu.enqueue_dma source(%dma_start3A_172 : memref<80xi32, #tpu.memory_space<hbm>>) target(%arg8 : memref<80xi32, #tpu.memory_space<vmem>>) target_semaphore(%run_scoped3A_170 : memref<!tpu.dma_semaphore, #tpu.memory_space<semaphore_mem>>)
        %dma_wait3A_173 = tpu.memref_slice %arg4[%add3A_154] : memref<320000xi32, #tpu.memory_space<hbm>> -> memref<80xi32, #tpu.memory_space<hbm>>
        %dma_wait3A_174 = tpu.memref_slice %arg4[%add3A_154] : memref<320000xi32, #tpu.memory_space<hbm>> -> memref<80xi32, #tpu.memory_space<hbm>>
        tpu.wait_dma2 semaphore(%run_scoped3A_170 : memref<!tpu.dma_semaphore, #tpu.memory_space<semaphore_mem>>) src(%dma_wait3A_174 : memref<80xi32, #tpu.memory_space<hbm>>) dst(%arg8 : memref<80xi32, #tpu.memory_space<vmem>>)
        tpu.yield
      }) : () -> ()
      %run_scoped3A_155 = arith.constant 1 : i32
      "tpu.region"() ({
        %run_scoped3A_170 = tpu.sem_alloc : memref<!tpu.dma_semaphore, #tpu.memory_space<semaphore_mem>>
        %dma_start3A_171 = arith.constant 0 : i32
        %dma_start3A_172 = arith.constant 0 : i32
        %dma_start3A_173 = tpu.memref_slice %arg9[%run_scoped3A_155, %dma_start3A_171, %dma_start3A_172] : memref<2x80x128xf32, #tpu.memory_space<vmem>> -> memref<1x80x128xf32, #tpu.memory_space<vmem>>
        %dma_start3A_174 = tpu.memref_squeeze %dma_start3A_173 : memref<1x80x128xf32, #tpu.memory_space<vmem>> -> memref<80x128xf32, #tpu.memory_space<vmem>>
        %dma_start3A_175 = arith.constant 0 : i32
        %dma_start3A_176 = arith.constant 0 : i32
        %dma_start3A_177 = tpu.memref_slice %arg10[%dma_start3A_175, %dma_start3A_176] : memref<10240x128xf32, #tpu.memory_space<vmem_shared>> -> memref<10240x128xf32, #tpu.memory_space<vmem_shared>>
        tpu.enqueue_indirect_dma source(%dma_start3A_174 : memref<80x128xf32, #tpu.memory_space<vmem>>) target(%dma_start3A_177 : memref<10240x128xf32, #tpu.memory_space<vmem_shared>>) offsets(%arg8 : memref<80xi32, #tpu.memory_space<vmem>>) semaphore(%run_scoped3A_170 : memref<!tpu.dma_semaphore, #tpu.memory_space<semaphore_mem>>) {add = true}
        %dma_wait3A_178 = arith.constant 0 : i32
        %dma_wait3A_179 = arith.constant 0 : i32
        %dma_wait3A_180 = tpu.memref_slice %arg9[%run_scoped3A_155, %dma_wait3A_178, %dma_wait3A_179] : memref<2x80x128xf32, #tpu.memory_space<vmem>> -> memref<1x80x128xf32, #tpu.memory_space<vmem>>
        %dma_wait3A_181 = tpu.memref_squeeze %dma_wait3A_180 : memref<1x80x128xf32, #tpu.memory_space<vmem>> -> memref<80x128xf32, #tpu.memory_space<vmem>>
        %dma_wait3A_182 = arith.constant 0 : i32
        %dma_wait3A_183 = arith.constant 0 : i32
        %dma_wait3A_184 = tpu.memref_slice %arg10[%dma_wait3A_182, %dma_wait3A_183] : memref<10240x128xf32, #tpu.memory_space<vmem_shared>> -> memref<10240x128xf32, #tpu.memory_space<vmem_shared>>
        tpu.wait_indirect_dma semaphore(%run_scoped3A_170 : memref<!tpu.dma_semaphore, #tpu.memory_space<semaphore_mem>>) src(%dma_wait3A_181 : memref<80x128xf32, #tpu.memory_space<vmem>>) dst(%dma_wait3A_184 : memref<10240x128xf32, #tpu.memory_space<vmem_shared>>)
        tpu.yield
      }) : () -> ()
      %add3A_156 = arith.constant 3 : i32
      %add3A_157 = arith.addi %mul3A_104, %add3A_156 : i32
      %min3A = arith.constant 124 : i32
      %min3A_158 = arith.minsi %add3A_157, %min3A : i32
      %mul3A_159 = arith.constant 80 : i32
      %mul3A_160 = arith.muli %min3A_158, %mul3A_159 : i32
      %dma_start3A_161 = arith.constant 1 : i32
      %dma_start3A_162 = arith.constant 0 : i32
      %dma_start3A_163 = arith.constant 0 : i32
      %dma_start3A_164 = tpu.memref_slice %arg9[%dma_start3A_161, %dma_start3A_162, %dma_start3A_163] : memref<2x80x128xf32, #tpu.memory_space<vmem>> -> memref<1x80x128xf32, #tpu.memory_space<vmem>>
      %dma_start3A_165 = tpu.memref_squeeze %dma_start3A_164 : memref<1x80x128xf32, #tpu.memory_space<vmem>> -> memref<80x128xf32, #tpu.memory_space<vmem>>
      %dma_start3A_166 = tpu.memref_slice %arg6[%mul3A_160] : memref<10000xi32, #tpu.memory_space<vmem>> -> memref<80xi32, #tpu.memory_space<vmem>>
      %dma_start3A_167 = arith.constant 0 : i32
      %dma_start3A_168 = arith.constant 0 : i32
      %dma_start3A_169 = tpu.memref_slice %arg2[%dma_start3A_167, %dma_start3A_168] : memref<10000x128xf32, #tpu.memory_space<hbm>> -> memref<10000x128xf32, #tpu.memory_space<hbm>>
      tpu.enqueue_indirect_dma source(%dma_start3A_169 : memref<10000x128xf32, #tpu.memory_space<hbm>>) target(%dma_start3A_165 : memref<80x128xf32, #tpu.memory_space<vmem>>) offsets(%dma_start3A_166 : memref<80xi32, #tpu.memory_space<vmem>>) semaphore(%arg12 : memref<!tpu.dma_semaphore, #tpu.memory_space<semaphore_mem>>)
    }
    %scan3A_72 = arith.constant 62 : i32
    %dma_wait3A = arith.constant 0 : i32
    %dma_wait3A_73 = arith.constant 0 : i32
    %dma_wait3A_74 = arith.constant 0 : i32
    %dma_wait3A_75 = tpu.memref_slice %arg9[%dma_wait3A, %dma_wait3A_73, %dma_wait3A_74] : memref<2x80x128xf32, #tpu.memory_space<vmem>> -> memref<1x80x128xf32, #tpu.memory_space<vmem>>
    %dma_wait3A_76 = tpu.memref_squeeze %dma_wait3A_75 : memref<1x80x128xf32, #tpu.memory_space<vmem>> -> memref<80x128xf32, #tpu.memory_space<vmem>>
    %dma_wait3A_77 = arith.constant 9920 : i32
    %dma_wait3A_78 = tpu.memref_slice %arg6[%dma_wait3A_77] : memref<10000xi32, #tpu.memory_space<vmem>> -> memref<80xi32, #tpu.memory_space<vmem>>
    %dma_wait3A_79 = arith.constant 0 : i32
    %dma_wait3A_80 = arith.constant 0 : i32
    %dma_wait3A_81 = tpu.memref_slice %arg2[%dma_wait3A_79, %dma_wait3A_80] : memref<10000x128xf32, #tpu.memory_space<hbm>> -> memref<10000x128xf32, #tpu.memory_space<hbm>>
    tpu.wait_indirect_dma semaphore(%arg11 : memref<!tpu.dma_semaphore, #tpu.memory_space<semaphore_mem>>) src(%dma_wait3A_81 : memref<10000x128xf32, #tpu.memory_space<hbm>>) dst(%dma_wait3A_76 : memref<80x128xf32, #tpu.memory_space<vmem>>)
    %mul3A_82 = arith.constant 10000 : i32
    %mul3A_83 = arith.muli %add3A, %mul3A_82 : i32
    %add3A_84 = arith.constant 9920 : i32
    %add3A_85 = arith.addi %mul3A_83, %add3A_84 : i32
    "tpu.region"() ({
      %run_scoped3A_102 = tpu.sem_alloc : memref<!tpu.dma_semaphore, #tpu.memory_space<semaphore_mem>>
      %dma_start3A_103 = tpu.memref_slice %arg4[%add3A_85] : memref<320000xi32, #tpu.memory_space<hbm>> -> memref<80xi32, #tpu.memory_space<hbm>>
      %dma_start3A_104 = tpu.memref_slice %arg4[%add3A_85] : memref<320000xi32, #tpu.memory_space<hbm>> -> memref<80xi32, #tpu.memory_space<hbm>>
      tpu.enqueue_dma source(%dma_start3A_104 : memref<80xi32, #tpu.memory_space<hbm>>) target(%arg7 : memref<80xi32, #tpu.memory_space<vmem>>) target_semaphore(%run_scoped3A_102 : memref<!tpu.dma_semaphore, #tpu.memory_space<semaphore_mem>>)
      %dma_wait3A_105 = tpu.memref_slice %arg4[%add3A_85] : memref<320000xi32, #tpu.memory_space<hbm>> -> memref<80xi32, #tpu.memory_space<hbm>>
      %dma_wait3A_106 = tpu.memref_slice %arg4[%add3A_85] : memref<320000xi32, #tpu.memory_space<hbm>> -> memref<80xi32, #tpu.memory_space<hbm>>
      tpu.wait_dma2 semaphore(%run_scoped3A_102 : memref<!tpu.dma_semaphore, #tpu.memory_space<semaphore_mem>>) src(%dma_wait3A_106 : memref<80xi32, #tpu.memory_space<hbm>>) dst(%arg7 : memref<80xi32, #tpu.memory_space<vmem>>)
      tpu.yield
    }) : () -> ()
    %run_scoped3A_86 = arith.constant 0 : i32
    "tpu.region"() ({
      %run_scoped3A_102 = tpu.sem_alloc : memref<!tpu.dma_semaphore, #tpu.memory_space<semaphore_mem>>
      %dma_start3A_103 = arith.constant 0 : i32
      %dma_start3A_104 = arith.constant 0 : i32
      %dma_start3A_105 = tpu.memref_slice %arg9[%run_scoped3A_86, %dma_start3A_103, %dma_start3A_104] : memref<2x80x128xf32, #tpu.memory_space<vmem>> -> memref<1x80x128xf32, #tpu.memory_space<vmem>>
      %dma_start3A_106 = tpu.memref_squeeze %dma_start3A_105 : memref<1x80x128xf32, #tpu.memory_space<vmem>> -> memref<80x128xf32, #tpu.memory_space<vmem>>
      %dma_start3A_107 = arith.constant 0 : i32
      %dma_start3A_108 = arith.constant 0 : i32
      %dma_start3A_109 = tpu.memref_slice %arg10[%dma_start3A_107, %dma_start3A_108] : memref<10240x128xf32, #tpu.memory_space<vmem_shared>> -> memref<10240x128xf32, #tpu.memory_space<vmem_shared>>
      tpu.enqueue_indirect_dma source(%dma_start3A_106 : memref<80x128xf32, #tpu.memory_space<vmem>>) target(%dma_start3A_109 : memref<10240x128xf32, #tpu.memory_space<vmem_shared>>) offsets(%arg7 : memref<80xi32, #tpu.memory_space<vmem>>) semaphore(%run_scoped3A_102 : memref<!tpu.dma_semaphore, #tpu.memory_space<semaphore_mem>>) {add = true}
      %dma_wait3A_110 = arith.constant 0 : i32
      %dma_wait3A_111 = arith.constant 0 : i32
      %dma_wait3A_112 = tpu.memref_slice %arg9[%run_scoped3A_86, %dma_wait3A_110, %dma_wait3A_111] : memref<2x80x128xf32, #tpu.memory_space<vmem>> -> memref<1x80x128xf32, #tpu.memory_space<vmem>>
      %dma_wait3A_113 = tpu.memref_squeeze %dma_wait3A_112 : memref<1x80x128xf32, #tpu.memory_space<vmem>> -> memref<80x128xf32, #tpu.memory_space<vmem>>
      %dma_wait3A_114 = arith.constant 0 : i32
      %dma_wait3A_115 = arith.constant 0 : i32
      %dma_wait3A_116 = tpu.memref_slice %arg10[%dma_wait3A_114, %dma_wait3A_115] : memref<10240x128xf32, #tpu.memory_space<vmem_shared>> -> memref<10240x128xf32, #tpu.memory_space<vmem_shared>>
      tpu.wait_indirect_dma semaphore(%run_scoped3A_102 : memref<!tpu.dma_semaphore, #tpu.memory_space<semaphore_mem>>) src(%dma_wait3A_113 : memref<80x128xf32, #tpu.memory_space<vmem>>) dst(%dma_wait3A_116 : memref<10240x128xf32, #tpu.memory_space<vmem_shared>>)
      tpu.yield
    }) : () -> ()
    %dma_wait3A_87 = arith.constant 1 : i32
    %dma_wait3A_88 = arith.constant 0 : i32
    %dma_wait3A_89 = arith.constant 0 : i32
    %dma_wait3A_90 = tpu.memref_slice %arg9[%dma_wait3A_87, %dma_wait3A_88, %dma_wait3A_89] : memref<2x80x128xf32, #tpu.memory_space<vmem>> -> memref<1x80x128xf32, #tpu.memory_space<vmem>>
    %dma_wait3A_91 = tpu.memref_squeeze %dma_wait3A_90 : memref<1x80x128xf32, #tpu.memory_space<vmem>> -> memref<80x128xf32, #tpu.memory_space<vmem>>
    %dma_wait3A_92 = arith.constant 9920 : i32
    %dma_wait3A_93 = tpu.memref_slice %arg6[%dma_wait3A_92] : memref<10000xi32, #tpu.memory_space<vmem>> -> memref<80xi32, #tpu.memory_space<vmem>>
    %dma_wait3A_94 = arith.constant 0 : i32
    %dma_wait3A_95 = arith.constant 0 : i32
    %dma_wait3A_96 = tpu.memref_slice %arg2[%dma_wait3A_94, %dma_wait3A_95] : memref<10000x128xf32, #tpu.memory_space<hbm>> -> memref<10000x128xf32, #tpu.memory_space<hbm>>
    tpu.wait_indirect_dma semaphore(%arg12 : memref<!tpu.dma_semaphore, #tpu.memory_space<semaphore_mem>>) src(%dma_wait3A_96 : memref<10000x128xf32, #tpu.memory_space<hbm>>) dst(%dma_wait3A_91 : memref<80x128xf32, #tpu.memory_space<vmem>>)
    %barrier3A_97 = arith.constant 0 : index
    tpu.barrier barrier_id(%barrier3A_97)
    %mul3A_98 = arith.constant 640 : i32
    %mul3A_99 = arith.muli %arg1, %mul3A_98 : i32
    %mul3A_100 = arith.constant 640 : i32
    %mul3A_101 = arith.muli %arg1, %mul3A_100 : i32
    "tpu.region"() ({
      %run_scoped3A_102 = tpu.sem_alloc : memref<!tpu.dma_semaphore, #tpu.memory_space<semaphore_mem>>
      %dma_start3A_103 = arith.constant 0 : i32
      %dma_start3A_104 = arith.constant 0 : i32
      %dma_start3A_105 = tpu.memref_slice %arg5[%arg0, %dma_start3A_103, %dma_start3A_104] : memref<2x10240x128xf32, #tpu.memory_space<hbm>> -> memref<1x10240x128xf32, #tpu.memory_space<hbm>>
      %dma_start3A_106 = tpu.memref_squeeze %dma_start3A_105 : memref<1x10240x128xf32, #tpu.memory_space<hbm>> -> memref<10240x128xf32, #tpu.memory_space<hbm>>
      %dma_start3A_107 = arith.constant 0 : i32
      %dma_start3A_108 = tpu.memref_slice %dma_start3A_106[%mul3A_101, %dma_start3A_107] : memref<10240x128xf32, #tpu.memory_space<hbm>> -> memref<640x128xf32, #tpu.memory_space<hbm>>
      %dma_start3A_109 = arith.constant 0 : i32
      %dma_start3A_110 = tpu.memref_slice %arg10[%mul3A_99, %dma_start3A_109] : memref<10240x128xf32, #tpu.memory_space<vmem_shared>> -> memref<640x128xf32, #tpu.memory_space<vmem_shared>>
      tpu.enqueue_dma source(%dma_start3A_110 : memref<640x128xf32, #tpu.memory_space<vmem_shared>>) target(%dma_start3A_108 : memref<640x128xf32, #tpu.memory_space<hbm>>) target_semaphore(%run_scoped3A_102 : memref<!tpu.dma_semaphore, #tpu.memory_space<semaphore_mem>>)
      %dma_wait3A_111 = arith.constant 0 : i32
      %dma_wait3A_112 = arith.constant 0 : i32
      %dma_wait3A_113 = tpu.memref_slice %arg5[%arg0, %dma_wait3A_111, %dma_wait3A_112] : memref<2x10240x128xf32, #tpu.memory_space<hbm>> -> memref<1x10240x128xf32, #tpu.memory_space<hbm>>
      %dma_wait3A_114 = tpu.memref_squeeze %dma_wait3A_113 : memref<1x10240x128xf32, #tpu.memory_space<hbm>> -> memref<10240x128xf32, #tpu.memory_space<hbm>>
      %dma_wait3A_115 = arith.constant 0 : i32
      %dma_wait3A_116 = tpu.memref_slice %dma_wait3A_114[%mul3A_101, %dma_wait3A_115] : memref<10240x128xf32, #tpu.memory_space<hbm>> -> memref<640x128xf32, #tpu.memory_space<hbm>>
      %dma_wait3A_117 = arith.constant 0 : i32
      %dma_wait3A_118 = tpu.memref_slice %arg10[%mul3A_99, %dma_wait3A_117] : memref<10240x128xf32, #tpu.memory_space<vmem_shared>> -> memref<640x128xf32, #tpu.memory_space<vmem_shared>>
      tpu.wait_dma2 semaphore(%run_scoped3A_102 : memref<!tpu.dma_semaphore, #tpu.memory_space<semaphore_mem>>) src(%dma_wait3A_118 : memref<640x128xf32, #tpu.memory_space<vmem_shared>>) dst(%dma_wait3A_116 : memref<640x128xf32, #tpu.memory_space<hbm>>)
      tpu.yield
    }) : () -> ()
    return
  }
}

#map = affine_map<(d0, d1) -> (0, 0)>
#map1 = affine_map<(d0, d1) -> (0)>
#map2 = affine_map<(d0, d1) -> (0, 0, 0)>
module attributes {stable_mosaic.version = 14 : i64} {
  func.func @_sc_scatter_body(%arg0: i32, %arg1: i32, %arg2: memref<10000x128xf32, #tpu.memory_space<hbm>>, %arg3: memref<320000xi32, #tpu.memory_space<hbm>>, %arg4: memref<320000xi32, #tpu.memory_space<hbm>>, %arg5: memref<2x10240x128xf32, #tpu.memory_space<hbm>>, %arg6: memref<10000xi32, #tpu.memory_space<vmem>>, %arg7: memref<80xi32, #tpu.memory_space<vmem>>, %arg8: memref<80xi32, #tpu.memory_space<vmem>>, %arg9: memref<2x80x128xf32, #tpu.memory_space<vmem>>, %arg10: memref<10240x128xf32, #tpu.memory_space<vmem_shared>>, %arg11: memref<!tpu.dma_semaphore, #tpu.memory_space<semaphore_mem>>, %arg12: memref<!tpu.dma_semaphore, #tpu.memory_space<semaphore_mem>>) attributes {dimension_semantics = [#tpu.dimension_semantics<core_parallel>, #tpu.dimension_semantics<subcore_parallel>], iteration_bounds = array<i64: 2, 16>, scalar_prefetch = 0 : i64, scratch_operands = 7 : i64, tpu.core_type = #tpu.core_type<sc_vector_subcore>, window_params = [{transform_indices = #map}, {transform_indices = #map1}, {transform_indices = #map1}, {transform_indices = #map2}]} {
    %mul3A = arith.constant 2 : i32
    %mul3A_0 = arith.muli %arg1, %mul3A : i32
    %add3A = arith.addi %mul3A_0, %arg0 : i32
    %broadcast_in_dim3A = arith.constant 0.000000e+00 : f32
    %broadcast_in_dim3A_1 = vector.broadcast %broadcast_in_dim3A : f32 to vector<16xf32>
    %scan3A = arith.constant 0 : i32
    %scan3A_2 = arith.constant 0 : i32
    %scan3A_3 = arith.constant 80 : i32
    %scan3A_4 = arith.addi %scan3A_2, %scan3A_3 : i32
    %scan3A_5 = arith.constant 1 : i32
    scf.for %scan3A_102 = %scan3A_2 to %scan3A_4 step %scan3A_5  : i32 {
      %swap3A = arith.constant 0 : i32
      %swap3A_103 = arith.index_cast %swap3A : i32 to index
      %swap3A_104 = arith.index_cast %scan3A_102 : i32 to index
      %swap3A_105 = arith.constant 0 : index
      %swap3A_106 = tpu.vector_load %arg9[%swap3A_103, %swap3A_104, %swap3A_105] {strides = array<i32>} : memref<2x80x128xf32, #tpu.memory_space<vmem>>, vector<1x1x16xf32>,
      %swap3A_107 = vector.shape_cast %swap3A_106 : vector<1x1x16xf32> to vector<16xf32>
      %swap3A_108 = vector.shape_cast %broadcast_in_dim3A_1 : vector<16xf32> to vector<1x1x16xf32>
      tpu.vector_store %arg9[%swap3A_103, %swap3A_104, %swap3A_105], %swap3A_108 {strides = array<i32>} : memref<2x80x128xf32, #tpu.memory_space<vmem>>, vector<1x1x16xf32>,
      %swap3A_109 = arith.constant 0 : i32
      %swap3A_110 = arith.index_cast %swap3A_109 : i32 to index
      %swap3A_111 = arith.index_cast %scan3A_102 : i32 to index
      %swap3A_112 = arith.constant 16 : index
      %swap3A_113 = tpu.vector_load %arg9[%swap3A_110, %swap3A_111, %swap3A_112] {strides = array<i32>} : memref<2x80x128xf32, #tpu.memory_space<vmem>>, vector<1x1x16xf32>,
      %swap3A_114 = vector.shape_cast %swap3A_113 : vector<1x1x16xf32> to vector<16xf32>
      %swap3A_115 = vector.shape_cast %broadcast_in_dim3A_1 : vector<16xf32> to vector<1x1x16xf32>
      tpu.vector_store %arg9[%swap3A_110, %swap3A_111, %swap3A_112], %swap3A_115 {strides = array<i32>} : memref<2x80x128xf32, #tpu.memory_space<vmem>>, vector<1x1x16xf32>,
      %swap3A_116 = arith.constant 0 : i32
      %swap3A_117 = arith.index_cast %swap3A_116 : i32 to index
      %swap3A_118 = arith.index_cast %scan3A_102 : i32 to index
      %swap3A_119 = arith.constant 32 : index
      %swap3A_120 = tpu.vector_load %arg9[%swap3A_117, %swap3A_118, %swap3A_119] {strides = array<i32>} : memref<2x80x128xf32, #tpu.memory_space<vmem>>, vector<1x1x16xf32>,
      %swap3A_121 = vector.shape_cast %swap3A_120 : vector<1x1x16xf32> to vector<16xf32>
      %swap3A_122 = vector.shape_cast %broadcast_in_dim3A_1 : vector<16xf32> to vector<1x1x16xf32>
      tpu.vector_store %arg9[%swap3A_117, %swap3A_118, %swap3A_119], %swap3A_122 {strides = array<i32>} : memref<2x80x128xf32, #tpu.memory_space<vmem>>, vector<1x1x16xf32>,
      %swap3A_123 = arith.constant 0 : i32
      %swap3A_124 = arith.index_cast %swap3A_123 : i32 to index
      %swap3A_125 = arith.index_cast %scan3A_102 : i32 to index
      %swap3A_126 = arith.constant 48 : index
      %swap3A_127 = tpu.vector_load %arg9[%swap3A_124, %swap3A_125, %swap3A_126] {strides = array<i32>} : memref<2x80x128xf32, #tpu.memory_space<vmem>>, vector<1x1x16xf32>,
      %swap3A_128 = vector.shape_cast %swap3A_127 : vector<1x1x16xf32> to vector<16xf32>
      %swap3A_129 = vector.shape_cast %broadcast_in_dim3A_1 : vector<16xf32> to vector<1x1x16xf32>
      tpu.vector_store %arg9[%swap3A_124, %swap3A_125, %swap3A_126], %swap3A_129 {strides = array<i32>} : memref<2x80x128xf32, #tpu.memory_space<vmem>>, vector<1x1x16xf32>,
      %swap3A_130 = arith.constant 0 : i32
      %swap3A_131 = arith.index_cast %swap3A_130 : i32 to index
      %swap3A_132 = arith.index_cast %scan3A_102 : i32 to index
      %swap3A_133 = arith.constant 64 : index
      %swap3A_134 = tpu.vector_load %arg9[%swap3A_131, %swap3A_132, %swap3A_133] {strides = array<i32>} : memref<2x80x128xf32, #tpu.memory_space<vmem>>, vector<1x1x16xf32>,
      %swap3A_135 = vector.shape_cast %swap3A_134 : vector<1x1x16xf32> to vector<16xf32>
      %swap3A_136 = vector.shape_cast %broadcast_in_dim3A_1 : vector<16xf32> to vector<1x1x16xf32>
      tpu.vector_store %arg9[%swap3A_131, %swap3A_132, %swap3A_133], %swap3A_136 {strides = array<i32>} : memref<2x80x128xf32, #tpu.memory_space<vmem>>, vector<1x1x16xf32>,
      %swap3A_137 = arith.constant 0 : i32
      %swap3A_138 = arith.index_cast %swap3A_137 : i32 to index
      %swap3A_139 = arith.index_cast %scan3A_102 : i32 to index
      %swap3A_140 = arith.constant 80 : index
      %swap3A_141 = tpu.vector_load %arg9[%swap3A_138, %swap3A_139, %swap3A_140] {strides = array<i32>} : memref<2x80x128xf32, #tpu.memory_space<vmem>>, vector<1x1x16xf32>,
      %swap3A_142 = vector.shape_cast %swap3A_141 : vector<1x1x16xf32> to vector<16xf32>
      %swap3A_143 = vector.shape_cast %broadcast_in_dim3A_1 : vector<16xf32> to vector<1x1x16xf32>
      tpu.vector_store %arg9[%swap3A_138, %swap3A_139, %swap3A_140], %swap3A_143 {strides = array<i32>} : memref<2x80x128xf32, #tpu.memory_space<vmem>>, vector<1x1x16xf32>,
      %swap3A_144 = arith.constant 0 : i32
      %swap3A_145 = arith.index_cast %swap3A_144 : i32 to index
      %swap3A_146 = arith.index_cast %scan3A_102 : i32 to index
      %swap3A_147 = arith.constant 96 : index
      %swap3A_148 = tpu.vector_load %arg9[%swap3A_145, %swap3A_146, %swap3A_147] {strides = array<i32>} : memref<2x80x128xf32, #tpu.memory_space<vmem>>, vector<1x1x16xf32>,
      %swap3A_149 = vector.shape_cast %swap3A_148 : vector<1x1x16xf32> to vector<16xf32>
      %swap3A_150 = vector.shape_cast %broadcast_in_dim3A_1 : vector<16xf32> to vector<1x1x16xf32>
      tpu.vector_store %arg9[%swap3A_145, %swap3A_146, %swap3A_147], %swap3A_150 {strides = array<i32>} : memref<2x80x128xf32, #tpu.memory_space<vmem>>, vector<1x1x16xf32>,
      %swap3A_151 = arith.constant 0 : i32
      %swap3A_152 = arith.index_cast %swap3A_151 : i32 to index
      %swap3A_153 = arith.index_cast %scan3A_102 : i32 to index
      %swap3A_154 = arith.constant 112 : index
      %swap3A_155 = tpu.vector_load %arg9[%swap3A_152, %swap3A_153, %swap3A_154] {strides = array<i32>} : memref<2x80x128xf32, #tpu.memory_space<vmem>>, vector<1x1x16xf32>,
      %swap3A_156 = vector.shape_cast %swap3A_155 : vector<1x1x16xf32> to vector<16xf32>
      %swap3A_157 = vector.shape_cast %broadcast_in_dim3A_1 : vector<16xf32> to vector<1x1x16xf32>
      tpu.vector_store %arg9[%swap3A_152, %swap3A_153, %swap3A_154], %swap3A_157 {strides = array<i32>} : memref<2x80x128xf32, #tpu.memory_space<vmem>>, vector<1x1x16xf32>,
    }
    %scan3A_6 = arith.constant 80 : i32
    %mul3A_7 = arith.constant 640 : i32
    %mul3A_8 = arith.muli %arg1, %mul3A_7 : i32
    %add3A_9 = arith.constant 0 : i32
    %add3A_10 = arith.addi %mul3A_8, %add3A_9 : i32
    %run_scoped3A = arith.constant 0 : i32
    "tpu.region"() ({
      %run_scoped3A_102 = tpu.sem_alloc : memref<!tpu.dma_semaphore, #tpu.memory_space<semaphore_mem>>
      %dma_start3A_103 = arith.constant 0 : i32
      %dma_start3A_104 = arith.constant 0 : i32
      %dma_start3A_105 = tpu.memref_slice %arg9[%run_scoped3A, %dma_start3A_103, %dma_start3A_104] : memref<2x80x128xf32, #tpu.memory_space<vmem>> -> memref<1x80x128xf32, #tpu.memory_space<vmem>>
      %dma_start3A_106 = tpu.memref_squeeze %dma_start3A_105 : memref<1x80x128xf32, #tpu.memory_space<vmem>> -> memref<80x128xf32, #tpu.memory_space<vmem>>
      %dma_start3A_107 = arith.constant 0 : i32
      %dma_start3A_108 = tpu.memref_slice %arg10[%add3A_10, %dma_start3A_107] : memref<10240x128xf32, #tpu.memory_space<vmem_shared>> -> memref<80x128xf32, #tpu.memory_space<vmem_shared>>
      %dma_start3A_109 = arith.constant 0 : i32
      %dma_start3A_110 = tpu.memref_slice %arg10[%add3A_10, %dma_start3A_109] : memref<10240x128xf32, #tpu.memory_space<vmem_shared>> -> memref<80x128xf32, #tpu.memory_space<vmem_shared>>
      %dma_start3A_111 = arith.constant 0 : i32
      %dma_start3A_112 = arith.constant 0 : i32
      %dma_start3A_113 = tpu.memref_slice %arg9[%run_scoped3A, %dma_start3A_111, %dma_start3A_112] : memref<2x80x128xf32, #tpu.memory_space<vmem>> -> memref<1x80x128xf32, #tpu.memory_space<vmem>>
      %dma_start3A_114 = tpu.memref_squeeze %dma_start3A_113 : memref<1x80x128xf32, #tpu.memory_space<vmem>> -> memref<80x128xf32, #tpu.memory_space<vmem>>
      tpu.enqueue_dma source(%dma_start3A_114 : memref<80x128xf32, #tpu.memory_space<vmem>>) target(%dma_start3A_110 : memref<80x128xf32, #tpu.memory_space<vmem_shared>>) target_semaphore(%run_scoped3A_102 : memref<!tpu.dma_semaphore, #tpu.memory_space<semaphore_mem>>)
      %dma_wait3A_115 = arith.constant 0 : i32
      %dma_wait3A_116 = arith.constant 0 : i32
      %dma_wait3A_117 = tpu.memref_slice %arg9[%run_scoped3A, %dma_wait3A_115, %dma_wait3A_116] : memref<2x80x128xf32, #tpu.memory_space<vmem>> -> memref<1x80x128xf32, #tpu.memory_space<vmem>>
      %dma_wait3A_118 = tpu.memref_squeeze %dma_wait3A_117 : memref<1x80x128xf32, #tpu.memory_space<vmem>> -> memref<80x128xf32, #tpu.memory_space<vmem>>
      %dma_wait3A_119 = arith.constant 0 : i32
      %dma_wait3A_120 = tpu.memref_slice %arg10[%add3A_10, %dma_wait3A_119] : memref<10240x128xf32, #tpu.memory_space<vmem_shared>> -> memref<80x128xf32, #tpu.memory_space<vmem_shared>>
      %dma_wait3A_121 = arith.constant 0 : i32
      %dma_wait3A_122 = tpu.memref_slice %arg10[%add3A_10, %dma_wait3A_121] : memref<10240x128xf32, #tpu.memory_space<vmem_shared>> -> memref<80x128xf32, #tpu.memory_space<vmem_shared>>
      %dma_wait3A_123 = arith.constant 0 : i32
      %dma_wait3A_124 = arith.constant 0 : i32
      %dma_wait3A_125 = tpu.memref_slice %arg9[%run_scoped3A, %dma_wait3A_123, %dma_wait3A_124] : memref<2x80x128xf32, #tpu.memory_space<vmem>> -> memref<1x80x128xf32, #tpu.memory_space<vmem>>
      %dma_wait3A_126 = tpu.memref_squeeze %dma_wait3A_125 : memref<1x80x128xf32, #tpu.memory_space<vmem>> -> memref<80x128xf32, #tpu.memory_space<vmem>>
      tpu.wait_dma2 semaphore(%run_scoped3A_102 : memref<!tpu.dma_semaphore, #tpu.memory_space<semaphore_mem>>) src(%dma_wait3A_126 : memref<80x128xf32, #tpu.memory_space<vmem>>) dst(%dma_wait3A_122 : memref<80x128xf32, #tpu.memory_space<vmem_shared>>)
      tpu.yield
    }) : () -> ()
    %mul3A_11 = arith.constant 640 : i32
    %mul3A_12 = arith.muli %arg1, %mul3A_11 : i32
    %add3A_13 = arith.constant 80 : i32
    %add3A_14 = arith.addi %mul3A_12, %add3A_13 : i32
    %run_scoped3A_15 = arith.constant 0 : i32
    "tpu.region"() ({
      %run_scoped3A_102 = tpu.sem_alloc : memref<!tpu.dma_semaphore, #tpu.memory_space<semaphore_mem>>
      %dma_start3A_103 = arith.constant 0 : i32
      %dma_start3A_104 = arith.constant 0 : i32
      %dma_start3A_105 = tpu.memref_slice %arg9[%run_scoped3A_15, %dma_start3A_103, %dma_start3A_104] : memref<2x80x128xf32, #tpu.memory_space<vmem>> -> memref<1x80x128xf32, #tpu.memory_space<vmem>>
      %dma_start3A_106 = tpu.memref_squeeze %dma_start3A_105 : memref<1x80x128xf32, #tpu.memory_space<vmem>> -> memref<80x128xf32, #tpu.memory_space<vmem>>
      %dma_start3A_107 = arith.constant 0 : i32
      %dma_start3A_108 = tpu.memref_slice %arg10[%add3A_14, %dma_start3A_107] : memref<10240x128xf32, #tpu.memory_space<vmem_shared>> -> memref<80x128xf32, #tpu.memory_space<vmem_shared>>
      %dma_start3A_109 = arith.constant 0 : i32
      %dma_start3A_110 = tpu.memref_slice %arg10[%add3A_14, %dma_start3A_109] : memref<10240x128xf32, #tpu.memory_space<vmem_shared>> -> memref<80x128xf32, #tpu.memory_space<vmem_shared>>
      %dma_start3A_111 = arith.constant 0 : i32
      %dma_start3A_112 = arith.constant 0 : i32
      %dma_start3A_113 = tpu.memref_slice %arg9[%run_scoped3A_15, %dma_start3A_111, %dma_start3A_112] : memref<2x80x128xf32, #tpu.memory_space<vmem>> -> memref<1x80x128xf32, #tpu.memory_space<vmem>>
      %dma_start3A_114 = tpu.memref_squeeze %dma_start3A_113 : memref<1x80x128xf32, #tpu.memory_space<vmem>> -> memref<80x128xf32, #tpu.memory_space<vmem>>
      tpu.enqueue_dma source(%dma_start3A_114 : memref<80x128xf32, #tpu.memory_space<vmem>>) target(%dma_start3A_110 : memref<80x128xf32, #tpu.memory_space<vmem_shared>>) target_semaphore(%run_scoped3A_102 : memref<!tpu.dma_semaphore, #tpu.memory_space<semaphore_mem>>)
      %dma_wait3A_115 = arith.constant 0 : i32
      %dma_wait3A_116 = arith.constant 0 : i32
      %dma_wait3A_117 = tpu.memref_slice %arg9[%run_scoped3A_15, %dma_wait3A_115, %dma_wait3A_116] : memref<2x80x128xf32, #tpu.memory_space<vmem>> -> memref<1x80x128xf32, #tpu.memory_space<vmem>>
      %dma_wait3A_118 = tpu.memref_squeeze %dma_wait3A_117 : memref<1x80x128xf32, #tpu.memory_space<vmem>> -> memref<80x128xf32, #tpu.memory_space<vmem>>
      %dma_wait3A_119 = arith.constant 0 : i32
      %dma_wait3A_120 = tpu.memref_slice %arg10[%add3A_14, %dma_wait3A_119] : memref<10240x128xf32, #tpu.memory_space<vmem_shared>> -> memref<80x128xf32, #tpu.memory_space<vmem_shared>>
      %dma_wait3A_121 = arith.constant 0 : i32
      %dma_wait3A_122 = tpu.memref_slice %arg10[%add3A_14, %dma_wait3A_121] : memref<10240x128xf32, #tpu.memory_space<vmem_shared>> -> memref<80x128xf32, #tpu.memory_space<vmem_shared>>
      %dma_wait3A_123 = arith.constant 0 : i32
      %dma_wait3A_124 = arith.constant 0 : i32
      %dma_wait3A_125 = tpu.memref_slice %arg9[%run_scoped3A_15, %dma_wait3A_123, %dma_wait3A_124] : memref<2x80x128xf32, #tpu.memory_space<vmem>> -> memref<1x80x128xf32, #tpu.memory_space<vmem>>
      %dma_wait3A_126 = tpu.memref_squeeze %dma_wait3A_125 : memref<1x80x128xf32, #tpu.memory_space<vmem>> -> memref<80x128xf32, #tpu.memory_space<vmem>>
      tpu.wait_dma2 semaphore(%run_scoped3A_102 : memref<!tpu.dma_semaphore, #tpu.memory_space<semaphore_mem>>) src(%dma_wait3A_126 : memref<80x128xf32, #tpu.memory_space<vmem>>) dst(%dma_wait3A_122 : memref<80x128xf32, #tpu.memory_space<vmem_shared>>)
      tpu.yield
    }) : () -> ()
    %mul3A_16 = arith.constant 640 : i32
    %mul3A_17 = arith.muli %arg1, %mul3A_16 : i32
    %add3A_18 = arith.constant 160 : i32
    %add3A_19 = arith.addi %mul3A_17, %add3A_18 : i32
    %run_scoped3A_20 = arith.constant 0 : i32
    "tpu.region"() ({
      %run_scoped3A_102 = tpu.sem_alloc : memref<!tpu.dma_semaphore, #tpu.memory_space<semaphore_mem>>
      %dma_start3A_103 = arith.constant 0 : i32
      %dma_start3A_104 = arith.constant 0 : i32
      %dma_start3A_105 = tpu.memref_slice %arg9[%run_scoped3A_20, %dma_start3A_103, %dma_start3A_104] : memref<2x80x128xf32, #tpu.memory_space<vmem>> -> memref<1x80x128xf32, #tpu.memory_space<vmem>>
      %dma_start3A_106 = tpu.memref_squeeze %dma_start3A_105 : memref<1x80x128xf32, #tpu.memory_space<vmem>> -> memref<80x128xf32, #tpu.memory_space<vmem>>
      %dma_start3A_107 = arith.constant 0 : i32
      %dma_start3A_108 = tpu.memref_slice %arg10[%add3A_19, %dma_start3A_107] : memref<10240x128xf32, #tpu.memory_space<vmem_shared>> -> memref<80x128xf32, #tpu.memory_space<vmem_shared>>
      %dma_start3A_109 = arith.constant 0 : i32
      %dma_start3A_110 = tpu.memref_slice %arg10[%add3A_19, %dma_start3A_109] : memref<10240x128xf32, #tpu.memory_space<vmem_shared>> -> memref<80x128xf32, #tpu.memory_space<vmem_shared>>
      %dma_start3A_111 = arith.constant 0 : i32
      %dma_start3A_112 = arith.constant 0 : i32
      %dma_start3A_113 = tpu.memref_slice %arg9[%run_scoped3A_20, %dma_start3A_111, %dma_start3A_112] : memref<2x80x128xf32, #tpu.memory_space<vmem>> -> memref<1x80x128xf32, #tpu.memory_space<vmem>>
      %dma_start3A_114 = tpu.memref_squeeze %dma_start3A_113 : memref<1x80x128xf32, #tpu.memory_space<vmem>> -> memref<80x128xf32, #tpu.memory_space<vmem>>
      tpu.enqueue_dma source(%dma_start3A_114 : memref<80x128xf32, #tpu.memory_space<vmem>>) target(%dma_start3A_110 : memref<80x128xf32, #tpu.memory_space<vmem_shared>>) target_semaphore(%run_scoped3A_102 : memref<!tpu.dma_semaphore, #tpu.memory_space<semaphore_mem>>)
      %dma_wait3A_115 = arith.constant 0 : i32
      %dma_wait3A_116 = arith.constant 0 : i32
      %dma_wait3A_117 = tpu.memref_slice %arg9[%run_scoped3A_20, %dma_wait3A_115, %dma_wait3A_116] : memref<2x80x128xf32, #tpu.memory_space<vmem>> -> memref<1x80x128xf32, #tpu.memory_space<vmem>>
      %dma_wait3A_118 = tpu.memref_squeeze %dma_wait3A_117 : memref<1x80x128xf32, #tpu.memory_space<vmem>> -> memref<80x128xf32, #tpu.memory_space<vmem>>
      %dma_wait3A_119 = arith.constant 0 : i32
      %dma_wait3A_120 = tpu.memref_slice %arg10[%add3A_19, %dma_wait3A_119] : memref<10240x128xf32, #tpu.memory_space<vmem_shared>> -> memref<80x128xf32, #tpu.memory_space<vmem_shared>>
      %dma_wait3A_121 = arith.constant 0 : i32
      %dma_wait3A_122 = tpu.memref_slice %arg10[%add3A_19, %dma_wait3A_121] : memref<10240x128xf32, #tpu.memory_space<vmem_shared>> -> memref<80x128xf32, #tpu.memory_space<vmem_shared>>
      %dma_wait3A_123 = arith.constant 0 : i32
      %dma_wait3A_124 = arith.constant 0 : i32
      %dma_wait3A_125 = tpu.memref_slice %arg9[%run_scoped3A_20, %dma_wait3A_123, %dma_wait3A_124] : memref<2x80x128xf32, #tpu.memory_space<vmem>> -> memref<1x80x128xf32, #tpu.memory_space<vmem>>
      %dma_wait3A_126 = tpu.memref_squeeze %dma_wait3A_125 : memref<1x80x128xf32, #tpu.memory_space<vmem>> -> memref<80x128xf32, #tpu.memory_space<vmem>>
      tpu.wait_dma2 semaphore(%run_scoped3A_102 : memref<!tpu.dma_semaphore, #tpu.memory_space<semaphore_mem>>) src(%dma_wait3A_126 : memref<80x128xf32, #tpu.memory_space<vmem>>) dst(%dma_wait3A_122 : memref<80x128xf32, #tpu.memory_space<vmem_shared>>)
      tpu.yield
    }) : () -> ()
    %mul3A_21 = arith.constant 640 : i32
    %mul3A_22 = arith.muli %arg1, %mul3A_21 : i32
    %add3A_23 = arith.constant 240 : i32
    %add3A_24 = arith.addi %mul3A_22, %add3A_23 : i32
    %run_scoped3A_25 = arith.constant 0 : i32
    "tpu.region"() ({
      %run_scoped3A_102 = tpu.sem_alloc : memref<!tpu.dma_semaphore, #tpu.memory_space<semaphore_mem>>
      %dma_start3A_103 = arith.constant 0 : i32
      %dma_start3A_104 = arith.constant 0 : i32
      %dma_start3A_105 = tpu.memref_slice %arg9[%run_scoped3A_25, %dma_start3A_103, %dma_start3A_104] : memref<2x80x128xf32, #tpu.memory_space<vmem>> -> memref<1x80x128xf32, #tpu.memory_space<vmem>>
      %dma_start3A_106 = tpu.memref_squeeze %dma_start3A_105 : memref<1x80x128xf32, #tpu.memory_space<vmem>> -> memref<80x128xf32, #tpu.memory_space<vmem>>
      %dma_start3A_107 = arith.constant 0 : i32
      %dma_start3A_108 = tpu.memref_slice %arg10[%add3A_24, %dma_start3A_107] : memref<10240x128xf32, #tpu.memory_space<vmem_shared>> -> memref<80x128xf32, #tpu.memory_space<vmem_shared>>
      %dma_start3A_109 = arith.constant 0 : i32
      %dma_start3A_110 = tpu.memref_slice %arg10[%add3A_24, %dma_start3A_109] : memref<10240x128xf32, #tpu.memory_space<vmem_shared>> -> memref<80x128xf32, #tpu.memory_space<vmem_shared>>
      %dma_start3A_111 = arith.constant 0 : i32
      %dma_start3A_112 = arith.constant 0 : i32
      %dma_start3A_113 = tpu.memref_slice %arg9[%run_scoped3A_25, %dma_start3A_111, %dma_start3A_112] : memref<2x80x128xf32, #tpu.memory_space<vmem>> -> memref<1x80x128xf32, #tpu.memory_space<vmem>>
      %dma_start3A_114 = tpu.memref_squeeze %dma_start3A_113 : memref<1x80x128xf32, #tpu.memory_space<vmem>> -> memref<80x128xf32, #tpu.memory_space<vmem>>
      tpu.enqueue_dma source(%dma_start3A_114 : memref<80x128xf32, #tpu.memory_space<vmem>>) target(%dma_start3A_110 : memref<80x128xf32, #tpu.memory_space<vmem_shared>>) target_semaphore(%run_scoped3A_102 : memref<!tpu.dma_semaphore, #tpu.memory_space<semaphore_mem>>)
      %dma_wait3A_115 = arith.constant 0 : i32
      %dma_wait3A_116 = arith.constant 0 : i32
      %dma_wait3A_117 = tpu.memref_slice %arg9[%run_scoped3A_25, %dma_wait3A_115, %dma_wait3A_116] : memref<2x80x128xf32, #tpu.memory_space<vmem>> -> memref<1x80x128xf32, #tpu.memory_space<vmem>>
      %dma_wait3A_118 = tpu.memref_squeeze %dma_wait3A_117 : memref<1x80x128xf32, #tpu.memory_space<vmem>> -> memref<80x128xf32, #tpu.memory_space<vmem>>
      %dma_wait3A_119 = arith.constant 0 : i32
      %dma_wait3A_120 = tpu.memref_slice %arg10[%add3A_24, %dma_wait3A_119] : memref<10240x128xf32, #tpu.memory_space<vmem_shared>> -> memref<80x128xf32, #tpu.memory_space<vmem_shared>>
      %dma_wait3A_121 = arith.constant 0 : i32
      %dma_wait3A_122 = tpu.memref_slice %arg10[%add3A_24, %dma_wait3A_121] : memref<10240x128xf32, #tpu.memory_space<vmem_shared>> -> memref<80x128xf32, #tpu.memory_space<vmem_shared>>
      %dma_wait3A_123 = arith.constant 0 : i32
      %dma_wait3A_124 = arith.constant 0 : i32
      %dma_wait3A_125 = tpu.memref_slice %arg9[%run_scoped3A_25, %dma_wait3A_123, %dma_wait3A_124] : memref<2x80x128xf32, #tpu.memory_space<vmem>> -> memref<1x80x128xf32, #tpu.memory_space<vmem>>
      %dma_wait3A_126 = tpu.memref_squeeze %dma_wait3A_125 : memref<1x80x128xf32, #tpu.memory_space<vmem>> -> memref<80x128xf32, #tpu.memory_space<vmem>>
      tpu.wait_dma2 semaphore(%run_scoped3A_102 : memref<!tpu.dma_semaphore, #tpu.memory_space<semaphore_mem>>) src(%dma_wait3A_126 : memref<80x128xf32, #tpu.memory_space<vmem>>) dst(%dma_wait3A_122 : memref<80x128xf32, #tpu.memory_space<vmem_shared>>)
      tpu.yield
    }) : () -> ()
    %mul3A_26 = arith.constant 640 : i32
    %mul3A_27 = arith.muli %arg1, %mul3A_26 : i32
    %add3A_28 = arith.constant 320 : i32
    %add3A_29 = arith.addi %mul3A_27, %add3A_28 : i32
    %run_scoped3A_30 = arith.constant 0 : i32
    "tpu.region"() ({
      %run_scoped3A_102 = tpu.sem_alloc : memref<!tpu.dma_semaphore, #tpu.memory_space<semaphore_mem>>
      %dma_start3A_103 = arith.constant 0 : i32
      %dma_start3A_104 = arith.constant 0 : i32
      %dma_start3A_105 = tpu.memref_slice %arg9[%run_scoped3A_30, %dma_start3A_103, %dma_start3A_104] : memref<2x80x128xf32, #tpu.memory_space<vmem>> -> memref<1x80x128xf32, #tpu.memory_space<vmem>>
      %dma_start3A_106 = tpu.memref_squeeze %dma_start3A_105 : memref<1x80x128xf32, #tpu.memory_space<vmem>> -> memref<80x128xf32, #tpu.memory_space<vmem>>
      %dma_start3A_107 = arith.constant 0 : i32
      %dma_start3A_108 = tpu.memref_slice %arg10[%add3A_29, %dma_start3A_107] : memref<10240x128xf32, #tpu.memory_space<vmem_shared>> -> memref<80x128xf32, #tpu.memory_space<vmem_shared>>
      %dma_start3A_109 = arith.constant 0 : i32
      %dma_start3A_110 = tpu.memref_slice %arg10[%add3A_29, %dma_start3A_109] : memref<10240x128xf32, #tpu.memory_space<vmem_shared>> -> memref<80x128xf32, #tpu.memory_space<vmem_shared>>
      %dma_start3A_111 = arith.constant 0 : i32
      %dma_start3A_112 = arith.constant 0 : i32
      %dma_start3A_113 = tpu.memref_slice %arg9[%run_scoped3A_30, %dma_start3A_111, %dma_start3A_112] : memref<2x80x128xf32, #tpu.memory_space<vmem>> -> memref<1x80x128xf32, #tpu.memory_space<vmem>>
      %dma_start3A_114 = tpu.memref_squeeze %dma_start3A_113 : memref<1x80x128xf32, #tpu.memory_space<vmem>> -> memref<80x128xf32, #tpu.memory_space<vmem>>
      tpu.enqueue_dma source(%dma_start3A_114 : memref<80x128xf32, #tpu.memory_space<vmem>>) target(%dma_start3A_110 : memref<80x128xf32, #tpu.memory_space<vmem_shared>>) target_semaphore(%run_scoped3A_102 : memref<!tpu.dma_semaphore, #tpu.memory_space<semaphore_mem>>)
      %dma_wait3A_115 = arith.constant 0 : i32
      %dma_wait3A_116 = arith.constant 0 : i32
      %dma_wait3A_117 = tpu.memref_slice %arg9[%run_scoped3A_30, %dma_wait3A_115, %dma_wait3A_116] : memref<2x80x128xf32, #tpu.memory_space<vmem>> -> memref<1x80x128xf32, #tpu.memory_space<vmem>>
      %dma_wait3A_118 = tpu.memref_squeeze %dma_wait3A_117 : memref<1x80x128xf32, #tpu.memory_space<vmem>> -> memref<80x128xf32, #tpu.memory_space<vmem>>
      %dma_wait3A_119 = arith.constant 0 : i32
      %dma_wait3A_120 = tpu.memref_slice %arg10[%add3A_29, %dma_wait3A_119] : memref<10240x128xf32, #tpu.memory_space<vmem_shared>> -> memref<80x128xf32, #tpu.memory_space<vmem_shared>>
      %dma_wait3A_121 = arith.constant 0 : i32
      %dma_wait3A_122 = tpu.memref_slice %arg10[%add3A_29, %dma_wait3A_121] : memref<10240x128xf32, #tpu.memory_space<vmem_shared>> -> memref<80x128xf32, #tpu.memory_space<vmem_shared>>
      %dma_wait3A_123 = arith.constant 0 : i32
      %dma_wait3A_124 = arith.constant 0 : i32
      %dma_wait3A_125 = tpu.memref_slice %arg9[%run_scoped3A_30, %dma_wait3A_123, %dma_wait3A_124] : memref<2x80x128xf32, #tpu.memory_space<vmem>> -> memref<1x80x128xf32, #tpu.memory_space<vmem>>
      %dma_wait3A_126 = tpu.memref_squeeze %dma_wait3A_125 : memref<1x80x128xf32, #tpu.memory_space<vmem>> -> memref<80x128xf32, #tpu.memory_space<vmem>>
      tpu.wait_dma2 semaphore(%run_scoped3A_102 : memref<!tpu.dma_semaphore, #tpu.memory_space<semaphore_mem>>) src(%dma_wait3A_126 : memref<80x128xf32, #tpu.memory_space<vmem>>) dst(%dma_wait3A_122 : memref<80x128xf32, #tpu.memory_space<vmem_shared>>)
      tpu.yield
    }) : () -> ()
    %mul3A_31 = arith.constant 640 : i32
    %mul3A_32 = arith.muli %arg1, %mul3A_31 : i32
    %add3A_33 = arith.constant 400 : i32
    %add3A_34 = arith.addi %mul3A_32, %add3A_33 : i32
    %run_scoped3A_35 = arith.constant 0 : i32
    "tpu.region"() ({
      %run_scoped3A_102 = tpu.sem_alloc : memref<!tpu.dma_semaphore, #tpu.memory_space<semaphore_mem>>
      %dma_start3A_103 = arith.constant 0 : i32
      %dma_start3A_104 = arith.constant 0 : i32
      %dma_start3A_105 = tpu.memref_slice %arg9[%run_scoped3A_35, %dma_start3A_103, %dma_start3A_104] : memref<2x80x128xf32, #tpu.memory_space<vmem>> -> memref<1x80x128xf32, #tpu.memory_space<vmem>>
      %dma_start3A_106 = tpu.memref_squeeze %dma_start3A_105 : memref<1x80x128xf32, #tpu.memory_space<vmem>> -> memref<80x128xf32, #tpu.memory_space<vmem>>
      %dma_start3A_107 = arith.constant 0 : i32
      %dma_start3A_108 = tpu.memref_slice %arg10[%add3A_34, %dma_start3A_107] : memref<10240x128xf32, #tpu.memory_space<vmem_shared>> -> memref<80x128xf32, #tpu.memory_space<vmem_shared>>
      %dma_start3A_109 = arith.constant 0 : i32
      %dma_start3A_110 = tpu.memref_slice %arg10[%add3A_34, %dma_start3A_109] : memref<10240x128xf32, #tpu.memory_space<vmem_shared>> -> memref<80x128xf32, #tpu.memory_space<vmem_shared>>
      %dma_start3A_111 = arith.constant 0 : i32
      %dma_start3A_112 = arith.constant 0 : i32
      %dma_start3A_113 = tpu.memref_slice %arg9[%run_scoped3A_35, %dma_start3A_111, %dma_start3A_112] : memref<2x80x128xf32, #tpu.memory_space<vmem>> -> memref<1x80x128xf32, #tpu.memory_space<vmem>>
      %dma_start3A_114 = tpu.memref_squeeze %dma_start3A_113 : memref<1x80x128xf32, #tpu.memory_space<vmem>> -> memref<80x128xf32, #tpu.memory_space<vmem>>
      tpu.enqueue_dma source(%dma_start3A_114 : memref<80x128xf32, #tpu.memory_space<vmem>>) target(%dma_start3A_110 : memref<80x128xf32, #tpu.memory_space<vmem_shared>>) target_semaphore(%run_scoped3A_102 : memref<!tpu.dma_semaphore, #tpu.memory_space<semaphore_mem>>)
      %dma_wait3A_115 = arith.constant 0 : i32
      %dma_wait3A_116 = arith.constant 0 : i32
      %dma_wait3A_117 = tpu.memref_slice %arg9[%run_scoped3A_35, %dma_wait3A_115, %dma_wait3A_116] : memref<2x80x128xf32, #tpu.memory_space<vmem>> -> memref<1x80x128xf32, #tpu.memory_space<vmem>>
      %dma_wait3A_118 = tpu.memref_squeeze %dma_wait3A_117 : memref<1x80x128xf32, #tpu.memory_space<vmem>> -> memref<80x128xf32, #tpu.memory_space<vmem>>
      %dma_wait3A_119 = arith.constant 0 : i32
      %dma_wait3A_120 = tpu.memref_slice %arg10[%add3A_34, %dma_wait3A_119] : memref<10240x128xf32, #tpu.memory_space<vmem_shared>> -> memref<80x128xf32, #tpu.memory_space<vmem_shared>>
      %dma_wait3A_121 = arith.constant 0 : i32
      %dma_wait3A_122 = tpu.memref_slice %arg10[%add3A_34, %dma_wait3A_121] : memref<10240x128xf32, #tpu.memory_space<vmem_shared>> -> memref<80x128xf32, #tpu.memory_space<vmem_shared>>
      %dma_wait3A_123 = arith.constant 0 : i32
      %dma_wait3A_124 = arith.constant 0 : i32
      %dma_wait3A_125 = tpu.memref_slice %arg9[%run_scoped3A_35, %dma_wait3A_123, %dma_wait3A_124] : memref<2x80x128xf32, #tpu.memory_space<vmem>> -> memref<1x80x128xf32, #tpu.memory_space<vmem>>
      %dma_wait3A_126 = tpu.memref_squeeze %dma_wait3A_125 : memref<1x80x128xf32, #tpu.memory_space<vmem>> -> memref<80x128xf32, #tpu.memory_space<vmem>>
      tpu.wait_dma2 semaphore(%run_scoped3A_102 : memref<!tpu.dma_semaphore, #tpu.memory_space<semaphore_mem>>) src(%dma_wait3A_126 : memref<80x128xf32, #tpu.memory_space<vmem>>) dst(%dma_wait3A_122 : memref<80x128xf32, #tpu.memory_space<vmem_shared>>)
      tpu.yield
    }) : () -> ()
    %mul3A_36 = arith.constant 640 : i32
    %mul3A_37 = arith.muli %arg1, %mul3A_36 : i32
    %add3A_38 = arith.constant 480 : i32
    %add3A_39 = arith.addi %mul3A_37, %add3A_38 : i32
    %run_scoped3A_40 = arith.constant 0 : i32
    "tpu.region"() ({
      %run_scoped3A_102 = tpu.sem_alloc : memref<!tpu.dma_semaphore, #tpu.memory_space<semaphore_mem>>
      %dma_start3A_103 = arith.constant 0 : i32
      %dma_start3A_104 = arith.constant 0 : i32
      %dma_start3A_105 = tpu.memref_slice %arg9[%run_scoped3A_40, %dma_start3A_103, %dma_start3A_104] : memref<2x80x128xf32, #tpu.memory_space<vmem>> -> memref<1x80x128xf32, #tpu.memory_space<vmem>>
      %dma_start3A_106 = tpu.memref_squeeze %dma_start3A_105 : memref<1x80x128xf32, #tpu.memory_space<vmem>> -> memref<80x128xf32, #tpu.memory_space<vmem>>
      %dma_start3A_107 = arith.constant 0 : i32
      %dma_start3A_108 = tpu.memref_slice %arg10[%add3A_39, %dma_start3A_107] : memref<10240x128xf32, #tpu.memory_space<vmem_shared>> -> memref<80x128xf32, #tpu.memory_space<vmem_shared>>
      %dma_start3A_109 = arith.constant 0 : i32
      %dma_start3A_110 = tpu.memref_slice %arg10[%add3A_39, %dma_start3A_109] : memref<10240x128xf32, #tpu.memory_space<vmem_shared>> -> memref<80x128xf32, #tpu.memory_space<vmem_shared>>
      %dma_start3A_111 = arith.constant 0 : i32
      %dma_start3A_112 = arith.constant 0 : i32
      %dma_start3A_113 = tpu.memref_slice %arg9[%run_scoped3A_40, %dma_start3A_111, %dma_start3A_112] : memref<2x80x128xf32, #tpu.memory_space<vmem>> -> memref<1x80x128xf32, #tpu.memory_space<vmem>>
      %dma_start3A_114 = tpu.memref_squeeze %dma_start3A_113 : memref<1x80x128xf32, #tpu.memory_space<vmem>> -> memref<80x128xf32, #tpu.memory_space<vmem>>
      tpu.enqueue_dma source(%dma_start3A_114 : memref<80x128xf32, #tpu.memory_space<vmem>>) target(%dma_start3A_110 : memref<80x128xf32, #tpu.memory_space<vmem_shared>>) target_semaphore(%run_scoped3A_102 : memref<!tpu.dma_semaphore, #tpu.memory_space<semaphore_mem>>)
      %dma_wait3A_115 = arith.constant 0 : i32
      %dma_wait3A_116 = arith.constant 0 : i32
      %dma_wait3A_117 = tpu.memref_slice %arg9[%run_scoped3A_40, %dma_wait3A_115, %dma_wait3A_116] : memref<2x80x128xf32, #tpu.memory_space<vmem>> -> memref<1x80x128xf32, #tpu.memory_space<vmem>>
      %dma_wait3A_118 = tpu.memref_squeeze %dma_wait3A_117 : memref<1x80x128xf32, #tpu.memory_space<vmem>> -> memref<80x128xf32, #tpu.memory_space<vmem>>
      %dma_wait3A_119 = arith.constant 0 : i32
      %dma_wait3A_120 = tpu.memref_slice %arg10[%add3A_39, %dma_wait3A_119] : memref<10240x128xf32, #tpu.memory_space<vmem_shared>> -> memref<80x128xf32, #tpu.memory_space<vmem_shared>>
      %dma_wait3A_121 = arith.constant 0 : i32
      %dma_wait3A_122 = tpu.memref_slice %arg10[%add3A_39, %dma_wait3A_121] : memref<10240x128xf32, #tpu.memory_space<vmem_shared>> -> memref<80x128xf32, #tpu.memory_space<vmem_shared>>
      %dma_wait3A_123 = arith.constant 0 : i32
      %dma_wait3A_124 = arith.constant 0 : i32
      %dma_wait3A_125 = tpu.memref_slice %arg9[%run_scoped3A_40, %dma_wait3A_123, %dma_wait3A_124] : memref<2x80x128xf32, #tpu.memory_space<vmem>> -> memref<1x80x128xf32, #tpu.memory_space<vmem>>
      %dma_wait3A_126 = tpu.memref_squeeze %dma_wait3A_125 : memref<1x80x128xf32, #tpu.memory_space<vmem>> -> memref<80x128xf32, #tpu.memory_space<vmem>>
      tpu.wait_dma2 semaphore(%run_scoped3A_102 : memref<!tpu.dma_semaphore, #tpu.memory_space<semaphore_mem>>) src(%dma_wait3A_126 : memref<80x128xf32, #tpu.memory_space<vmem>>) dst(%dma_wait3A_122 : memref<80x128xf32, #tpu.memory_space<vmem_shared>>)
      tpu.yield
    }) : () -> ()
    %mul3A_41 = arith.constant 640 : i32
    %mul3A_42 = arith.muli %arg1, %mul3A_41 : i32
    %add3A_43 = arith.constant 560 : i32
    %add3A_44 = arith.addi %mul3A_42, %add3A_43 : i32
    %run_scoped3A_45 = arith.constant 0 : i32
    "tpu.region"() ({
      %run_scoped3A_102 = tpu.sem_alloc : memref<!tpu.dma_semaphore, #tpu.memory_space<semaphore_mem>>
      %dma_start3A_103 = arith.constant 0 : i32
      %dma_start3A_104 = arith.constant 0 : i32
      %dma_start3A_105 = tpu.memref_slice %arg9[%run_scoped3A_45, %dma_start3A_103, %dma_start3A_104] : memref<2x80x128xf32, #tpu.memory_space<vmem>> -> memref<1x80x128xf32, #tpu.memory_space<vmem>>
      %dma_start3A_106 = tpu.memref_squeeze %dma_start3A_105 : memref<1x80x128xf32, #tpu.memory_space<vmem>> -> memref<80x128xf32, #tpu.memory_space<vmem>>
      %dma_start3A_107 = arith.constant 0 : i32
      %dma_start3A_108 = tpu.memref_slice %arg10[%add3A_44, %dma_start3A_107] : memref<10240x128xf32, #tpu.memory_space<vmem_shared>> -> memref<80x128xf32, #tpu.memory_space<vmem_shared>>
      %dma_start3A_109 = arith.constant 0 : i32
      %dma_start3A_110 = tpu.memref_slice %arg10[%add3A_44, %dma_start3A_109] : memref<10240x128xf32, #tpu.memory_space<vmem_shared>> -> memref<80x128xf32, #tpu.memory_space<vmem_shared>>
      %dma_start3A_111 = arith.constant 0 : i32
      %dma_start3A_112 = arith.constant 0 : i32
      %dma_start3A_113 = tpu.memref_slice %arg9[%run_scoped3A_45, %dma_start3A_111, %dma_start3A_112] : memref<2x80x128xf32, #tpu.memory_space<vmem>> -> memref<1x80x128xf32, #tpu.memory_space<vmem>>
      %dma_start3A_114 = tpu.memref_squeeze %dma_start3A_113 : memref<1x80x128xf32, #tpu.memory_space<vmem>> -> memref<80x128xf32, #tpu.memory_space<vmem>>
      tpu.enqueue_dma source(%dma_start3A_114 : memref<80x128xf32, #tpu.memory_space<vmem>>) target(%dma_start3A_110 : memref<80x128xf32, #tpu.memory_space<vmem_shared>>) target_semaphore(%run_scoped3A_102 : memref<!tpu.dma_semaphore, #tpu.memory_space<semaphore_mem>>)
      %dma_wait3A_115 = arith.constant 0 : i32
      %dma_wait3A_116 = arith.constant 0 : i32
      %dma_wait3A_117 = tpu.memref_slice %arg9[%run_scoped3A_45, %dma_wait3A_115, %dma_wait3A_116] : memref<2x80x128xf32, #tpu.memory_space<vmem>> -> memref<1x80x128xf32, #tpu.memory_space<vmem>>
      %dma_wait3A_118 = tpu.memref_squeeze %dma_wait3A_117 : memref<1x80x128xf32, #tpu.memory_space<vmem>> -> memref<80x128xf32, #tpu.memory_space<vmem>>
      %dma_wait3A_119 = arith.constant 0 : i32
      %dma_wait3A_120 = tpu.memref_slice %arg10[%add3A_44, %dma_wait3A_119] : memref<10240x128xf32, #tpu.memory_space<vmem_shared>> -> memref<80x128xf32, #tpu.memory_space<vmem_shared>>
      %dma_wait3A_121 = arith.constant 0 : i32
      %dma_wait3A_122 = tpu.memref_slice %arg10[%add3A_44, %dma_wait3A_121] : memref<10240x128xf32, #tpu.memory_space<vmem_shared>> -> memref<80x128xf32, #tpu.memory_space<vmem_shared>>
      %dma_wait3A_123 = arith.constant 0 : i32
      %dma_wait3A_124 = arith.constant 0 : i32
      %dma_wait3A_125 = tpu.memref_slice %arg9[%run_scoped3A_45, %dma_wait3A_123, %dma_wait3A_124] : memref<2x80x128xf32, #tpu.memory_space<vmem>> -> memref<1x80x128xf32, #tpu.memory_space<vmem>>
      %dma_wait3A_126 = tpu.memref_squeeze %dma_wait3A_125 : memref<1x80x128xf32, #tpu.memory_space<vmem>> -> memref<80x128xf32, #tpu.memory_space<vmem>>
      tpu.wait_dma2 semaphore(%run_scoped3A_102 : memref<!tpu.dma_semaphore, #tpu.memory_space<semaphore_mem>>) src(%dma_wait3A_126 : memref<80x128xf32, #tpu.memory_space<vmem>>) dst(%dma_wait3A_122 : memref<80x128xf32, #tpu.memory_space<vmem_shared>>)
      tpu.yield
    }) : () -> ()
    %barrier3A = arith.constant 0 : index
    tpu.barrier barrier_id(%barrier3A)
    %mul3A_46 = arith.constant 10000 : i32
    %mul3A_47 = arith.muli %add3A, %mul3A_46 : i32
    "tpu.region"() ({
      %run_scoped3A_102 = tpu.sem_alloc : memref<!tpu.dma_semaphore, #tpu.memory_space<semaphore_mem>>
      %dma_start3A_103 = tpu.memref_slice %arg3[%mul3A_47] : memref<320000xi32, #tpu.memory_space<hbm>> -> memref<10000xi32, #tpu.memory_space<hbm>>
      %dma_start3A_104 = tpu.memref_slice %arg3[%mul3A_47] : memref<320000xi32, #tpu.memory_space<hbm>> -> memref<10000xi32, #tpu.memory_space<hbm>>
      tpu.enqueue_dma source(%dma_start3A_104 : memref<10000xi32, #tpu.memory_space<hbm>>) target(%arg6 : memref<10000xi32, #tpu.memory_space<vmem>>) target_semaphore(%run_scoped3A_102 : memref<!tpu.dma_semaphore, #tpu.memory_space<semaphore_mem>>)
      %dma_wait3A_105 = tpu.memref_slice %arg3[%mul3A_47] : memref<320000xi32, #tpu.memory_space<hbm>> -> memref<10000xi32, #tpu.memory_space<hbm>>
      %dma_wait3A_106 = tpu.memref_slice %arg3[%mul3A_47] : memref<320000xi32, #tpu.memory_space<hbm>> -> memref<10000xi32, #tpu.memory_space<hbm>>
      tpu.wait_dma2 semaphore(%run_scoped3A_102 : memref<!tpu.dma_semaphore, #tpu.memory_space<semaphore_mem>>) src(%dma_wait3A_106 : memref<10000xi32, #tpu.memory_space<hbm>>) dst(%arg6 : memref<10000xi32, #tpu.memory_space<vmem>>)
      tpu.yield
    }) : () -> ()
    %dma_start3A = arith.constant 0 : i32
    %dma_start3A_48 = arith.constant 0 : i32
    %dma_start3A_49 = arith.constant 0 : i32
    %dma_start3A_50 = tpu.memref_slice %arg9[%dma_start3A, %dma_start3A_48, %dma_start3A_49] : memref<2x80x128xf32, #tpu.memory_space<vmem>> -> memref<1x80x128xf32, #tpu.memory_space<vmem>>
    %dma_start3A_51 = tpu.memref_squeeze %dma_start3A_50 : memref<1x80x128xf32, #tpu.memory_space<vmem>> -> memref<80x128xf32, #tpu.memory_space<vmem>>
    %dma_start3A_52 = arith.constant 0 : i32
    %dma_start3A_53 = tpu.memref_slice %arg6[%dma_start3A_52] : memref<10000xi32, #tpu.memory_space<vmem>> -> memref<80xi32, #tpu.memory_space<vmem>>
    %dma_start3A_54 = arith.constant 0 : i32
    %dma_start3A_55 = arith.constant 0 : i32
    %dma_start3A_56 = tpu.memref_slice %arg2[%dma_start3A_54, %dma_start3A_55] : memref<10000x128xf32, #tpu.memory_space<hbm>> -> memref<10000x128xf32, #tpu.memory_space<hbm>>
    tpu.enqueue_indirect_dma source(%dma_start3A_56 : memref<10000x128xf32, #tpu.memory_space<hbm>>) target(%dma_start3A_51 : memref<80x128xf32, #tpu.memory_space<vmem>>) offsets(%dma_start3A_53 : memref<80xi32, #tpu.memory_space<vmem>>) semaphore(%arg11 : memref<!tpu.dma_semaphore, #tpu.memory_space<semaphore_mem>>)
    %dma_start3A_57 = arith.constant 1 : i32
    %dma_start3A_58 = arith.constant 0 : i32
    %dma_start3A_59 = arith.constant 0 : i32
    %dma_start3A_60 = tpu.memref_slice %arg9[%dma_start3A_57, %dma_start3A_58, %dma_start3A_59] : memref<2x80x128xf32, #tpu.memory_space<vmem>> -> memref<1x80x128xf32, #tpu.memory_space<vmem>>
    %dma_start3A_61 = tpu.memref_squeeze %dma_start3A_60 : memref<1x80x128xf32, #tpu.memory_space<vmem>> -> memref<80x128xf32, #tpu.memory_space<vmem>>
    %dma_start3A_62 = arith.constant 80 : i32
    %dma_start3A_63 = tpu.memref_slice %arg6[%dma_start3A_62] : memref<10000xi32, #tpu.memory_space<vmem>> -> memref<80xi32, #tpu.memory_space<vmem>>
    %dma_start3A_64 = arith.constant 0 : i32
    %dma_start3A_65 = arith.constant 0 : i32
    %dma_start3A_66 = tpu.memref_slice %arg2[%dma_start3A_64, %dma_start3A_65] : memref<10000x128xf32, #tpu.memory_space<hbm>> -> memref<10000x128xf32, #tpu.memory_space<hbm>>
    tpu.enqueue_indirect_dma source(%dma_start3A_66 : memref<10000x128xf32, #tpu.memory_space<hbm>>) target(%dma_start3A_61 : memref<80x128xf32, #tpu.memory_space<vmem>>) offsets(%dma_start3A_63 : memref<80xi32, #tpu.memory_space<vmem>>) semaphore(%arg12 : memref<!tpu.dma_semaphore, #tpu.memory_space<semaphore_mem>>)
    %scan3A_67 = arith.constant 0 : i32
    %scan3A_68 = arith.constant 0 : i32
    %scan3A_69 = arith.constant 62 : i32
    %scan3A_70 = arith.addi %scan3A_68, %scan3A_69 : i32
    %scan3A_71 = arith.constant 1 : i32
    scf.for %scan3A_102 = %scan3A_68 to %scan3A_70 step %scan3A_71  : i32 {
      %mul3A_103 = arith.constant 2 : i32
      %mul3A_104 = arith.muli %mul3A_103, %scan3A_102 : i32
      %mul3A_105 = arith.constant 80 : i32
      %mul3A_106 = arith.muli %mul3A_104, %mul3A_105 : i32
      %dma_wait3A_107 = arith.constant 0 : i32
      %dma_wait3A_108 = arith.constant 0 : i32
      %dma_wait3A_109 = arith.constant 0 : i32
      %dma_wait3A_110 = tpu.memref_slice %arg9[%dma_wait3A_107, %dma_wait3A_108, %dma_wait3A_109] : memref<2x80x128xf32, #tpu.memory_space<vmem>> -> memref<1x80x128xf32, #tpu.memory_space<vmem>>
      %dma_wait3A_111 = tpu.memref_squeeze %dma_wait3A_110 : memref<1x80x128xf32, #tpu.memory_space<vmem>> -> memref<80x128xf32, #tpu.memory_space<vmem>>
      %dma_wait3A_112 = tpu.memref_slice %arg6[%mul3A_106] : memref<10000xi32, #tpu.memory_space<vmem>> -> memref<80xi32, #tpu.memory_space<vmem>>
      %dma_wait3A_113 = arith.constant 0 : i32
      %dma_wait3A_114 = arith.constant 0 : i32
      %dma_wait3A_115 = tpu.memref_slice %arg2[%dma_wait3A_113, %dma_wait3A_114] : memref<10000x128xf32, #tpu.memory_space<hbm>> -> memref<10000x128xf32, #tpu.memory_space<hbm>>
      tpu.wait_indirect_dma semaphore(%arg11 : memref<!tpu.dma_semaphore, #tpu.memory_space<semaphore_mem>>) src(%dma_wait3A_115 : memref<10000x128xf32, #tpu.memory_space<hbm>>) dst(%dma_wait3A_111 : memref<80x128xf32, #tpu.memory_space<vmem>>)
      %mul3A_116 = arith.constant 10000 : i32
      %mul3A_117 = arith.muli %add3A, %mul3A_116 : i32
      %mul3A_118 = arith.constant 80 : i32
      %mul3A_119 = arith.muli %mul3A_104, %mul3A_118 : i32
      %add3A_120 = arith.addi %mul3A_117, %mul3A_119 : i32
      "tpu.region"() ({
        %run_scoped3A_170 = tpu.sem_alloc : memref<!tpu.dma_semaphore, #tpu.memory_space<semaphore_mem>>
        %dma_start3A_171 = tpu.memref_slice %arg4[%add3A_120] : memref<320000xi32, #tpu.memory_space<hbm>> -> memref<80xi32, #tpu.memory_space<hbm>>
        %dma_start3A_172 = tpu.memref_slice %arg4[%add3A_120] : memref<320000xi32, #tpu.memory_space<hbm>> -> memref<80xi32, #tpu.memory_space<hbm>>
        tpu.enqueue_dma source(%dma_start3A_172 : memref<80xi32, #tpu.memory_space<hbm>>) target(%arg7 : memref<80xi32, #tpu.memory_space<vmem>>) target_semaphore(%run_scoped3A_170 : memref<!tpu.dma_semaphore, #tpu.memory_space<semaphore_mem>>)
        %dma_wait3A_173 = tpu.memref_slice %arg4[%add3A_120] : memref<320000xi32, #tpu.memory_space<hbm>> -> memref<80xi32, #tpu.memory_space<hbm>>
        %dma_wait3A_174 = tpu.memref_slice %arg4[%add3A_120] : memref<320000xi32, #tpu.memory_space<hbm>> -> memref<80xi32, #tpu.memory_space<hbm>>
        tpu.wait_dma2 semaphore(%run_scoped3A_170 : memref<!tpu.dma_semaphore, #tpu.memory_space<semaphore_mem>>) src(%dma_wait3A_174 : memref<80xi32, #tpu.memory_space<hbm>>) dst(%arg7 : memref<80xi32, #tpu.memory_space<vmem>>)
        tpu.yield
      }) : () -> ()
      %run_scoped3A_121 = arith.constant 0 : i32
      "tpu.region"() ({
        %run_scoped3A_170 = tpu.sem_alloc : memref<!tpu.dma_semaphore, #tpu.memory_space<semaphore_mem>>
        %dma_start3A_171 = arith.constant 0 : i32
        %dma_start3A_172 = arith.constant 0 : i32
        %dma_start3A_173 = tpu.memref_slice %arg9[%run_scoped3A_121, %dma_start3A_171, %dma_start3A_172] : memref<2x80x128xf32, #tpu.memory_space<vmem>> -> memref<1x80x128xf32, #tpu.memory_space<vmem>>
        %dma_start3A_174 = tpu.memref_squeeze %dma_start3A_173 : memref<1x80x128xf32, #tpu.memory_space<vmem>> -> memref<80x128xf32, #tpu.memory_space<vmem>>
        %dma_start3A_175 = arith.constant 0 : i32
        %dma_start3A_176 = arith.constant 0 : i32
        %dma_start3A_177 = tpu.memref_slice %arg10[%dma_start3A_175, %dma_start3A_176] : memref<10240x128xf32, #tpu.memory_space<vmem_shared>> -> memref<10240x128xf32, #tpu.memory_space<vmem_shared>>
        tpu.enqueue_indirect_dma source(%dma_start3A_174 : memref<80x128xf32, #tpu.memory_space<vmem>>) target(%dma_start3A_177 : memref<10240x128xf32, #tpu.memory_space<vmem_shared>>) offsets(%arg7 : memref<80xi32, #tpu.memory_space<vmem>>) semaphore(%run_scoped3A_170 : memref<!tpu.dma_semaphore, #tpu.memory_space<semaphore_mem>>) {add = true}
        %dma_wait3A_178 = arith.constant 0 : i32
        %dma_wait3A_179 = arith.constant 0 : i32
        %dma_wait3A_180 = tpu.memref_slice %arg9[%run_scoped3A_121, %dma_wait3A_178, %dma_wait3A_179] : memref<2x80x128xf32, #tpu.memory_space<vmem>> -> memref<1x80x128xf32, #tpu.memory_space<vmem>>
        %dma_wait3A_181 = tpu.memref_squeeze %dma_wait3A_180 : memref<1x80x128xf32, #tpu.memory_space<vmem>> -> memref<80x128xf32, #tpu.memory_space<vmem>>
        %dma_wait3A_182 = arith.constant 0 : i32
        %dma_wait3A_183 = arith.constant 0 : i32
        %dma_wait3A_184 = tpu.memref_slice %arg10[%dma_wait3A_182, %dma_wait3A_183] : memref<10240x128xf32, #tpu.memory_space<vmem_shared>> -> memref<10240x128xf32, #tpu.memory_space<vmem_shared>>
        tpu.wait_indirect_dma semaphore(%run_scoped3A_170 : memref<!tpu.dma_semaphore, #tpu.memory_space<semaphore_mem>>) src(%dma_wait3A_181 : memref<80x128xf32, #tpu.memory_space<vmem>>) dst(%dma_wait3A_184 : memref<10240x128xf32, #tpu.memory_space<vmem_shared>>)
        tpu.yield
      }) : () -> ()
      %add3A_122 = arith.constant 2 : i32
      %add3A_123 = arith.addi %mul3A_104, %add3A_122 : i32
      %mul3A_124 = arith.constant 80 : i32
      %mul3A_125 = arith.muli %add3A_123, %mul3A_124 : i32
      %dma_start3A_126 = arith.constant 0 : i32
      %dma_start3A_127 = arith.constant 0 : i32
      %dma_start3A_128 = arith.constant 0 : i32
      %dma_start3A_129 = tpu.memref_slice %arg9[%dma_start3A_126, %dma_start3A_127, %dma_start3A_128] : memref<2x80x128xf32, #tpu.memory_space<vmem>> -> memref<1x80x128xf32, #tpu.memory_space<vmem>>
      %dma_start3A_130 = tpu.memref_squeeze %dma_start3A_129 : memref<1x80x128xf32, #tpu.memory_space<vmem>> -> memref<80x128xf32, #tpu.memory_space<vmem>>
      %dma_start3A_131 = tpu.memref_slice %arg6[%mul3A_125] : memref<10000xi32, #tpu.memory_space<vmem>> -> memref<80xi32, #tpu.memory_space<vmem>>
      %dma_start3A_132 = arith.constant 0 : i32
      %dma_start3A_133 = arith.constant 0 : i32
      %dma_start3A_134 = tpu.memref_slice %arg2[%dma_start3A_132, %dma_start3A_133] : memref<10000x128xf32, #tpu.memory_space<hbm>> -> memref<10000x128xf32, #tpu.memory_space<hbm>>
      tpu.enqueue_indirect_dma source(%dma_start3A_134 : memref<10000x128xf32, #tpu.memory_space<hbm>>) target(%dma_start3A_130 : memref<80x128xf32, #tpu.memory_space<vmem>>) offsets(%dma_start3A_131 : memref<80xi32, #tpu.memory_space<vmem>>) semaphore(%arg11 : memref<!tpu.dma_semaphore, #tpu.memory_space<semaphore_mem>>)
      %add3A_135 = arith.constant 1 : i32
      %add3A_136 = arith.addi %mul3A_104, %add3A_135 : i32
      %mul3A_137 = arith.constant 80 : i32
      %mul3A_138 = arith.muli %add3A_136, %mul3A_137 : i32
      %dma_wait3A_139 = arith.constant 1 : i32
      %dma_wait3A_140 = arith.constant 0 : i32
      %dma_wait3A_141 = arith.constant 0 : i32
      %dma_wait3A_142 = tpu.memref_slice %arg9[%dma_wait3A_139, %dma_wait3A_140, %dma_wait3A_141] : memref<2x80x128xf32, #tpu.memory_space<vmem>> -> memref<1x80x128xf32, #tpu.memory_space<vmem>>
      %dma_wait3A_143 = tpu.memref_squeeze %dma_wait3A_142 : memref<1x80x128xf32, #tpu.memory_space<vmem>> -> memref<80x128xf32, #tpu.memory_space<vmem>>
      %dma_wait3A_144 = tpu.memref_slice %arg6[%mul3A_138] : memref<10000xi32, #tpu.memory_space<vmem>> -> memref<80xi32, #tpu.memory_space<vmem>>
      %dma_wait3A_145 = arith.constant 0 : i32
      %dma_wait3A_146 = arith.constant 0 : i32
      %dma_wait3A_147 = tpu.memref_slice %arg2[%dma_wait3A_145, %dma_wait3A_146] : memref<10000x128xf32, #tpu.memory_space<hbm>> -> memref<10000x128xf32, #tpu.memory_space<hbm>>
      tpu.wait_indirect_dma semaphore(%arg12 : memref<!tpu.dma_semaphore, #tpu.memory_space<semaphore_mem>>) src(%dma_wait3A_147 : memref<10000x128xf32, #tpu.memory_space<hbm>>) dst(%dma_wait3A_143 : memref<80x128xf32, #tpu.memory_space<vmem>>)
      %add3A_148 = arith.constant 1 : i32
      %add3A_149 = arith.addi %mul3A_104, %add3A_148 : i32
      %mul3A_150 = arith.constant 10000 : i32
      %mul3A_151 = arith.muli %add3A, %mul3A_150 : i32
      %mul3A_152 = arith.constant 80 : i32
      %mul3A_153 = arith.muli %add3A_149, %mul3A_152 : i32
      %add3A_154 = arith.addi %mul3A_151, %mul3A_153 : i32
      "tpu.region"() ({
        %run_scoped3A_170 = tpu.sem_alloc : memref<!tpu.dma_semaphore, #tpu.memory_space<semaphore_mem>>
        %dma_start3A_171 = tpu.memref_slice %arg4[%add3A_154] : memref<320000xi32, #tpu.memory_space<hbm>> -> memref<80xi32, #tpu.memory_space<hbm>>
        %dma_start3A_172 = tpu.memref_slice %arg4[%add3A_154] : memref<320000xi32, #tpu.memory_space<hbm>> -> memref<80xi32, #tpu.memory_space<hbm>>
        tpu.enqueue_dma source(%dma_start3A_172 : memref<80xi32, #tpu.memory_space<hbm>>) target(%arg8 : memref<80xi32, #tpu.memory_space<vmem>>) target_semaphore(%run_scoped3A_170 : memref<!tpu.dma_semaphore, #tpu.memory_space<semaphore_mem>>)
        %dma_wait3A_173 = tpu.memref_slice %arg4[%add3A_154] : memref<320000xi32, #tpu.memory_space<hbm>> -> memref<80xi32, #tpu.memory_space<hbm>>
        %dma_wait3A_174 = tpu.memref_slice %arg4[%add3A_154] : memref<320000xi32, #tpu.memory_space<hbm>> -> memref<80xi32, #tpu.memory_space<hbm>>
        tpu.wait_dma2 semaphore(%run_scoped3A_170 : memref<!tpu.dma_semaphore, #tpu.memory_space<semaphore_mem>>) src(%dma_wait3A_174 : memref<80xi32, #tpu.memory_space<hbm>>) dst(%arg8 : memref<80xi32, #tpu.memory_space<vmem>>)
        tpu.yield
      }) : () -> ()
      %run_scoped3A_155 = arith.constant 1 : i32
      "tpu.region"() ({
        %run_scoped3A_170 = tpu.sem_alloc : memref<!tpu.dma_semaphore, #tpu.memory_space<semaphore_mem>>
        %dma_start3A_171 = arith.constant 0 : i32
        %dma_start3A_172 = arith.constant 0 : i32
        %dma_start3A_173 = tpu.memref_slice %arg9[%run_scoped3A_155, %dma_start3A_171, %dma_start3A_172] : memref<2x80x128xf32, #tpu.memory_space<vmem>> -> memref<1x80x128xf32, #tpu.memory_space<vmem>>
        %dma_start3A_174 = tpu.memref_squeeze %dma_start3A_173 : memref<1x80x128xf32, #tpu.memory_space<vmem>> -> memref<80x128xf32, #tpu.memory_space<vmem>>
        %dma_start3A_175 = arith.constant 0 : i32
        %dma_start3A_176 = arith.constant 0 : i32
        %dma_start3A_177 = tpu.memref_slice %arg10[%dma_start3A_175, %dma_start3A_176] : memref<10240x128xf32, #tpu.memory_space<vmem_shared>> -> memref<10240x128xf32, #tpu.memory_space<vmem_shared>>
        tpu.enqueue_indirect_dma source(%dma_start3A_174 : memref<80x128xf32, #tpu.memory_space<vmem>>) target(%dma_start3A_177 : memref<10240x128xf32, #tpu.memory_space<vmem_shared>>) offsets(%arg8 : memref<80xi32, #tpu.memory_space<vmem>>) semaphore(%run_scoped3A_170 : memref<!tpu.dma_semaphore, #tpu.memory_space<semaphore_mem>>) {add = true}
        %dma_wait3A_178 = arith.constant 0 : i32
        %dma_wait3A_179 = arith.constant 0 : i32
        %dma_wait3A_180 = tpu.memref_slice %arg9[%run_scoped3A_155, %dma_wait3A_178, %dma_wait3A_179] : memref<2x80x128xf32, #tpu.memory_space<vmem>> -> memref<1x80x128xf32, #tpu.memory_space<vmem>>
        %dma_wait3A_181 = tpu.memref_squeeze %dma_wait3A_180 : memref<1x80x128xf32, #tpu.memory_space<vmem>> -> memref<80x128xf32, #tpu.memory_space<vmem>>
        %dma_wait3A_182 = arith.constant 0 : i32
        %dma_wait3A_183 = arith.constant 0 : i32
        %dma_wait3A_184 = tpu.memref_slice %arg10[%dma_wait3A_182, %dma_wait3A_183] : memref<10240x128xf32, #tpu.memory_space<vmem_shared>> -> memref<10240x128xf32, #tpu.memory_space<vmem_shared>>
        tpu.wait_indirect_dma semaphore(%run_scoped3A_170 : memref<!tpu.dma_semaphore, #tpu.memory_space<semaphore_mem>>) src(%dma_wait3A_181 : memref<80x128xf32, #tpu.memory_space<vmem>>) dst(%dma_wait3A_184 : memref<10240x128xf32, #tpu.memory_space<vmem_shared>>)
        tpu.yield
      }) : () -> ()
      %add3A_156 = arith.constant 3 : i32
      %add3A_157 = arith.addi %mul3A_104, %add3A_156 : i32
      %min3A = arith.constant 124 : i32
      %min3A_158 = arith.minsi %add3A_157, %min3A : i32
      %mul3A_159 = arith.constant 80 : i32
      %mul3A_160 = arith.muli %min3A_158, %mul3A_159 : i32
      %dma_start3A_161 = arith.constant 1 : i32
      %dma_start3A_162 = arith.constant 0 : i32
      %dma_start3A_163 = arith.constant 0 : i32
      %dma_start3A_164 = tpu.memref_slice %arg9[%dma_start3A_161, %dma_start3A_162, %dma_start3A_163] : memref<2x80x128xf32, #tpu.memory_space<vmem>> -> memref<1x80x128xf32, #tpu.memory_space<vmem>>
      %dma_start3A_165 = tpu.memref_squeeze %dma_start3A_164 : memref<1x80x128xf32, #tpu.memory_space<vmem>> -> memref<80x128xf32, #tpu.memory_space<vmem>>
      %dma_start3A_166 = tpu.memref_slice %arg6[%mul3A_160] : memref<10000xi32, #tpu.memory_space<vmem>> -> memref<80xi32, #tpu.memory_space<vmem>>
      %dma_start3A_167 = arith.constant 0 : i32
      %dma_start3A_168 = arith.constant 0 : i32
      %dma_start3A_169 = tpu.memref_slice %arg2[%dma_start3A_167, %dma_start3A_168] : memref<10000x128xf32, #tpu.memory_space<hbm>> -> memref<10000x128xf32, #tpu.memory_space<hbm>>
      tpu.enqueue_indirect_dma source(%dma_start3A_169 : memref<10000x128xf32, #tpu.memory_space<hbm>>) target(%dma_start3A_165 : memref<80x128xf32, #tpu.memory_space<vmem>>) offsets(%dma_start3A_166 : memref<80xi32, #tpu.memory_space<vmem>>) semaphore(%arg12 : memref<!tpu.dma_semaphore, #tpu.memory_space<semaphore_mem>>)
    }
    %scan3A_72 = arith.constant 62 : i32
    %dma_wait3A = arith.constant 0 : i32
    %dma_wait3A_73 = arith.constant 0 : i32
    %dma_wait3A_74 = arith.constant 0 : i32
    %dma_wait3A_75 = tpu.memref_slice %arg9[%dma_wait3A, %dma_wait3A_73, %dma_wait3A_74] : memref<2x80x128xf32, #tpu.memory_space<vmem>> -> memref<1x80x128xf32, #tpu.memory_space<vmem>>
    %dma_wait3A_76 = tpu.memref_squeeze %dma_wait3A_75 : memref<1x80x128xf32, #tpu.memory_space<vmem>> -> memref<80x128xf32, #tpu.memory_space<vmem>>
    %dma_wait3A_77 = arith.constant 9920 : i32
    %dma_wait3A_78 = tpu.memref_slice %arg6[%dma_wait3A_77] : memref<10000xi32, #tpu.memory_space<vmem>> -> memref<80xi32, #tpu.memory_space<vmem>>
    %dma_wait3A_79 = arith.constant 0 : i32
    %dma_wait3A_80 = arith.constant 0 : i32
    %dma_wait3A_81 = tpu.memref_slice %arg2[%dma_wait3A_79, %dma_wait3A_80] : memref<10000x128xf32, #tpu.memory_space<hbm>> -> memref<10000x128xf32, #tpu.memory_space<hbm>>
    tpu.wait_indirect_dma semaphore(%arg11 : memref<!tpu.dma_semaphore, #tpu.memory_space<semaphore_mem>>) src(%dma_wait3A_81 : memref<10000x128xf32, #tpu.memory_space<hbm>>) dst(%dma_wait3A_76 : memref<80x128xf32, #tpu.memory_space<vmem>>)
    %mul3A_82 = arith.constant 10000 : i32
    %mul3A_83 = arith.muli %add3A, %mul3A_82 : i32
    %add3A_84 = arith.constant 9920 : i32
    %add3A_85 = arith.addi %mul3A_83, %add3A_84 : i32
    "tpu.region"() ({
      %run_scoped3A_102 = tpu.sem_alloc : memref<!tpu.dma_semaphore, #tpu.memory_space<semaphore_mem>>
      %dma_start3A_103 = tpu.memref_slice %arg4[%add3A_85] : memref<320000xi32, #tpu.memory_space<hbm>> -> memref<80xi32, #tpu.memory_space<hbm>>
      %dma_start3A_104 = tpu.memref_slice %arg4[%add3A_85] : memref<320000xi32, #tpu.memory_space<hbm>> -> memref<80xi32, #tpu.memory_space<hbm>>
      tpu.enqueue_dma source(%dma_start3A_104 : memref<80xi32, #tpu.memory_space<hbm>>) target(%arg7 : memref<80xi32, #tpu.memory_space<vmem>>) target_semaphore(%run_scoped3A_102 : memref<!tpu.dma_semaphore, #tpu.memory_space<semaphore_mem>>)
      %dma_wait3A_105 = tpu.memref_slice %arg4[%add3A_85] : memref<320000xi32, #tpu.memory_space<hbm>> -> memref<80xi32, #tpu.memory_space<hbm>>
      %dma_wait3A_106 = tpu.memref_slice %arg4[%add3A_85] : memref<320000xi32, #tpu.memory_space<hbm>> -> memref<80xi32, #tpu.memory_space<hbm>>
      tpu.wait_dma2 semaphore(%run_scoped3A_102 : memref<!tpu.dma_semaphore, #tpu.memory_space<semaphore_mem>>) src(%dma_wait3A_106 : memref<80xi32, #tpu.memory_space<hbm>>) dst(%arg7 : memref<80xi32, #tpu.memory_space<vmem>>)
      tpu.yield
    }) : () -> ()
    %run_scoped3A_86 = arith.constant 0 : i32
    "tpu.region"() ({
      %run_scoped3A_102 = tpu.sem_alloc : memref<!tpu.dma_semaphore, #tpu.memory_space<semaphore_mem>>
      %dma_start3A_103 = arith.constant 0 : i32
      %dma_start3A_104 = arith.constant 0 : i32
      %dma_start3A_105 = tpu.memref_slice %arg9[%run_scoped3A_86, %dma_start3A_103, %dma_start3A_104] : memref<2x80x128xf32, #tpu.memory_space<vmem>> -> memref<1x80x128xf32, #tpu.memory_space<vmem>>
      %dma_start3A_106 = tpu.memref_squeeze %dma_start3A_105 : memref<1x80x128xf32, #tpu.memory_space<vmem>> -> memref<80x128xf32, #tpu.memory_space<vmem>>
      %dma_start3A_107 = arith.constant 0 : i32
      %dma_start3A_108 = arith.constant 0 : i32
      %dma_start3A_109 = tpu.memref_slice %arg10[%dma_start3A_107, %dma_start3A_108] : memref<10240x128xf32, #tpu.memory_space<vmem_shared>> -> memref<10240x128xf32, #tpu.memory_space<vmem_shared>>
      tpu.enqueue_indirect_dma source(%dma_start3A_106 : memref<80x128xf32, #tpu.memory_space<vmem>>) target(%dma_start3A_109 : memref<10240x128xf32, #tpu.memory_space<vmem_shared>>) offsets(%arg7 : memref<80xi32, #tpu.memory_space<vmem>>) semaphore(%run_scoped3A_102 : memref<!tpu.dma_semaphore, #tpu.memory_space<semaphore_mem>>) {add = true}
      %dma_wait3A_110 = arith.constant 0 : i32
      %dma_wait3A_111 = arith.constant 0 : i32
      %dma_wait3A_112 = tpu.memref_slice %arg9[%run_scoped3A_86, %dma_wait3A_110, %dma_wait3A_111] : memref<2x80x128xf32, #tpu.memory_space<vmem>> -> memref<1x80x128xf32, #tpu.memory_space<vmem>>
      %dma_wait3A_113 = tpu.memref_squeeze %dma_wait3A_112 : memref<1x80x128xf32, #tpu.memory_space<vmem>> -> memref<80x128xf32, #tpu.memory_space<vmem>>
      %dma_wait3A_114 = arith.constant 0 : i32
      %dma_wait3A_115 = arith.constant 0 : i32
      %dma_wait3A_116 = tpu.memref_slice %arg10[%dma_wait3A_114, %dma_wait3A_115] : memref<10240x128xf32, #tpu.memory_space<vmem_shared>> -> memref<10240x128xf32, #tpu.memory_space<vmem_shared>>
      tpu.wait_indirect_dma semaphore(%run_scoped3A_102 : memref<!tpu.dma_semaphore, #tpu.memory_space<semaphore_mem>>) src(%dma_wait3A_113 : memref<80x128xf32, #tpu.memory_space<vmem>>) dst(%dma_wait3A_116 : memref<10240x128xf32, #tpu.memory_space<vmem_shared>>)
      tpu.yield
    }) : () -> ()
    %dma_wait3A_87 = arith.constant 1 : i32
    %dma_wait3A_88 = arith.constant 0 : i32
    %dma_wait3A_89 = arith.constant 0 : i32
    %dma_wait3A_90 = tpu.memref_slice %arg9[%dma_wait3A_87, %dma_wait3A_88, %dma_wait3A_89] : memref<2x80x128xf32, #tpu.memory_space<vmem>> -> memref<1x80x128xf32, #tpu.memory_space<vmem>>
    %dma_wait3A_91 = tpu.memref_squeeze %dma_wait3A_90 : memref<1x80x128xf32, #tpu.memory_space<vmem>> -> memref<80x128xf32, #tpu.memory_space<vmem>>
    %dma_wait3A_92 = arith.constant 9920 : i32
    %dma_wait3A_93 = tpu.memref_slice %arg6[%dma_wait3A_92] : memref<10000xi32, #tpu.memory_space<vmem>> -> memref<80xi32, #tpu.memory_space<vmem>>
    %dma_wait3A_94 = arith.constant 0 : i32
    %dma_wait3A_95 = arith.constant 0 : i32
    %dma_wait3A_96 = tpu.memref_slice %arg2[%dma_wait3A_94, %dma_wait3A_95] : memref<10000x128xf32, #tpu.memory_space<hbm>> -> memref<10000x128xf32, #tpu.memory_space<hbm>>
    tpu.wait_indirect_dma semaphore(%arg12 : memref<!tpu.dma_semaphore, #tpu.memory_space<semaphore_mem>>) src(%dma_wait3A_96 : memref<10000x128xf32, #tpu.memory_space<hbm>>) dst(%dma_wait3A_91 : memref<80x128xf32, #tpu.memory_space<vmem>>)
    %barrier3A_97 = arith.constant 0 : index
    tpu.barrier barrier_id(%barrier3A_97)
    %mul3A_98 = arith.constant 640 : i32
    %mul3A_99 = arith.muli %arg1, %mul3A_98 : i32
    %mul3A_100 = arith.constant 640 : i32
    %mul3A_101 = arith.muli %arg1, %mul3A_100 : i32
    "tpu.region"() ({
      %run_scoped3A_102 = tpu.sem_alloc : memref<!tpu.dma_semaphore, #tpu.memory_space<semaphore_mem>>
      %dma_start3A_103 = arith.constant 0 : i32
      %dma_start3A_104 = arith.constant 0 : i32
      %dma_start3A_105 = tpu.memref_slice %arg5[%arg0, %dma_start3A_103, %dma_start3A_104] : memref<2x10240x128xf32, #tpu.memory_space<hbm>> -> memref<1x10240x128xf32, #tpu.memory_space<hbm>>
      %dma_start3A_106 = tpu.memref_squeeze %dma_start3A_105 : memref<1x10240x128xf32, #tpu.memory_space<hbm>> -> memref<10240x128xf32, #tpu.memory_space<hbm>>
      %dma_start3A_107 = arith.constant 0 : i32
      %dma_start3A_108 = tpu.memref_slice %dma_start3A_106[%mul3A_101, %dma_start3A_107] : memref<10240x128xf32, #tpu.memory_space<hbm>> -> memref<640x128xf32, #tpu.memory_space<hbm>>
      %dma_start3A_109 = arith.constant 0 : i32
      %dma_start3A_110 = tpu.memref_slice %arg10[%mul3A_99, %dma_start3A_109] : memref<10240x128xf32, #tpu.memory_space<vmem_shared>> -> memref<640x128xf32, #tpu.memory_space<vmem_shared>>
      tpu.enqueue_dma source(%dma_start3A_110 : memref<640x128xf32, #tpu.memory_space<vmem_shared>>) target(%dma_start3A_108 : memref<640x128xf32, #tpu.memory_space<hbm>>) target_semaphore(%run_scoped3A_102 : memref<!tpu.dma_semaphore, #tpu.memory_space<semaphore_mem>>)
      %dma_wait3A_111 = arith.constant 0 : i32
      %dma_wait3A_112 = arith.constant 0 : i32
      %dma_wait3A_113 = tpu.memref_slice %arg5[%arg0, %dma_wait3A_111, %dma_wait3A_112] : memref<2x10240x128xf32, #tpu.memory_space<hbm>> -> memref<1x10240x128xf32, #tpu.memory_space<hbm>>
      %dma_wait3A_114 = tpu.memref_squeeze %dma_wait3A_113 : memref<1x10240x128xf32, #tpu.memory_space<hbm>> -> memref<10240x128xf32, #tpu.memory_space<hbm>>
      %dma_wait3A_115 = arith.constant 0 : i32
      %dma_wait3A_116 = tpu.memref_slice %dma_wait3A_114[%mul3A_101, %dma_wait3A_115] : memref<10240x128xf32, #tpu.memory_space<hbm>> -> memref<640x128xf32, #tpu.memory_space<hbm>>
      %dma_wait3A_117 = arith.constant 0 : i32
      %dma_wait3A_118 = tpu.memref_slice %arg10[%mul3A_99, %dma_wait3A_117] : memref<10240x128xf32, #tpu.memory_space<vmem_shared>> -> memref<640x128xf32, #tpu.memory_space<vmem_shared>>
      tpu.wait_dma2 semaphore(%run_scoped3A_102 : memref<!tpu.dma_semaphore, #tpu.memory_space<semaphore_mem>>) src(%dma_wait3A_118 : memref<640x128xf32, #tpu.memory_space<vmem_shared>>) dst(%dma_wait3A_116 : memref<640x128xf32, #tpu.memory_space<hbm>>)
      tpu.yield
    }) : () -> ()
    return
  }
}

module attributes {stable_mosaic.version = 14 : i64} {
  func.func @_pre_body(%arg0: i32, %arg1: memref<2000x128xf32, #tpu.memory_space<vmem>>, %arg2: memref<128x128xf32, #tpu.memory_space<vmem>>, %arg3: memref<384x128xf32, #tpu.memory_space<vmem>>, %arg4: memref<1x384xf32, #tpu.memory_space<vmem>>, %arg5: memref<2000x128xf32, #tpu.memory_space<vmem>>, %arg6: memref<2000x384xf32, #tpu.memory_space<vmem>>) attributes {dimension_semantics = [#tpu.dimension_semantics<arbitrary>], iteration_bounds = array<i64: 5>, scalar_prefetch = 0 : i64, scratch_operands = 0 : i64, tpu.core_type = #tpu.core_type<tc>, window_params = [{transform_indices = @transform_0, window_bounds = array<i64: 2000, 128>}, {pipeline_mode = #tpu.pipeline_mode<synchronous>, transform_indices = @transform_1, window_bounds = array<i64: 128, 128>}, {pipeline_mode = #tpu.pipeline_mode<synchronous>, transform_indices = @transform_2, window_bounds = array<i64: 384, 128>}, {pipeline_mode = #tpu.pipeline_mode<synchronous>, transform_indices = @transform_3, window_bounds = array<i64: 1, 384>}, {transform_indices = @transform_4, window_bounds = array<i64: 2000, 128>}, {transform_indices = @transform_5, window_bounds = array<i64: 2000, 384>}]} {
    %get3A = arith.constant 0 : index
    %get3A_0 = arith.constant 0 : index
    %get3A_1 = vector.load %arg1[%get3A, %get3A_0] : memref<2000x128xf32, #tpu.memory_space<vmem>>, vector<2000x128xf32>
    %get3A_2 = arith.constant 0 : index
    %get3A_3 = arith.constant 0 : index
    %get3A_4 = vector.load %arg2[%get3A_2, %get3A_3] : memref<128x128xf32, #tpu.memory_space<vmem>>, vector<128x128xf32>
    %dot_general3A = arith.constant dense<0.000000e+00> : vector<2000x128xf32>
    %dot_general3A_5 = tpu.matmul %get3A_1, %get3A_4, %dot_general3A {dimension_numbers = #tpu.dot_dimension_numbers<[1], [0], [0], [1], [0, 0, 1, 1], [], []>, transpose_lhs_hint = false} : vector<2000x128xf32>, vector<128x128xf32>, vector<2000x128xf32> -> vector<2000x128xf32>
    %swap3A = arith.constant 0 : index
    %swap3A_6 = arith.constant 0 : index
    %swap3A_7 = vector.load %arg5[%swap3A, %swap3A_6] : memref<2000x128xf32, #tpu.memory_space<vmem>>, vector<2000x128xf32>
    tpu.vector_store %arg5[%swap3A, %swap3A_6], %dot_general3A_5 {strides = array<i32>} : memref<2000x128xf32, #tpu.memory_space<vmem>>, vector<2000x128xf32>,
    %get3A_8 = arith.constant 0 : index
    %get3A_9 = arith.constant 0 : index
    %get3A_10 = vector.load %arg3[%get3A_8, %get3A_9] : memref<384x128xf32, #tpu.memory_space<vmem>>, vector<384x128xf32>
    %dot_general3A_11 = arith.constant dense<0.000000e+00> : vector<2000x384xf32>
    %dot_general3A_12 = tpu.matmul %get3A_1, %get3A_10, %dot_general3A_11 {dimension_numbers = #tpu.dot_dimension_numbers<[1], [1], [0], [0], [0, 0, 1, 0], [], []>, transpose_lhs_hint = false} : vector<2000x128xf32>, vector<384x128xf32>, vector<2000x384xf32> -> vector<2000x384xf32>
    %get3A_13 = arith.constant 0 : index
    %get3A_14 = arith.constant 0 : index
    %get3A_15 = vector.load %arg4[%get3A_13, %get3A_14] : memref<1x384xf32, #tpu.memory_space<vmem>>, vector<1x384xf32>
    %add3A = vector.broadcast %get3A_15 : vector<1x384xf32> to vector<2000x384xf32>
    %add3A_16 = arith.addf %dot_general3A_12, %add3A : vector<2000x384xf32>
    %swap3A_17 = arith.constant 0 : index
    %swap3A_18 = arith.constant 0 : index
    %swap3A_19 = vector.load %arg6[%swap3A_17, %swap3A_18] : memref<2000x384xf32, #tpu.memory_space<vmem>>, vector<2000x384xf32>
    tpu.vector_store %arg6[%swap3A_17, %swap3A_18], %add3A_16 {strides = array<i32>} : memref<2000x384xf32, #tpu.memory_space<vmem>>, vector<2000x384xf32>,
    return
  }
  func.func @transform_0(%arg0: i32) -> (i32, i32) {
    %c0_i32 = arith.constant 0 : i32
    %c0_i32_0 = arith.constant 0 : i32
    return %arg0, %c0_i32 : i32, i32
  }
  func.func @transform_1(%arg0: i32) -> (i32, i32) {
    %c0_i32 = arith.constant 0 : i32
    %c0_i32_0 = arith.constant 0 : i32
    %c0_i32_1 = arith.constant 0 : i32
    return %c0_i32, %c0_i32_0 : i32, i32
  }
  func.func @transform_2(%arg0: i32) -> (i32, i32) {
    %c0_i32 = arith.constant 0 : i32
    %c0_i32_0 = arith.constant 0 : i32
    %c0_i32_1 = arith.constant 0 : i32
    return %c0_i32, %c0_i32_0 : i32, i32
  }
  func.func @transform_3(%arg0: i32) -> (i32, i32) {
    %c0_i32 = arith.constant 0 : i32
    %c0_i32_0 = arith.constant 0 : i32
    %c0_i32_1 = arith.constant 0 : i32
    return %c0_i32, %c0_i32_0 : i32, i32
  }
  func.func @transform_4(%arg0: i32) -> (i32, i32) {
    %c0_i32 = arith.constant 0 : i32
    %c0_i32_0 = arith.constant 0 : i32
    return %arg0, %c0_i32 : i32, i32
  }
  func.func @transform_5(%arg0: i32) -> (i32, i32) {
    %c0_i32 = arith.constant 0 : i32
    %c0_i32_0 = arith.constant 0 : i32
    return %arg0, %c0_i32 : i32, i32
  }
}

module attributes {stable_mosaic.version = 14 : i64} {
  func.func @_proj_body(%arg0: memref<10000x128xf32, #tpu.memory_space<vmem>>, %arg1: memref<128x128xf32, #tpu.memory_space<vmem>>, %arg2: memref<1x128xf32, #tpu.memory_space<vmem>>, %arg3: memref<1x128xf32, #tpu.memory_space<vmem>>, %arg4: memref<1x128xf32, #tpu.memory_space<vmem>>, %arg5: memref<10000x128xf32, #tpu.memory_space<vmem>>) attributes {dimension_semantics = [], scalar_prefetch = 0 : i64, scratch_operands = 0 : i64, tpu.core_type = #tpu.core_type<tc>} {
    %get3A = arith.constant 0 : index
    %get3A_0 = arith.constant 0 : index
    %get3A_1 = vector.load %arg0[%get3A, %get3A_0] : memref<10000x128xf32, #tpu.memory_space<vmem>>, vector<10000x128xf32>
    %get3A_2 = arith.constant 0 : index
    %get3A_3 = arith.constant 0 : index
    %get3A_4 = vector.load %arg1[%get3A_2, %get3A_3] : memref<128x128xf32, #tpu.memory_space<vmem>>, vector<128x128xf32>
    %dot_general3A = arith.constant dense<0.000000e+00> : vector<10000x128xf32>
    %dot_general3A_5 = tpu.matmul %get3A_1, %get3A_4, %dot_general3A {dimension_numbers = #tpu.dot_dimension_numbers<[1], [1], [0], [0], [0, 0, 1, 0], [], []>, transpose_lhs_hint = false} : vector<10000x128xf32>, vector<128x128xf32>, vector<10000x128xf32> -> vector<10000x128xf32>
    %get3A_6 = arith.constant 0 : index
    %get3A_7 = arith.constant 0 : index
    %get3A_8 = vector.load %arg2[%get3A_6, %get3A_7] : memref<1x128xf32, #tpu.memory_space<vmem>>, vector<1x128xf32>
    %add3A = vector.broadcast %get3A_8 : vector<1x128xf32> to vector<10000x128xf32>
    %add3A_9 = arith.addf %dot_general3A_5, %add3A : vector<10000x128xf32>
    %get3A_10 = arith.constant 0 : index
    %get3A_11 = arith.constant 0 : index
    %get3A_12 = vector.load %arg3[%get3A_10, %get3A_11] : memref<1x128xf32, #tpu.memory_space<vmem>>, vector<1x128xf32>
    %get3A_13 = arith.constant 0 : index
    %get3A_14 = arith.constant 0 : index
    %get3A_15 = vector.load %arg4[%get3A_13, %get3A_14] : memref<1x128xf32, #tpu.memory_space<vmem>>, vector<1x128xf32>
    %reduce_sum3A = arith.constant dense<0.000000e+00> : vector<128xf32>
    %reduce_sum3A_16 = vector.multi_reduction <add>, %add3A_9, %reduce_sum3A [0] : vector<10000x128xf32> to vector<128xf32>
    %broadcast_in_dim3A = vector.shape_cast %reduce_sum3A_16 : vector<128xf32> to vector<1x128xf32>
    %div3A = arith.constant 1.000000e+04 : f32
    %div3A_17 = vector.broadcast %div3A : f32 to vector<1x128xf32>
    %div3A_18 = arith.divf %broadcast_in_dim3A, %div3A_17 : vector<1x128xf32>
    %sub3A = vector.broadcast %div3A_18 : vector<1x128xf32> to vector<10000x128xf32>
    %sub3A_19 = arith.subf %add3A_9, %sub3A : vector<10000x128xf32>
    %integer_pow3A = arith.mulf %sub3A_19, %sub3A_19 : vector<10000x128xf32>
    %reduce_sum3A_20 = arith.constant dense<0.000000e+00> : vector<128xf32>
    %reduce_sum3A_21 = vector.multi_reduction <add>, %integer_pow3A, %reduce_sum3A_20 [0] : vector<10000x128xf32> to vector<128xf32>
    %broadcast_in_dim3A_22 = vector.shape_cast %reduce_sum3A_21 : vector<128xf32> to vector<1x128xf32>
    %div3A_23 = arith.constant 1.000000e+04 : f32
    %div3A_24 = vector.broadcast %div3A_23 : f32 to vector<1x128xf32>
    %div3A_25 = arith.divf %broadcast_in_dim3A_22, %div3A_24 : vector<1x128xf32>
    %sub3A_26 = vector.broadcast %div3A_18 : vector<1x128xf32> to vector<10000x128xf32>
    %sub3A_27 = arith.subf %add3A_9, %sub3A_26 : vector<10000x128xf32>
    %add3A_28 = arith.constant 9.99999974E-6 : f32
    %add3A_29 = vector.broadcast %add3A_28 : f32 to vector<1x128xf32>
    %add3A_30 = arith.addf %div3A_25, %add3A_29 : vector<1x128xf32>
    %sqrt3A = math.sqrt %add3A_30 : vector<1x128xf32>
    %div3A_31 = vector.broadcast %sqrt3A : vector<1x128xf32> to vector<10000x128xf32>
    %div3A_32 = arith.divf %sub3A_27, %div3A_31 : vector<10000x128xf32>
    %mul3A = vector.broadcast %get3A_12 : vector<1x128xf32> to vector<10000x128xf32>
    %mul3A_33 = arith.mulf %div3A_32, %mul3A : vector<10000x128xf32>
    %add3A_34 = vector.broadcast %get3A_15 : vector<1x128xf32> to vector<10000x128xf32>
    %add3A_35 = arith.addf %mul3A_33, %add3A_34 : vector<10000x128xf32>
    %max3A = arith.constant 0.000000e+00 : f32
    %max3A_36 = vector.broadcast %max3A : f32 to vector<10000x128xf32>
    %max3A_37 = arith.maximumf %add3A_35, %max3A_36 : vector<10000x128xf32>
    %swap3A = arith.constant 0 : index
    %swap3A_38 = arith.constant 0 : index
    %swap3A_39 = vector.load %arg5[%swap3A, %swap3A_38] : memref<10000x128xf32, #tpu.memory_space<vmem>>, vector<10000x128xf32>
    tpu.vector_store %arg5[%swap3A, %swap3A_38], %max3A_37 {strides = array<i32>} : memref<10000x128xf32, #tpu.memory_space<vmem>>, vector<10000x128xf32>,
    return
  }
}

module attributes {stable_mosaic.version = 14 : i64} {
  func.func @_gru_body(%arg0: i32, %arg1: memref<2x2000x128xf32, #tpu.memory_space<vmem>>, %arg2: memref<2000x384xf32, #tpu.memory_space<vmem>>, %arg3: memref<2000x128xf32, #tpu.memory_space<vmem>>, %arg4: memref<384x128xf32, #tpu.memory_space<vmem>>, %arg5: memref<1x384xf32, #tpu.memory_space<vmem>>, %arg6: memref<2000x128xf32, #tpu.memory_space<vmem>>) attributes {dimension_semantics = [#tpu.dimension_semantics<arbitrary>], iteration_bounds = array<i64: 5>, scalar_prefetch = 0 : i64, scratch_operands = 0 : i64, tpu.core_type = #tpu.core_type<tc>, window_params = [{transform_indices = @transform_0, window_bounds = array<i64: 2, 2000, 128>}, {transform_indices = @transform_1, window_bounds = array<i64: 2000, 384>}, {transform_indices = @transform_2, window_bounds = array<i64: 2000, 128>}, {pipeline_mode = #tpu.pipeline_mode<synchronous>, transform_indices = @transform_3, window_bounds = array<i64: 384, 128>}, {pipeline_mode = #tpu.pipeline_mode<synchronous>, transform_indices = @transform_4, window_bounds = array<i64: 1, 384>}, {transform_indices = @transform_5, window_bounds = array<i64: 2000, 128>}]} {
    %get3A = arith.constant 0 : index
    %get3A_0 = arith.constant 0 : index
    %get3A_1 = arith.constant 0 : index
    %get3A_2 = vector.load %arg1[%get3A, %get3A_0, %get3A_1] : memref<2x2000x128xf32, #tpu.memory_space<vmem>>, vector<1x2000x128xf32>
    %get3A_3 = vector.shape_cast %get3A_2 : vector<1x2000x128xf32> to vector<2000x128xf32>
    %get3A_4 = arith.constant 1 : index
    %get3A_5 = arith.constant 0 : index
    %get3A_6 = arith.constant 0 : index
    %get3A_7 = vector.load %arg1[%get3A_4, %get3A_5, %get3A_6] : memref<2x2000x128xf32, #tpu.memory_space<vmem>>, vector<1x2000x128xf32>
    %get3A_8 = vector.shape_cast %get3A_7 : vector<1x2000x128xf32> to vector<2000x128xf32>
    %add3A = arith.addf %get3A_3, %get3A_8 : vector<2000x128xf32>
    %get3A_9 = arith.constant 0 : index
    %get3A_10 = arith.constant 0 : index
    %get3A_11 = vector.load %arg4[%get3A_9, %get3A_10] : memref<384x128xf32, #tpu.memory_space<vmem>>, vector<384x128xf32>
    %dot_general3A = arith.constant dense<0.000000e+00> : vector<2000x384xf32>
    %dot_general3A_12 = tpu.matmul %add3A, %get3A_11, %dot_general3A {dimension_numbers = #tpu.dot_dimension_numbers<[1], [1], [0], [0], [0, 0, 1, 0], [], []>, transpose_lhs_hint = false} : vector<2000x128xf32>, vector<384x128xf32>, vector<2000x384xf32> -> vector<2000x384xf32>
    %get3A_13 = arith.constant 0 : index
    %get3A_14 = arith.constant 0 : index
    %get3A_15 = vector.load %arg5[%get3A_13, %get3A_14] : memref<1x384xf32, #tpu.memory_space<vmem>>, vector<1x384xf32>
    %add3A_16 = vector.broadcast %get3A_15 : vector<1x384xf32> to vector<2000x384xf32>
    %add3A_17 = arith.addf %dot_general3A_12, %add3A_16 : vector<2000x384xf32>
    %get3A_18 = arith.constant 0 : index
    %get3A_19 = arith.constant 0 : index
    %get3A_20 = vector.load %arg2[%get3A_18, %get3A_19] : memref<2000x384xf32, #tpu.memory_space<vmem>>, vector<2000x384xf32>
    %get3A_21 = arith.constant 0 : index
    %get3A_22 = arith.constant 0 : index
    %get3A_23 = vector.load %arg3[%get3A_21, %get3A_22] : memref<2000x128xf32, #tpu.memory_space<vmem>>, vector<2000x128xf32>
    %slice3A = vector.extract_strided_slice %add3A_17 {offsets = [0, 0], sizes = [2000, 128], strides = [1, 1]} : vector<2000x384xf32> to vector<2000x128xf32>
    %slice3A_24 = vector.extract_strided_slice %get3A_20 {offsets = [0, 0], sizes = [2000, 128], strides = [1, 1]} : vector<2000x384xf32> to vector<2000x128xf32>
    %add3A_25 = arith.addf %slice3A, %slice3A_24 : vector<2000x128xf32>
    %logistic3A = arith.negf %add3A_25 : vector<2000x128xf32>
    %logistic3A_26 = math.exp %logistic3A : vector<2000x128xf32>
    %logistic3A_27 = arith.constant 1.000000e+00 : f32
    %logistic3A_28 = vector.broadcast %logistic3A_27 : f32 to vector<2000x128xf32>
    %logistic3A_29 = arith.addf %logistic3A_28, %logistic3A_26 : vector<2000x128xf32>
    %logistic3A_30 = arith.divf %logistic3A_28, %logistic3A_29 : vector<2000x128xf32>
    %slice3A_31 = vector.extract_strided_slice %add3A_17 {offsets = [0, 128], sizes = [2000, 128], strides = [1, 1]} : vector<2000x384xf32> to vector<2000x128xf32>
    %slice3A_32 = vector.extract_strided_slice %get3A_20 {offsets = [0, 128], sizes = [2000, 128], strides = [1, 1]} : vector<2000x384xf32> to vector<2000x128xf32>
    %add3A_33 = arith.addf %slice3A_31, %slice3A_32 : vector<2000x128xf32>
    %logistic3A_34 = arith.negf %add3A_33 : vector<2000x128xf32>
    %logistic3A_35 = math.exp %logistic3A_34 : vector<2000x128xf32>
    %logistic3A_36 = arith.constant 1.000000e+00 : f32
    %logistic3A_37 = vector.broadcast %logistic3A_36 : f32 to vector<2000x128xf32>
    %logistic3A_38 = arith.addf %logistic3A_37, %logistic3A_35 : vector<2000x128xf32>
    %logistic3A_39 = arith.divf %logistic3A_37, %logistic3A_38 : vector<2000x128xf32>
    %slice3A_40 = vector.extract_strided_slice %add3A_17 {offsets = [0, 256], sizes = [2000, 128], strides = [1, 1]} : vector<2000x384xf32> to vector<2000x128xf32>
    %slice3A_41 = vector.extract_strided_slice %get3A_20 {offsets = [0, 256], sizes = [2000, 128], strides = [1, 1]} : vector<2000x384xf32> to vector<2000x128xf32>
    %mul3A = arith.mulf %logistic3A_30, %slice3A_41 : vector<2000x128xf32>
    %add3A_42 = arith.addf %slice3A_40, %mul3A : vector<2000x128xf32>
    %tanh3A = math.tanh %add3A_42 : vector<2000x128xf32>
    %sub3A = arith.constant 1.000000e+00 : f32
    %sub3A_43 = vector.broadcast %sub3A : f32 to vector<2000x128xf32>
    %sub3A_44 = arith.subf %sub3A_43, %logistic3A_39 : vector<2000x128xf32>
    %mul3A_45 = arith.mulf %sub3A_44, %tanh3A : vector<2000x128xf32>
    %mul3A_46 = arith.mulf %logistic3A_39, %get3A_23 : vector<2000x128xf32>
    %add3A_47 = arith.addf %mul3A_45, %mul3A_46 : vector<2000x128xf32>
    %swap3A = arith.constant 0 : index
    %swap3A_48 = arith.constant 0 : index
    %swap3A_49 = vector.load %arg6[%swap3A, %swap3A_48] : memref<2000x128xf32, #tpu.memory_space<vmem>>, vector<2000x128xf32>
    tpu.vector_store %arg6[%swap3A, %swap3A_48], %add3A_47 {strides = array<i32>} : memref<2000x128xf32, #tpu.memory_space<vmem>>, vector<2000x128xf32>,
    return
  }
  func.func @transform_0(%arg0: i32) -> (i32, i32, i32) {
    %c0_i32 = arith.constant 0 : i32
    %c0_i32_0 = arith.constant 0 : i32
    %c0_i32_1 = arith.constant 0 : i32
    return %c0_i32, %arg0, %c0_i32_0 : i32, i32, i32
  }
  func.func @transform_1(%arg0: i32) -> (i32, i32) {
    %c0_i32 = arith.constant 0 : i32
    %c0_i32_0 = arith.constant 0 : i32
    return %arg0, %c0_i32 : i32, i32
  }
  func.func @transform_2(%arg0: i32) -> (i32, i32) {
    %c0_i32 = arith.constant 0 : i32
    %c0_i32_0 = arith.constant 0 : i32
    return %arg0, %c0_i32 : i32, i32
  }
  func.func @transform_3(%arg0: i32) -> (i32, i32) {
    %c0_i32 = arith.constant 0 : i32
    %c0_i32_0 = arith.constant 0 : i32
    %c0_i32_1 = arith.constant 0 : i32
    return %c0_i32, %c0_i32_0 : i32, i32
  }
  func.func @transform_4(%arg0: i32) -> (i32, i32) {
    %c0_i32 = arith.constant 0 : i32
    %c0_i32_0 = arith.constant 0 : i32
    %c0_i32_1 = arith.constant 0 : i32
    return %c0_i32, %c0_i32_0 : i32, i32
  }
  func.func @transform_5(%arg0: i32) -> (i32, i32) {
    %c0_i32 = arith.constant 0 : i32
    %c0_i32_0 = arith.constant 0 : i32
    return %arg0, %c0_i32 : i32, i32
  }
}

module attributes {stable_mosaic.version = 14 : i64} {
  func.func @_bn2_body(%arg0: memref<10000x128xf32, #tpu.memory_space<vmem>>, %arg1: memref<1x128xf32, #tpu.memory_space<vmem>>, %arg2: memref<1x128xf32, #tpu.memory_space<vmem>>, %arg3: memref<10000x128xf32, #tpu.memory_space<vmem>>) attributes {dimension_semantics = [], scalar_prefetch = 0 : i64, scratch_operands = 0 : i64, tpu.core_type = #tpu.core_type<tc>} {
    %get3A = arith.constant 0 : index
    %get3A_0 = arith.constant 0 : index
    %get3A_1 = vector.load %arg0[%get3A, %get3A_0] : memref<10000x128xf32, #tpu.memory_space<vmem>>, vector<10000x128xf32>
    %get3A_2 = arith.constant 0 : index
    %get3A_3 = arith.constant 0 : index
    %get3A_4 = vector.load %arg1[%get3A_2, %get3A_3] : memref<1x128xf32, #tpu.memory_space<vmem>>, vector<1x128xf32>
    %get3A_5 = arith.constant 0 : index
    %get3A_6 = arith.constant 0 : index
    %get3A_7 = vector.load %arg2[%get3A_5, %get3A_6] : memref<1x128xf32, #tpu.memory_space<vmem>>, vector<1x128xf32>
    %reduce_sum3A = arith.constant dense<0.000000e+00> : vector<128xf32>
    %reduce_sum3A_8 = vector.multi_reduction <add>, %get3A_1, %reduce_sum3A [0] : vector<10000x128xf32> to vector<128xf32>
    %broadcast_in_dim3A = vector.shape_cast %reduce_sum3A_8 : vector<128xf32> to vector<1x128xf32>
    %div3A = arith.constant 1.000000e+04 : f32
    %div3A_9 = vector.broadcast %div3A : f32 to vector<1x128xf32>
    %div3A_10 = arith.divf %broadcast_in_dim3A, %div3A_9 : vector<1x128xf32>
    %sub3A = vector.broadcast %div3A_10 : vector<1x128xf32> to vector<10000x128xf32>
    %sub3A_11 = arith.subf %get3A_1, %sub3A : vector<10000x128xf32>
    %integer_pow3A = arith.mulf %sub3A_11, %sub3A_11 : vector<10000x128xf32>
    %reduce_sum3A_12 = arith.constant dense<0.000000e+00> : vector<128xf32>
    %reduce_sum3A_13 = vector.multi_reduction <add>, %integer_pow3A, %reduce_sum3A_12 [0] : vector<10000x128xf32> to vector<128xf32>
    %broadcast_in_dim3A_14 = vector.shape_cast %reduce_sum3A_13 : vector<128xf32> to vector<1x128xf32>
    %div3A_15 = arith.constant 1.000000e+04 : f32
    %div3A_16 = vector.broadcast %div3A_15 : f32 to vector<1x128xf32>
    %div3A_17 = arith.divf %broadcast_in_dim3A_14, %div3A_16 : vector<1x128xf32>
    %sub3A_18 = vector.broadcast %div3A_10 : vector<1x128xf32> to vector<10000x128xf32>
    %sub3A_19 = arith.subf %get3A_1, %sub3A_18 : vector<10000x128xf32>
    %add3A = arith.constant 9.99999974E-6 : f32
    %add3A_20 = vector.broadcast %add3A : f32 to vector<1x128xf32>
    %add3A_21 = arith.addf %div3A_17, %add3A_20 : vector<1x128xf32>
    %sqrt3A = math.sqrt %add3A_21 : vector<1x128xf32>
    %div3A_22 = vector.broadcast %sqrt3A : vector<1x128xf32> to vector<10000x128xf32>
    %div3A_23 = arith.divf %sub3A_19, %div3A_22 : vector<10000x128xf32>
    %mul3A = vector.broadcast %get3A_4 : vector<1x128xf32> to vector<10000x128xf32>
    %mul3A_24 = arith.mulf %div3A_23, %mul3A : vector<10000x128xf32>
    %add3A_25 = vector.broadcast %get3A_7 : vector<1x128xf32> to vector<10000x128xf32>
    %add3A_26 = arith.addf %mul3A_24, %add3A_25 : vector<10000x128xf32>
    %max3A = arith.constant 0.000000e+00 : f32
    %max3A_27 = vector.broadcast %max3A : f32 to vector<10000x128xf32>
    %max3A_28 = arith.maximumf %add3A_26, %max3A_27 : vector<10000x128xf32>
    %swap3A = arith.constant 0 : index
    %swap3A_29 = arith.constant 0 : index
    %swap3A_30 = vector.load %arg3[%swap3A, %swap3A_29] : memref<10000x128xf32, #tpu.memory_space<vmem>>, vector<10000x128xf32>
    tpu.vector_store %arg3[%swap3A, %swap3A_29], %max3A_28 {strides = array<i32>} : memref<10000x128xf32, #tpu.memory_space<vmem>>, vector<10000x128xf32>,
    return
  }
}

module attributes {stable_mosaic.version = 14 : i64} {
  func.func @_pool_body(%arg0: i32, %arg1: memref<10000x128xf32, #tpu.memory_space<vmem>>, %arg2: memref<10000x1xi32, #tpu.memory_space<vmem>>, %arg3: memref<1x1x128xf32, #tpu.memory_space<vmem>>, %arg4: memref<1x1x128xf32, #tpu.memory_space<vmem>>, %arg5: memref<1x1x128xf32, #tpu.memory_space<vmem>>) attributes {dimension_semantics = [#tpu.dimension_semantics<arbitrary>], iteration_bounds = array<i64: 32>, scalar_prefetch = 0 : i64, scratch_operands = 0 : i64, tpu.core_type = #tpu.core_type<tc>, window_params = [{pipeline_mode = #tpu.pipeline_mode<synchronous>, transform_indices = @transform_0, window_bounds = array<i64: 10000, 128>}, {pipeline_mode = #tpu.pipeline_mode<synchronous>, transform_indices = @transform_1, window_bounds = array<i64: 10000, 1>}, {transform_indices = @transform_2, window_bounds = array<i64: 1, 1, 128>}, {transform_indices = @transform_3, window_bounds = array<i64: 1, 1, 128>}, {transform_indices = @transform_4, window_bounds = array<i64: 1, 1, 128>}]} {
    %get3A = arith.constant 0 : index
    %get3A_0 = arith.constant 0 : index
    %get3A_1 = vector.load %arg2[%get3A, %get3A_0] : memref<10000x1xi32, #tpu.memory_space<vmem>>, vector<10000x1xi32>
    %eq3A = vector.broadcast %arg0 : i32 to vector<10000x1xi32>
    %eq3A_2 = arith.cmpi eq, %get3A_1, %eq3A : vector<10000x1xi32>
    %get3A_3 = arith.constant 0 : index
    %get3A_4 = arith.constant 0 : index
    %get3A_5 = vector.load %arg1[%get3A_3, %get3A_4] : memref<10000x128xf32, #tpu.memory_space<vmem>>, vector<10000x128xf32>
    %jit3A = arith.constant 0.000000e+00 : f32
    %broadcast_in_dim3A = vector.shape_cast %eq3A_2 : vector<10000x1xi1> to vector<10000x1xi1>
    %broadcast_in_dim3A_6 = vector.broadcast %broadcast_in_dim3A : vector<10000x1xi1> to vector<10000x128xi1>
    %broadcast_in_dim3A_7 = vector.broadcast %jit3A : f32 to vector<10000x128xf32>
    %select_n3A = arith.select %broadcast_in_dim3A_6, %get3A_5, %broadcast_in_dim3A_7 : vector<10000x128xi1>, vector<10000x128xf32>
    %reduce_sum3A = arith.constant dense<0.000000e+00> : vector<128xf32>
    %reduce_sum3A_8 = vector.multi_reduction <add>, %select_n3A, %reduce_sum3A [0] : vector<10000x128xf32> to vector<128xf32>
    %broadcast_in_dim3A_9 = vector.shape_cast %reduce_sum3A_8 : vector<128xf32> to vector<1x128xf32>
    %reshape3A = vector.shape_cast %broadcast_in_dim3A_9 : vector<1x128xf32> to vector<1x1x128xf32>
    %swap3A = arith.constant 0 : index
    %swap3A_10 = arith.constant 0 : index
    %swap3A_11 = arith.constant 0 : index
    %swap3A_12 = vector.load %arg3[%swap3A, %swap3A_10, %swap3A_11] : memref<1x1x128xf32, #tpu.memory_space<vmem>>, vector<1x1x128xf32>
    tpu.vector_store %arg3[%swap3A, %swap3A_10, %swap3A_11], %reshape3A {strides = array<i32>} : memref<1x1x128xf32, #tpu.memory_space<vmem>>, vector<1x1x128xf32>,
    %jit3A_13 = arith.constant -3.000000e+38 : f32
    %broadcast_in_dim3A_14 = vector.shape_cast %eq3A_2 : vector<10000x1xi1> to vector<10000x1xi1>
    %broadcast_in_dim3A_15 = vector.broadcast %broadcast_in_dim3A_14 : vector<10000x1xi1> to vector<10000x128xi1>
    %broadcast_in_dim3A_16 = vector.broadcast %jit3A_13 : f32 to vector<10000x128xf32>
    %select_n3A_17 = arith.select %broadcast_in_dim3A_15, %get3A_5, %broadcast_in_dim3A_16 : vector<10000x128xi1>, vector<10000x128xf32>
    %reduce_max3A = arith.constant dense<0xFF800000> : vector<128xf32>
    %reduce_max3A_18 = vector.multi_reduction <maximumf>, %select_n3A_17, %reduce_max3A [0] : vector<10000x128xf32> to vector<128xf32>
    %broadcast_in_dim3A_19 = vector.shape_cast %reduce_max3A_18 : vector<128xf32> to vector<1x128xf32>
    %reshape3A_20 = vector.shape_cast %broadcast_in_dim3A_19 : vector<1x128xf32> to vector<1x1x128xf32>
    %swap3A_21 = arith.constant 0 : index
    %swap3A_22 = arith.constant 0 : index
    %swap3A_23 = arith.constant 0 : index
    %swap3A_24 = vector.load %arg4[%swap3A_21, %swap3A_22, %swap3A_23] : memref<1x1x128xf32, #tpu.memory_space<vmem>>, vector<1x1x128xf32>
    tpu.vector_store %arg4[%swap3A_21, %swap3A_22, %swap3A_23], %reshape3A_20 {strides = array<i32>} : memref<1x1x128xf32, #tpu.memory_space<vmem>>, vector<1x1x128xf32>,
    %jit3A_25 = arith.constant 1.000000e+00 : f32
    %jit3A_26 = arith.constant 0.000000e+00 : f32
    %broadcast_in_dim3A_27 = vector.broadcast %jit3A_25 : f32 to vector<10000x1xf32>
    %broadcast_in_dim3A_28 = vector.broadcast %jit3A_26 : f32 to vector<10000x1xf32>
    %select_n3A_29 = arith.select %eq3A_2, %broadcast_in_dim3A_27, %broadcast_in_dim3A_28 : vector<10000x1xi1>, vector<10000x1xf32>
    %reduce_sum3A_30 = arith.constant dense<0.000000e+00> : vector<1xf32>
    %reduce_sum3A_31 = vector.multi_reduction <add>, %select_n3A_29, %reduce_sum3A_30 [0] : vector<10000x1xf32> to vector<1xf32>
    %broadcast_in_dim3A_32 = vector.shape_cast %reduce_sum3A_31 : vector<1xf32> to vector<1x1xf32>
    %reduce_sum3A_33 = arith.constant dense<0.000000e+00> : vector<1xf32>
    %reduce_sum3A_34 = vector.multi_reduction <add>, %broadcast_in_dim3A_32, %reduce_sum3A_33 [1] : vector<1x1xf32> to vector<1xf32>
    %broadcast_in_dim3A_35 = vector.shape_cast %reduce_sum3A_34 : vector<1xf32> to vector<1x1xf32>
    %broadcast_in_dim3A_36 = vector.shape_cast %broadcast_in_dim3A_35 : vector<1x1xf32> to vector<1x1xf32>
    %broadcast_in_dim3A_37 = vector.broadcast %broadcast_in_dim3A_36 : vector<1x1xf32> to vector<1x128xf32>
    %reshape3A_38 = vector.shape_cast %broadcast_in_dim3A_37 : vector<1x128xf32> to vector<1x1x128xf32>
    %swap3A_39 = arith.constant 0 : index
    %swap3A_40 = arith.constant 0 : index
    %swap3A_41 = arith.constant 0 : index
    %swap3A_42 = vector.load %arg5[%swap3A_39, %swap3A_40, %swap3A_41] : memref<1x1x128xf32, #tpu.memory_space<vmem>>, vector<1x1x128xf32>
    tpu.vector_store %arg5[%swap3A_39, %swap3A_40, %swap3A_41], %reshape3A_38 {strides = array<i32>} : memref<1x1x128xf32, #tpu.memory_space<vmem>>, vector<1x1x128xf32>,
    return
  }
  func.func @transform_0(%arg0: i32) -> (i32, i32) {
    %c0_i32 = arith.constant 0 : i32
    %c0_i32_0 = arith.constant 0 : i32
    %c0_i32_1 = arith.constant 0 : i32
    return %c0_i32, %c0_i32_0 : i32, i32
  }
  func.func @transform_1(%arg0: i32) -> (i32, i32) {
    %c0_i32 = arith.constant 0 : i32
    %c0_i32_0 = arith.constant 0 : i32
    %c0_i32_1 = arith.constant 0 : i32
    return %c0_i32, %c0_i32_0 : i32, i32
  }
  func.func @transform_2(%arg0: i32) -> (i32, i32, i32) {
    %c0_i32 = arith.constant 0 : i32
    %c0_i32_0 = arith.constant 0 : i32
    %c0_i32_1 = arith.constant 0 : i32
    return %arg0, %c0_i32, %c0_i32_0 : i32, i32, i32
  }
  func.func @transform_3(%arg0: i32) -> (i32, i32, i32) {
    %c0_i32 = arith.constant 0 : i32
    %c0_i32_0 = arith.constant 0 : i32
    %c0_i32_1 = arith.constant 0 : i32
    return %arg0, %c0_i32, %c0_i32_0 : i32, i32, i32
  }
  func.func @transform_4(%arg0: i32) -> (i32, i32, i32) {
    %c0_i32 = arith.constant 0 : i32
    %c0_i32_0 = arith.constant 0 : i32
    %c0_i32_1 = arith.constant 0 : i32
    return %arg0, %c0_i32, %c0_i32_0 : i32, i32, i32
  }
}

module attributes {stable_mosaic.version = 14 : i64} {
  func.func @_head_body(%arg0: memref<32x128xf32, #tpu.memory_space<vmem>>, %arg1: memref<32x128xf32, #tpu.memory_space<vmem>>, %arg2: memref<32x128xf32, #tpu.memory_space<vmem>>, %arg3: memref<128x256xf32, #tpu.memory_space<vmem>>, %arg4: memref<1x128xf32, #tpu.memory_space<vmem>>, %arg5: memref<1x128xf32, #tpu.memory_space<vmem>>, %arg6: memref<1x128xf32, #tpu.memory_space<vmem>>, %arg7: memref<2x128xf32, #tpu.memory_space<vmem>>, %arg8: memref<1x2xf32, #tpu.memory_space<vmem>>, %arg9: memref<32x2xf32, #tpu.memory_space<vmem>>) attributes {dimension_semantics = [], scalar_prefetch = 0 : i64, scratch_operands = 0 : i64, tpu.core_type = #tpu.core_type<tc>} {
    %get3A = arith.constant 0 : index
    %get3A_0 = arith.constant 0 : index
    %get3A_1 = vector.load %arg2[%get3A, %get3A_0] : memref<32x128xf32, #tpu.memory_space<vmem>>, vector<32x128xf32>
    %get3A_2 = arith.constant 0 : index
    %get3A_3 = arith.constant 0 : index
    %get3A_4 = vector.load %arg0[%get3A_2, %get3A_3] : memref<32x128xf32, #tpu.memory_space<vmem>>, vector<32x128xf32>
    %max3A = arith.constant 1.000000e+00 : f32
    %max3A_5 = vector.broadcast %max3A : f32 to vector<32x128xf32>
    %max3A_6 = arith.maximumf %get3A_1, %max3A_5 : vector<32x128xf32>
    %div3A = arith.divf %get3A_4, %max3A_6 : vector<32x128xf32>
    %gt3A = arith.constant 0.000000e+00 : f32
    %gt3A_7 = vector.broadcast %gt3A : f32 to vector<32x128xf32>
    %gt3A_8 = arith.cmpf ogt, %get3A_1, %gt3A_7 : vector<32x128xf32>
    %get3A_9 = arith.constant 0 : index
    %get3A_10 = arith.constant 0 : index
    %get3A_11 = vector.load %arg1[%get3A_9, %get3A_10] : memref<32x128xf32, #tpu.memory_space<vmem>>, vector<32x128xf32>
    %jit3A = arith.constant 0.000000e+00 : f32
    %broadcast_in_dim3A = vector.broadcast %jit3A : f32 to vector<32x128xf32>
    %select_n3A = arith.select %gt3A_8, %get3A_11, %broadcast_in_dim3A : vector<32x128xi1>, vector<32x128xf32>
    %concatenate3A = tpu.concatenate %div3A, %select_n3A in 1 : vector<32x128xf32>, vector<32x128xf32> -> vector<32x256xf32>
    %get3A_12 = arith.constant 0 : index
    %get3A_13 = arith.constant 0 : index
    %get3A_14 = vector.load %arg3[%get3A_12, %get3A_13] : memref<128x256xf32, #tpu.memory_space<vmem>>, vector<128x256xf32>
    %dot_general3A = arith.constant dense<0.000000e+00> : vector<32x128xf32>
    %dot_general3A_15 = tpu.matmul %concatenate3A, %get3A_14, %dot_general3A {dimension_numbers = #tpu.dot_dimension_numbers<[1], [1], [0], [0], [0, 0, 1, 0], [], []>, transpose_lhs_hint = false} : vector<32x256xf32>, vector<128x256xf32>, vector<32x128xf32> -> vector<32x128xf32>
    %get3A_16 = arith.constant 0 : index
    %get3A_17 = arith.constant 0 : index
    %get3A_18 = vector.load %arg4[%get3A_16, %get3A_17] : memref<1x128xf32, #tpu.memory_space<vmem>>, vector<1x128xf32>
    %add3A = vector.broadcast %get3A_18 : vector<1x128xf32> to vector<32x128xf32>
    %add3A_19 = arith.addf %dot_general3A_15, %add3A : vector<32x128xf32>
    %reduce_sum3A = arith.constant dense<0.000000e+00> : vector<128xf32>
    %reduce_sum3A_20 = vector.multi_reduction <add>, %add3A_19, %reduce_sum3A [0] : vector<32x128xf32> to vector<128xf32>
    %broadcast_in_dim3A_21 = vector.shape_cast %reduce_sum3A_20 : vector<128xf32> to vector<1x128xf32>
    %div3A_22 = arith.constant 3.200000e+01 : f32
    %div3A_23 = vector.broadcast %div3A_22 : f32 to vector<1x128xf32>
    %div3A_24 = arith.divf %broadcast_in_dim3A_21, %div3A_23 : vector<1x128xf32>
    %sub3A = vector.broadcast %div3A_24 : vector<1x128xf32> to vector<32x128xf32>
    %sub3A_25 = arith.subf %add3A_19, %sub3A : vector<32x128xf32>
    %integer_pow3A = arith.mulf %sub3A_25, %sub3A_25 : vector<32x128xf32>
    %reduce_sum3A_26 = arith.constant dense<0.000000e+00> : vector<128xf32>
    %reduce_sum3A_27 = vector.multi_reduction <add>, %integer_pow3A, %reduce_sum3A_26 [0] : vector<32x128xf32> to vector<128xf32>
    %broadcast_in_dim3A_28 = vector.shape_cast %reduce_sum3A_27 : vector<128xf32> to vector<1x128xf32>
    %div3A_29 = arith.constant 3.200000e+01 : f32
    %div3A_30 = vector.broadcast %div3A_29 : f32 to vector<1x128xf32>
    %div3A_31 = arith.divf %broadcast_in_dim3A_28, %div3A_30 : vector<1x128xf32>
    %sub3A_32 = vector.broadcast %div3A_24 : vector<1x128xf32> to vector<32x128xf32>
    %sub3A_33 = arith.subf %add3A_19, %sub3A_32 : vector<32x128xf32>
    %add3A_34 = arith.constant 9.99999974E-6 : f32
    %add3A_35 = vector.broadcast %add3A_34 : f32 to vector<1x128xf32>
    %add3A_36 = arith.addf %div3A_31, %add3A_35 : vector<1x128xf32>
    %sqrt3A = math.sqrt %add3A_36 : vector<1x128xf32>
    %div3A_37 = vector.broadcast %sqrt3A : vector<1x128xf32> to vector<32x128xf32>
    %div3A_38 = arith.divf %sub3A_33, %div3A_37 : vector<32x128xf32>
    %get3A_39 = arith.constant 0 : index
    %get3A_40 = arith.constant 0 : index
    %get3A_41 = vector.load %arg5[%get3A_39, %get3A_40] : memref<1x128xf32, #tpu.memory_space<vmem>>, vector<1x128xf32>
    %mul3A = vector.broadcast %get3A_41 : vector<1x128xf32> to vector<32x128xf32>
    %mul3A_42 = arith.mulf %div3A_38, %mul3A : vector<32x128xf32>
    %get3A_43 = arith.constant 0 : index
    %get3A_44 = arith.constant 0 : index
    %get3A_45 = vector.load %arg6[%get3A_43, %get3A_44] : memref<1x128xf32, #tpu.memory_space<vmem>>, vector<1x128xf32>
    %add3A_46 = vector.broadcast %get3A_45 : vector<1x128xf32> to vector<32x128xf32>
    %add3A_47 = arith.addf %mul3A_42, %add3A_46 : vector<32x128xf32>
    %max3A_48 = arith.constant 0.000000e+00 : f32
    %max3A_49 = vector.broadcast %max3A_48 : f32 to vector<32x128xf32>
    %max3A_50 = arith.maximumf %add3A_47, %max3A_49 : vector<32x128xf32>
    %get3A_51 = arith.constant 0 : index
    %get3A_52 = arith.constant 0 : index
    %get3A_53 = vector.load %arg7[%get3A_51, %get3A_52] : memref<2x128xf32, #tpu.memory_space<vmem>>, vector<2x128xf32>
    %dot_general3A_54 = arith.constant dense<0.000000e+00> : vector<32x2xf32>
    %dot_general3A_55 = tpu.matmul %max3A_50, %get3A_53, %dot_general3A_54 {dimension_numbers = #tpu.dot_dimension_numbers<[1], [1], [0], [0], [0, 0, 1, 0], [], []>, transpose_lhs_hint = false} : vector<32x128xf32>, vector<2x128xf32>, vector<32x2xf32> -> vector<32x2xf32>
    %get3A_56 = arith.constant 0 : index
    %get3A_57 = arith.constant 0 : index
    %get3A_58 = vector.load %arg8[%get3A_56, %get3A_57] : memref<1x2xf32, #tpu.memory_space<vmem>>, vector<1x2xf32>
    %add3A_59 = vector.broadcast %get3A_58 : vector<1x2xf32> to vector<32x2xf32>
    %add3A_60 = arith.addf %dot_general3A_55, %add3A_59 : vector<32x2xf32>
    %swap3A = arith.constant 0 : index
    %swap3A_61 = arith.constant 0 : index
    %swap3A_62 = vector.load %arg9[%swap3A, %swap3A_61] : memref<32x2xf32, #tpu.memory_space<vmem>>, vector<32x2xf32>
    tpu.vector_store %arg9[%swap3A, %swap3A_61], %add3A_60 {strides = array<i32>} : memref<32x2xf32, #tpu.memory_space<vmem>>, vector<32x2xf32>,
    return
  }
}

</mosaic_0001>

<sc_bundles>
// kernel: gather_offload_async_start.1
scs
__scs_entry_jumppad:
0x0: {  	(pc) =	sbr.rel $0x88, $3  }
0x1: {  	(tag) =	ssettag $0x0;
	lr =	simm.s32 $0x1  }
0x2: {  	[smem:$0x3F8D] =	sst lr;
	_ =	strace $0xD0000000  }
0x3: {  	_ = 	snop  }
0x4: {  	_ = 	snop  }
0x5: {  	_ = 	snop  }
0x6: {  	_ = 	snop  }
0x7: {  	_ = 	snop  }
__scs_overlays_trampoline_lowered:
0x8: {  	[smem:$0x3F9C] =	sst s0  }
0x9: {  	[smem:$0x3F9D] =	sst s1  }
0xa: {  	[smem:$0x3F9E] =	sst s2  }
0xb: {  	[smem:$0x3F9F] =	sst s3  }
0xc: {  	[smem:$0x3FA0] =	sst s4  }
0xd: {  	[smem:$0x3FA1] =	sst s5  }
0xe: {  	[smem:$0x3FA2] =	sst s6  }
0xf: {  	[smem:$0x3FA3] =	sst s7  }
0x10: {  	[smem:$0x3FA4] =	sst s8  }
0x11: {  	[smem:$0x3FA5] =	sst s9;
	s0 =	simm.s32 @!p0 $0x0  }
0x12: {  	s1 =	sld [smem:$0x3F8B];
	s0 =	simm.s32 @p0 $0x1  }
0x13: {  	[smem:$0x3FA6] =	sst s0;
	s0 =	simm.s32 @!p1 $0x0  }
0x14: {  	s2 =	sld [smem:$0x3F8A];
	s0 =	simm.s32 @p1 $0x1  }
0x15: {  	[smem:$0x3FA7] =	sst s0;
	s0 =	simm.s32 @!p2 $0x0  }
0x16: {  	s3 =	sld [smem:$0x3FDB];
	s0 =	simm.s32 @p2 $0x1  }
0x17: {  	s4 =	simm.s32 $0x1BF5;
	[smem:$0x3FA9] =	sst s0  }
0x18: {  	s0 =	sld [smem:$0x3F8C];
	_ =	swait.ge [sflag:s4], $0x0  }
0x19: {  	s7 =	sld [smem:$0x3F8D]  }
0x1a: {  	s8 =	sadd.s32 $0xFFFFE003, lr  }
0x1b: {  	s9 =	sadd.s32 $0xFFFFFEF7, lr;
	s5 =	simm.s32 $0xFFFFFFFF;
	p2 =	slt.u32 s8, $0xFFFFF086  }
0x1c: {  	p1 =	slt.u32 s9, $0xF7A;
	s5 =	simm.s32 @!p2 $0x0  }
0x1d: {  	s5 =	simm.s32 @p1 $0x1;
	p0 =	seq.s32 s7, s2  }
0x1e: {  	s7 =	smul.u32 @!p0 $0xF7A, s2;
	p2 =	seq.s32 @!p0 s5, $0x0  }
0x1f: {  	s9 =	smul.u32 $0xF7A, s1;
	s8 =	simm.s32 @!p0 $0x1BF5;
	p2 =	por !p2, p0  }
0x20: {  	[sflag:s8] =	ssyncset.s32 @!p0 $0xFFFFF086;
	s6 =	sadd.s32 @!p0 s3, s7;
	s7 =	simm.s32 @!p0 $0x108  }
0x21: {  	s3 =	sadd.s32 s3, s9;
	s6 =	sadd.s32 @!p0 $0x88, s6;
	s7 =	simm.s32 @p2 $0x1082  }
0x22: {  	[simem:s7], [sflag:s8] =	dma.local @!p0 [hbm:s6], $0xF7A  }
0x23: {  	s9 =	sor.u32 $0xD0000000, s2;
	s6 =	simm.s32 $0x108;
	_ =	swait.ge @!p0 [sflag:s8], $0x0  }
0x24: {  	s3 =	sadd.s32 $0x88, s3;
	s6 =	simm.s32 @!p1 $0x1082;
	[sflag:s4] =	ssyncset.s32 $0xFFFFF086  }
0x25: {  	[simem:s6], [sflag:s4] =	dma.local [hbm:s3], $0xF7A  }
0x26: {  	[smem:$0x3F8D] =	sst s1;
	(tag) =	ssettag s2;
	_ =	strace s9  }
0x27: {  	s1 =	sld [smem:$0x3F9D]  }
0x28: {  	s2 =	sld [smem:$0x3F9E]  }
0x29: {  	s4 =	sld [smem:$0x3FA0]  }
0x2a: {  	p0 =	seq.s32 s5, $0x0;
	s5 =	sld [smem:$0x3FA1]  }
0x2b: {  	s6 =	sld [smem:$0x3FA2]  }
0x2c: {  	s7 =	sld [smem:$0x3FA3]  }
0x2d: {  	s3 =	simm.s32 $0x108;
	s8 =	sld [smem:$0x3FA4]  }
0x2e: {  	s3 =	simm.s32 @!p0 $0x1082;
	s9 =	sld [smem:$0x3FA5]  }
0x2f: {  	lr =	sadd.s32 s0, s3;
	s0 =	sld [smem:$0x3F9C]  }
0x30: {  	s3 =	sld [smem:$0x3F9F]  }
0x31: {  	[smem:$0x3FA8] =	sst s10  }
0x32: {  	s10 =	sld [smem:$0x3FA6];
	_ =	sdelay $0x3  }
0x33: {  	p0 =	seq.s32 s10, $0x1;
	s10 =	sld [smem:$0x3FA8];
	_ =	sdelay $0x3  }
0x34: {  	[smem:$0x3FA8] =	sst s10  }
0x35: {  	s10 =	sld [smem:$0x3FA7];
	_ =	sdelay $0x3  }
0x36: {  	p1 =	seq.s32 s10, $0x1;
	s10 =	sld [smem:$0x3FA8];
	_ =	sdelay $0x3  }
0x37: {  	[smem:$0x3FA8] =	sst s10  }
0x38: {  	s10 =	sld [smem:$0x3FA9]  }
0x39: {  	_ = 	snop;
	(pc) =	sbr.ind lr, $3  }
0x3a: {  	_ = 	snop  }
0x3b: {  	_ = 	snop  }
0x3c: {  	p2 =	seq.s32 s10, $0x1;
	s10 =	sld [smem:$0x3FA8]  }
0x3d: {  	_ =	shalt  }
0x3e: {  	_ =	shalt  }
0x3f: {  	_ =	shalt  }
0x40: {  	_ =	shalt  }
0x41: {  	_ =	shalt  }
0x42: {  	_ =	shalt  }
0x43: {  	_ =	shalt  }
0x44: {  	_ =	shalt  }
0x45: {  	_ =	shalt  }
0x46: {  	_ =	shalt  }
0x47: {  	_ =	shalt  }
0x48: {  	_ =	shalt  }
0x49: {  	_ =	shalt  }
0x4a: {  	_ =	shalt  }
0x4b: {  	_ =	shalt  }
0x4c: {  	_ =	shalt  }
0x4d: {  	_ =	shalt  }
0x4e: {  	_ =	shalt  }
0x4f: {  	_ =	shalt  }
0x50: {  	_ =	shalt  }
0x51: {  	_ =	shalt  }
0x52: {  	_ =	shalt  }
0x53: {  	_ =	shalt  }
0x54: {  	_ =	shalt  }
0x55: {  	_ =	shalt  }
0x56: {  	_ =	shalt  }
0x57: {  	_ =	shalt  }
0x58: {  	_ =	shalt  }
0x59: {  	_ =	shalt  }
0x5a: {  	_ =	shalt  }
0x5b: {  	_ =	shalt  }
0x5c: {  	_ =	shalt  }
0x5d: {  	_ =	shalt  }
0x5e: {  	_ =	shalt  }
0x5f: {  	_ =	shalt  }
0x60: {  	_ =	shalt  }
0x61: {  	_ =	shalt  }
0x62: {  	_ =	shalt  }
0x63: {  	_ =	shalt  }
0x64: {  	_ =	shalt  }
0x65: {  	_ =	shalt  }
0x66: {  	_ =	shalt  }
0x67: {  	_ =	shalt  }
0x68: {  	_ =	shalt  }
0x69: {  	_ =	shalt  }
0x6a: {  	_ =	shalt  }
0x6b: {  	_ =	shalt  }
0x6c: {  	_ =	shalt  }
0x6d: {  	_ =	shalt  }
0x6e: {  	_ =	shalt  }
0x6f: {  	_ =	shalt  }
0x70: {  	_ =	shalt  }
0x71: {  	_ =	shalt  }
0x72: {  	_ =	shalt  }
0x73: {  	_ =	shalt  }
0x74: {  	_ =	shalt  }
0x75: {  	_ =	shalt  }
0x76: {  	_ =	shalt  }
0x77: {  	_ =	shalt  }
0x78: {  	_ =	shalt  }
0x79: {  	_ =	shalt  }
0x7a: {  	_ =	shalt  }
0x7b: {  	_ =	shalt  }
0x7c: {  	_ =	shalt  }
0x7d: {  	_ =	shalt  }
0x7e: {  	_ =	shalt  }
0x7f: {  	_ =	shalt  }
0x80: {  	_ =	shalt  }
0x81: {  	_ =	shalt  }
0x82: {  	_ =	shalt  }
0x83: {  	_ =	shalt  }
0x84: {  	_ =	shalt  }
0x85: {  	_ =	shalt  }
0x86: {  	_ =	shalt  }
0x87: {  	_ =	shalt  }
.Lfunc_end0:
.L_simem_size_0:
called_computation.1_lowered:
.L_overlay_start_0:
0x88: {  	s2 =	sld [smem:$0x3FD9]  }
0x89: {  	s3 =	sld [smem:$0x3FFE];
	_ =	sdelay $0x1  }
0x8a: {  	s1 =	srdreg.scid  }
0x8b: {  	s0 =	sand.u32 $0x1, s1  }
0x8c: {  	s16 =	sshll.u32 s0, $0xA;
	s2 =	sadd.s32 s3, s2  }
0x8d: {  	s2 =	sadd.s32 s2, s16  }
0x8e: {  	[smem:$0x3FB4] =	sst s2  }
0x8f: {  	_ = 	snop  }
0x90: {  	(tm) =	ssettm $0x1  }
0x91: {  	s17 =	sld [smem:$0x3FFB];
	_ =	sdelay $0x3  }
0x92: {  	_ =	strace s17  }
0x93: {  	s2 =	sld [smem:$0x3FFC];
	_ =	sdelay $0x3  }
0x94: {  	_ =	strace s2  }
0x95: {  	s2 =	sld [smem:$0x3FFD];
	_ =	sdelay $0x3  }
0x96: {  	_ =	strace s2  }
0x97: {  	_ =	strace $0x8FFFFFFF  }
0x98: {  	s18 =	sld [smem:$0x3FDB];
	_ =	sdelay $0x1  }
0x99: {  	s19 =	simm.s32 $_scs_section_size  }
0x9a: {  	s4 =	simm.s32 $_size__tile_overlayer_lowered;
	s5 =	simm.s32 $_tile_overlayer_lowered  }
0x9b: {  	s22 =	simm.s32 $0x1BFF;
	s21 =	sshll.u32 s5, $0x1;
	s2 =	sadd.s32 s19, s18  }
0x9c: {  	s6 =	simm.s32 $0x0;
	s20 =	sshll.u32 s4, $0x1;
	s4 =	sadd.s32 s21, s2  }
0x9d: {  	[timem:s6], [sflag:s22] =	dma.local [hbm:s4], s20  }
0x9e: {  	_ =	swait.ge [sflag:s22], s20  }
0x9f: {  	s3 =	ssub.s32 $0x0, s20;
	[sflag:s22] =	ssyncset.done $0x0  }
0xa0: {  	[sflag:s22] =	ssyncadd.s32 s3;
	_ =	sdelay $0x1  }
0xa1: {  	s23 =	simm.s32 $0x1B8B  }
0xa2: {  	_ =	swait.ge [sflag:s23], $0x1  }
0xa3: {  	[sflag:s23] =	ssyncset.done $0x0  }
0xa4: {  	s25 =	simm.s32 $0x1B8E;
	s24 =	sld [smem:$0x3FFE];
	[sflag:s23] =	ssyncadd.s32 $0xFFFFFFFF  }
0xa5: {  	s26 =	simm.s32 $execute0_lowered;
	[smem:$0x3FD2] =	sst s25  }
0xa6: {  	s4 =	sshll.u32 s26, $0x1;
	_ =	strace $0x80000046;
	[dreg:$0x1] =	wrdreg $0xFFFFFFFF  }
0xa7: {  	s28 =	simm.s32 $_size_execute0_lowered;
	s2 =	sadd.s32 s2, s4;
	[dreg:$0x0] =	wrdreg $0x0  }
0xa8: {  	s4 =	sshll.u32 s28, $0x1;
	[dreg:$0x2] =	wrdreg s2  }
0xa9: {  	[dreg:$0x3] =	wrdreg s4  }
0xaa: {  	[dreg:$0x4] =	wrdreg $0xC0  }
0xab: {  	_ =	task [dreg:s6], $0x5FFFF  }
0xac: {  	[dreg:$0x1] =	wrdreg $0xFFFFFFFF  }
0xad: {  	[dreg:$0x0] =	wrdreg $0x60  }
0xae: {  	[dreg:$0x2] =	wrdreg s24  }
0xaf: {  	[dreg:$0x3] =	wrdreg $0xA  }
0xb0: {  	_ =	task.clear_ibuf [dreg:s6], $0x4FFFF;
	_ =	strace $0x90000046  }
0xb1: {  	s29 =	simm.s32 $0xA;
	_ =	strace $0x80000048  }
0xb2: {  	_ =	swait.ge [sflag:s29], $0x1  }
0xb3: {  	[sflag:s29] =	ssyncadd.s32 $0xFFFFFFFF  }
0xb4: {  	_ =	strace $0x90000048  }
0xb5: {  	_ =	sfence  }
0xb6: {  	s30 =	sld [smem:$0x0];
	_ =	sdelay $0x2  }
0xb7: {  	s31 =	sshll.u32 s1, $0xD;
	s1 =	sshrl.u32 s1, $0x2  }
0xb8: {  	s3 =	sand.u32 $0x4000, s31;
	s1 =	sadd.s32 s1, s30  }
0xb9: {  	s0 =	sor.u32 s3, s0;
	s1 =	sshll.u32 s1, $0x11  }
0xba: {  	s0 =	sor.u32 s1, s0  }
0xbb: {  	s0 =	sadd.s32 $0x8F2B, s0  }
0xbc: {  	[sflag:s0] =	ssyncadd.remote.s32 $0x1  }
0xbd: {  	_ =	sfence.sel $0xFFFF  }
0xbe: {  	[dreg:$0x0] =	wrdreg $0xFFFFFFFF;
	(pc) =	sbr.abs _section_cstart, $3  }
0xbf: {  	[dreg:$0x1] =	wrdreg $0xFFFFFFFF  }
0xc0: {  	_ =	task.clear_ibuf [dreg:s6], $0x2FFFF;
	_ =	strace $0x9FFFFFFF  }
0xc1: {  	(tm) =	ssettm $0x7FFFFFFF  }
tec
execute0_lowered:
.L_overlay_start_1:
0x0: {  	(tag) =	ssettag $0x1  }
0x1: {  	s8 =	rddreg [dreg:$0x0]  }
0x2: {  	s0 =	rddreg [dreg:$0x1];
	_ =	strace $0x80000047;
	s1 =	stileid.u32  }
0x3: {  	s3 =	srdreg.scid;
	s4 =	simm.s32 $0x1;
	s7 =	simm.s32 $0x1  }
0x4: {  	s9 =	simm.s32 $0x1;
	s10 =	simm.s32 $0x3;
	s13 =	simm.s32 $0x0  }
0x5: {  	s12 =	simm.s32 $0x0;
	s5 =	sand.u32 $0x1, s3;
	s6 =	sshll.u32 s1, $0x1  }
0x6: {  	s2 =	sadd.s32 $0xF200, s8;
	s3 =	sadd.s32 $0x19000, s8;
	s5 =	sor.u32 s6, s5  }
.Ltmp0:
0x7: {  	[sflag:s4] =	ssyncpa.u1 $0x0;
	p0 =	slt.u32 s5, $0x9;
	(pc) =	sbr.rel .LBB2_1-.Ltmp0, $4  }
0x8: {  	s6 =	simm.s32 $0x2;
	s7 =	simm.s32 @!p0 $0x0;
	p0 =	sne.s32 s5, $0x8  }
0x9: {  	[sflag:s6] =	ssyncpa.u1 $0x0;
	s5 =	smul.u32 $0x1F40, s5;
	s9 =	simm.s32 @!p0 $0x0  }
0xa: {  	s8 =	sadd.s32 $0xE7800, s8;
	[sflag:s10] =	ssyncpa.u1 $0x0;
	s7 =	sadd.s32 s9, s7  }
0xb: {  	vm0 =	vmmov $0xffff;
	s10 =	simm.s32 $0x0;
	s11 =	smov.u32 s5;
	s9 =	sadd.s32 $0x1, s7  }
.LBB2_4:
0xc: {  	v2 =	vnsel vm1, $0x0, v2  }
0xd: {  	vm1 =	vgt.s32 v0, $0x0;
	v2 =	vmin.u32 v2, $0x4E1FF  }
0xe: {  	v0 =	vnsel vm1, $0x0, v0  }
0xf: {  	v0 =	vmin.u32 v0, $0x4E1FF  }
0x10: {  	[tilespmem:s18], [sflag:$0x1] =	stream.indirect_vreg.gather [hbm4b:s2+s10], $0x1, v1, vm0, $0x4038;
	[tilespmem:$0x7D00] =	vst v63  }
0x11: {  	(ifvalue) =	ssetifvalue $0x7FFFFFFF  }
0x12: {  	[tilespmem:s15], [sflag:$0x1] =	stream.indirect_vreg.gather [hbm4b:s2+s10], $0x1, v2, vm0, $0x4038;
	[tilespmem:$0x7D00] =	vst v63  }
0x13: {  	s29 =	sadd.s32 $0x10, s15;
	(ifvalue) =	ssetifvalue $0x7FFFFFFF  }
0x14: {  	[tilespmem:s29], [sflag:$0x1] =	stream.indirect_vreg.gather [hbm4b:s2+s10], $0x1, v0, vm0, $0x4038;
	[tilespmem:$0x7D00] =	vst v63  }
0x15: {  	_ =	swait.ge [sflag:s4], $0x1F40  }
0x16: {  	s30 =	sshrl.u32 s13, $0x3;
	[sflag:s4] =	ssyncset.done $0x0  }
0x17: {  	s31 =	sand.u32 $0x7, s13;
	s15 =	sadd.s32 s8, s30;
	[sflag:s4] =	ssyncadd.s32 $0xFFFFE0C0  }
0x18: {  	[hbm4b:s15+s31] =	stream.linear.scatter [tilespmem:s14], [sflag:$0x3], $0x1F40, $0x38;
	[tilespmem:$0x7D00] =	vst v63  }
.LBB2_5:
0x19: {  	s15 =	sadd.s32 $0x3E800, s11  }
0x1a: {  	p1 =	sgt.s32 s15, $0x4E1FF  }
0x1b: {  	s15 =	smov.u32 @p1 s5;
	p1 =	sne.s32 s12, s9  }
.Ltmp1:
0x1c: {  	p0 =	slt.u32 s12, $0x2;
	(pc) =	sbr.rel @!p1 .LBB2_6-.Ltmp1, $4  }
0x1d: {  	s14 =	simm.s32 @!p0 $0x3  }
0x1e: {  	_ =	swait.ge @!p0 [sflag:s14], $0x1F40  }
0x1f: {  	s16 =	sadd.s32 $0x1, s12;
	s13 =	smov.u32 s11;
	[sflag:s14] =	ssyncset.done @!p0 $0x0  }
0x20: {  	s12 =	smov.u32 s16;
	s11 =	smov.u32 s15;
	[sflag:s14] =	ssyncadd.s32 @!p0 $0xFFFFE0C0  }
.LBB2_1:
0x21: {  	p0 =	sge.u32 s12, s7  }
0x22: {  	s14 =	sxor.u32 @!p0 $0x1, s12  }
0x23: {  	s14 =	smul.u32 @!p0 $0x7D00, s14  }
0x24: {  	s31 =	sadd.s32 $0xFFFFFFFF, s12;
	s15 =	sshrl.u32 @!p0 s11, $0x3  }
0x25: {  	s16 =	sand.u32 @!p0 $0x7, s11;
	s15 =	sadd.s32 @!p0 s3, s15;
	s14 =	sshra.s32 @!p0 s14, $0x2  }
0x26: {  	[tilespmem:s14], [sflag:$0x2] =	stream.linear.gather @!p0 [hbm4b:s15+s16], $0x1F40, $0x38;
	[tilespmem:$0x7D00] =	vst v63  }
0x27: {  	p0 =	sge.u32 s31, s7  }
.Ltmp2:
0x28: {  	_ = 	snop;
	(pc) =	sbr.rel @p0 .LBB2_5-.Ltmp2, $1  }
0x29: {  	_ =	sdelay $0x3  }
0x2a: {  	s14 =	sand.u32 $0x1, s12  }
0x2b: {  	_ =	swait.ge [sflag:s6], $0x1F40;
	p0 =	seq.s32 s14, $0x1;
	s14 =	simm.s32 $0x1F40  }
0x2c: {  	[sflag:s6] =	ssyncset.done $0x0;
	s14 =	simm.s32 @!p0 $0x0  }
0x2d: {  	[sflag:s6] =	ssyncadd.s32 $0xFFFFE0C0;
	(ifvalue) =	ssetifvalue $0x7FFFFFFF;
	v0 =	vld.msk [tilespmem:s14+$0x0 ss:$0x1], $0xffff;
	_ =	sdelay $0x4  }
0x2e: {  	s15 =	sadd.s32 $0x10, s14;
	vm1 =	vgt.s32 v0, $0x0  }
0x2f: {  	v2 =	vld.msk [tilespmem:s15+$0x0 ss:$0x1], $0xffff;
	v1 =	vnsel vm1, $0x0, v0  }
0x30: {  	v1 =	vmin.u32 v1, $0x4E1FF;
	_ =	sdelay $0x2  }
0x31: {  	s17 =	simm.s32 $0x20;
	s14 =	sadd.s32 $0x3E80, s14;
	s16 =	sadd.s32 $0x10, s15  }
0x32: {  	s15 =	sadd.s32 $0x10, s14;
	s18 =	smov.u32 s14;
	v0 =	vld.msk [tilespmem:s16+$0x0 ss:$0x1], $0xffff;
	vm1 =	vgt.s32 v2, $0x0;
	(ifvalue) =	ssetifvalue $0x7FFFFFFF  }
.LBB2_3:
0x33: {  	[tilespmem:s18], [sflag:$0x1] =	stream.indirect_vreg.gather [hbm4b:s2+s10], $0x1, v1, vm0, $0x4038;
	[tilespmem:$0x7D00] =	vst v63  }
0x34: {  	s17 =	sadd.s32 $0x10, s17  }
0x35: {  	v2 =	vnsel vm1, $0x0, v2;
	p0 =	slt.u32 s17, $0x1F30  }
.Ltmp3:
0x36: {  	s18 =	smov.u32 s15;
	v1 =	vmin.u32 v2, $0x4E1FF;
	(pc) =	sbr.rel @p0 .LBB2_3-.Ltmp3, $3  }
0x37: {  	_ =	sdelay $0x1  }
0x38: {  	s16 =	sadd.s32 $0x10, s16  }
0x39: {  	vm1 =	vgt.s32 v0, $0x0;
	s15 =	sadd.s32 $0x10, s15;
	v2 =	vmov v0;
	(ifvalue) =	ssetifvalue $0x7FFFFFFF;
	v0 =	vld.msk [tilespmem:s16+$0x0 ss:$0x1], $0xffff  }
.Ltmp4:
0x3a: {  	_ = 	snop;
	(pc) =	sbr.rel .LBB2_4-.Ltmp4, $1  }
0x3b: {  	_ =	sdelay $0x3  }
.LBB2_6:
0x3c: {  	_ =	sfence.sel $0x180000  }
0x3d: {  	s2 =	simm.s32 $0x2;
	[bflag:$0x0] =	sbarrier.arrive $0xFFFF  }
0x3e: {  	s30 =	simm.s32 $0x3;
	[sflag:s2] =	ssyncpa.u1 $0x1  }
0x3f: {  	s31 =	simm.s32 $0x1;
	[sflag:s30] =	ssyncpa.u1 $0x1  }
0x40: {  	[sflag:s31] =	ssyncpa.u1 $0x1  }
0x41: {  	p0 =	sne.s32 s1, $0x0;
	_ =	strace $0x90000047  }
0x42: {  	s0 =	sadd.s32 @!p0 $0x100000, s0;
	[bflag:$0x2] =	sbarrier.arrive $0xFFFF  }
0x43: {  	[sflag:s0] =	ssyncadd.tile.s32 @!p0 $0x1;
	_ =	shalt  }
.Lfunc_end2:
_tile_overlayer_lowered:
.L_overlay_start_2:
0x44: {  	(tag) =	ssettag $0x2  }
0x45: {  	s0 =	rddreg [dreg:$0x0];
	s2 =	stileid.u32  }
0x46: {  	s1 =	rddreg [dreg:$0x1];
	p0 =	sne.s32 s2, $0x0  }
0x47: {  	s3 =	rddreg [dreg:$0x2];
	[bflag:$0x3] =	sbarrier.arrive $0xFFFF;
	s2 =	simm.s32 @!p0 $0x1C01  }
0x48: {  	[timem:s3], [sflag:s2] =	dma.local @!p0 [hbm:s0], s1  }
0x49: {  	s0 =	simm.s32 @!p0 $0x1  }
0x4a: {  	_ =	swait.ge @!p0 [sflag:s0], s1  }
0x4b: {  	s1 =	ssub.s32 @!p0 $0x0, s1;
	[sflag:s0] =	ssyncset.done @!p0 $0x0  }
0x4c: {  	[sflag:s0] =	ssyncadd.s32 @!p0 s1  }
0x4d: {  	[bflag:$0x3] =	sbarrier.arrive $0xFFFF  }
0x4e: {  	_ =	shalt  }

// kernel: gather_offload_async_start
scs
__scs_entry_jumppad:
0x0: {  	(pc) =	sbr.rel $0x88, $3  }
0x1: {  	(tag) =	ssettag $0x0;
	lr =	simm.s32 $0x1  }
0x2: {  	[smem:$0x3F8D] =	sst lr;
	_ =	strace $0xD0000000  }
0x3: {  	_ = 	snop  }
0x4: {  	_ = 	snop  }
0x5: {  	_ = 	snop  }
0x6: {  	_ = 	snop  }
0x7: {  	_ = 	snop  }
__scs_overlays_trampoline_lowered:
0x8: {  	[smem:$0x3F9C] =	sst s0  }
0x9: {  	[smem:$0x3F9D] =	sst s1  }
0xa: {  	[smem:$0x3F9E] =	sst s2  }
0xb: {  	[smem:$0x3F9F] =	sst s3  }
0xc: {  	[smem:$0x3FA0] =	sst s4  }
0xd: {  	[smem:$0x3FA1] =	sst s5  }
0xe: {  	[smem:$0x3FA2] =	sst s6  }
0xf: {  	[smem:$0x3FA3] =	sst s7  }
0x10: {  	[smem:$0x3FA4] =	sst s8  }
0x11: {  	[smem:$0x3FA5] =	sst s9;
	s0 =	simm.s32 @!p0 $0x0  }
0x12: {  	s1 =	sld [smem:$0x3F8B];
	s0 =	simm.s32 @p0 $0x1  }
0x13: {  	[smem:$0x3FA6] =	sst s0;
	s0 =	simm.s32 @!p1 $0x0  }
0x14: {  	s2 =	sld [smem:$0x3F8A];
	s0 =	simm.s32 @p1 $0x1  }
0x15: {  	[smem:$0x3FA7] =	sst s0;
	s0 =	simm.s32 @!p2 $0x0  }
0x16: {  	s3 =	sld [smem:$0x3FDB];
	s0 =	simm.s32 @p2 $0x1  }
0x17: {  	s4 =	simm.s32 $0x1BF5;
	[smem:$0x3FA9] =	sst s0  }
0x18: {  	s0 =	sld [smem:$0x3F8C];
	_ =	swait.ge [sflag:s4], $0x0  }
0x19: {  	s7 =	sld [smem:$0x3F8D]  }
0x1a: {  	s8 =	sadd.s32 $0xFFFFE003, lr  }
0x1b: {  	s9 =	sadd.s32 $0xFFFFFEF7, lr;
	s5 =	simm.s32 $0xFFFFFFFF;
	p2 =	slt.u32 s8, $0xFFFFF086  }
0x1c: {  	p1 =	slt.u32 s9, $0xF7A;
	s5 =	simm.s32 @!p2 $0x0  }
0x1d: {  	s5 =	simm.s32 @p1 $0x1;
	p0 =	seq.s32 s7, s2  }
0x1e: {  	s7 =	smul.u32 @!p0 $0xF7A, s2;
	p2 =	seq.s32 @!p0 s5, $0x0  }
0x1f: {  	s9 =	smul.u32 $0xF7A, s1;
	s8 =	simm.s32 @!p0 $0x1BF5;
	p2 =	por !p2, p0  }
0x20: {  	[sflag:s8] =	ssyncset.s32 @!p0 $0xFFFFF086;
	s6 =	sadd.s32 @!p0 s3, s7;
	s7 =	simm.s32 @!p0 $0x108  }
0x21: {  	s3 =	sadd.s32 s3, s9;
	s6 =	sadd.s32 @!p0 $0x88, s6;
	s7 =	simm.s32 @p2 $0x1082  }
0x22: {  	[simem:s7], [sflag:s8] =	dma.local @!p0 [hbm:s6], $0xF7A  }
0x23: {  	s9 =	sor.u32 $0xD0000000, s2;
	s6 =	simm.s32 $0x108;
	_ =	swait.ge @!p0 [sflag:s8], $0x0  }
0x24: {  	s3 =	sadd.s32 $0x88, s3;
	s6 =	simm.s32 @!p1 $0x1082;
	[sflag:s4] =	ssyncset.s32 $0xFFFFF086  }
0x25: {  	[simem:s6], [sflag:s4] =	dma.local [hbm:s3], $0xF7A  }
0x26: {  	[smem:$0x3F8D] =	sst s1;
	(tag) =	ssettag s2;
	_ =	strace s9  }
0x27: {  	s1 =	sld [smem:$0x3F9D]  }
0x28: {  	s2 =	sld [smem:$0x3F9E]  }
0x29: {  	s4 =	sld [smem:$0x3FA0]  }
0x2a: {  	p0 =	seq.s32 s5, $0x0;
	s5 =	sld [smem:$0x3FA1]  }
0x2b: {  	s6 =	sld [smem:$0x3FA2]  }
0x2c: {  	s7 =	sld [smem:$0x3FA3]  }
0x2d: {  	s3 =	simm.s32 $0x108;
	s8 =	sld [smem:$0x3FA4]  }
0x2e: {  	s3 =	simm.s32 @!p0 $0x1082;
	s9 =	sld [smem:$0x3FA5]  }
0x2f: {  	lr =	sadd.s32 s0, s3;
	s0 =	sld [smem:$0x3F9C]  }
0x30: {  	s3 =	sld [smem:$0x3F9F]  }
0x31: {  	[smem:$0x3FA8] =	sst s10  }
0x32: {  	s10 =	sld [smem:$0x3FA6];
	_ =	sdelay $0x3  }
0x33: {  	p0 =	seq.s32 s10, $0x1;
	s10 =	sld [smem:$0x3FA8];
	_ =	sdelay $0x3  }
0x34: {  	[smem:$0x3FA8] =	sst s10  }
0x35: {  	s10 =	sld [smem:$0x3FA7];
	_ =	sdelay $0x3  }
0x36: {  	p1 =	seq.s32 s10, $0x1;
	s10 =	sld [smem:$0x3FA8];
	_ =	sdelay $0x3  }
0x37: {  	[smem:$0x3FA8] =	sst s10  }
0x38: {  	s10 =	sld [smem:$0x3FA9]  }
0x39: {  	_ = 	snop;
	(pc) =	sbr.ind lr, $3  }
0x3a: {  	_ = 	snop  }
0x3b: {  	_ = 	snop  }
0x3c: {  	p2 =	seq.s32 s10, $0x1;
	s10 =	sld [smem:$0x3FA8]  }
0x3d: {  	_ =	shalt  }
0x3e: {  	_ =	shalt  }
0x3f: {  	_ =	shalt  }
0x40: {  	_ =	shalt  }
0x41: {  	_ =	shalt  }
0x42: {  	_ =	shalt  }
0x43: {  	_ =	shalt  }
0x44: {  	_ =	shalt  }
0x45: {  	_ =	shalt  }
0x46: {  	_ =	shalt  }
0x47: {  	_ =	shalt  }
0x48: {  	_ =	shalt  }
0x49: {  	_ =	shalt  }
0x4a: {  	_ =	shalt  }
0x4b: {  	_ =	shalt  }
0x4c: {  	_ =	shalt  }
0x4d: {  	_ =	shalt  }
0x4e: {  	_ =	shalt  }
0x4f: {  	_ =	shalt  }
0x50: {  	_ =	shalt  }
0x51: {  	_ =	shalt  }
0x52: {  	_ =	shalt  }
0x53: {  	_ =	shalt  }
0x54: {  	_ =	shalt  }
0x55: {  	_ =	shalt  }
0x56: {  	_ =	shalt  }
0x57: {  	_ =	shalt  }
0x58: {  	_ =	shalt  }
0x59: {  	_ =	shalt  }
0x5a: {  	_ =	shalt  }
0x5b: {  	_ =	shalt  }
0x5c: {  	_ =	shalt  }
0x5d: {  	_ =	shalt  }
0x5e: {  	_ =	shalt  }
0x5f: {  	_ =	shalt  }
0x60: {  	_ =	shalt  }
0x61: {  	_ =	shalt  }
0x62: {  	_ =	shalt  }
0x63: {  	_ =	shalt  }
0x64: {  	_ =	shalt  }
0x65: {  	_ =	shalt  }
0x66: {  	_ =	shalt  }
0x67: {  	_ =	shalt  }
0x68: {  	_ =	shalt  }
0x69: {  	_ =	shalt  }
0x6a: {  	_ =	shalt  }
0x6b: {  	_ =	shalt  }
0x6c: {  	_ =	shalt  }
0x6d: {  	_ =	shalt  }
0x6e: {  	_ =	shalt  }
0x6f: {  	_ =	shalt  }
0x70: {  	_ =	shalt  }
0x71: {  	_ =	shalt  }
0x72: {  	_ =	shalt  }
0x73: {  	_ =	shalt  }
0x74: {  	_ =	shalt  }
0x75: {  	_ =	shalt  }
0x76: {  	_ =	shalt  }
0x77: {  	_ =	shalt  }
0x78: {  	_ =	shalt  }
0x79: {  	_ =	shalt  }
0x7a: {  	_ =	shalt  }
0x7b: {  	_ =	shalt  }
0x7c: {  	_ =	shalt  }
0x7d: {  	_ =	shalt  }
0x7e: {  	_ =	shalt  }
0x7f: {  	_ =	shalt  }
0x80: {  	_ =	shalt  }
0x81: {  	_ =	shalt  }
0x82: {  	_ =	shalt  }
0x83: {  	_ =	shalt  }
0x84: {  	_ =	shalt  }
0x85: {  	_ =	shalt  }
0x86: {  	_ =	shalt  }
0x87: {  	_ =	shalt  }
.Lfunc_end0:
.L_simem_size_0:
called_computation_lowered:
.L_overlay_start_0:
0x88: {  	s2 =	sld [smem:$0x3FD9]  }
0x89: {  	s3 =	sld [smem:$0x3FFE];
	_ =	sdelay $0x1  }
0x8a: {  	s1 =	srdreg.scid  }
0x8b: {  	s0 =	sand.u32 $0x1, s1  }
0x8c: {  	s17 =	sshll.u32 s0, $0xA;
	s2 =	sadd.s32 s3, s2  }
0x8d: {  	s2 =	sadd.s32 s2, s17  }
0x8e: {  	[smem:$0x3FB4] =	sst s2  }
0x8f: {  	_ = 	snop  }
0x90: {  	(tm) =	ssettm $0x1  }
0x91: {  	s18 =	sld [smem:$0x3FFB];
	_ =	sdelay $0x3  }
0x92: {  	_ =	strace s18  }
0x93: {  	s2 =	sld [smem:$0x3FFC];
	_ =	sdelay $0x3  }
0x94: {  	_ =	strace s2  }
0x95: {  	s2 =	sld [smem:$0x3FFD];
	_ =	sdelay $0x3  }
0x96: {  	_ =	strace s2  }
0x97: {  	_ =	strace $0x8FFFFFFF  }
0x98: {  	s19 =	sld [smem:$0x3FDB];
	_ =	sdelay $0x1  }
0x99: {  	s20 =	simm.s32 $_scs_section_size  }
0x9a: {  	s4 =	simm.s32 $_size__tile_overlayer_lowered;
	s5 =	simm.s32 $_tile_overlayer_lowered  }
0x9b: {  	s6 =	simm.s32 $0x1BFF;
	s21 =	sshll.u32 s5, $0x1;
	s3 =	sadd.s32 s20, s19  }
0x9c: {  	s22 =	simm.s32 $0x0;
	s4 =	sshll.u32 s4, $0x1;
	s5 =	sadd.s32 s21, s3  }
0x9d: {  	[timem:s22], [sflag:s6] =	dma.local [hbm:s5], s4  }
0x9e: {  	_ =	swait.ge [sflag:s6], s4  }
0x9f: {  	s4 =	ssub.s32 $0x0, s4;
	[sflag:s6] =	ssyncset.done $0x0  }
0xa0: {  	[sflag:s6] =	ssyncadd.s32 s4;
	_ =	sdelay $0x1  }
0xa1: {  	s23 =	simm.s32 $0x1B8B  }
0xa2: {  	_ =	swait.ge [sflag:s23], $0x1  }
0xa3: {  	[sflag:s23] =	ssyncset.done $0x0  }
0xa4: {  	[sflag:s23] =	ssyncadd.s32 $0xFFFFFFFF  }
0xa5: {  	s4 =	sld [smem:$0x0]  }
0xa6: {  	s5 =	sand.u32 $0xFFFFFFFE, s1  }
0xa7: {  	p0 =	sne.s32 s1, s5  }
0xa8: {  	s5 =	sshll.u32 @p0 s5, $0xE  }
0xa9: {  	s5 =	sadd.s32 @p0 $0x11B8D, s5;
	s6 =	sshll.u32 @p0 s4, $0x11  }
0xaa: {  	s5 =	sor.u32 @p0 s6, s5  }
0xab: {  	[sflag:s5] =	ssyncadd.remote.s32 @p0 $0x1;
	_ =	sdelay $0x1  }
0xac: {  	s5 =	simm.s32 @p0 $0x1B8D  }
0xad: {  	_ =	swait.eq @p0 [sflag:s5], $0x1  }
0xae: {  	[sflag:s5] =	ssyncadd.s32 @p0 $0xFFFFFFFF  }
0xaf: {  	s6 =	sshll.u32 @!p0 s1, $0xE  }
0xb0: {  	s6 =	sor.u32 @!p0 $0x4000, s6;
	s5 =	simm.s32 @!p0 $0x1B8D  }
0xb1: {  	s4 =	sshll.u32 @!p0 s4, $0x11;
	s6 =	sadd.s32 @!p0 $0x11B8D, s6;
	_ =	swait.eq @!p0 [sflag:s5], $0x1  }
0xb2: {  	s4 =	sor.u32 @!p0 s4, s6;
	[sflag:s5] =	ssyncadd.s32 @!p0 $0xFFFFFFFF  }
0xb3: {  	s25 =	simm.s32 $0x1B8E;
	s24 =	sld [smem:$0x3FFE];
	[sflag:s4] =	ssyncadd.remote.s32 @!p0 $0x1  }
0xb4: {  	s26 =	simm.s32 $execute0_lowered;
	[smem:$0x3FD2] =	sst s25  }
0xb5: {  	s5 =	sshll.u32 s26, $0x1;
	_ =	strace $0x80000049;
	[dreg:$0x1] =	wrdreg $0xFFFFFFFF  }
0xb6: {  	s28 =	simm.s32 $_size_execute0_lowered;
	s3 =	sadd.s32 s3, s5;
	[dreg:$0x0] =	wrdreg $0x0  }
0xb7: {  	s5 =	sshll.u32 s28, $0x1;
	[dreg:$0x2] =	wrdreg s3  }
0xb8: {  	[dreg:$0x3] =	wrdreg s5  }
0xb9: {  	[dreg:$0x4] =	wrdreg $0xC0  }
0xba: {  	_ =	task [dreg:s22], $0x5FFFF  }
0xbb: {  	[dreg:$0x1] =	wrdreg $0xFFFFFFFF  }
0xbc: {  	[dreg:$0x0] =	wrdreg $0x60  }
0xbd: {  	[dreg:$0x2] =	wrdreg s24  }
0xbe: {  	[dreg:$0x3] =	wrdreg $0x9  }
0xbf: {  	_ =	task.clear_ibuf [dreg:s22], $0x4FFFF;
	_ =	strace $0x90000049  }
0xc0: {  	s29 =	simm.s32 $0x9;
	_ =	strace $0x8000004B  }
0xc1: {  	_ =	swait.ge [sflag:s29], $0x1  }
0xc2: {  	[sflag:s29] =	ssyncadd.s32 $0xFFFFFFFF  }
0xc3: {  	_ =	strace $0x9000004B  }
0xc4: {  	_ =	sfence  }
0xc5: {  	s30 =	sld [smem:$0x0];
	_ =	sdelay $0x2  }
0xc6: {  	s31 =	sshll.u32 s1, $0xD;
	s1 =	sshrl.u32 s1, $0x2  }
0xc7: {  	s4 =	sand.u32 $0x4000, s31;
	s1 =	sadd.s32 s1, s30  }
0xc8: {  	s0 =	sor.u32 s4, s0;
	s1 =	sshll.u32 s1, $0x11  }
0xc9: {  	s0 =	sor.u32 s1, s0  }
0xca: {  	s0 =	sadd.s32 $0x8F2B, s0  }
0xcb: {  	[sflag:s0] =	ssyncadd.remote.s32 $0x1  }
0xcc: {  	_ =	sfence.sel $0xFFFF  }
0xcd: {  	[dreg:$0x0] =	wrdreg $0xFFFFFFFF;
	(pc) =	sbr.abs _section_cstart, $3  }
0xce: {  	[dreg:$0x1] =	wrdreg $0xFFFFFFFF  }
0xcf: {  	_ =	task.clear_ibuf [dreg:s22], $0x2FFFF;
	_ =	strace $0x9FFFFFFF  }
0xd0: {  	(tm) =	ssettm $0x7FFFFFFF  }
0xd1: {  	_ =	shalt  }
tec
execute0_lowered:
.L_overlay_start_1:
0x0: {  	(tag) =	ssettag $0x1  }
0x1: {  	s8 =	rddreg [dreg:$0x0]  }
0x2: {  	s0 =	rddreg [dreg:$0x1];
	_ =	strace $0x8000004A;
	s1 =	stileid.u32  }
0x3: {  	s3 =	srdreg.scid;
	s4 =	simm.s32 $0x1;
	s7 =	simm.s32 $0x1  }
0x4: {  	s9 =	simm.s32 $0x1;
	s10 =	simm.s32 $0x3;
	s13 =	simm.s32 $0x0  }
0x5: {  	s12 =	simm.s32 $0x0;
	s5 =	sand.u32 $0x1, s3;
	s6 =	sshll.u32 s1, $0x1  }
0x6: {  	s2 =	sadd.s32 $0x5400, s8;
	s3 =	sadd.s32 $0x19000, s8;
	s5 =	sor.u32 s6, s5  }
.Ltmp0:
0x7: {  	[sflag:s4] =	ssyncpa.u1 $0x0;
	p0 =	slt.u32 s5, $0x9;
	(pc) =	sbr.rel .LBB2_1-.Ltmp0, $4  }
0x8: {  	s6 =	simm.s32 $0x2;
	s7 =	simm.s32 @!p0 $0x0;
	p0 =	sne.s32 s5, $0x8  }
0x9: {  	[sflag:s6] =	ssyncpa.u1 $0x0;
	s5 =	smul.u32 $0x1F40, s5;
	s9 =	simm.s32 @!p0 $0x0  }
0xa: {  	s8 =	sadd.s32 $0xF1600, s8;
	[sflag:s10] =	ssyncpa.u1 $0x0;
	s7 =	sadd.s32 s9, s7  }
0xb: {  	vm0 =	vmmov $0xffff;
	s10 =	simm.s32 $0x0;
	s11 =	smov.u32 s5;
	s9 =	sadd.s32 $0x1, s7  }
.LBB2_4:
0xc: {  	v2 =	vnsel vm1, $0x0, v2  }
0xd: {  	vm1 =	vgt.s32 v0, $0x0;
	v2 =	vmin.u32 v2, $0x4E1FF  }
0xe: {  	v0 =	vnsel vm1, $0x0, v0  }
0xf: {  	v0 =	vmin.u32 v0, $0x4E1FF  }
0x10: {  	[tilespmem:s18], [sflag:$0x1] =	stream.indirect_vreg.gather [hbm4b:s2+s10], $0x1, v1, vm0, $0x4038;
	[tilespmem:$0x7D00] =	vst v63  }
0x11: {  	(ifvalue) =	ssetifvalue $0x7FFFFFFF  }
0x12: {  	[tilespmem:s15], [sflag:$0x1] =	stream.indirect_vreg.gather [hbm4b:s2+s10], $0x1, v2, vm0, $0x4038;
	[tilespmem:$0x7D00] =	vst v63  }
0x13: {  	s29 =	sadd.s32 $0x10, s15;
	(ifvalue) =	ssetifvalue $0x7FFFFFFF  }
0x14: {  	[tilespmem:s29], [sflag:$0x1] =	stream.indirect_vreg.gather [hbm4b:s2+s10], $0x1, v0, vm0, $0x4038;
	[tilespmem:$0x7D00] =	vst v63  }
0x15: {  	_ =	swait.ge [sflag:s4], $0x1F40  }
0x16: {  	s30 =	sshrl.u32 s13, $0x3;
	[sflag:s4] =	ssyncset.done $0x0  }
0x17: {  	s31 =	sand.u32 $0x7, s13;
	s15 =	sadd.s32 s8, s30;
	[sflag:s4] =	ssyncadd.s32 $0xFFFFE0C0  }
0x18: {  	[hbm4b:s15+s31] =	stream.linear.scatter [tilespmem:s14], [sflag:$0x3], $0x1F40, $0x38;
	[tilespmem:$0x7D00] =	vst v63  }
.LBB2_5:
0x19: {  	s15 =	sadd.s32 $0x3E800, s11  }
0x1a: {  	p1 =	sgt.s32 s15, $0x4E1FF  }
0x1b: {  	s15 =	smov.u32 @p1 s5;
	p1 =	sne.s32 s12, s9  }
.Ltmp1:
0x1c: {  	p0 =	slt.u32 s12, $0x2;
	(pc) =	sbr.rel @!p1 .LBB2_6-.Ltmp1, $4  }
0x1d: {  	s14 =	simm.s32 @!p0 $0x3  }
0x1e: {  	_ =	swait.ge @!p0 [sflag:s14], $0x1F40  }
0x1f: {  	s16 =	sadd.s32 $0x1, s12;
	s13 =	smov.u32 s11;
	[sflag:s14] =	ssyncset.done @!p0 $0x0  }
0x20: {  	s12 =	smov.u32 s16;
	s11 =	smov.u32 s15;
	[sflag:s14] =	ssyncadd.s32 @!p0 $0xFFFFE0C0  }
.LBB2_1:
0x21: {  	p0 =	sge.u32 s12, s7  }
0x22: {  	s14 =	sxor.u32 @!p0 $0x1, s12  }
0x23: {  	s14 =	smul.u32 @!p0 $0x7D00, s14  }
0x24: {  	s31 =	sadd.s32 $0xFFFFFFFF, s12;
	s15 =	sshrl.u32 @!p0 s11, $0x3  }
0x25: {  	s16 =	sand.u32 @!p0 $0x7, s11;
	s15 =	sadd.s32 @!p0 s3, s15;
	s14 =	sshra.s32 @!p0 s14, $0x2  }
0x26: {  	[tilespmem:s14], [sflag:$0x2] =	stream.linear.gather @!p0 [hbm4b:s15+s16], $0x1F40, $0x38;
	[tilespmem:$0x7D00] =	vst v63  }
0x27: {  	p0 =	sge.u32 s31, s7  }
.Ltmp2:
0x28: {  	_ = 	snop;
	(pc) =	sbr.rel @p0 .LBB2_5-.Ltmp2, $1  }
0x29: {  	_ =	sdelay $0x3  }
0x2a: {  	s14 =	sand.u32 $0x1, s12  }
0x2b: {  	_ =	swait.ge [sflag:s6], $0x1F40;
	p0 =	seq.s32 s14, $0x1;
	s14 =	simm.s32 $0x1F40  }
0x2c: {  	[sflag:s6] =	ssyncset.done $0x0;
	s14 =	simm.s32 @!p0 $0x0  }
0x2d: {  	[sflag:s6] =	ssyncadd.s32 $0xFFFFE0C0;
	(ifvalue) =	ssetifvalue $0x7FFFFFFF;
	v0 =	vld.msk [tilespmem:s14+$0x0 ss:$0x1], $0xffff;
	_ =	sdelay $0x4  }
0x2e: {  	s15 =	sadd.s32 $0x10, s14;
	vm1 =	vgt.s32 v0, $0x0  }
0x2f: {  	v2 =	vld.msk [tilespmem:s15+$0x0 ss:$0x1], $0xffff;
	v1 =	vnsel vm1, $0x0, v0  }
0x30: {  	v1 =	vmin.u32 v1, $0x4E1FF;
	_ =	sdelay $0x2  }
0x31: {  	s17 =	simm.s32 $0x20;
	s14 =	sadd.s32 $0x3E80, s14;
	s16 =	sadd.s32 $0x10, s15  }
0x32: {  	s15 =	sadd.s32 $0x10, s14;
	s18 =	smov.u32 s14;
	v0 =	vld.msk [tilespmem:s16+$0x0 ss:$0x1], $0xffff;
	vm1 =	vgt.s32 v2, $0x0;
	(ifvalue) =	ssetifvalue $0x7FFFFFFF  }
.LBB2_3:
0x33: {  	[tilespmem:s18], [sflag:$0x1] =	stream.indirect_vreg.gather [hbm4b:s2+s10], $0x1, v1, vm0, $0x4038;
	[tilespmem:$0x7D00] =	vst v63  }
0x34: {  	s17 =	sadd.s32 $0x10, s17  }
0x35: {  	v2 =	vnsel vm1, $0x0, v2;
	p0 =	slt.u32 s17, $0x1F30  }
.Ltmp3:
0x36: {  	s18 =	smov.u32 s15;
	v1 =	vmin.u32 v2, $0x4E1FF;
	(pc) =	sbr.rel @p0 .LBB2_3-.Ltmp3, $3  }
0x37: {  	_ =	sdelay $0x1  }
0x38: {  	s16 =	sadd.s32 $0x10, s16  }
0x39: {  	vm1 =	vgt.s32 v0, $0x0;
	s15 =	sadd.s32 $0x10, s15;
	v2 =	vmov v0;
	(ifvalue) =	ssetifvalue $0x7FFFFFFF;
	v0 =	vld.msk [tilespmem:s16+$0x0 ss:$0x1], $0xffff  }
.Ltmp4:
0x3a: {  	_ = 	snop;
	(pc) =	sbr.rel .LBB2_4-.Ltmp4, $1  }
0x3b: {  	_ =	sdelay $0x3  }
.LBB2_6:
0x3c: {  	_ =	sfence.sel $0x180000  }
0x3d: {  	s2 =	simm.s32 $0x2;
	[bflag:$0x0] =	sbarrier.arrive $0xFFFF  }
0x3e: {  	s30 =	simm.s32 $0x3;
	[sflag:s2] =	ssyncpa.u1 $0x1  }
0x3f: {  	s31 =	simm.s32 $0x1;
	[sflag:s30] =	ssyncpa.u1 $0x1  }
0x40: {  	[sflag:s31] =	ssyncpa.u1 $0x1  }
0x41: {  	p0 =	sne.s32 s1, $0x0;
	_ =	strace $0x9000004A  }
0x42: {  	s0 =	sadd.s32 @!p0 $0x100000, s0;
	[bflag:$0x2] =	sbarrier.arrive $0xFFFF  }
0x43: {  	[sflag:s0] =	ssyncadd.tile.s32 @!p0 $0x1;
	_ =	shalt  }
.Lfunc_end2:
_tile_overlayer_lowered:
.L_overlay_start_2:
0x44: {  	(tag) =	ssettag $0x2  }
0x45: {  	s0 =	rddreg [dreg:$0x0];
	s2 =	stileid.u32  }
0x46: {  	s1 =	rddreg [dreg:$0x1];
	p0 =	sne.s32 s2, $0x0  }
0x47: {  	s3 =	rddreg [dreg:$0x2];
	[bflag:$0x3] =	sbarrier.arrive $0xFFFF;
	s2 =	simm.s32 @!p0 $0x1C01  }
0x48: {  	[timem:s3], [sflag:s2] =	dma.local @!p0 [hbm:s0], s1  }
0x49: {  	s0 =	simm.s32 @!p0 $0x1  }
0x4a: {  	_ =	swait.ge @!p0 [sflag:s0], s1  }
0x4b: {  	s1 =	ssub.s32 @!p0 $0x0, s1;
	[sflag:s0] =	ssyncset.done @!p0 $0x0  }
0x4c: {  	[sflag:s0] =	ssyncadd.s32 @!p0 s1  }
0x4d: {  	[bflag:$0x3] =	sbarrier.arrive $0xFFFF  }
0x4e: {  	_ =	shalt  }

// kernel: kernel.15.cloned.1.call-start
scs
__scs_entry_jumppad:
0x0: {  	(pc) =	sbr.rel $0x88, $3  }
0x1: {  	(tag) =	ssettag $0x0;
	lr =	simm.s32 $0x1  }
0x2: {  	[smem:$0x3F8D] =	sst lr;
	_ =	strace $0xD0000000  }
0x3: {  	_ = 	snop  }
0x4: {  	_ = 	snop  }
0x5: {  	_ = 	snop  }
0x6: {  	_ = 	snop  }
0x7: {  	_ = 	snop  }
__scs_overlays_trampoline_lowered:
0x8: {  	[smem:$0x3F9C] =	sst s0  }
0x9: {  	[smem:$0x3F9D] =	sst s1  }
0xa: {  	[smem:$0x3F9E] =	sst s2  }
0xb: {  	[smem:$0x3F9F] =	sst s3  }
0xc: {  	[smem:$0x3FA0] =	sst s4  }
0xd: {  	[smem:$0x3FA1] =	sst s5  }
0xe: {  	[smem:$0x3FA2] =	sst s6  }
0xf: {  	[smem:$0x3FA3] =	sst s7  }
0x10: {  	[smem:$0x3FA4] =	sst s8  }
0x11: {  	[smem:$0x3FA5] =	sst s9;
	s0 =	simm.s32 @!p0 $0x0  }
0x12: {  	s1 =	sld [smem:$0x3F8B];
	s0 =	simm.s32 @p0 $0x1  }
0x13: {  	[smem:$0x3FA6] =	sst s0;
	s0 =	simm.s32 @!p1 $0x0  }
0x14: {  	s2 =	sld [smem:$0x3F8A];
	s0 =	simm.s32 @p1 $0x1  }
0x15: {  	[smem:$0x3FA7] =	sst s0;
	s0 =	simm.s32 @!p2 $0x0  }
0x16: {  	s3 =	sld [smem:$0x3FDB];
	s0 =	simm.s32 @p2 $0x1  }
0x17: {  	s4 =	simm.s32 $0x1BF5;
	[smem:$0x3FA9] =	sst s0  }
0x18: {  	s0 =	sld [smem:$0x3F8C];
	_ =	swait.ge [sflag:s4], $0x0  }
0x19: {  	s7 =	sld [smem:$0x3F8D]  }
0x1a: {  	s8 =	sadd.s32 $0xFFFFE003, lr  }
0x1b: {  	s9 =	sadd.s32 $0xFFFFFEF7, lr;
	s5 =	simm.s32 $0xFFFFFFFF;
	p2 =	slt.u32 s8, $0xFFFFF086  }
0x1c: {  	p1 =	slt.u32 s9, $0xF7A;
	s5 =	simm.s32 @!p2 $0x0  }
0x1d: {  	s5 =	simm.s32 @p1 $0x1;
	p0 =	seq.s32 s7, s2  }
0x1e: {  	s7 =	smul.u32 @!p0 $0xF7A, s2;
	p2 =	seq.s32 @!p0 s5, $0x0  }
0x1f: {  	s9 =	smul.u32 $0xF7A, s1;
	s8 =	simm.s32 @!p0 $0x1BF5;
	p2 =	por !p2, p0  }
0x20: {  	[sflag:s8] =	ssyncset.s32 @!p0 $0xFFFFF086;
	s6 =	sadd.s32 @!p0 s3, s7;
	s7 =	simm.s32 @!p0 $0x108  }
0x21: {  	s3 =	sadd.s32 s3, s9;
	s6 =	sadd.s32 @!p0 $0x88, s6;
	s7 =	simm.s32 @p2 $0x1082  }
0x22: {  	[simem:s7], [sflag:s8] =	dma.local @!p0 [hbm:s6], $0xF7A  }
0x23: {  	s9 =	sor.u32 $0xD0000000, s2;
	s6 =	simm.s32 $0x108;
	_ =	swait.ge @!p0 [sflag:s8], $0x0  }
0x24: {  	s3 =	sadd.s32 $0x88, s3;
	s6 =	simm.s32 @!p1 $0x1082;
	[sflag:s4] =	ssyncset.s32 $0xFFFFF086  }
0x25: {  	[simem:s6], [sflag:s4] =	dma.local [hbm:s3], $0xF7A  }
0x26: {  	[smem:$0x3F8D] =	sst s1;
	(tag) =	ssettag s2;
	_ =	strace s9  }
0x27: {  	s1 =	sld [smem:$0x3F9D]  }
0x28: {  	s2 =	sld [smem:$0x3F9E]  }
0x29: {  	s4 =	sld [smem:$0x3FA0]  }
0x2a: {  	p0 =	seq.s32 s5, $0x0;
	s5 =	sld [smem:$0x3FA1]  }
0x2b: {  	s6 =	sld [smem:$0x3FA2]  }
0x2c: {  	s7 =	sld [smem:$0x3FA3]  }
0x2d: {  	s3 =	simm.s32 $0x108;
	s8 =	sld [smem:$0x3FA4]  }
0x2e: {  	s3 =	simm.s32 @!p0 $0x1082;
	s9 =	sld [smem:$0x3FA5]  }
0x2f: {  	lr =	sadd.s32 s0, s3;
	s0 =	sld [smem:$0x3F9C]  }
0x30: {  	s3 =	sld [smem:$0x3F9F]  }
0x31: {  	[smem:$0x3FA8] =	sst s10  }
0x32: {  	s10 =	sld [smem:$0x3FA6];
	_ =	sdelay $0x3  }
0x33: {  	p0 =	seq.s32 s10, $0x1;
	s10 =	sld [smem:$0x3FA8];
	_ =	sdelay $0x3  }
0x34: {  	[smem:$0x3FA8] =	sst s10  }
0x35: {  	s10 =	sld [smem:$0x3FA7];
	_ =	sdelay $0x3  }
0x36: {  	p1 =	seq.s32 s10, $0x1;
	s10 =	sld [smem:$0x3FA8];
	_ =	sdelay $0x3  }
0x37: {  	[smem:$0x3FA8] =	sst s10  }
0x38: {  	s10 =	sld [smem:$0x3FA9]  }
0x39: {  	_ = 	snop;
	(pc) =	sbr.ind lr, $3  }
0x3a: {  	_ = 	snop  }
0x3b: {  	_ = 	snop  }
0x3c: {  	p2 =	seq.s32 s10, $0x1;
	s10 =	sld [smem:$0x3FA8]  }
0x3d: {  	_ =	shalt  }
0x3e: {  	_ =	shalt  }
0x3f: {  	_ =	shalt  }
0x40: {  	_ =	shalt  }
0x41: {  	_ =	shalt  }
0x42: {  	_ =	shalt  }
0x43: {  	_ =	shalt  }
0x44: {  	_ =	shalt  }
0x45: {  	_ =	shalt  }
0x46: {  	_ =	shalt  }
0x47: {  	_ =	shalt  }
0x48: {  	_ =	shalt  }
0x49: {  	_ =	shalt  }
0x4a: {  	_ =	shalt  }
0x4b: {  	_ =	shalt  }
0x4c: {  	_ =	shalt  }
0x4d: {  	_ =	shalt  }
0x4e: {  	_ =	shalt  }
0x4f: {  	_ =	shalt  }
0x50: {  	_ =	shalt  }
0x51: {  	_ =	shalt  }
0x52: {  	_ =	shalt  }
0x53: {  	_ =	shalt  }
0x54: {  	_ =	shalt  }
0x55: {  	_ =	shalt  }
0x56: {  	_ =	shalt  }
0x57: {  	_ =	shalt  }
0x58: {  	_ =	shalt  }
0x59: {  	_ =	shalt  }
0x5a: {  	_ =	shalt  }
0x5b: {  	_ =	shalt  }
0x5c: {  	_ =	shalt  }
0x5d: {  	_ =	shalt  }
0x5e: {  	_ =	shalt  }
0x5f: {  	_ =	shalt  }
0x60: {  	_ =	shalt  }
0x61: {  	_ =	shalt  }
0x62: {  	_ =	shalt  }
0x63: {  	_ =	shalt  }
0x64: {  	_ =	shalt  }
0x65: {  	_ =	shalt  }
0x66: {  	_ =	shalt  }
0x67: {  	_ =	shalt  }
0x68: {  	_ =	shalt  }
0x69: {  	_ =	shalt  }
0x6a: {  	_ =	shalt  }
0x6b: {  	_ =	shalt  }
0x6c: {  	_ =	shalt  }
0x6d: {  	_ =	shalt  }
0x6e: {  	_ =	shalt  }
0x6f: {  	_ =	shalt  }
0x70: {  	_ =	shalt  }
0x71: {  	_ =	shalt  }
0x72: {  	_ =	shalt  }
0x73: {  	_ =	shalt  }
0x74: {  	_ =	shalt  }
0x75: {  	_ =	shalt  }
0x76: {  	_ =	shalt  }
0x77: {  	_ =	shalt  }
0x78: {  	_ =	shalt  }
0x79: {  	_ =	shalt  }
0x7a: {  	_ =	shalt  }
0x7b: {  	_ =	shalt  }
0x7c: {  	_ =	shalt  }
0x7d: {  	_ =	shalt  }
0x7e: {  	_ =	shalt  }
0x7f: {  	_ =	shalt  }
0x80: {  	_ =	shalt  }
0x81: {  	_ =	shalt  }
0x82: {  	_ =	shalt  }
0x83: {  	_ =	shalt  }
0x84: {  	_ =	shalt  }
0x85: {  	_ =	shalt  }
0x86: {  	_ =	shalt  }
0x87: {  	_ =	shalt  }
.Lfunc_end0:
.L_simem_size_0:
called_computation.2_lowered:
.L_overlay_start_0:
0x88: {  	s2 =	sld [smem:$0x3FD9]  }
0x89: {  	s3 =	sld [smem:$0x3FFE];
	_ =	sdelay $0x1  }
0x8a: {  	s1 =	srdreg.scid  }
0x8b: {  	s0 =	sand.u32 $0x1, s1  }
0x8c: {  	s16 =	sshll.u32 s0, $0xA;
	s2 =	sadd.s32 s3, s2  }
0x8d: {  	s2 =	sadd.s32 s2, s16  }
0x8e: {  	[smem:$0x3FB4] =	sst s2  }
0x8f: {  	_ = 	snop  }
0x90: {  	(tm) =	ssettm $0x1  }
0x91: {  	s17 =	sld [smem:$0x3FFB];
	_ =	sdelay $0x3  }
0x92: {  	_ =	strace s17  }
0x93: {  	s2 =	sld [smem:$0x3FFC];
	_ =	sdelay $0x3  }
0x94: {  	_ =	strace s2  }
0x95: {  	s2 =	sld [smem:$0x3FFD];
	_ =	sdelay $0x3  }
0x96: {  	_ =	strace s2  }
0x97: {  	_ =	strace $0x8FFFFFFF  }
0x98: {  	s18 =	sld [smem:$0x3FDB];
	_ =	sdelay $0x1  }
0x99: {  	s19 =	simm.s32 $_scs_section_size  }
0x9a: {  	s4 =	simm.s32 $_size__tile_overlayer_lowered;
	s5 =	simm.s32 $_tile_overlayer_lowered  }
0x9b: {  	s22 =	simm.s32 $0x1BFF;
	s21 =	sshll.u32 s5, $0x1;
	s2 =	sadd.s32 s19, s18  }
0x9c: {  	s6 =	simm.s32 $0x0;
	s20 =	sshll.u32 s4, $0x1;
	s4 =	sadd.s32 s21, s2  }
0x9d: {  	[timem:s6], [sflag:s22] =	dma.local [hbm:s4], s20  }
0x9e: {  	_ =	swait.ge [sflag:s22], s20  }
0x9f: {  	s3 =	ssub.s32 $0x0, s20;
	[sflag:s22] =	ssyncset.done $0x0  }
0xa0: {  	[sflag:s22] =	ssyncadd.s32 s3;
	_ =	sdelay $0x1  }
0xa1: {  	s23 =	simm.s32 $0x1B8B  }
0xa2: {  	_ =	swait.ge [sflag:s23], $0x1  }
0xa3: {  	[sflag:s23] =	ssyncset.done $0x0  }
0xa4: {  	s25 =	simm.s32 $0x1B8E;
	s24 =	sld [smem:$0x3FFE];
	[sflag:s23] =	ssyncadd.s32 $0xFFFFFFFF  }
0xa5: {  	s26 =	simm.s32 $execute0_lowered;
	[smem:$0x3FD2] =	sst s25  }
0xa6: {  	s4 =	sshll.u32 s26, $0x1;
	_ =	strace $0x8000004C;
	[dreg:$0x1] =	wrdreg $0xFFFFFFFF  }
0xa7: {  	s28 =	simm.s32 $_size_execute0_lowered;
	s2 =	sadd.s32 s2, s4;
	[dreg:$0x0] =	wrdreg $0x0  }
0xa8: {  	s4 =	sshll.u32 s28, $0x1;
	[dreg:$0x2] =	wrdreg s2  }
0xa9: {  	[dreg:$0x3] =	wrdreg s4  }
0xaa: {  	[dreg:$0x4] =	wrdreg $0xC0  }
0xab: {  	_ =	task [dreg:s6], $0x5FFFF  }
0xac: {  	[dreg:$0x1] =	wrdreg $0xFFFFFFFF  }
0xad: {  	[dreg:$0x0] =	wrdreg $0x60  }
0xae: {  	[dreg:$0x2] =	wrdreg s24  }
0xaf: {  	[dreg:$0x3] =	wrdreg $0x78800  }
0xb0: {  	[dreg:$0x4] =	wrdreg $0x9  }
0xb1: {  	_ =	task.clear_ibuf [dreg:s6], $0x5FFFF;
	_ =	strace $0x9000004C  }
0xb2: {  	s29 =	simm.s32 $0x9;
	_ =	strace $0x8000004E  }
0xb3: {  	_ =	swait.ge [sflag:s29], $0x1  }
0xb4: {  	[sflag:s29] =	ssyncadd.s32 $0xFFFFFFFF  }
0xb5: {  	_ =	strace $0x9000004E  }
0xb6: {  	_ =	sfence  }
0xb7: {  	s30 =	sld [smem:$0x0];
	_ =	sdelay $0x2  }
0xb8: {  	s31 =	sshll.u32 s1, $0xD;
	s1 =	sshrl.u32 s1, $0x2  }
0xb9: {  	s3 =	sand.u32 $0x4000, s31;
	s1 =	sadd.s32 s1, s30  }
0xba: {  	s0 =	sor.u32 s3, s0;
	s1 =	sshll.u32 s1, $0x11  }
0xbb: {  	s0 =	sor.u32 s1, s0  }
0xbc: {  	s0 =	sadd.s32 $0x8F2B, s0  }
0xbd: {  	[sflag:s0] =	ssyncadd.remote.s32 $0x1  }
0xbe: {  	_ =	sfence.sel $0xFFFF  }
0xbf: {  	[dreg:$0x0] =	wrdreg $0xFFFFFFFF;
	(pc) =	sbr.abs _section_cstart, $3  }
0xc0: {  	[dreg:$0x1] =	wrdreg $0xFFFFFFFF  }
0xc1: {  	_ =	task.clear_ibuf [dreg:s6], $0x2FFFF;
	_ =	strace $0x9FFFFFFF  }
0xc2: {  	(tm) =	ssettm $0x7FFFFFFF  }
0xc3: {  	_ =	shalt  }
tec
execute0_lowered:
.L_overlay_start_1:
0x0: {  	(tag) =	ssettag $0x1  }
0x1: {  	s0 =	srdreg.scid;
	s6 =	rddreg [dreg:$0x0]  }
0x2: {  	s17 =	stileid.u32;
	s2 =	rddreg [dreg:$0x1];
	s3 =	simm.s32 $0x0  }
0x3: {  	s20 =	simm.s32 $0x2880;
	s21 =	simm.s32 $0x3;
	s22 =	simm.s32 $0x50  }
0x4: {  	s23 =	simm.s32 $0x5080;
	s28 =	simm.s32 $0x2;
	s29 =	simm.s32 $0x2800  }
0x5: {  	s30 =	simm.s32 $0x26C0;
	s31 =	simm.s32 $0x0;
	s5 =	smul.u32 $0x50000, s17  }
0x6: {  	s0 =	sand.u32 $0x1, s0;
	s1 =	sshll.u32 s17, $0x1;
	s16 =	smul.u32 $0x4E20, s17  }
0x7: {  	[smem:$0x7FF] =	sst s3;
	s4 =	sadd.s32 $0xC0600, s6;
	s7 =	smul.u32 $0x28000, s0  }
0x8: {  	s1 =	sor.u32 s0, s1;
	s8 =	ssub.s32 $0x2, s0;
	s0 =	smul.u32 $0x2710, s0  }
0x9: {  	s19 =	sadd.s32 $0xE7800, s6;
	s1 =	smul.u32 $0x2710, s1;
	s5 =	sshrl.u32 s5, $0x2  }
0xa: {  	_ =	strace $0x8000004D;
	s9 =	sshrl.u32 s8, $0x1;
	s5 =	sadd.s32 s5, s2  }
0xb: {  	s15 =	ssub.s32 s8, s9;
	s0 =	sadd.s32 s0, s16;
	s1 =	sshrl.u32 s1, $0x3  }
0xc: {  	s24 =	sadd.s32 $0x2800, s5;
	s25 =	sadd.s32 $0x5000, s5;
	s8 =	sadd.s32 $0x7800, s5  }
0xd: {  	s9 =	sadd.s32 $0xA000, s5;
	s10 =	sadd.s32 $0xC800, s5;
	s11 =	sadd.s32 $0xF000, s5  }
0xe: {  	s12 =	sadd.s32 $0x11800, s5;
	s26 =	sadd.s32 $0x50, s0;
	s15 =	smax.u32 s15, $0x1  }
0xf: {  	s0 =	sshrl.u32 s0, $0x3;
	s13 =	sadd.s32 s1, s6;
	[dreg:$0x3] =	wrdreg s24  }
0x10: {  	s6 =	sadd.s32 s7, s6;
	[dreg:$0x4] =	wrdreg s25;
	s1 =	sadd.s32 s19, s1  }
0x11: {  	s24 =	smul.u32 $0x2800, s17;
	s18 =	sshrl.u32 s26, $0x3;
	s25 =	simm.s32 $0x1  }
0x12: {  	s26 =	simm.s32 $0x2780;
	s13 =	sadd.s32 $0xF1600, s13;
	s14 =	sadd.s32 $0x4D8, s1  }
0x13: {  	s6 =	sadd.s32 $0xFB400, s6;
	s16 =	sadd.s32 $0x4C4, s1;
	s17 =	sadd.s32 $0x4CE, s1  }
0x14: {  	v0 =	vimm.f32 $0.0e+00;
	s18 =	sadd.s32 s18, s19;
	s19 =	sadd.s32 s0, s19;
	s24 =	sadd.s32 s24, s6  }
.LBB2_1:
0x15: {  	s0 =	simm.s32 $0x0;
	s1 =	simm.s32 $0x200  }
.LBB2_2:
0x16: {  	p0 =	sne.s32 s1, $0x9E00;
	[tilespmem:s0+$0x28F0] =	vst v0  }
0x17: {  	[tilespmem:s0+$0x2880] =	vst v0  }
0x18: {  	[tilespmem:s0+$0x2890] =	vst v0  }
.Ltmp0:
0x19: {  	[tilespmem:s0+$0x28A0] =	vst v0;
	(pc) =	sbr.rel @p0 .LBB2_2-.Ltmp0, $4  }
0x1a: {  	[tilespmem:s0+$0x28B0] =	vst v0  }
0x1b: {  	[tilespmem:s0+$0x28C0] =	vst v0  }
0x1c: {  	[tilespmem:s0+$0x28D0] =	vst v0  }
0x1d: {  	[tilespmem:s0+$0x28E0] =	vst v0;
	s0 =	sshra.s32 s1, $0x2;
	s1 =	sadd.s32 $0x200, s1  }
0x1e: {  	[tilespmem:s0+$0x28F0] =	vst v0  }
0x1f: {  	[tilespmem:s0+$0x2880] =	vst v0  }
0x20: {  	[tilespmem:s0+$0x2890] =	vst v0  }
0x21: {  	[tilespmem:s0+$0x28A0] =	vst v0  }
0x22: {  	[tilespmem:s0+$0x28B0] =	vst v0  }
0x23: {  	[tilespmem:s0+$0x28C0] =	vst v0  }
0x24: {  	[tilespmem:s0+$0x28D0] =	vst v0  }
0x25: {  	[tilespmem:s0+$0x28E0] =	vst v0  }
0x26: {  	[spmem:s5] =	stream.linear.scatter [tilespmem:s20], [sflag:$0x3], $0x2800, $0x38;
	[tilespmem:$0x1B880] =	vst v63  }
0x27: {  	_ =	swait.ge [sflag:s21], $0x2800  }
0x28: {  	[sflag:s21] =	ssyncset.done $0x0  }
0x29: {  	s1 =	rddreg [dreg:$0x3];
	[sflag:s21] =	ssyncadd.s32 $0xFFFFD800  }
0x2a: {  	[spmem:s1] =	stream.linear.scatter [tilespmem:s20], [sflag:$0x3], $0x2800, $0x38;
	[tilespmem:$0x1B880] =	vst v63  }
0x2b: {  	_ =	swait.ge [sflag:s21], $0x2800  }
0x2c: {  	[sflag:s21] =	ssyncset.done $0x0  }
0x2d: {  	s6 =	rddreg [dreg:$0x4];
	[sflag:s21] =	ssyncadd.s32 $0xFFFFD800  }
0x2e: {  	[spmem:s6] =	stream.linear.scatter [tilespmem:s20], [sflag:$0x3], $0x2800, $0x38;
	[tilespmem:$0x1B880] =	vst v63  }
0x2f: {  	_ =	swait.ge [sflag:s21], $0x2800  }
0x30: {  	[sflag:s21] =	ssyncset.done $0x0  }
0x31: {  	[sflag:s21] =	ssyncadd.s32 $0xFFFFD800  }
0x32: {  	[spmem:s8] =	stream.linear.scatter [tilespmem:s20], [sflag:$0x3], $0x2800, $0x38;
	[tilespmem:$0x1B880] =	vst v63  }
0x33: {  	_ =	swait.ge [sflag:s21], $0x2800  }
0x34: {  	[sflag:s21] =	ssyncset.done $0x0  }
0x35: {  	[sflag:s21] =	ssyncadd.s32 $0xFFFFD800  }
0x36: {  	[spmem:s9] =	stream.linear.scatter [tilespmem:s20], [sflag:$0x3], $0x2800, $0x38;
	[tilespmem:$0x1B880] =	vst v63  }
0x37: {  	_ =	swait.ge [sflag:s21], $0x2800  }
0x38: {  	[sflag:s21] =	ssyncset.done $0x0  }
0x39: {  	[sflag:s21] =	ssyncadd.s32 $0xFFFFD800  }
0x3a: {  	[spmem:s10] =	stream.linear.scatter [tilespmem:s20], [sflag:$0x3], $0x2800, $0x38;
	[tilespmem:$0x1B880] =	vst v63  }
0x3b: {  	_ =	swait.ge [sflag:s21], $0x2800  }
0x3c: {  	[sflag:s21] =	ssyncset.done $0x0  }
0x3d: {  	[sflag:s21] =	ssyncadd.s32 $0xFFFFD800  }
0x3e: {  	[spmem:s11] =	stream.linear.scatter [tilespmem:s20], [sflag:$0x3], $0x2800, $0x38;
	[tilespmem:$0x1B880] =	vst v63  }
0x3f: {  	_ =	swait.ge [sflag:s21], $0x2800  }
0x40: {  	[sflag:s21] =	ssyncset.done $0x0  }
0x41: {  	[sflag:s21] =	ssyncadd.s32 $0xFFFFD800  }
0x42: {  	[spmem:s12] =	stream.linear.scatter [tilespmem:s20], [sflag:$0x3], $0x2800, $0x38;
	[tilespmem:$0x1B880] =	vst v63  }
0x43: {  	_ =	swait.ge [sflag:s21], $0x2800  }
0x44: {  	[sflag:s21] =	ssyncset.done $0x0  }
0x45: {  	[sflag:s21] =	ssyncadd.s32 $0xFFFFD800  }
0x46: {  	s7 =	simm.s32 $0x0;
	[bflag:$0x0] =	sbarrier.arrive $0xFFFF  }
0x47: {  	[tilespmem:s7], [sflag:$0x3] =	stream.linear.gather [hbm4b:s13+s7], $0x2710, $0x38;
	[tilespmem:$0x1B880] =	vst v63  }
0x48: {  	_ =	swait.ge [sflag:s21], $0x2710  }
0x49: {  	[sflag:s21] =	ssyncset.done $0x0  }
0x4a: {  	[sflag:s21] =	ssyncadd.s32 $0xFFFFD8F0  }
0x4b: {  	[tilespmem:s20], [sflag:$0x1] =	stream.indirect.gather [hbm4b:s4+s22], $0x80, s7, s22, $0xb8;
	[tilespmem:$0x1B880] =	vst v63  }
0x4c: {  	_ = 	snop  }
0x4d: {  	[tilespmem:s23], [sflag:$0x2] =	stream.indirect.gather [hbm4b:s4+s22], $0x80, s22, s22, $0xb8;
	[tilespmem:$0x1B880] =	vst v63  }
0x4e: {  	_ =	swait.ge [sflag:s25], $0x2800  }
0x4f: {  	[sflag:s25] =	ssyncset.done $0x0  }
0x50: {  	s1 =	sadd.s32 $0x0, s19;
	[sflag:s25] =	ssyncadd.s32 $0xFFFFD800  }
0x51: {  	[tilespmem:s26], [sflag:$0x3] =	stream.linear.gather [hbm4b:s1+s3], $0x50, $0x38;
	[tilespmem:$0x1B880] =	vst v63  }
0x52: {  	_ =	swait.ge [sflag:s21], $0x50  }
0x53: {  	[sflag:s21] =	ssyncset.done $0x0  }
0x54: {  	[sflag:s21] =	ssyncadd.s32 $0xFFFFFFB0  }
0x55: {  	[spmem:s2] =	stream.indirect.scatter.add.f32 [tilespmem:s20], [sflag:$0x3], $0x80, s26, s22, $0xb8;
	[tilespmem:$0x1B880] =	vst v63  }
0x56: {  	_ =	swait.ge [sflag:s21], $0x2800  }
0x57: {  	[sflag:s21] =	ssyncset.done $0x0  }
0x58: {  	s6 =	simm.s32 $0xA0;
	[sflag:s21] =	ssyncadd.s32 $0xFFFFD800  }
0x59: {  	[tilespmem:s20], [sflag:$0x1] =	stream.indirect.gather [hbm4b:s4+s22], $0x80, s6, s22, $0xb8;
	[tilespmem:$0x1B880] =	vst v63  }
0x5a: {  	_ =	swait.ge [sflag:s28], $0x2800  }
0x5b: {  	[sflag:s28] =	ssyncset.done $0x0  }
0x5c: {  	s7 =	sadd.s32 $0x0, s18;
	[sflag:s28] =	ssyncadd.s32 $0xFFFFD800  }
0x5d: {  	[tilespmem:s29], [sflag:$0x3] =	stream.linear.gather [hbm4b:s7+s3], $0x50, $0x38;
	[tilespmem:$0x1B880] =	vst v63  }
0x5e: {  	_ =	swait.ge [sflag:s21], $0x50  }
0x5f: {  	[sflag:s21] =	ssyncset.done $0x0  }
0x60: {  	[sflag:s21] =	ssyncadd.s32 $0xFFFFFFB0  }
0x61: {  	[spmem:s2] =	stream.indirect.scatter.add.f32 [tilespmem:s23], [sflag:$0x3], $0x80, s29, s22, $0xb8;
	[tilespmem:$0x1B880] =	vst v63  }
0x62: {  	_ =	swait.ge [sflag:s21], $0x2800  }
0x63: {  	s0 =	simm.s32 $0x140;
	[sflag:s21] =	ssyncset.done $0x0  }
0x64: {  	s1 =	simm.s32 $0x14;
	s6 =	simm.s32 $0xF0;
	[sflag:s21] =	ssyncadd.s32 $0xFFFFD800  }
.LBB2_4:
0x65: {  	[tilespmem:s23], [sflag:$0x2] =	stream.indirect.gather [hbm4b:s4+s22], $0x80, s6, s22, $0xb8;
	[tilespmem:$0x1B880] =	vst v63  }
0x66: {  	s6 =	smov.u32 s1  }
0x67: {  	p0 =	sne.s32 s1, $0x4B0;
	s1 =	sadd.s32 $0x14, s1;
	_ =	swait.ge [sflag:s25], $0x2800  }
0x68: {  	[sflag:s25] =	ssyncset.done $0x0  }
0x69: {  	s7 =	sadd.s32 s6, s19;
	[sflag:s25] =	ssyncadd.s32 $0xFFFFD800  }
0x6a: {  	[tilespmem:s26], [sflag:$0x3] =	stream.linear.gather [hbm4b:s7+s3], $0x50, $0x38;
	[tilespmem:$0x1B880] =	vst v63  }
0x6b: {  	_ =	swait.ge [sflag:s21], $0x50  }
0x6c: {  	[sflag:s21] =	ssyncset.done $0x0  }
0x6d: {  	[sflag:s21] =	ssyncadd.s32 $0xFFFFFFB0  }
0x6e: {  	[spmem:s2] =	stream.indirect.scatter.add.f32 [tilespmem:s20], [sflag:$0x3], $0x80, s26, s22, $0xb8;
	[tilespmem:$0x1B880] =	vst v63  }
0x6f: {  	_ =	swait.ge [sflag:s21], $0x2800  }
0x70: {  	[sflag:s21] =	ssyncset.done $0x0  }
0x71: {  	[sflag:s21] =	ssyncadd.s32 $0xFFFFD800  }
0x72: {  	[tilespmem:s20], [sflag:$0x1] =	stream.indirect.gather [hbm4b:s4+s22], $0x80, s0, s22, $0xb8;
	[tilespmem:$0x1B880] =	vst v63  }
0x73: {  	_ =	swait.ge [sflag:s28], $0x2800  }
0x74: {  	[sflag:s28] =	ssyncset.done $0x0  }
0x75: {  	s6 =	sadd.s32 s6, s18;
	[sflag:s28] =	ssyncadd.s32 $0xFFFFD800  }
0x76: {  	[tilespmem:s29], [sflag:$0x3] =	stream.linear.gather [hbm4b:s6+s3], $0x50, $0x38;
	[tilespmem:$0x1B880] =	vst v63  }
0x77: {  	_ =	swait.ge [sflag:s21], $0x50  }
0x78: {  	[sflag:s21] =	ssyncset.done $0x0  }
.Ltmp1:
0x79: {  	[sflag:s21] =	ssyncadd.s32 $0xFFFFFFB0;
	(pc) =	sbr.rel @p0 .LBB2_4-.Ltmp1, $4  }
0x7a: {  	[spmem:s2] =	stream.indirect.scatter.add.f32 [tilespmem:s23], [sflag:$0x3], $0x80, s29, s22, $0xb8;
	[tilespmem:$0x1B880] =	vst v63  }
0x7b: {  	_ =	swait.ge [sflag:s21], $0x2800  }
0x7c: {  	[sflag:s21] =	ssyncset.done $0x0  }
0x7d: {  	s6 =	sadd.s32 $0x50, s0;
	s0 =	sadd.s32 $0xA0, s0;
	[sflag:s21] =	ssyncadd.s32 $0xFFFFD800  }
0x7e: {  	[tilespmem:s23], [sflag:$0x2] =	stream.indirect.gather [hbm4b:s4+s22], $0x80, s6, s22, $0xb8;
	[tilespmem:$0x1B880] =	vst v63  }
0x7f: {  	_ =	swait.ge [sflag:s25], $0x2800  }
0x80: {  	[sflag:s25] =	ssyncset.done $0x0  }
0x81: {  	[sflag:s25] =	ssyncadd.s32 $0xFFFFD800  }
0x82: {  	[tilespmem:s26], [sflag:$0x3] =	stream.linear.gather [hbm4b:s16+s3], $0x50, $0x38;
	[tilespmem:$0x1B880] =	vst v63  }
0x83: {  	_ =	swait.ge [sflag:s21], $0x50  }
0x84: {  	[sflag:s21] =	ssyncset.done $0x0  }
0x85: {  	[sflag:s21] =	ssyncadd.s32 $0xFFFFFFB0  }
0x86: {  	[spmem:s2] =	stream.indirect.scatter.add.f32 [tilespmem:s20], [sflag:$0x3], $0x80, s26, s22, $0xb8;
	[tilespmem:$0x1B880] =	vst v63  }
0x87: {  	_ =	swait.ge [sflag:s21], $0x2800  }
0x88: {  	[sflag:s21] =	ssyncset.done $0x0  }
0x89: {  	[sflag:s21] =	ssyncadd.s32 $0xFFFFD800  }
0x8a: {  	[tilespmem:s20], [sflag:$0x1] =	stream.indirect.gather [hbm4b:s4+s22], $0x80, s30, s22, $0xb8;
	[tilespmem:$0x1B880] =	vst v63  }
0x8b: {  	_ =	swait.ge [sflag:s28], $0x2800  }
0x8c: {  	[sflag:s28] =	ssyncset.done $0x0  }
0x8d: {  	[sflag:s28] =	ssyncadd.s32 $0xFFFFD800  }
0x8e: {  	[tilespmem:s29], [sflag:$0x3] =	stream.linear.gather [hbm4b:s17+s3], $0x50, $0x38;
	[tilespmem:$0x1B880] =	vst v63  }
0x8f: {  	_ =	swait.ge [sflag:s21], $0x50  }
0x90: {  	[sflag:s21] =	ssyncset.done $0x0  }
0x91: {  	[sflag:s21] =	ssyncadd.s32 $0xFFFFFFB0  }
0x92: {  	[spmem:s2] =	stream.indirect.scatter.add.f32 [tilespmem:s23], [sflag:$0x3], $0x80, s29, s22, $0xb8;
	[tilespmem:$0x1B880] =	vst v63  }
0x93: {  	_ =	swait.ge [sflag:s21], $0x2800  }
0x94: {  	[sflag:s21] =	ssyncset.done $0x0  }
0x95: {  	[sflag:s21] =	ssyncadd.s32 $0xFFFFD800  }
0x96: {  	[tilespmem:s23], [sflag:$0x2] =	stream.indirect.gather [hbm4b:s4+s22], $0x80, s30, s22, $0xb8;
	[tilespmem:$0x1B880] =	vst v63  }
0x97: {  	_ =	swait.ge [sflag:s25], $0x2800  }
0x98: {  	[sflag:s25] =	ssyncset.done $0x0  }
0x99: {  	[sflag:s25] =	ssyncadd.s32 $0xFFFFD800  }
0x9a: {  	[tilespmem:s26], [sflag:$0x3] =	stream.linear.gather [hbm4b:s14+s3], $0x50, $0x38;
	[tilespmem:$0x1B880] =	vst v63  }
0x9b: {  	_ =	swait.ge [sflag:s21], $0x50  }
0x9c: {  	[sflag:s21] =	ssyncset.done $0x0  }
0x9d: {  	[sflag:s21] =	ssyncadd.s32 $0xFFFFFFB0  }
0x9e: {  	[spmem:s2] =	stream.indirect.scatter.add.f32 [tilespmem:s20], [sflag:$0x3], $0x80, s26, s22, $0xb8;
	[tilespmem:$0x1B880] =	vst v63  }
0x9f: {  	_ =	swait.ge [sflag:s21], $0x2800  }
0xa0: {  	[sflag:s21] =	ssyncset.done $0x0  }
0xa1: {  	[sflag:s21] =	ssyncadd.s32 $0xFFFFD800  }
0xa2: {  	s0 =	stileid.u32;
	_ =	swait.ge [sflag:s28], $0x2800  }
0xa3: {  	s1 =	sshrl.u32 s5, $0x3;
	s31 =	sadd.s32 $0x1, s31;
	[sflag:s28] =	ssyncset.done $0x0  }
0xa4: {  	s0 =	sshll.u32 s0, $0x6;
	p0 =	sne.s32 s31, s15;
	[sflag:s28] =	ssyncadd.s32 $0xFFFFD800  }
.Ltmp2:
0xa5: {  	s0 =	sor.u32 $0x1C03, s0;
	[bflag:$0x0] =	sbarrier.arrive $0xFFFF;
	(pc) =	sbr.rel @p0 .LBB2_1-.Ltmp2, $4  }
0xa6: {  	[hbm:s24], [sflag:s0] =	dma.local [spmem:s1], $0x2800  }
0xa7: {  	_ =	swait.ge [sflag:s21], $0x2800  }
0xa8: {  	[sflag:s21] =	ssyncset.done $0x0  }
0xa9: {  	[sflag:s21] =	ssyncadd.s32 $0xFFFFD800  }
0xaa: {  	_ =	sfence.sel $0x180000  }
0xab: {  	[bflag:$0x0] =	sbarrier.arrive $0xFFFF  }
0xac: {  	_ =	strace $0x9000004D  }
0xad: {  	s0 =	stileid.u32;
	[bflag:$0x2] =	sbarrier.arrive $0xFFFF  }
0xae: {  	p0 =	sne.s32 s0, $0x0;
	s0 =	rddreg [dreg:$0x2]  }
0xaf: {  	s0 =	sadd.s32 @!p0 $0x100000, s0  }
0xb0: {  	[sflag:s0] =	ssyncadd.tile.s32 @!p0 $0x1;
	_ =	shalt  }
.Lfunc_end2:
_tile_overlayer_lowered:
.L_overlay_start_2:
0xb1: {  	(tag) =	ssettag $0x2  }
0xb2: {  	s0 =	rddreg [dreg:$0x0];
	s2 =	stileid.u32  }
0xb3: {  	s1 =	rddreg [dreg:$0x1];
	p0 =	sne.s32 s2, $0x0  }
0xb4: {  	s3 =	rddreg [dreg:$0x2];
	[bflag:$0x3] =	sbarrier.arrive $0xFFFF;
	s2 =	simm.s32 @!p0 $0x1C03  }
0xb5: {  	[timem:s3], [sflag:s2] =	dma.local @!p0 [hbm:s0], s1  }
0xb6: {  	s0 =	simm.s32 @!p0 $0x3  }
0xb7: {  	_ =	swait.ge @!p0 [sflag:s0], s1  }
0xb8: {  	s1 =	ssub.s32 @!p0 $0x0, s1;
	[sflag:s0] =	ssyncset.done @!p0 $0x0  }
0xb9: {  	[sflag:s0] =	ssyncadd.s32 @!p0 s1  }
0xba: {  	[bflag:$0x3] =	sbarrier.arrive $0xFFFF  }
0xbb: {  	_ =	shalt  }

// kernel: kernel.18.cloned.1.call-start
scs
__scs_entry_jumppad:
0x0: {  	(pc) =	sbr.rel $0x88, $3  }
0x1: {  	(tag) =	ssettag $0x0;
	lr =	simm.s32 $0x1  }
0x2: {  	[smem:$0x3F8D] =	sst lr;
	_ =	strace $0xD0000000  }
0x3: {  	_ = 	snop  }
0x4: {  	_ = 	snop  }
0x5: {  	_ = 	snop  }
0x6: {  	_ = 	snop  }
0x7: {  	_ = 	snop  }
__scs_overlays_trampoline_lowered:
0x8: {  	[smem:$0x3F9C] =	sst s0  }
0x9: {  	[smem:$0x3F9D] =	sst s1  }
0xa: {  	[smem:$0x3F9E] =	sst s2  }
0xb: {  	[smem:$0x3F9F] =	sst s3  }
0xc: {  	[smem:$0x3FA0] =	sst s4  }
0xd: {  	[smem:$0x3FA1] =	sst s5  }
0xe: {  	[smem:$0x3FA2] =	sst s6  }
0xf: {  	[smem:$0x3FA3] =	sst s7  }
0x10: {  	[smem:$0x3FA4] =	sst s8  }
0x11: {  	[smem:$0x3FA5] =	sst s9;
	s0 =	simm.s32 @!p0 $0x0  }
0x12: {  	s1 =	sld [smem:$0x3F8B];
	s0 =	simm.s32 @p0 $0x1  }
0x13: {  	[smem:$0x3FA6] =	sst s0;
	s0 =	simm.s32 @!p1 $0x0  }
0x14: {  	s2 =	sld [smem:$0x3F8A];
	s0 =	simm.s32 @p1 $0x1  }
0x15: {  	[smem:$0x3FA7] =	sst s0;
	s0 =	simm.s32 @!p2 $0x0  }
0x16: {  	s3 =	sld [smem:$0x3FDB];
	s0 =	simm.s32 @p2 $0x1  }
0x17: {  	s4 =	simm.s32 $0x1BF5;
	[smem:$0x3FA9] =	sst s0  }
0x18: {  	s0 =	sld [smem:$0x3F8C];
	_ =	swait.ge [sflag:s4], $0x0  }
0x19: {  	s7 =	sld [smem:$0x3F8D]  }
0x1a: {  	s8 =	sadd.s32 $0xFFFFE003, lr  }
0x1b: {  	s9 =	sadd.s32 $0xFFFFFEF7, lr;
	s5 =	simm.s32 $0xFFFFFFFF;
	p2 =	slt.u32 s8, $0xFFFFF086  }
0x1c: {  	p1 =	slt.u32 s9, $0xF7A;
	s5 =	simm.s32 @!p2 $0x0  }
0x1d: {  	s5 =	simm.s32 @p1 $0x1;
	p0 =	seq.s32 s7, s2  }
0x1e: {  	s7 =	smul.u32 @!p0 $0xF7A, s2;
	p2 =	seq.s32 @!p0 s5, $0x0  }
0x1f: {  	s9 =	smul.u32 $0xF7A, s1;
	s8 =	simm.s32 @!p0 $0x1BF5;
	p2 =	por !p2, p0  }
0x20: {  	[sflag:s8] =	ssyncset.s32 @!p0 $0xFFFFF086;
	s6 =	sadd.s32 @!p0 s3, s7;
	s7 =	simm.s32 @!p0 $0x108  }
0x21: {  	s3 =	sadd.s32 s3, s9;
	s6 =	sadd.s32 @!p0 $0x88, s6;
	s7 =	simm.s32 @p2 $0x1082  }
0x22: {  	[simem:s7], [sflag:s8] =	dma.local @!p0 [hbm:s6], $0xF7A  }
0x23: {  	s9 =	sor.u32 $0xD0000000, s2;
	s6 =	simm.s32 $0x108;
	_ =	swait.ge @!p0 [sflag:s8], $0x0  }
0x24: {  	s3 =	sadd.s32 $0x88, s3;
	s6 =	simm.s32 @!p1 $0x1082;
	[sflag:s4] =	ssyncset.s32 $0xFFFFF086  }
0x25: {  	[simem:s6], [sflag:s4] =	dma.local [hbm:s3], $0xF7A  }
0x26: {  	[smem:$0x3F8D] =	sst s1;
	(tag) =	ssettag s2;
	_ =	strace s9  }
0x27: {  	s1 =	sld [smem:$0x3F9D]  }
0x28: {  	s2 =	sld [smem:$0x3F9E]  }
0x29: {  	s4 =	sld [smem:$0x3FA0]  }
0x2a: {  	p0 =	seq.s32 s5, $0x0;
	s5 =	sld [smem:$0x3FA1]  }
0x2b: {  	s6 =	sld [smem:$0x3FA2]  }
0x2c: {  	s7 =	sld [smem:$0x3FA3]  }
0x2d: {  	s3 =	simm.s32 $0x108;
	s8 =	sld [smem:$0x3FA4]  }
0x2e: {  	s3 =	simm.s32 @!p0 $0x1082;
	s9 =	sld [smem:$0x3FA5]  }
0x2f: {  	lr =	sadd.s32 s0, s3;
	s0 =	sld [smem:$0x3F9C]  }
0x30: {  	s3 =	sld [smem:$0x3F9F]  }
0x31: {  	[smem:$0x3FA8] =	sst s10  }
0x32: {  	s10 =	sld [smem:$0x3FA6];
	_ =	sdelay $0x3  }
0x33: {  	p0 =	seq.s32 s10, $0x1;
	s10 =	sld [smem:$0x3FA8];
	_ =	sdelay $0x3  }
0x34: {  	[smem:$0x3FA8] =	sst s10  }
0x35: {  	s10 =	sld [smem:$0x3FA7];
	_ =	sdelay $0x3  }
0x36: {  	p1 =	seq.s32 s10, $0x1;
	s10 =	sld [smem:$0x3FA8];
	_ =	sdelay $0x3  }
0x37: {  	[smem:$0x3FA8] =	sst s10  }
0x38: {  	s10 =	sld [smem:$0x3FA9]  }
0x39: {  	_ = 	snop;
	(pc) =	sbr.ind lr, $3  }
0x3a: {  	_ = 	snop  }
0x3b: {  	_ = 	snop  }
0x3c: {  	p2 =	seq.s32 s10, $0x1;
	s10 =	sld [smem:$0x3FA8]  }
0x3d: {  	_ =	shalt  }
0x3e: {  	_ =	shalt  }
0x3f: {  	_ =	shalt  }
0x40: {  	_ =	shalt  }
0x41: {  	_ =	shalt  }
0x42: {  	_ =	shalt  }
0x43: {  	_ =	shalt  }
0x44: {  	_ =	shalt  }
0x45: {  	_ =	shalt  }
0x46: {  	_ =	shalt  }
0x47: {  	_ =	shalt  }
0x48: {  	_ =	shalt  }
0x49: {  	_ =	shalt  }
0x4a: {  	_ =	shalt  }
0x4b: {  	_ =	shalt  }
0x4c: {  	_ =	shalt  }
0x4d: {  	_ =	shalt  }
0x4e: {  	_ =	shalt  }
0x4f: {  	_ =	shalt  }
0x50: {  	_ =	shalt  }
0x51: {  	_ =	shalt  }
0x52: {  	_ =	shalt  }
0x53: {  	_ =	shalt  }
0x54: {  	_ =	shalt  }
0x55: {  	_ =	shalt  }
0x56: {  	_ =	shalt  }
0x57: {  	_ =	shalt  }
0x58: {  	_ =	shalt  }
0x59: {  	_ =	shalt  }
0x5a: {  	_ =	shalt  }
0x5b: {  	_ =	shalt  }
0x5c: {  	_ =	shalt  }
0x5d: {  	_ =	shalt  }
0x5e: {  	_ =	shalt  }
0x5f: {  	_ =	shalt  }
0x60: {  	_ =	shalt  }
0x61: {  	_ =	shalt  }
0x62: {  	_ =	shalt  }
0x63: {  	_ =	shalt  }
0x64: {  	_ =	shalt  }
0x65: {  	_ =	shalt  }
0x66: {  	_ =	shalt  }
0x67: {  	_ =	shalt  }
0x68: {  	_ =	shalt  }
0x69: {  	_ =	shalt  }
0x6a: {  	_ =	shalt  }
0x6b: {  	_ =	shalt  }
0x6c: {  	_ =	shalt  }
0x6d: {  	_ =	shalt  }
0x6e: {  	_ =	shalt  }
0x6f: {  	_ =	shalt  }
0x70: {  	_ =	shalt  }
0x71: {  	_ =	shalt  }
0x72: {  	_ =	shalt  }
0x73: {  	_ =	shalt  }
0x74: {  	_ =	shalt  }
0x75: {  	_ =	shalt  }
0x76: {  	_ =	shalt  }
0x77: {  	_ =	shalt  }
0x78: {  	_ =	shalt  }
0x79: {  	_ =	shalt  }
0x7a: {  	_ =	shalt  }
0x7b: {  	_ =	shalt  }
0x7c: {  	_ =	shalt  }
0x7d: {  	_ =	shalt  }
0x7e: {  	_ =	shalt  }
0x7f: {  	_ =	shalt  }
0x80: {  	_ =	shalt  }
0x81: {  	_ =	shalt  }
0x82: {  	_ =	shalt  }
0x83: {  	_ =	shalt  }
0x84: {  	_ =	shalt  }
0x85: {  	_ =	shalt  }
0x86: {  	_ =	shalt  }
0x87: {  	_ =	shalt  }
.Lfunc_end0:
.L_simem_size_0:
called_computation.3_lowered:
.L_overlay_start_0:
0x88: {  	s2 =	sld [smem:$0x3FD9]  }
0x89: {  	s3 =	sld [smem:$0x3FFE];
	_ =	sdelay $0x1  }
0x8a: {  	s1 =	srdreg.scid  }
0x8b: {  	s0 =	sand.u32 $0x1, s1  }
0x8c: {  	s16 =	sshll.u32 s0, $0xA;
	s2 =	sadd.s32 s3, s2  }
0x8d: {  	s2 =	sadd.s32 s2, s16  }
0x8e: {  	[smem:$0x3FB4] =	sst s2  }
0x8f: {  	_ = 	snop  }
0x90: {  	(tm) =	ssettm $0x1  }
0x91: {  	s17 =	sld [smem:$0x3FFB];
	_ =	sdelay $0x3  }
0x92: {  	_ =	strace s17  }
0x93: {  	s2 =	sld [smem:$0x3FFC];
	_ =	sdelay $0x3  }
0x94: {  	_ =	strace s2  }
0x95: {  	s2 =	sld [smem:$0x3FFD];
	_ =	sdelay $0x3  }
0x96: {  	_ =	strace s2  }
0x97: {  	_ =	strace $0x8FFFFFFF  }
0x98: {  	s18 =	sld [smem:$0x3FDB];
	_ =	sdelay $0x1  }
0x99: {  	s19 =	simm.s32 $_scs_section_size  }
0x9a: {  	s4 =	simm.s32 $_size__tile_overlayer_lowered;
	s5 =	simm.s32 $_tile_overlayer_lowered  }
0x9b: {  	s22 =	simm.s32 $0x1BFF;
	s21 =	sshll.u32 s5, $0x1;
	s2 =	sadd.s32 s19, s18  }
0x9c: {  	s6 =	simm.s32 $0x0;
	s20 =	sshll.u32 s4, $0x1;
	s4 =	sadd.s32 s21, s2  }
0x9d: {  	[timem:s6], [sflag:s22] =	dma.local [hbm:s4], s20  }
0x9e: {  	_ =	swait.ge [sflag:s22], s20  }
0x9f: {  	s3 =	ssub.s32 $0x0, s20;
	[sflag:s22] =	ssyncset.done $0x0  }
0xa0: {  	[sflag:s22] =	ssyncadd.s32 s3;
	_ =	sdelay $0x1  }
0xa1: {  	s23 =	simm.s32 $0x1B8B  }
0xa2: {  	_ =	swait.ge [sflag:s23], $0x1  }
0xa3: {  	[sflag:s23] =	ssyncset.done $0x0  }
0xa4: {  	s25 =	simm.s32 $0x1B8E;
	s24 =	sld [smem:$0x3FFE];
	[sflag:s23] =	ssyncadd.s32 $0xFFFFFFFF  }
0xa5: {  	s26 =	simm.s32 $execute0_lowered;
	[smem:$0x3FD2] =	sst s25  }
0xa6: {  	s4 =	sshll.u32 s26, $0x1;
	_ =	strace $0x8000004F;
	[dreg:$0x1] =	wrdreg $0xFFFFFFFF  }
0xa7: {  	s28 =	simm.s32 $_size_execute0_lowered;
	s2 =	sadd.s32 s2, s4;
	[dreg:$0x0] =	wrdreg $0x0  }
0xa8: {  	s4 =	sshll.u32 s28, $0x1;
	[dreg:$0x2] =	wrdreg s2  }
0xa9: {  	[dreg:$0x3] =	wrdreg s4  }
0xaa: {  	[dreg:$0x4] =	wrdreg $0xC0  }
0xab: {  	_ =	task [dreg:s6], $0x5FFFF  }
0xac: {  	[dreg:$0x1] =	wrdreg $0xFFFFFFFF  }
0xad: {  	[dreg:$0x0] =	wrdreg $0x60  }
0xae: {  	[dreg:$0x2] =	wrdreg s24  }
0xaf: {  	[dreg:$0x3] =	wrdreg $0x78800  }
0xb0: {  	[dreg:$0x4] =	wrdreg $0x9  }
0xb1: {  	_ =	task.clear_ibuf [dreg:s6], $0x5FFFF;
	_ =	strace $0x9000004F  }
0xb2: {  	s29 =	simm.s32 $0x9;
	_ =	strace $0x80000051  }
0xb3: {  	_ =	swait.ge [sflag:s29], $0x1  }
0xb4: {  	[sflag:s29] =	ssyncadd.s32 $0xFFFFFFFF  }
0xb5: {  	_ =	strace $0x90000051  }
0xb6: {  	_ =	sfence  }
0xb7: {  	s30 =	sld [smem:$0x0];
	_ =	sdelay $0x2  }
0xb8: {  	s31 =	sshll.u32 s1, $0xD;
	s1 =	sshrl.u32 s1, $0x2  }
0xb9: {  	s3 =	sand.u32 $0x4000, s31;
	s1 =	sadd.s32 s1, s30  }
0xba: {  	s0 =	sor.u32 s3, s0;
	s1 =	sshll.u32 s1, $0x11  }
0xbb: {  	s0 =	sor.u32 s1, s0  }
0xbc: {  	s0 =	sadd.s32 $0x8F2B, s0  }
0xbd: {  	[sflag:s0] =	ssyncadd.remote.s32 $0x1  }
0xbe: {  	_ =	sfence.sel $0xFFFF  }
0xbf: {  	[dreg:$0x0] =	wrdreg $0xFFFFFFFF;
	(pc) =	sbr.abs _section_cstart, $3  }
0xc0: {  	[dreg:$0x1] =	wrdreg $0xFFFFFFFF  }
0xc1: {  	_ =	task.clear_ibuf [dreg:s6], $0x2FFFF;
	_ =	strace $0x9FFFFFFF  }
0xc2: {  	(tm) =	ssettm $0x7FFFFFFF  }
0xc3: {  	_ =	shalt  }
tec
execute0_lowered:
.L_overlay_start_1:
0x0: {  	(tag) =	ssettag $0x1  }
0x1: {  	s0 =	srdreg.scid;
	s6 =	rddreg [dreg:$0x0]  }
0x2: {  	s17 =	stileid.u32;
	s2 =	rddreg [dreg:$0x1];
	s3 =	simm.s32 $0x0  }
0x3: {  	s20 =	simm.s32 $0x2880;
	s21 =	simm.s32 $0x3;
	s22 =	simm.s32 $0x50  }
0x4: {  	s23 =	simm.s32 $0x5080;
	s28 =	simm.s32 $0x2;
	s29 =	simm.s32 $0x2800  }
0x5: {  	s30 =	simm.s32 $0x26C0;
	s31 =	simm.s32 $0x0;
	s5 =	smul.u32 $0x50000, s17  }
0x6: {  	s0 =	sand.u32 $0x1, s0;
	s1 =	sshll.u32 s17, $0x1;
	s16 =	smul.u32 $0x4E20, s17  }
0x7: {  	[smem:$0x7FF] =	sst s3;
	s4 =	sadd.s32 $0x99200, s6;
	s7 =	smul.u32 $0x28000, s0  }
0x8: {  	s1 =	sor.u32 s0, s1;
	s8 =	ssub.s32 $0x2, s0;
	s0 =	smul.u32 $0x2710, s0  }
0x9: {  	s19 =	sadd.s32 $0xE7800, s6;
	s1 =	smul.u32 $0x2710, s1;
	s5 =	sshrl.u32 s5, $0x2  }
0xa: {  	_ =	strace $0x80000050;
	s9 =	sshrl.u32 s8, $0x1;
	s5 =	sadd.s32 s5, s2  }
0xb: {  	s15 =	ssub.s32 s8, s9;
	s0 =	sadd.s32 s0, s16;
	s1 =	sshrl.u32 s1, $0x3  }
0xc: {  	s24 =	sadd.s32 $0x2800, s5;
	s25 =	sadd.s32 $0x5000, s5;
	s8 =	sadd.s32 $0x7800, s5  }
0xd: {  	s9 =	sadd.s32 $0xA000, s5;
	s10 =	sadd.s32 $0xC800, s5;
	s11 =	sadd.s32 $0xF000, s5  }
0xe: {  	s12 =	sadd.s32 $0x11800, s5;
	s26 =	sadd.s32 $0x50, s0;
	s15 =	smax.u32 s15, $0x1  }
0xf: {  	s0 =	sshrl.u32 s0, $0x3;
	s13 =	sadd.s32 s1, s6;
	[dreg:$0x3] =	wrdreg s24  }
0x10: {  	s6 =	sadd.s32 s7, s6;
	[dreg:$0x4] =	wrdreg s25;
	s1 =	sadd.s32 s19, s1  }
0x11: {  	s24 =	smul.u32 $0x2800, s17;
	s18 =	sshrl.u32 s26, $0x3;
	s25 =	simm.s32 $0x1  }
0x12: {  	s26 =	simm.s32 $0x2780;
	s13 =	sadd.s32 $0xF1600, s13;
	s14 =	sadd.s32 $0x4D8, s1  }
0x13: {  	s6 =	sadd.s32 $0xFB400, s6;
	s16 =	sadd.s32 $0x4C4, s1;
	s17 =	sadd.s32 $0x4CE, s1  }
0x14: {  	v0 =	vimm.f32 $0.0e+00;
	s18 =	sadd.s32 s18, s19;
	s19 =	sadd.s32 s0, s19;
	s24 =	sadd.s32 s24, s6  }
.LBB2_1:
0x15: {  	s0 =	simm.s32 $0x0;
	s1 =	simm.s32 $0x200  }
.LBB2_2:
0x16: {  	p0 =	sne.s32 s1, $0x9E00;
	[tilespmem:s0+$0x28F0] =	vst v0  }
0x17: {  	[tilespmem:s0+$0x2880] =	vst v0  }
0x18: {  	[tilespmem:s0+$0x2890] =	vst v0  }
.Ltmp0:
0x19: {  	[tilespmem:s0+$0x28A0] =	vst v0;
	(pc) =	sbr.rel @p0 .LBB2_2-.Ltmp0, $4  }
0x1a: {  	[tilespmem:s0+$0x28B0] =	vst v0  }
0x1b: {  	[tilespmem:s0+$0x28C0] =	vst v0  }
0x1c: {  	[tilespmem:s0+$0x28D0] =	vst v0  }
0x1d: {  	[tilespmem:s0+$0x28E0] =	vst v0;
	s0 =	sshra.s32 s1, $0x2;
	s1 =	sadd.s32 $0x200, s1  }
0x1e: {  	[tilespmem:s0+$0x28F0] =	vst v0  }
0x1f: {  	[tilespmem:s0+$0x2880] =	vst v0  }
0x20: {  	[tilespmem:s0+$0x2890] =	vst v0  }
0x21: {  	[tilespmem:s0+$0x28A0] =	vst v0  }
0x22: {  	[tilespmem:s0+$0x28B0] =	vst v0  }
0x23: {  	[tilespmem:s0+$0x28C0] =	vst v0  }
0x24: {  	[tilespmem:s0+$0x28D0] =	vst v0  }
0x25: {  	[tilespmem:s0+$0x28E0] =	vst v0  }
0x26: {  	[spmem:s5] =	stream.linear.scatter [tilespmem:s20], [sflag:$0x3], $0x2800, $0x38;
	[tilespmem:$0x1B880] =	vst v63  }
0x27: {  	_ =	swait.ge [sflag:s21], $0x2800  }
0x28: {  	[sflag:s21] =	ssyncset.done $0x0  }
0x29: {  	s1 =	rddreg [dreg:$0x3];
	[sflag:s21] =	ssyncadd.s32 $0xFFFFD800  }
0x2a: {  	[spmem:s1] =	stream.linear.scatter [tilespmem:s20], [sflag:$0x3], $0x2800, $0x38;
	[tilespmem:$0x1B880] =	vst v63  }
0x2b: {  	_ =	swait.ge [sflag:s21], $0x2800  }
0x2c: {  	[sflag:s21] =	ssyncset.done $0x0  }
0x2d: {  	s6 =	rddreg [dreg:$0x4];
	[sflag:s21] =	ssyncadd.s32 $0xFFFFD800  }
0x2e: {  	[spmem:s6] =	stream.linear.scatter [tilespmem:s20], [sflag:$0x3], $0x2800, $0x38;
	[tilespmem:$0x1B880] =	vst v63  }
0x2f: {  	_ =	swait.ge [sflag:s21], $0x2800  }
0x30: {  	[sflag:s21] =	ssyncset.done $0x0  }
0x31: {  	[sflag:s21] =	ssyncadd.s32 $0xFFFFD800  }
0x32: {  	[spmem:s8] =	stream.linear.scatter [tilespmem:s20], [sflag:$0x3], $0x2800, $0x38;
	[tilespmem:$0x1B880] =	vst v63  }
0x33: {  	_ =	swait.ge [sflag:s21], $0x2800  }
0x34: {  	[sflag:s21] =	ssyncset.done $0x0  }
0x35: {  	[sflag:s21] =	ssyncadd.s32 $0xFFFFD800  }
0x36: {  	[spmem:s9] =	stream.linear.scatter [tilespmem:s20], [sflag:$0x3], $0x2800, $0x38;
	[tilespmem:$0x1B880] =	vst v63  }
0x37: {  	_ =	swait.ge [sflag:s21], $0x2800  }
0x38: {  	[sflag:s21] =	ssyncset.done $0x0  }
0x39: {  	[sflag:s21] =	ssyncadd.s32 $0xFFFFD800  }
0x3a: {  	[spmem:s10] =	stream.linear.scatter [tilespmem:s20], [sflag:$0x3], $0x2800, $0x38;
	[tilespmem:$0x1B880] =	vst v63  }
0x3b: {  	_ =	swait.ge [sflag:s21], $0x2800  }
0x3c: {  	[sflag:s21] =	ssyncset.done $0x0  }
0x3d: {  	[sflag:s21] =	ssyncadd.s32 $0xFFFFD800  }
0x3e: {  	[spmem:s11] =	stream.linear.scatter [tilespmem:s20], [sflag:$0x3], $0x2800, $0x38;
	[tilespmem:$0x1B880] =	vst v63  }
0x3f: {  	_ =	swait.ge [sflag:s21], $0x2800  }
0x40: {  	[sflag:s21] =	ssyncset.done $0x0  }
0x41: {  	[sflag:s21] =	ssyncadd.s32 $0xFFFFD800  }
0x42: {  	[spmem:s12] =	stream.linear.scatter [tilespmem:s20], [sflag:$0x3], $0x2800, $0x38;
	[tilespmem:$0x1B880] =	vst v63  }
0x43: {  	_ =	swait.ge [sflag:s21], $0x2800  }
0x44: {  	[sflag:s21] =	ssyncset.done $0x0  }
0x45: {  	[sflag:s21] =	ssyncadd.s32 $0xFFFFD800  }
0x46: {  	s7 =	simm.s32 $0x0;
	[bflag:$0x0] =	sbarrier.arrive $0xFFFF  }
0x47: {  	[tilespmem:s7], [sflag:$0x3] =	stream.linear.gather [hbm4b:s13+s7], $0x2710, $0x38;
	[tilespmem:$0x1B880] =	vst v63  }
0x48: {  	_ =	swait.ge [sflag:s21], $0x2710  }
0x49: {  	[sflag:s21] =	ssyncset.done $0x0  }
0x4a: {  	[sflag:s21] =	ssyncadd.s32 $0xFFFFD8F0  }
0x4b: {  	[tilespmem:s20], [sflag:$0x1] =	stream.indirect.gather [hbm4b:s4+s22], $0x80, s7, s22, $0xb8;
	[tilespmem:$0x1B880] =	vst v63  }
0x4c: {  	_ = 	snop  }
0x4d: {  	[tilespmem:s23], [sflag:$0x2] =	stream.indirect.gather [hbm4b:s4+s22], $0x80, s22, s22, $0xb8;
	[tilespmem:$0x1B880] =	vst v63  }
0x4e: {  	_ =	swait.ge [sflag:s25], $0x2800  }
0x4f: {  	[sflag:s25] =	ssyncset.done $0x0  }
0x50: {  	s1 =	sadd.s32 $0x0, s19;
	[sflag:s25] =	ssyncadd.s32 $0xFFFFD800  }
0x51: {  	[tilespmem:s26], [sflag:$0x3] =	stream.linear.gather [hbm4b:s1+s3], $0x50, $0x38;
	[tilespmem:$0x1B880] =	vst v63  }
0x52: {  	_ =	swait.ge [sflag:s21], $0x50  }
0x53: {  	[sflag:s21] =	ssyncset.done $0x0  }
0x54: {  	[sflag:s21] =	ssyncadd.s32 $0xFFFFFFB0  }
0x55: {  	[spmem:s2] =	stream.indirect.scatter.add.f32 [tilespmem:s20], [sflag:$0x3], $0x80, s26, s22, $0xb8;
	[tilespmem:$0x1B880] =	vst v63  }
0x56: {  	_ =	swait.ge [sflag:s21], $0x2800  }
0x57: {  	[sflag:s21] =	ssyncset.done $0x0  }
0x58: {  	s6 =	simm.s32 $0xA0;
	[sflag:s21] =	ssyncadd.s32 $0xFFFFD800  }
0x59: {  	[tilespmem:s20], [sflag:$0x1] =	stream.indirect.gather [hbm4b:s4+s22], $0x80, s6, s22, $0xb8;
	[tilespmem:$0x1B880] =	vst v63  }
0x5a: {  	_ =	swait.ge [sflag:s28], $0x2800  }
0x5b: {  	[sflag:s28] =	ssyncset.done $0x0  }
0x5c: {  	s7 =	sadd.s32 $0x0, s18;
	[sflag:s28] =	ssyncadd.s32 $0xFFFFD800  }
0x5d: {  	[tilespmem:s29], [sflag:$0x3] =	stream.linear.gather [hbm4b:s7+s3], $0x50, $0x38;
	[tilespmem:$0x1B880] =	vst v63  }
0x5e: {  	_ =	swait.ge [sflag:s21], $0x50  }
0x5f: {  	[sflag:s21] =	ssyncset.done $0x0  }
0x60: {  	[sflag:s21] =	ssyncadd.s32 $0xFFFFFFB0  }
0x61: {  	[spmem:s2] =	stream.indirect.scatter.add.f32 [tilespmem:s23], [sflag:$0x3], $0x80, s29, s22, $0xb8;
	[tilespmem:$0x1B880] =	vst v63  }
0x62: {  	_ =	swait.ge [sflag:s21], $0x2800  }
0x63: {  	s0 =	simm.s32 $0x140;
	[sflag:s21] =	ssyncset.done $0x0  }
0x64: {  	s1 =	simm.s32 $0x14;
	s6 =	simm.s32 $0xF0;
	[sflag:s21] =	ssyncadd.s32 $0xFFFFD800  }
.LBB2_4:
0x65: {  	[tilespmem:s23], [sflag:$0x2] =	stream.indirect.gather [hbm4b:s4+s22], $0x80, s6, s22, $0xb8;
	[tilespmem:$0x1B880] =	vst v63  }
0x66: {  	s6 =	smov.u32 s1  }
0x67: {  	p0 =	sne.s32 s1, $0x4B0;
	s1 =	sadd.s32 $0x14, s1;
	_ =	swait.ge [sflag:s25], $0x2800  }
0x68: {  	[sflag:s25] =	ssyncset.done $0x0  }
0x69: {  	s7 =	sadd.s32 s6, s19;
	[sflag:s25] =	ssyncadd.s32 $0xFFFFD800  }
0x6a: {  	[tilespmem:s26], [sflag:$0x3] =	stream.linear.gather [hbm4b:s7+s3], $0x50, $0x38;
	[tilespmem:$0x1B880] =	vst v63  }
0x6b: {  	_ =	swait.ge [sflag:s21], $0x50  }
0x6c: {  	[sflag:s21] =	ssyncset.done $0x0  }
0x6d: {  	[sflag:s21] =	ssyncadd.s32 $0xFFFFFFB0  }
0x6e: {  	[spmem:s2] =	stream.indirect.scatter.add.f32 [tilespmem:s20], [sflag:$0x3], $0x80, s26, s22, $0xb8;
	[tilespmem:$0x1B880] =	vst v63  }
0x6f: {  	_ =	swait.ge [sflag:s21], $0x2800  }
0x70: {  	[sflag:s21] =	ssyncset.done $0x0  }
0x71: {  	[sflag:s21] =	ssyncadd.s32 $0xFFFFD800  }
0x72: {  	[tilespmem:s20], [sflag:$0x1] =	stream.indirect.gather [hbm4b:s4+s22], $0x80, s0, s22, $0xb8;
	[tilespmem:$0x1B880] =	vst v63  }
0x73: {  	_ =	swait.ge [sflag:s28], $0x2800  }
0x74: {  	[sflag:s28] =	ssyncset.done $0x0  }
0x75: {  	s6 =	sadd.s32 s6, s18;
	[sflag:s28] =	ssyncadd.s32 $0xFFFFD800  }
0x76: {  	[tilespmem:s29], [sflag:$0x3] =	stream.linear.gather [hbm4b:s6+s3], $0x50, $0x38;
	[tilespmem:$0x1B880] =	vst v63  }
0x77: {  	_ =	swait.ge [sflag:s21], $0x50  }
0x78: {  	[sflag:s21] =	ssyncset.done $0x0  }
.Ltmp1:
0x79: {  	[sflag:s21] =	ssyncadd.s32 $0xFFFFFFB0;
	(pc) =	sbr.rel @p0 .LBB2_4-.Ltmp1, $4  }
0x7a: {  	[spmem:s2] =	stream.indirect.scatter.add.f32 [tilespmem:s23], [sflag:$0x3], $0x80, s29, s22, $0xb8;
	[tilespmem:$0x1B880] =	vst v63  }
0x7b: {  	_ =	swait.ge [sflag:s21], $0x2800  }
0x7c: {  	[sflag:s21] =	ssyncset.done $0x0  }
0x7d: {  	s6 =	sadd.s32 $0x50, s0;
	s0 =	sadd.s32 $0xA0, s0;
	[sflag:s21] =	ssyncadd.s32 $0xFFFFD800  }
0x7e: {  	[tilespmem:s23], [sflag:$0x2] =	stream.indirect.gather [hbm4b:s4+s22], $0x80, s6, s22, $0xb8;
	[tilespmem:$0x1B880] =	vst v63  }
0x7f: {  	_ =	swait.ge [sflag:s25], $0x2800  }
0x80: {  	[sflag:s25] =	ssyncset.done $0x0  }
0x81: {  	[sflag:s25] =	ssyncadd.s32 $0xFFFFD800  }
0x82: {  	[tilespmem:s26], [sflag:$0x3] =	stream.linear.gather [hbm4b:s16+s3], $0x50, $0x38;
	[tilespmem:$0x1B880] =	vst v63  }
0x83: {  	_ =	swait.ge [sflag:s21], $0x50  }
0x84: {  	[sflag:s21] =	ssyncset.done $0x0  }
0x85: {  	[sflag:s21] =	ssyncadd.s32 $0xFFFFFFB0  }
0x86: {  	[spmem:s2] =	stream.indirect.scatter.add.f32 [tilespmem:s20], [sflag:$0x3], $0x80, s26, s22, $0xb8;
	[tilespmem:$0x1B880] =	vst v63  }
0x87: {  	_ =	swait.ge [sflag:s21], $0x2800  }
0x88: {  	[sflag:s21] =	ssyncset.done $0x0  }
0x89: {  	[sflag:s21] =	ssyncadd.s32 $0xFFFFD800  }
0x8a: {  	[tilespmem:s20], [sflag:$0x1] =	stream.indirect.gather [hbm4b:s4+s22], $0x80, s30, s22, $0xb8;
	[tilespmem:$0x1B880] =	vst v63  }
0x8b: {  	_ =	swait.ge [sflag:s28], $0x2800  }
0x8c: {  	[sflag:s28] =	ssyncset.done $0x0  }
0x8d: {  	[sflag:s28] =	ssyncadd.s32 $0xFFFFD800  }
0x8e: {  	[tilespmem:s29], [sflag:$0x3] =	stream.linear.gather [hbm4b:s17+s3], $0x50, $0x38;
	[tilespmem:$0x1B880] =	vst v63  }
0x8f: {  	_ =	swait.ge [sflag:s21], $0x50  }
0x90: {  	[sflag:s21] =	ssyncset.done $0x0  }
0x91: {  	[sflag:s21] =	ssyncadd.s32 $0xFFFFFFB0  }
0x92: {  	[spmem:s2] =	stream.indirect.scatter.add.f32 [tilespmem:s23], [sflag:$0x3], $0x80, s29, s22, $0xb8;
	[tilespmem:$0x1B880] =	vst v63  }
0x93: {  	_ =	swait.ge [sflag:s21], $0x2800  }
0x94: {  	[sflag:s21] =	ssyncset.done $0x0  }
0x95: {  	[sflag:s21] =	ssyncadd.s32 $0xFFFFD800  }
0x96: {  	[tilespmem:s23], [sflag:$0x2] =	stream.indirect.gather [hbm4b:s4+s22], $0x80, s30, s22, $0xb8;
	[tilespmem:$0x1B880] =	vst v63  }
0x97: {  	_ =	swait.ge [sflag:s25], $0x2800  }
0x98: {  	[sflag:s25] =	ssyncset.done $0x0  }
0x99: {  	[sflag:s25] =	ssyncadd.s32 $0xFFFFD800  }
0x9a: {  	[tilespmem:s26], [sflag:$0x3] =	stream.linear.gather [hbm4b:s14+s3], $0x50, $0x38;
	[tilespmem:$0x1B880] =	vst v63  }
0x9b: {  	_ =	swait.ge [sflag:s21], $0x50  }
0x9c: {  	[sflag:s21] =	ssyncset.done $0x0  }
0x9d: {  	[sflag:s21] =	ssyncadd.s32 $0xFFFFFFB0  }
0x9e: {  	[spmem:s2] =	stream.indirect.scatter.add.f32 [tilespmem:s20], [sflag:$0x3], $0x80, s26, s22, $0xb8;
	[tilespmem:$0x1B880] =	vst v63  }
0x9f: {  	_ =	swait.ge [sflag:s21], $0x2800  }
0xa0: {  	[sflag:s21] =	ssyncset.done $0x0  }
0xa1: {  	[sflag:s21] =	ssyncadd.s32 $0xFFFFD800  }
0xa2: {  	s0 =	stileid.u32;
	_ =	swait.ge [sflag:s28], $0x2800  }
0xa3: {  	s1 =	sshrl.u32 s5, $0x3;
	s31 =	sadd.s32 $0x1, s31;
	[sflag:s28] =	ssyncset.done $0x0  }
0xa4: {  	s0 =	sshll.u32 s0, $0x6;
	p0 =	sne.s32 s31, s15;
	[sflag:s28] =	ssyncadd.s32 $0xFFFFD800  }
.Ltmp2:
0xa5: {  	s0 =	sor.u32 $0x1C03, s0;
	[bflag:$0x0] =	sbarrier.arrive $0xFFFF;
	(pc) =	sbr.rel @p0 .LBB2_1-.Ltmp2, $4  }
0xa6: {  	[hbm:s24], [sflag:s0] =	dma.local [spmem:s1], $0x2800  }
0xa7: {  	_ =	swait.ge [sflag:s21], $0x2800  }
0xa8: {  	[sflag:s21] =	ssyncset.done $0x0  }
0xa9: {  	[sflag:s21] =	ssyncadd.s32 $0xFFFFD800  }
0xaa: {  	_ =	sfence.sel $0x180000  }
0xab: {  	[bflag:$0x0] =	sbarrier.arrive $0xFFFF  }
0xac: {  	_ =	strace $0x90000050  }
0xad: {  	s0 =	stileid.u32;
	[bflag:$0x2] =	sbarrier.arrive $0xFFFF  }
0xae: {  	p0 =	sne.s32 s0, $0x0;
	s0 =	rddreg [dreg:$0x2]  }
0xaf: {  	s0 =	sadd.s32 @!p0 $0x100000, s0  }
0xb0: {  	[sflag:s0] =	ssyncadd.tile.s32 @!p0 $0x1;
	_ =	shalt  }
.Lfunc_end2:
_tile_overlayer_lowered:
.L_overlay_start_2:
0xb1: {  	(tag) =	ssettag $0x2  }
0xb2: {  	s0 =	rddreg [dreg:$0x0];
	s2 =	stileid.u32  }
0xb3: {  	s1 =	rddreg [dreg:$0x1];
	p0 =	sne.s32 s2, $0x0  }
0xb4: {  	s3 =	rddreg [dreg:$0x2];
	[bflag:$0x3] =	sbarrier.arrive $0xFFFF;
	s2 =	simm.s32 @!p0 $0x1C03  }
0xb5: {  	[timem:s3], [sflag:s2] =	dma.local @!p0 [hbm:s0], s1  }
0xb6: {  	s0 =	simm.s32 @!p0 $0x3  }
0xb7: {  	_ =	swait.ge @!p0 [sflag:s0], s1  }
0xb8: {  	s1 =	ssub.s32 @!p0 $0x0, s1;
	[sflag:s0] =	ssyncset.done @!p0 $0x0  }
0xb9: {  	[sflag:s0] =	ssyncadd.s32 @!p0 s1  }
0xba: {  	[bflag:$0x3] =	sbarrier.arrive $0xFFFF  }
0xbb: {  	_ =	shalt  }

// kernel: kernel.21.cloned.1.call-start
scs
__scs_entry_jumppad:
0x0: {  	(pc) =	sbr.rel $0x88, $3  }
0x1: {  	(tag) =	ssettag $0x0;
	lr =	simm.s32 $0x1  }
0x2: {  	[smem:$0x3F8D] =	sst lr;
	_ =	strace $0xD0000000  }
0x3: {  	_ = 	snop  }
0x4: {  	_ = 	snop  }
0x5: {  	_ = 	snop  }
0x6: {  	_ = 	snop  }
0x7: {  	_ = 	snop  }
__scs_overlays_trampoline_lowered:
0x8: {  	[smem:$0x3F9C] =	sst s0  }
0x9: {  	[smem:$0x3F9D] =	sst s1  }
0xa: {  	[smem:$0x3F9E] =	sst s2  }
0xb: {  	[smem:$0x3F9F] =	sst s3  }
0xc: {  	[smem:$0x3FA0] =	sst s4  }
0xd: {  	[smem:$0x3FA1] =	sst s5  }
0xe: {  	[smem:$0x3FA2] =	sst s6  }
0xf: {  	[smem:$0x3FA3] =	sst s7  }
0x10: {  	[smem:$0x3FA4] =	sst s8  }
0x11: {  	[smem:$0x3FA5] =	sst s9;
	s0 =	simm.s32 @!p0 $0x0  }
0x12: {  	s1 =	sld [smem:$0x3F8B];
	s0 =	simm.s32 @p0 $0x1  }
0x13: {  	[smem:$0x3FA6] =	sst s0;
	s0 =	simm.s32 @!p1 $0x0  }
0x14: {  	s2 =	sld [smem:$0x3F8A];
	s0 =	simm.s32 @p1 $0x1  }
0x15: {  	[smem:$0x3FA7] =	sst s0;
	s0 =	simm.s32 @!p2 $0x0  }
0x16: {  	s3 =	sld [smem:$0x3FDB];
	s0 =	simm.s32 @p2 $0x1  }
0x17: {  	s4 =	simm.s32 $0x1BF5;
	[smem:$0x3FA9] =	sst s0  }
0x18: {  	s0 =	sld [smem:$0x3F8C];
	_ =	swait.ge [sflag:s4], $0x0  }
0x19: {  	s7 =	sld [smem:$0x3F8D]  }
0x1a: {  	s8 =	sadd.s32 $0xFFFFE003, lr  }
0x1b: {  	s9 =	sadd.s32 $0xFFFFFEF7, lr;
	s5 =	simm.s32 $0xFFFFFFFF;
	p2 =	slt.u32 s8, $0xFFFFF086  }
0x1c: {  	p1 =	slt.u32 s9, $0xF7A;
	s5 =	simm.s32 @!p2 $0x0  }
0x1d: {  	s5 =	simm.s32 @p1 $0x1;
	p0 =	seq.s32 s7, s2  }
0x1e: {  	s7 =	smul.u32 @!p0 $0xF7A, s2;
	p2 =	seq.s32 @!p0 s5, $0x0  }
0x1f: {  	s9 =	smul.u32 $0xF7A, s1;
	s8 =	simm.s32 @!p0 $0x1BF5;
	p2 =	por !p2, p0  }
0x20: {  	[sflag:s8] =	ssyncset.s32 @!p0 $0xFFFFF086;
	s6 =	sadd.s32 @!p0 s3, s7;
	s7 =	simm.s32 @!p0 $0x108  }
0x21: {  	s3 =	sadd.s32 s3, s9;
	s6 =	sadd.s32 @!p0 $0x88, s6;
	s7 =	simm.s32 @p2 $0x1082  }
0x22: {  	[simem:s7], [sflag:s8] =	dma.local @!p0 [hbm:s6], $0xF7A  }
0x23: {  	s9 =	sor.u32 $0xD0000000, s2;
	s6 =	simm.s32 $0x108;
	_ =	swait.ge @!p0 [sflag:s8], $0x0  }
0x24: {  	s3 =	sadd.s32 $0x88, s3;
	s6 =	simm.s32 @!p1 $0x1082;
	[sflag:s4] =	ssyncset.s32 $0xFFFFF086  }
0x25: {  	[simem:s6], [sflag:s4] =	dma.local [hbm:s3], $0xF7A  }
0x26: {  	[smem:$0x3F8D] =	sst s1;
	(tag) =	ssettag s2;
	_ =	strace s9  }
0x27: {  	s1 =	sld [smem:$0x3F9D]  }
0x28: {  	s2 =	sld [smem:$0x3F9E]  }
0x29: {  	s4 =	sld [smem:$0x3FA0]  }
0x2a: {  	p0 =	seq.s32 s5, $0x0;
	s5 =	sld [smem:$0x3FA1]  }
0x2b: {  	s6 =	sld [smem:$0x3FA2]  }
0x2c: {  	s7 =	sld [smem:$0x3FA3]  }
0x2d: {  	s3 =	simm.s32 $0x108;
	s8 =	sld [smem:$0x3FA4]  }
0x2e: {  	s3 =	simm.s32 @!p0 $0x1082;
	s9 =	sld [smem:$0x3FA5]  }
0x2f: {  	lr =	sadd.s32 s0, s3;
	s0 =	sld [smem:$0x3F9C]  }
0x30: {  	s3 =	sld [smem:$0x3F9F]  }
0x31: {  	[smem:$0x3FA8] =	sst s10  }
0x32: {  	s10 =	sld [smem:$0x3FA6];
	_ =	sdelay $0x3  }
0x33: {  	p0 =	seq.s32 s10, $0x1;
	s10 =	sld [smem:$0x3FA8];
	_ =	sdelay $0x3  }
0x34: {  	[smem:$0x3FA8] =	sst s10  }
0x35: {  	s10 =	sld [smem:$0x3FA7];
	_ =	sdelay $0x3  }
0x36: {  	p1 =	seq.s32 s10, $0x1;
	s10 =	sld [smem:$0x3FA8];
	_ =	sdelay $0x3  }
0x37: {  	[smem:$0x3FA8] =	sst s10  }
0x38: {  	s10 =	sld [smem:$0x3FA9]  }
0x39: {  	_ = 	snop;
	(pc) =	sbr.ind lr, $3  }
0x3a: {  	_ = 	snop  }
0x3b: {  	_ = 	snop  }
0x3c: {  	p2 =	seq.s32 s10, $0x1;
	s10 =	sld [smem:$0x3FA8]  }
0x3d: {  	_ =	shalt  }
0x3e: {  	_ =	shalt  }
0x3f: {  	_ =	shalt  }
0x40: {  	_ =	shalt  }
0x41: {  	_ =	shalt  }
0x42: {  	_ =	shalt  }
0x43: {  	_ =	shalt  }
0x44: {  	_ =	shalt  }
0x45: {  	_ =	shalt  }
0x46: {  	_ =	shalt  }
0x47: {  	_ =	shalt  }
0x48: {  	_ =	shalt  }
0x49: {  	_ =	shalt  }
0x4a: {  	_ =	shalt  }
0x4b: {  	_ =	shalt  }
0x4c: {  	_ =	shalt  }
0x4d: {  	_ =	shalt  }
0x4e: {  	_ =	shalt  }
0x4f: {  	_ =	shalt  }
0x50: {  	_ =	shalt  }
0x51: {  	_ =	shalt  }
0x52: {  	_ =	shalt  }
0x53: {  	_ =	shalt  }
0x54: {  	_ =	shalt  }
0x55: {  	_ =	shalt  }
0x56: {  	_ =	shalt  }
0x57: {  	_ =	shalt  }
0x58: {  	_ =	shalt  }
0x59: {  	_ =	shalt  }
0x5a: {  	_ =	shalt  }
0x5b: {  	_ =	shalt  }
0x5c: {  	_ =	shalt  }
0x5d: {  	_ =	shalt  }
0x5e: {  	_ =	shalt  }
0x5f: {  	_ =	shalt  }
0x60: {  	_ =	shalt  }
0x61: {  	_ =	shalt  }
0x62: {  	_ =	shalt  }
0x63: {  	_ =	shalt  }
0x64: {  	_ =	shalt  }
0x65: {  	_ =	shalt  }
0x66: {  	_ =	shalt  }
0x67: {  	_ =	shalt  }
0x68: {  	_ =	shalt  }
0x69: {  	_ =	shalt  }
0x6a: {  	_ =	shalt  }
0x6b: {  	_ =	shalt  }
0x6c: {  	_ =	shalt  }
0x6d: {  	_ =	shalt  }
0x6e: {  	_ =	shalt  }
0x6f: {  	_ =	shalt  }
0x70: {  	_ =	shalt  }
0x71: {  	_ =	shalt  }
0x72: {  	_ =	shalt  }
0x73: {  	_ =	shalt  }
0x74: {  	_ =	shalt  }
0x75: {  	_ =	shalt  }
0x76: {  	_ =	shalt  }
0x77: {  	_ =	shalt  }
0x78: {  	_ =	shalt  }
0x79: {  	_ =	shalt  }
0x7a: {  	_ =	shalt  }
0x7b: {  	_ =	shalt  }
0x7c: {  	_ =	shalt  }
0x7d: {  	_ =	shalt  }
0x7e: {  	_ =	shalt  }
0x7f: {  	_ =	shalt  }
0x80: {  	_ =	shalt  }
0x81: {  	_ =	shalt  }
0x82: {  	_ =	shalt  }
0x83: {  	_ =	shalt  }
0x84: {  	_ =	shalt  }
0x85: {  	_ =	shalt  }
0x86: {  	_ =	shalt  }
0x87: {  	_ =	shalt  }
.Lfunc_end0:
.L_simem_size_0:
called_computation.4_lowered:
.L_overlay_start_0:
0x88: {  	s2 =	sld [smem:$0x3FD9]  }
0x89: {  	s3 =	sld [smem:$0x3FFE];
	_ =	sdelay $0x1  }
0x8a: {  	s1 =	srdreg.scid  }
0x8b: {  	s0 =	sand.u32 $0x1, s1  }
0x8c: {  	s16 =	sshll.u32 s0, $0xA;
	s2 =	sadd.s32 s3, s2  }
0x8d: {  	s2 =	sadd.s32 s2, s16  }
0x8e: {  	[smem:$0x3FB4] =	sst s2  }
0x8f: {  	_ = 	snop  }
0x90: {  	(tm) =	ssettm $0x1  }
0x91: {  	s17 =	sld [smem:$0x3FFB];
	_ =	sdelay $0x3  }
0x92: {  	_ =	strace s17  }
0x93: {  	s2 =	sld [smem:$0x3FFC];
	_ =	sdelay $0x3  }
0x94: {  	_ =	strace s2  }
0x95: {  	s2 =	sld [smem:$0x3FFD];
	_ =	sdelay $0x3  }
0x96: {  	_ =	strace s2  }
0x97: {  	_ =	strace $0x8FFFFFFF  }
0x98: {  	s18 =	sld [smem:$0x3FDB];
	_ =	sdelay $0x1  }
0x99: {  	s19 =	simm.s32 $_scs_section_size  }
0x9a: {  	s4 =	simm.s32 $_size__tile_overlayer_lowered;
	s5 =	simm.s32 $_tile_overlayer_lowered  }
0x9b: {  	s22 =	simm.s32 $0x1BFF;
	s21 =	sshll.u32 s5, $0x1;
	s2 =	sadd.s32 s19, s18  }
0x9c: {  	s6 =	simm.s32 $0x0;
	s20 =	sshll.u32 s4, $0x1;
	s4 =	sadd.s32 s21, s2  }
0x9d: {  	[timem:s6], [sflag:s22] =	dma.local [hbm:s4], s20  }
0x9e: {  	_ =	swait.ge [sflag:s22], s20  }
0x9f: {  	s3 =	ssub.s32 $0x0, s20;
	[sflag:s22] =	ssyncset.done $0x0  }
0xa0: {  	[sflag:s22] =	ssyncadd.s32 s3;
	_ =	sdelay $0x1  }
0xa1: {  	s23 =	simm.s32 $0x1B8B  }
0xa2: {  	_ =	swait.ge [sflag:s23], $0x1  }
0xa3: {  	[sflag:s23] =	ssyncset.done $0x0  }
0xa4: {  	s25 =	simm.s32 $0x1B8E;
	s24 =	sld [smem:$0x3FFE];
	[sflag:s23] =	ssyncadd.s32 $0xFFFFFFFF  }
0xa5: {  	s26 =	simm.s32 $execute0_lowered;
	[smem:$0x3FD2] =	sst s25  }
0xa6: {  	s4 =	sshll.u32 s26, $0x1;
	_ =	strace $0x80000052;
	[dreg:$0x1] =	wrdreg $0xFFFFFFFF  }
0xa7: {  	s28 =	simm.s32 $_size_execute0_lowered;
	s2 =	sadd.s32 s2, s4;
	[dreg:$0x0] =	wrdreg $0x0  }
0xa8: {  	s4 =	sshll.u32 s28, $0x1;
	[dreg:$0x2] =	wrdreg s2  }
0xa9: {  	[dreg:$0x3] =	wrdreg s4  }
0xaa: {  	[dreg:$0x4] =	wrdreg $0xC0  }
0xab: {  	_ =	task [dreg:s6], $0x5FFFF  }
0xac: {  	[dreg:$0x1] =	wrdreg $0xFFFFFFFF  }
0xad: {  	[dreg:$0x0] =	wrdreg $0x60  }
0xae: {  	[dreg:$0x2] =	wrdreg s24  }
0xaf: {  	[dreg:$0x3] =	wrdreg $0x78800  }
0xb0: {  	[dreg:$0x4] =	wrdreg $0x9  }
0xb1: {  	_ =	task.clear_ibuf [dreg:s6], $0x5FFFF;
	_ =	strace $0x90000052  }
0xb2: {  	s29 =	simm.s32 $0x9;
	_ =	strace $0x80000054  }
0xb3: {  	_ =	swait.ge [sflag:s29], $0x1  }
0xb4: {  	[sflag:s29] =	ssyncadd.s32 $0xFFFFFFFF  }
0xb5: {  	_ =	strace $0x90000054  }
0xb6: {  	_ =	sfence  }
0xb7: {  	s30 =	sld [smem:$0x0];
	_ =	sdelay $0x2  }
0xb8: {  	s31 =	sshll.u32 s1, $0xD;
	s1 =	sshrl.u32 s1, $0x2  }
0xb9: {  	s3 =	sand.u32 $0x4000, s31;
	s1 =	sadd.s32 s1, s30  }
0xba: {  	s0 =	sor.u32 s3, s0;
	s1 =	sshll.u32 s1, $0x11  }
0xbb: {  	s0 =	sor.u32 s1, s0  }
0xbc: {  	s0 =	sadd.s32 $0x8F2B, s0  }
0xbd: {  	[sflag:s0] =	ssyncadd.remote.s32 $0x1  }
0xbe: {  	_ =	sfence.sel $0xFFFF  }
0xbf: {  	[dreg:$0x0] =	wrdreg $0xFFFFFFFF;
	(pc) =	sbr.abs _section_cstart, $3  }
0xc0: {  	[dreg:$0x1] =	wrdreg $0xFFFFFFFF  }
0xc1: {  	_ =	task.clear_ibuf [dreg:s6], $0x2FFFF;
	_ =	strace $0x9FFFFFFF  }
0xc2: {  	(tm) =	ssettm $0x7FFFFFFF  }
0xc3: {  	_ =	shalt  }
tec
execute0_lowered:
.L_overlay_start_1:
0x0: {  	(tag) =	ssettag $0x1  }
0x1: {  	s0 =	srdreg.scid;
	s6 =	rddreg [dreg:$0x0]  }
0x2: {  	s17 =	stileid.u32;
	s2 =	rddreg [dreg:$0x1];
	s3 =	simm.s32 $0x0  }
0x3: {  	s20 =	simm.s32 $0x2880;
	s21 =	simm.s32 $0x3;
	s22 =	simm.s32 $0x50  }
0x4: {  	s23 =	simm.s32 $0x5080;
	s28 =	simm.s32 $0x2;
	s29 =	simm.s32 $0x2800  }
0x5: {  	s30 =	simm.s32 $0x26C0;
	s31 =	simm.s32 $0x0;
	s5 =	smul.u32 $0x50000, s17  }
0x6: {  	s0 =	sand.u32 $0x1, s0;
	s1 =	sshll.u32 s17, $0x1;
	s16 =	smul.u32 $0x4E20, s17  }
0x7: {  	[smem:$0x7FF] =	sst s3;
	s4 =	sadd.s32 $0x7A800, s6;
	s7 =	smul.u32 $0x28000, s0  }
0x8: {  	s1 =	sor.u32 s0, s1;
	s8 =	ssub.s32 $0x2, s0;
	s0 =	smul.u32 $0x2710, s0  }
0x9: {  	s19 =	sadd.s32 $0xE7800, s6;
	s1 =	smul.u32 $0x2710, s1;
	s5 =	sshrl.u32 s5, $0x2  }
0xa: {  	_ =	strace $0x80000053;
	s9 =	sshrl.u32 s8, $0x1;
	s5 =	sadd.s32 s5, s2  }
0xb: {  	s15 =	ssub.s32 s8, s9;
	s0 =	sadd.s32 s0, s16;
	s1 =	sshrl.u32 s1, $0x3  }
0xc: {  	s24 =	sadd.s32 $0x2800, s5;
	s25 =	sadd.s32 $0x5000, s5;
	s8 =	sadd.s32 $0x7800, s5  }
0xd: {  	s9 =	sadd.s32 $0xA000, s5;
	s10 =	sadd.s32 $0xC800, s5;
	s11 =	sadd.s32 $0xF000, s5  }
0xe: {  	s12 =	sadd.s32 $0x11800, s5;
	s26 =	sadd.s32 $0x50, s0;
	s15 =	smax.u32 s15, $0x1  }
0xf: {  	s0 =	sshrl.u32 s0, $0x3;
	s13 =	sadd.s32 s1, s6;
	[dreg:$0x3] =	wrdreg s24  }
0x10: {  	s6 =	sadd.s32 s7, s6;
	[dreg:$0x4] =	wrdreg s25;
	s1 =	sadd.s32 s19, s1  }
0x11: {  	s24 =	smul.u32 $0x2800, s17;
	s18 =	sshrl.u32 s26, $0x3;
	s25 =	simm.s32 $0x1  }
0x12: {  	s26 =	simm.s32 $0x2780;
	s13 =	sadd.s32 $0xF1600, s13;
	s14 =	sadd.s32 $0x4D8, s1  }
0x13: {  	s6 =	sadd.s32 $0xFB400, s6;
	s16 =	sadd.s32 $0x4C4, s1;
	s17 =	sadd.s32 $0x4CE, s1  }
0x14: {  	v0 =	vimm.f32 $0.0e+00;
	s18 =	sadd.s32 s18, s19;
	s19 =	sadd.s32 s0, s19;
	s24 =	sadd.s32 s24, s6  }
.LBB2_1:
0x15: {  	s0 =	simm.s32 $0x0;
	s1 =	simm.s32 $0x200  }
.LBB2_2:
0x16: {  	p0 =	sne.s32 s1, $0x9E00;
	[tilespmem:s0+$0x28F0] =	vst v0  }
0x17: {  	[tilespmem:s0+$0x2880] =	vst v0  }
0x18: {  	[tilespmem:s0+$0x2890] =	vst v0  }
.Ltmp0:
0x19: {  	[tilespmem:s0+$0x28A0] =	vst v0;
	(pc) =	sbr.rel @p0 .LBB2_2-.Ltmp0, $4  }
0x1a: {  	[tilespmem:s0+$0x28B0] =	vst v0  }
0x1b: {  	[tilespmem:s0+$0x28C0] =	vst v0  }
0x1c: {  	[tilespmem:s0+$0x28D0] =	vst v0  }
0x1d: {  	[tilespmem:s0+$0x28E0] =	vst v0;
	s0 =	sshra.s32 s1, $0x2;
	s1 =	sadd.s32 $0x200, s1  }
0x1e: {  	[tilespmem:s0+$0x28F0] =	vst v0  }
0x1f: {  	[tilespmem:s0+$0x2880] =	vst v0  }
0x20: {  	[tilespmem:s0+$0x2890] =	vst v0  }
0x21: {  	[tilespmem:s0+$0x28A0] =	vst v0  }
0x22: {  	[tilespmem:s0+$0x28B0] =	vst v0  }
0x23: {  	[tilespmem:s0+$0x28C0] =	vst v0  }
0x24: {  	[tilespmem:s0+$0x28D0] =	vst v0  }
0x25: {  	[tilespmem:s0+$0x28E0] =	vst v0  }
0x26: {  	[spmem:s5] =	stream.linear.scatter [tilespmem:s20], [sflag:$0x3], $0x2800, $0x38;
	[tilespmem:$0x1B880] =	vst v63  }
0x27: {  	_ =	swait.ge [sflag:s21], $0x2800  }
0x28: {  	[sflag:s21] =	ssyncset.done $0x0  }
0x29: {  	s1 =	rddreg [dreg:$0x3];
	[sflag:s21] =	ssyncadd.s32 $0xFFFFD800  }
0x2a: {  	[spmem:s1] =	stream.linear.scatter [tilespmem:s20], [sflag:$0x3], $0x2800, $0x38;
	[tilespmem:$0x1B880] =	vst v63  }
0x2b: {  	_ =	swait.ge [sflag:s21], $0x2800  }
0x2c: {  	[sflag:s21] =	ssyncset.done $0x0  }
0x2d: {  	s6 =	rddreg [dreg:$0x4];
	[sflag:s21] =	ssyncadd.s32 $0xFFFFD800  }
0x2e: {  	[spmem:s6] =	stream.linear.scatter [tilespmem:s20], [sflag:$0x3], $0x2800, $0x38;
	[tilespmem:$0x1B880] =	vst v63  }
0x2f: {  	_ =	swait.ge [sflag:s21], $0x2800  }
0x30: {  	[sflag:s21] =	ssyncset.done $0x0  }
0x31: {  	[sflag:s21] =	ssyncadd.s32 $0xFFFFD800  }
0x32: {  	[spmem:s8] =	stream.linear.scatter [tilespmem:s20], [sflag:$0x3], $0x2800, $0x38;
	[tilespmem:$0x1B880] =	vst v63  }
0x33: {  	_ =	swait.ge [sflag:s21], $0x2800  }
0x34: {  	[sflag:s21] =	ssyncset.done $0x0  }
0x35: {  	[sflag:s21] =	ssyncadd.s32 $0xFFFFD800  }
0x36: {  	[spmem:s9] =	stream.linear.scatter [tilespmem:s20], [sflag:$0x3], $0x2800, $0x38;
	[tilespmem:$0x1B880] =	vst v63  }
0x37: {  	_ =	swait.ge [sflag:s21], $0x2800  }
0x38: {  	[sflag:s21] =	ssyncset.done $0x0  }
0x39: {  	[sflag:s21] =	ssyncadd.s32 $0xFFFFD800  }
0x3a: {  	[spmem:s10] =	stream.linear.scatter [tilespmem:s20], [sflag:$0x3], $0x2800, $0x38;
	[tilespmem:$0x1B880] =	vst v63  }
0x3b: {  	_ =	swait.ge [sflag:s21], $0x2800  }
0x3c: {  	[sflag:s21] =	ssyncset.done $0x0  }
0x3d: {  	[sflag:s21] =	ssyncadd.s32 $0xFFFFD800  }
0x3e: {  	[spmem:s11] =	stream.linear.scatter [tilespmem:s20], [sflag:$0x3], $0x2800, $0x38;
	[tilespmem:$0x1B880] =	vst v63  }
0x3f: {  	_ =	swait.ge [sflag:s21], $0x2800  }
0x40: {  	[sflag:s21] =	ssyncset.done $0x0  }
0x41: {  	[sflag:s21] =	ssyncadd.s32 $0xFFFFD800  }
0x42: {  	[spmem:s12] =	stream.linear.scatter [tilespmem:s20], [sflag:$0x3], $0x2800, $0x38;
	[tilespmem:$0x1B880] =	vst v63  }
0x43: {  	_ =	swait.ge [sflag:s21], $0x2800  }
0x44: {  	[sflag:s21] =	ssyncset.done $0x0  }
0x45: {  	[sflag:s21] =	ssyncadd.s32 $0xFFFFD800  }
0x46: {  	s7 =	simm.s32 $0x0;
	[bflag:$0x0] =	sbarrier.arrive $0xFFFF  }
0x47: {  	[tilespmem:s7], [sflag:$0x3] =	stream.linear.gather [hbm4b:s13+s7], $0x2710, $0x38;
	[tilespmem:$0x1B880] =	vst v63  }
0x48: {  	_ =	swait.ge [sflag:s21], $0x2710  }
0x49: {  	[sflag:s21] =	ssyncset.done $0x0  }
0x4a: {  	[sflag:s21] =	ssyncadd.s32 $0xFFFFD8F0  }
0x4b: {  	[tilespmem:s20], [sflag:$0x1] =	stream.indirect.gather [hbm4b:s4+s22], $0x80, s7, s22, $0xb8;
	[tilespmem:$0x1B880] =	vst v63  }
0x4c: {  	_ = 	snop  }
0x4d: {  	[tilespmem:s23], [sflag:$0x2] =	stream.indirect.gather [hbm4b:s4+s22], $0x80, s22, s22, $0xb8;
	[tilespmem:$0x1B880] =	vst v63  }
0x4e: {  	_ =	swait.ge [sflag:s25], $0x2800  }
0x4f: {  	[sflag:s25] =	ssyncset.done $0x0  }
0x50: {  	s1 =	sadd.s32 $0x0, s19;
	[sflag:s25] =	ssyncadd.s32 $0xFFFFD800  }
0x51: {  	[tilespmem:s26], [sflag:$0x3] =	stream.linear.gather [hbm4b:s1+s3], $0x50, $0x38;
	[tilespmem:$0x1B880] =	vst v63  }
0x52: {  	_ =	swait.ge [sflag:s21], $0x50  }
0x53: {  	[sflag:s21] =	ssyncset.done $0x0  }
0x54: {  	[sflag:s21] =	ssyncadd.s32 $0xFFFFFFB0  }
0x55: {  	[spmem:s2] =	stream.indirect.scatter.add.f32 [tilespmem:s20], [sflag:$0x3], $0x80, s26, s22, $0xb8;
	[tilespmem:$0x1B880] =	vst v63  }
0x56: {  	_ =	swait.ge [sflag:s21], $0x2800  }
0x57: {  	[sflag:s21] =	ssyncset.done $0x0  }
0x58: {  	s6 =	simm.s32 $0xA0;
	[sflag:s21] =	ssyncadd.s32 $0xFFFFD800  }
0x59: {  	[tilespmem:s20], [sflag:$0x1] =	stream.indirect.gather [hbm4b:s4+s22], $0x80, s6, s22, $0xb8;
	[tilespmem:$0x1B880] =	vst v63  }
0x5a: {  	_ =	swait.ge [sflag:s28], $0x2800  }
0x5b: {  	[sflag:s28] =	ssyncset.done $0x0  }
0x5c: {  	s7 =	sadd.s32 $0x0, s18;
	[sflag:s28] =	ssyncadd.s32 $0xFFFFD800  }
0x5d: {  	[tilespmem:s29], [sflag:$0x3] =	stream.linear.gather [hbm4b:s7+s3], $0x50, $0x38;
	[tilespmem:$0x1B880] =	vst v63  }
0x5e: {  	_ =	swait.ge [sflag:s21], $0x50  }
0x5f: {  	[sflag:s21] =	ssyncset.done $0x0  }
0x60: {  	[sflag:s21] =	ssyncadd.s32 $0xFFFFFFB0  }
0x61: {  	[spmem:s2] =	stream.indirect.scatter.add.f32 [tilespmem:s23], [sflag:$0x3], $0x80, s29, s22, $0xb8;
	[tilespmem:$0x1B880] =	vst v63  }
0x62: {  	_ =	swait.ge [sflag:s21], $0x2800  }
0x63: {  	s0 =	simm.s32 $0x140;
	[sflag:s21] =	ssyncset.done $0x0  }
0x64: {  	s1 =	simm.s32 $0x14;
	s6 =	simm.s32 $0xF0;
	[sflag:s21] =	ssyncadd.s32 $0xFFFFD800  }
.LBB2_4:
0x65: {  	[tilespmem:s23], [sflag:$0x2] =	stream.indirect.gather [hbm4b:s4+s22], $0x80, s6, s22, $0xb8;
	[tilespmem:$0x1B880] =	vst v63  }
0x66: {  	s6 =	smov.u32 s1  }
0x67: {  	p0 =	sne.s32 s1, $0x4B0;
	s1 =	sadd.s32 $0x14, s1;
	_ =	swait.ge [sflag:s25], $0x2800  }
0x68: {  	[sflag:s25] =	ssyncset.done $0x0  }
0x69: {  	s7 =	sadd.s32 s6, s19;
	[sflag:s25] =	ssyncadd.s32 $0xFFFFD800  }
0x6a: {  	[tilespmem:s26], [sflag:$0x3] =	stream.linear.gather [hbm4b:s7+s3], $0x50, $0x38;
	[tilespmem:$0x1B880] =	vst v63  }
0x6b: {  	_ =	swait.ge [sflag:s21], $0x50  }
0x6c: {  	[sflag:s21] =	ssyncset.done $0x0  }
0x6d: {  	[sflag:s21] =	ssyncadd.s32 $0xFFFFFFB0  }
0x6e: {  	[spmem:s2] =	stream.indirect.scatter.add.f32 [tilespmem:s20], [sflag:$0x3], $0x80, s26, s22, $0xb8;
	[tilespmem:$0x1B880] =	vst v63  }
0x6f: {  	_ =	swait.ge [sflag:s21], $0x2800  }
0x70: {  	[sflag:s21] =	ssyncset.done $0x0  }
0x71: {  	[sflag:s21] =	ssyncadd.s32 $0xFFFFD800  }
0x72: {  	[tilespmem:s20], [sflag:$0x1] =	stream.indirect.gather [hbm4b:s4+s22], $0x80, s0, s22, $0xb8;
	[tilespmem:$0x1B880] =	vst v63  }
0x73: {  	_ =	swait.ge [sflag:s28], $0x2800  }
0x74: {  	[sflag:s28] =	ssyncset.done $0x0  }
0x75: {  	s6 =	sadd.s32 s6, s18;
	[sflag:s28] =	ssyncadd.s32 $0xFFFFD800  }
0x76: {  	[tilespmem:s29], [sflag:$0x3] =	stream.linear.gather [hbm4b:s6+s3], $0x50, $0x38;
	[tilespmem:$0x1B880] =	vst v63  }
0x77: {  	_ =	swait.ge [sflag:s21], $0x50  }
0x78: {  	[sflag:s21] =	ssyncset.done $0x0  }
.Ltmp1:
0x79: {  	[sflag:s21] =	ssyncadd.s32 $0xFFFFFFB0;
	(pc) =	sbr.rel @p0 .LBB2_4-.Ltmp1, $4  }
0x7a: {  	[spmem:s2] =	stream.indirect.scatter.add.f32 [tilespmem:s23], [sflag:$0x3], $0x80, s29, s22, $0xb8;
	[tilespmem:$0x1B880] =	vst v63  }
0x7b: {  	_ =	swait.ge [sflag:s21], $0x2800  }
0x7c: {  	[sflag:s21] =	ssyncset.done $0x0  }
0x7d: {  	s6 =	sadd.s32 $0x50, s0;
	s0 =	sadd.s32 $0xA0, s0;
	[sflag:s21] =	ssyncadd.s32 $0xFFFFD800  }
0x7e: {  	[tilespmem:s23], [sflag:$0x2] =	stream.indirect.gather [hbm4b:s4+s22], $0x80, s6, s22, $0xb8;
	[tilespmem:$0x1B880] =	vst v63  }
0x7f: {  	_ =	swait.ge [sflag:s25], $0x2800  }
0x80: {  	[sflag:s25] =	ssyncset.done $0x0  }
0x81: {  	[sflag:s25] =	ssyncadd.s32 $0xFFFFD800  }
0x82: {  	[tilespmem:s26], [sflag:$0x3] =	stream.linear.gather [hbm4b:s16+s3], $0x50, $0x38;
	[tilespmem:$0x1B880] =	vst v63  }
0x83: {  	_ =	swait.ge [sflag:s21], $0x50  }
0x84: {  	[sflag:s21] =	ssyncset.done $0x0  }
0x85: {  	[sflag:s21] =	ssyncadd.s32 $0xFFFFFFB0  }
0x86: {  	[spmem:s2] =	stream.indirect.scatter.add.f32 [tilespmem:s20], [sflag:$0x3], $0x80, s26, s22, $0xb8;
	[tilespmem:$0x1B880] =	vst v63  }
0x87: {  	_ =	swait.ge [sflag:s21], $0x2800  }
0x88: {  	[sflag:s21] =	ssyncset.done $0x0  }
0x89: {  	[sflag:s21] =	ssyncadd.s32 $0xFFFFD800  }
0x8a: {  	[tilespmem:s20], [sflag:$0x1] =	stream.indirect.gather [hbm4b:s4+s22], $0x80, s30, s22, $0xb8;
	[tilespmem:$0x1B880] =	vst v63  }
0x8b: {  	_ =	swait.ge [sflag:s28], $0x2800  }
0x8c: {  	[sflag:s28] =	ssyncset.done $0x0  }
0x8d: {  	[sflag:s28] =	ssyncadd.s32 $0xFFFFD800  }
0x8e: {  	[tilespmem:s29], [sflag:$0x3] =	stream.linear.gather [hbm4b:s17+s3], $0x50, $0x38;
	[tilespmem:$0x1B880] =	vst v63  }
0x8f: {  	_ =	swait.ge [sflag:s21], $0x50  }
0x90: {  	[sflag:s21] =	ssyncset.done $0x0  }
0x91: {  	[sflag:s21] =	ssyncadd.s32 $0xFFFFFFB0  }
0x92: {  	[spmem:s2] =	stream.indirect.scatter.add.f32 [tilespmem:s23], [sflag:$0x3], $0x80, s29, s22, $0xb8;
	[tilespmem:$0x1B880] =	vst v63  }
0x93: {  	_ =	swait.ge [sflag:s21], $0x2800  }
0x94: {  	[sflag:s21] =	ssyncset.done $0x0  }
0x95: {  	[sflag:s21] =	ssyncadd.s32 $0xFFFFD800  }
0x96: {  	[tilespmem:s23], [sflag:$0x2] =	stream.indirect.gather [hbm4b:s4+s22], $0x80, s30, s22, $0xb8;
	[tilespmem:$0x1B880] =	vst v63  }
0x97: {  	_ =	swait.ge [sflag:s25], $0x2800  }
0x98: {  	[sflag:s25] =	ssyncset.done $0x0  }
0x99: {  	[sflag:s25] =	ssyncadd.s32 $0xFFFFD800  }
0x9a: {  	[tilespmem:s26], [sflag:$0x3] =	stream.linear.gather [hbm4b:s14+s3], $0x50, $0x38;
	[tilespmem:$0x1B880] =	vst v63  }
0x9b: {  	_ =	swait.ge [sflag:s21], $0x50  }
0x9c: {  	[sflag:s21] =	ssyncset.done $0x0  }
0x9d: {  	[sflag:s21] =	ssyncadd.s32 $0xFFFFFFB0  }
0x9e: {  	[spmem:s2] =	stream.indirect.scatter.add.f32 [tilespmem:s20], [sflag:$0x3], $0x80, s26, s22, $0xb8;
	[tilespmem:$0x1B880] =	vst v63  }
0x9f: {  	_ =	swait.ge [sflag:s21], $0x2800  }
0xa0: {  	[sflag:s21] =	ssyncset.done $0x0  }
0xa1: {  	[sflag:s21] =	ssyncadd.s32 $0xFFFFD800  }
0xa2: {  	s0 =	stileid.u32;
	_ =	swait.ge [sflag:s28], $0x2800  }
0xa3: {  	s1 =	sshrl.u32 s5, $0x3;
	s31 =	sadd.s32 $0x1, s31;
	[sflag:s28] =	ssyncset.done $0x0  }
0xa4: {  	s0 =	sshll.u32 s0, $0x6;
	p0 =	sne.s32 s31, s15;
	[sflag:s28] =	ssyncadd.s32 $0xFFFFD800  }
.Ltmp2:
0xa5: {  	s0 =	sor.u32 $0x1C03, s0;
	[bflag:$0x0] =	sbarrier.arrive $0xFFFF;
	(pc) =	sbr.rel @p0 .LBB2_1-.Ltmp2, $4  }
0xa6: {  	[hbm:s24], [sflag:s0] =	dma.local [spmem:s1], $0x2800  }
0xa7: {  	_ =	swait.ge [sflag:s21], $0x2800  }
0xa8: {  	[sflag:s21] =	ssyncset.done $0x0  }
0xa9: {  	[sflag:s21] =	ssyncadd.s32 $0xFFFFD800  }
0xaa: {  	_ =	sfence.sel $0x180000  }
0xab: {  	[bflag:$0x0] =	sbarrier.arrive $0xFFFF  }
0xac: {  	_ =	strace $0x90000053  }
0xad: {  	s0 =	stileid.u32;
	[bflag:$0x2] =	sbarrier.arrive $0xFFFF  }
0xae: {  	p0 =	sne.s32 s0, $0x0;
	s0 =	rddreg [dreg:$0x2]  }
0xaf: {  	s0 =	sadd.s32 @!p0 $0x100000, s0  }
0xb0: {  	[sflag:s0] =	ssyncadd.tile.s32 @!p0 $0x1;
	_ =	shalt  }
.Lfunc_end2:
_tile_overlayer_lowered:
.L_overlay_start_2:
0xb1: {  	(tag) =	ssettag $0x2  }
0xb2: {  	s0 =	rddreg [dreg:$0x0];
	s2 =	stileid.u32  }
0xb3: {  	s1 =	rddreg [dreg:$0x1];
	p0 =	sne.s32 s2, $0x0  }
0xb4: {  	s3 =	rddreg [dreg:$0x2];
	[bflag:$0x3] =	sbarrier.arrive $0xFFFF;
	s2 =	simm.s32 @!p0 $0x1C03  }
0xb5: {  	[timem:s3], [sflag:s2] =	dma.local @!p0 [hbm:s0], s1  }
0xb6: {  	s0 =	simm.s32 @!p0 $0x3  }
0xb7: {  	_ =	swait.ge @!p0 [sflag:s0], s1  }
0xb8: {  	s1 =	ssub.s32 @!p0 $0x0, s1;
	[sflag:s0] =	ssyncset.done @!p0 $0x0  }
0xb9: {  	[sflag:s0] =	ssyncadd.s32 @!p0 s1  }
0xba: {  	[bflag:$0x3] =	sbarrier.arrive $0xFFFF  }
0xbb: {  	_ =	shalt  }

</sc_bundles>
